<compile_context>
chip_gen: v7x
topology: tpu7x:2x2x1
jax: 0.10.2.dev20260603
libtpu: 0.0.44.dev20260713+nightly
codegen_flags: <defaults>
</compile_context>

<pallas_src>
import functools

import jax
import jax.numpy as jnp
from jax import lax
from jax.experimental import pallas as pl
from jax.experimental.pallas import tpu as pltpu
from jax.experimental.pallas import tpu_sc as plsc

BATCH = 16384
HIST = 50
DIM = 64

NC = 2
NS = 16
NW = NC * NS

B_PER_W = BATCH // NW
IDX_PER_W = B_PER_W * HIST
BT_PER_W = B_PER_W // 128
NSTEP = BT_PER_W * HIST


def _build_sc_call():
    mesh = plsc.VectorSubcoreMesh(core_axis_name="c", subcore_axis_name="s")

    @functools.partial(
        pl.kernel,
        mesh=mesh,
        compiler_params=pltpu.CompilerParams(
            needs_layout_passes=False, use_tc_tiling_on_sc=False
        ),
        out_type=jax.ShapeDtypeStruct(
            (HIST, DIM // 8, BATCH // 128, 8, 128), jnp.float32
        ),
        scratch_types=[
            pltpu.VMEM((IDX_PER_W,), jnp.int32),
            pltpu.VMEM((128,), jnp.int32),
            pltpu.VMEM((2, 128, DIM), jnp.float32),
            pltpu.VMEM((2, DIM, 129), jnp.float32),
            pltpu.SemaphoreType.DMA,
            pltpu.SemaphoreType.DMA,
            pltpu.SemaphoreType.DMA,
        ],
    )
    def emb_kernel(
        x_hbm, table_hbm, out_hbm, idx_v, glist_v, rows_v, blk_v,
        gsem, osem0, osem1,
    ):
        wid = lax.axis_index("s") * NC + lax.axis_index("c")
        pltpu.sync_copy(x_hbm.at[pl.ds(wid * IDX_PER_W, IDX_PER_W)], idx_v)

        lane16 = lax.iota(jnp.int32, 16)
        iota50 = lane16 * HIST
        didx = [lane16 + 16 * c for c in range(DIM // 16)]
        osems = (osem0, osem1)

        def extract(step):
            btl = step // HIST
            l = step % HIST
            base = btl * (128 * HIST) + l
            for k in range(8):
                g = plsc.load_gather(idx_v, [iota50 + (base + k * 16 * HIST)])
                glist_v[pl.ds(16 * k, 16)] = g

        def start_gather(buf):
            return pltpu.async_copy(
                table_hbm.at[glist_v], rows_v.at[buf], gsem
            )

        def body(t, cur):
            btl = t // HIST
            l = t % HIST
            nxt = 1 - cur

            extract(jnp.minimum(t + 1, NSTEP - 1))
            cp = start_gather(nxt)

            @pl.when(t >= 2)
            def _():
                for dt in range(8):
                    pltpu.make_async_copy(
                        out_hbm.at[0, 0, 0],
                        blk_v.at[cur, pl.ds(dt * 8, 8), pl.ds(0, 128)],
                        osems[cur],
                    ).wait()

            rcur = rows_v.at[cur]
            bcur = blk_v.at[cur]

            def j_body(j, c2):
                j_bc = lane16 * 0 + j
                for c in range(DIM // 16):
                    v = rcur[j, pl.ds(16 * c, 16)]
                    plsc.store_scatter(bcur, [didx[c], j_bc], v)
                return c2

            lax.fori_loop(0, 128, j_body, 0, unroll=8)

            bt = wid * BT_PER_W + btl
            for dt in range(8):
                pltpu.async_copy(
                    blk_v.at[cur, pl.ds(dt * 8, 8), pl.ds(0, 128)],
                    out_hbm.at[l, dt, bt],
                    osems[cur],
                )

            cp.wait()
            return cur

        extract(jnp.int32(0))
        start_gather(0).wait()

        def pair(g, carry):
            body(2 * g, 0)
            body(2 * g + 1, 1)
            return carry

        lax.fori_loop(0, NSTEP // 2, pair, 0)

        for p in range(2):
            for dt in range(8):
                pltpu.make_async_copy(
                    out_hbm.at[0, 0, 0],
                    blk_v.at[p, pl.ds(dt * 8, 8), pl.ds(0, 128)],
                    osems[p],
                ).wait()

    return emb_kernel


_emb = _build_sc_call()


def kernel(x, table, training):
    del training
    x_flat = x.reshape(-1).astype(jnp.int32)
    out5 = _emb(x_flat, table)
    return out5.transpose(2, 4, 1, 3, 0).reshape(BATCH, DIM, HIST)

# --- scband reference (transcript-rebuilt; emitter-appended) ---
"""Pipeline reference for scband-global-embedding-22926535426405 (READ-ONLY COPY).

The authoritative reference and input builder live on the scoring server;
editing this copy changes nothing except your own understanding.
"""

import jax, jax.numpy as jnp
import numpy as np

VOCAB = 1000000
EMBED_DIM = 64
BATCH = 16384
HIST_LEN = 50


def setup_inputs(seed: int = 0) -> dict:
    key = jax.random.key(seed)
    k_idx, k_tab = jax.random.split(key)
    x = jax.random.randint(k_idx, (BATCH, HIST_LEN), 0, VOCAB, dtype=jnp.int64 if jax.config.jax_enable_x64 else jnp.int32)
    # xavier_uniform init for embedding table, then zero padding_idx=0 row
    limit = float(np.sqrt(6.0 / (VOCAB + EMBED_DIM)))
    table = jax.random.uniform(k_tab, (VOCAB, EMBED_DIM), dtype=jnp.float32, minval=-limit, maxval=limit)
    table = table.at[0].set(0.0)
    return {"x": x, "table": table, "training": False}


def reference(x, table, training):
    # padding_idx=0: row 0 of table is zero (enforced at init).
    # training=False => dropout is identity, matching torch eval-path semantics.
    emb = jnp.take(table, x, axis=0)  # [B, L, D]
    if emb.ndim > 2:
        emb = jnp.transpose(emb, (0, 2, 1))  # [B, D, L]
    return emb

if __name__ == "__main__":
    import jax
    _d = setup_inputs()
    print(jax.jit(kernel)(*tuple(_d.values())))

</pallas_src>

<mosaic_0001>
#map = affine_map<(d0, d1) -> (0)>
#map1 = affine_map<(d0, d1) -> (0, 0)>
#map2 = affine_map<(d0, d1) -> (0, 0, 0, 0, 0)>
module attributes {stable_mosaic.version = 14 : i64} {
  func.func @emb_kernel(%arg0: i32, %arg1: i32, %arg2: memref<819200xi32, #tpu.memory_space<hbm>>, %arg3: memref<1000000x64xf32, #tpu.memory_space<hbm>>, %arg4: memref<50x8x128x8x128xf32, #tpu.memory_space<hbm>>, %arg5: memref<25600xi32, #tpu.memory_space<vmem>>, %arg6: memref<128xi32, #tpu.memory_space<vmem>>, %arg7: memref<2x128x64xf32, #tpu.memory_space<vmem>>, %arg8: memref<2x64x129xf32, #tpu.memory_space<vmem>>, %arg9: memref<!tpu.dma_semaphore, #tpu.memory_space<semaphore_mem>>, %arg10: memref<!tpu.dma_semaphore, #tpu.memory_space<semaphore_mem>>, %arg11: memref<!tpu.dma_semaphore, #tpu.memory_space<semaphore_mem>>) attributes {dimension_semantics = [#tpu.dimension_semantics<core_parallel>, #tpu.dimension_semantics<subcore_parallel>], iteration_bounds = array<i64: 2, 16>, scalar_prefetch = 0 : i64, scratch_operands = 7 : i64, tpu.core_type = #tpu.core_type<sc_vector_subcore>, window_params = [{transform_indices = #map}, {transform_indices = #map1}, {transform_indices = #map2}]} {
    %mul3A = arith.constant 2 : i32
    %mul3A_0 = arith.muli %arg1, %mul3A : i32
    %add3A = arith.addi %mul3A_0, %arg0 : i32
    %mul3A_1 = arith.constant 25600 : i32
    %mul3A_2 = arith.muli %add3A, %mul3A_1 : i32
    "tpu.region"() ({
      %run_scoped3A = tpu.sem_alloc : memref<!tpu.dma_semaphore, #tpu.memory_space<semaphore_mem>>
      %dma_start3A_446 = tpu.memref_slice %arg2[%mul3A_2] : memref<819200xi32, #tpu.memory_space<hbm>> -> memref<25600xi32, #tpu.memory_space<hbm>>
      %dma_start3A_447 = tpu.memref_slice %arg2[%mul3A_2] : memref<819200xi32, #tpu.memory_space<hbm>> -> memref<25600xi32, #tpu.memory_space<hbm>>
      tpu.enqueue_dma source(%dma_start3A_447 : memref<25600xi32, #tpu.memory_space<hbm>>) target(%arg5 : memref<25600xi32, #tpu.memory_space<vmem>>) target_semaphore(%run_scoped3A : memref<!tpu.dma_semaphore, #tpu.memory_space<semaphore_mem>>)
      %dma_wait3A_448 = tpu.memref_slice %arg2[%mul3A_2] : memref<819200xi32, #tpu.memory_space<hbm>> -> memref<25600xi32, #tpu.memory_space<hbm>>
      %dma_wait3A_449 = tpu.memref_slice %arg2[%mul3A_2] : memref<819200xi32, #tpu.memory_space<hbm>> -> memref<25600xi32, #tpu.memory_space<hbm>>
      tpu.wait_dma2 semaphore(%run_scoped3A : memref<!tpu.dma_semaphore, #tpu.memory_space<semaphore_mem>>) src(%dma_wait3A_449 : memref<25600xi32, #tpu.memory_space<hbm>>) dst(%arg5 : memref<25600xi32, #tpu.memory_space<vmem>>)
      tpu.yield
    }) : () -> ()
    %iota3A = tpu.iota {dimensions = array<i32: 0>} : vector<16xi32>
    %mul3A_3 = arith.constant 50 : i32
    %mul3A_4 = vector.broadcast %mul3A_3 : i32 to vector<16xi32>
    %mul3A_5 = arith.muli %iota3A, %mul3A_4 : vector<16xi32>
    %add3A_6 = arith.constant 0 : i32
    %add3A_7 = vector.broadcast %add3A_6 : i32 to vector<16xi32>
    %add3A_8 = arith.addi %iota3A, %add3A_7 : vector<16xi32>
    %add3A_9 = arith.constant 16 : i32
    %add3A_10 = vector.broadcast %add3A_9 : i32 to vector<16xi32>
    %add3A_11 = arith.addi %iota3A, %add3A_10 : vector<16xi32>
    %add3A_12 = arith.constant 32 : i32
    %add3A_13 = vector.broadcast %add3A_12 : i32 to vector<16xi32>
    %add3A_14 = arith.addi %iota3A, %add3A_13 : vector<16xi32>
    %add3A_15 = arith.constant 48 : i32
    %add3A_16 = vector.broadcast %add3A_15 : i32 to vector<16xi32>
    %add3A_17 = arith.addi %iota3A, %add3A_16 : vector<16xi32>
    %jit3A = arith.constant 0 : i32
    %jit3A_18 = arith.constant 50 : i32
    %div3A = arith.divsi %jit3A, %jit3A_18 : i32
    %sign3A = arith.constant 0 : i32
    %sign3A_19 = arith.cmpi sgt, %jit3A, %sign3A : i32
    %sign3A_20 = arith.extui %sign3A_19 : i1 to i32
    %sign3A_21 = arith.constant 0 : i32
    %sign3A_22 = arith.cmpi slt, %jit3A, %sign3A_21 : i32
    %sign3A_23 = arith.extui %sign3A_22 : i1 to i32
    %sign3A_24 = arith.subi %sign3A_20, %sign3A_23 : i32
    %sign3A_25 = arith.constant 0 : i32
    %sign3A_26 = arith.cmpi sgt, %jit3A_18, %sign3A_25 : i32
    %sign3A_27 = arith.extui %sign3A_26 : i1 to i32
    %sign3A_28 = arith.constant 0 : i32
    %sign3A_29 = arith.cmpi slt, %jit3A_18, %sign3A_28 : i32
    %sign3A_30 = arith.extui %sign3A_29 : i1 to i32
    %sign3A_31 = arith.subi %sign3A_27, %sign3A_30 : i32
    %ne3A = arith.cmpi ne, %sign3A_24, %sign3A_31 : i32
    %rem3A = arith.remsi %jit3A, %jit3A_18 : i32
    %ne3A_32 = arith.constant 0 : i32
    %ne3A_33 = arith.cmpi ne, %rem3A, %ne3A_32 : i32
    %and3A = arith.andi %ne3A, %ne3A_33 : i1
    %sub3A = arith.constant 1 : i32
    %sub3A_34 = arith.subi %div3A, %sub3A : i32
    %select_n3A = arith.select %and3A, %sub3A_34, %div3A : i32
    %jit3A_35 = arith.constant 0 : i32
    %jit3A_36 = arith.constant 50 : i32
    %eq3A = arith.constant 0 : i32
    %eq3A_37 = arith.cmpi eq, %jit3A_36, %eq3A : i32
    %jit3A_38 = arith.constant 1 : i32
    %select_n3A_39 = arith.select %eq3A_37, %jit3A_38, %jit3A_36 : i32
    %rem3A_40 = arith.remsi %jit3A_35, %select_n3A_39 : i32
    %ne3A_41 = arith.constant 0 : i32
    %ne3A_42 = arith.cmpi ne, %rem3A_40, %ne3A_41 : i32
    %lt3A = arith.constant 0 : i32
    %lt3A_43 = arith.cmpi slt, %rem3A_40, %lt3A : i32
    %lt3A_44 = arith.constant 0 : i32
    %lt3A_45 = arith.cmpi slt, %select_n3A_39, %lt3A_44 : i32
    %ne3A_46 = arith.xori %lt3A_43, %lt3A_45 : i1
    %and3A_47 = arith.andi %ne3A_46, %ne3A_42 : i1
    %add3A_48 = arith.addi %rem3A_40, %select_n3A_39 : i32
    %select_n3A_49 = arith.select %and3A_47, %add3A_48, %rem3A_40 : i32
    %mul3A_50 = arith.constant 6400 : i32
    %mul3A_51 = arith.muli %select_n3A, %mul3A_50 : i32
    %add3A_52 = arith.addi %mul3A_51, %select_n3A_49 : i32
    %add3A_53 = arith.constant 0 : i32
    %add3A_54 = arith.addi %add3A_52, %add3A_53 : i32
    %add3A_55 = vector.broadcast %add3A_54 : i32 to vector<16xi32>
    %add3A_56 = arith.addi %mul3A_5, %add3A_55 : vector<16xi32>
    %gather3A = tpu.vector_load_idx %arg5[%add3A_56] : memref<25600xi32, #tpu.memory_space<vmem>>[vector<16xi32>], vector<16xi32>,
    %swap3A = arith.constant 0 : index
    %swap3A_57 = tpu.vector_load %arg6[%swap3A] {strides = array<i32>} : memref<128xi32, #tpu.memory_space<vmem>>, vector<16xi32>,
    tpu.vector_store %arg6[%swap3A], %gather3A {strides = array<i32>} : memref<128xi32, #tpu.memory_space<vmem>>, vector<16xi32>,
    %add3A_58 = arith.constant 800 : i32
    %add3A_59 = arith.addi %add3A_52, %add3A_58 : i32
    %add3A_60 = vector.broadcast %add3A_59 : i32 to vector<16xi32>
    %add3A_61 = arith.addi %mul3A_5, %add3A_60 : vector<16xi32>
    %gather3A_62 = tpu.vector_load_idx %arg5[%add3A_61] : memref<25600xi32, #tpu.memory_space<vmem>>[vector<16xi32>], vector<16xi32>,
    %swap3A_63 = arith.constant 16 : index
    %swap3A_64 = tpu.vector_load %arg6[%swap3A_63] {strides = array<i32>} : memref<128xi32, #tpu.memory_space<vmem>>, vector<16xi32>,
    tpu.vector_store %arg6[%swap3A_63], %gather3A_62 {strides = array<i32>} : memref<128xi32, #tpu.memory_space<vmem>>, vector<16xi32>,
    %add3A_65 = arith.constant 1600 : i32
    %add3A_66 = arith.addi %add3A_52, %add3A_65 : i32
    %add3A_67 = vector.broadcast %add3A_66 : i32 to vector<16xi32>
    %add3A_68 = arith.addi %mul3A_5, %add3A_67 : vector<16xi32>
    %gather3A_69 = tpu.vector_load_idx %arg5[%add3A_68] : memref<25600xi32, #tpu.memory_space<vmem>>[vector<16xi32>], vector<16xi32>,
    %swap3A_70 = arith.constant 32 : index
    %swap3A_71 = tpu.vector_load %arg6[%swap3A_70] {strides = array<i32>} : memref<128xi32, #tpu.memory_space<vmem>>, vector<16xi32>,
    tpu.vector_store %arg6[%swap3A_70], %gather3A_69 {strides = array<i32>} : memref<128xi32, #tpu.memory_space<vmem>>, vector<16xi32>,
    %add3A_72 = arith.constant 2400 : i32
    %add3A_73 = arith.addi %add3A_52, %add3A_72 : i32
    %add3A_74 = vector.broadcast %add3A_73 : i32 to vector<16xi32>
    %add3A_75 = arith.addi %mul3A_5, %add3A_74 : vector<16xi32>
    %gather3A_76 = tpu.vector_load_idx %arg5[%add3A_75] : memref<25600xi32, #tpu.memory_space<vmem>>[vector<16xi32>], vector<16xi32>,
    %swap3A_77 = arith.constant 48 : index
    %swap3A_78 = tpu.vector_load %arg6[%swap3A_77] {strides = array<i32>} : memref<128xi32, #tpu.memory_space<vmem>>, vector<16xi32>,
    tpu.vector_store %arg6[%swap3A_77], %gather3A_76 {strides = array<i32>} : memref<128xi32, #tpu.memory_space<vmem>>, vector<16xi32>,
    %add3A_79 = arith.constant 3200 : i32
    %add3A_80 = arith.addi %add3A_52, %add3A_79 : i32
    %add3A_81 = vector.broadcast %add3A_80 : i32 to vector<16xi32>
    %add3A_82 = arith.addi %mul3A_5, %add3A_81 : vector<16xi32>
    %gather3A_83 = tpu.vector_load_idx %arg5[%add3A_82] : memref<25600xi32, #tpu.memory_space<vmem>>[vector<16xi32>], vector<16xi32>,
    %swap3A_84 = arith.constant 64 : index
    %swap3A_85 = tpu.vector_load %arg6[%swap3A_84] {strides = array<i32>} : memref<128xi32, #tpu.memory_space<vmem>>, vector<16xi32>,
    tpu.vector_store %arg6[%swap3A_84], %gather3A_83 {strides = array<i32>} : memref<128xi32, #tpu.memory_space<vmem>>, vector<16xi32>,
    %add3A_86 = arith.constant 4000 : i32
    %add3A_87 = arith.addi %add3A_52, %add3A_86 : i32
    %add3A_88 = vector.broadcast %add3A_87 : i32 to vector<16xi32>
    %add3A_89 = arith.addi %mul3A_5, %add3A_88 : vector<16xi32>
    %gather3A_90 = tpu.vector_load_idx %arg5[%add3A_89] : memref<25600xi32, #tpu.memory_space<vmem>>[vector<16xi32>], vector<16xi32>,
    %swap3A_91 = arith.constant 80 : index
    %swap3A_92 = tpu.vector_load %arg6[%swap3A_91] {strides = array<i32>} : memref<128xi32, #tpu.memory_space<vmem>>, vector<16xi32>,
    tpu.vector_store %arg6[%swap3A_91], %gather3A_90 {strides = array<i32>} : memref<128xi32, #tpu.memory_space<vmem>>, vector<16xi32>,
    %add3A_93 = arith.constant 4800 : i32
    %add3A_94 = arith.addi %add3A_52, %add3A_93 : i32
    %add3A_95 = vector.broadcast %add3A_94 : i32 to vector<16xi32>
    %add3A_96 = arith.addi %mul3A_5, %add3A_95 : vector<16xi32>
    %gather3A_97 = tpu.vector_load_idx %arg5[%add3A_96] : memref<25600xi32, #tpu.memory_space<vmem>>[vector<16xi32>], vector<16xi32>,
    %swap3A_98 = arith.constant 96 : index
    %swap3A_99 = tpu.vector_load %arg6[%swap3A_98] {strides = array<i32>} : memref<128xi32, #tpu.memory_space<vmem>>, vector<16xi32>,
    tpu.vector_store %arg6[%swap3A_98], %gather3A_97 {strides = array<i32>} : memref<128xi32, #tpu.memory_space<vmem>>, vector<16xi32>,
    %add3A_100 = arith.constant 5600 : i32
    %add3A_101 = arith.addi %add3A_52, %add3A_100 : i32
    %add3A_102 = vector.broadcast %add3A_101 : i32 to vector<16xi32>
    %add3A_103 = arith.addi %mul3A_5, %add3A_102 : vector<16xi32>
    %gather3A_104 = tpu.vector_load_idx %arg5[%add3A_103] : memref<25600xi32, #tpu.memory_space<vmem>>[vector<16xi32>], vector<16xi32>,
    %swap3A_105 = arith.constant 112 : index
    %swap3A_106 = tpu.vector_load %arg6[%swap3A_105] {strides = array<i32>} : memref<128xi32, #tpu.memory_space<vmem>>, vector<16xi32>,
    tpu.vector_store %arg6[%swap3A_105], %gather3A_104 {strides = array<i32>} : memref<128xi32, #tpu.memory_space<vmem>>, vector<16xi32>,
    %dma_start3A = arith.constant 0 : i32
    %dma_start3A_107 = arith.constant 0 : i32
    %dma_start3A_108 = arith.constant 0 : i32
    %dma_start3A_109 = tpu.memref_slice %arg7[%dma_start3A, %dma_start3A_107, %dma_start3A_108] : memref<2x128x64xf32, #tpu.memory_space<vmem>> -> memref<1x128x64xf32, #tpu.memory_space<vmem>>
    %dma_start3A_110 = tpu.memref_squeeze %dma_start3A_109 : memref<1x128x64xf32, #tpu.memory_space<vmem>> -> memref<128x64xf32, #tpu.memory_space<vmem>>
    %dma_start3A_111 = arith.constant 0 : i32
    %dma_start3A_112 = arith.constant 0 : i32
    %dma_start3A_113 = tpu.memref_slice %arg3[%dma_start3A_111, %dma_start3A_112] : memref<1000000x64xf32, #tpu.memory_space<hbm>> -> memref<1000000x64xf32, #tpu.memory_space<hbm>>
    tpu.enqueue_indirect_dma source(%dma_start3A_113 : memref<1000000x64xf32, #tpu.memory_space<hbm>>) target(%dma_start3A_110 : memref<128x64xf32, #tpu.memory_space<vmem>>) offsets(%arg6 : memref<128xi32, #tpu.memory_space<vmem>>) semaphore(%arg9 : memref<!tpu.dma_semaphore, #tpu.memory_space<semaphore_mem>>)
    %dma_wait3A = arith.constant 0 : i32
    %dma_wait3A_114 = arith.constant 0 : i32
    %dma_wait3A_115 = arith.constant 0 : i32
    %dma_wait3A_116 = tpu.memref_slice %arg7[%dma_wait3A, %dma_wait3A_114, %dma_wait3A_115] : memref<2x128x64xf32, #tpu.memory_space<vmem>> -> memref<1x128x64xf32, #tpu.memory_space<vmem>>
    %dma_wait3A_117 = tpu.memref_squeeze %dma_wait3A_116 : memref<1x128x64xf32, #tpu.memory_space<vmem>> -> memref<128x64xf32, #tpu.memory_space<vmem>>
    %dma_wait3A_118 = arith.constant 0 : i32
    %dma_wait3A_119 = arith.constant 0 : i32
    %dma_wait3A_120 = tpu.memref_slice %arg3[%dma_wait3A_118, %dma_wait3A_119] : memref<1000000x64xf32, #tpu.memory_space<hbm>> -> memref<1000000x64xf32, #tpu.memory_space<hbm>>
    tpu.wait_indirect_dma semaphore(%arg9 : memref<!tpu.dma_semaphore, #tpu.memory_space<semaphore_mem>>) src(%dma_wait3A_120 : memref<1000000x64xf32, #tpu.memory_space<hbm>>) dst(%dma_wait3A_117 : memref<128x64xf32, #tpu.memory_space<vmem>>)
    %scan3A = arith.constant 0 : i32
    %scan3A_121 = arith.constant 0 : i32
    %scan3A_122 = arith.constant 100 : i32
    %scan3A_123 = arith.addi %scan3A_121, %scan3A_122 : i32
    %scan3A_124 = arith.constant 1 : i32
    scf.for %scan3A_446 = %scan3A_121 to %scan3A_123 step %scan3A_124  : i32 {
      %mul3A_447 = arith.constant 2 : i32
      %mul3A_448 = arith.muli %mul3A_447, %scan3A_446 : i32
      %jit3A_449 = arith.constant 50 : i32
      %div3A_450 = arith.divsi %mul3A_448, %jit3A_449 : i32
      %sign3A_451 = arith.constant 0 : i32
      %sign3A_452 = arith.cmpi sgt, %mul3A_448, %sign3A_451 : i32
      %sign3A_453 = arith.extui %sign3A_452 : i1 to i32
      %sign3A_454 = arith.constant 0 : i32
      %sign3A_455 = arith.cmpi slt, %mul3A_448, %sign3A_454 : i32
      %sign3A_456 = arith.extui %sign3A_455 : i1 to i32
      %sign3A_457 = arith.subi %sign3A_453, %sign3A_456 : i32
      %sign3A_458 = arith.constant 0 : i32
      %sign3A_459 = arith.cmpi sgt, %jit3A_449, %sign3A_458 : i32
      %sign3A_460 = arith.extui %sign3A_459 : i1 to i32
      %sign3A_461 = arith.constant 0 : i32
      %sign3A_462 = arith.cmpi slt, %jit3A_449, %sign3A_461 : i32
      %sign3A_463 = arith.extui %sign3A_462 : i1 to i32
      %sign3A_464 = arith.subi %sign3A_460, %sign3A_463 : i32
      %ne3A_465 = arith.cmpi ne, %sign3A_457, %sign3A_464 : i32
      %rem3A_466 = arith.remsi %mul3A_448, %jit3A_449 : i32
      %ne3A_467 = arith.constant 0 : i32
      %ne3A_468 = arith.cmpi ne, %rem3A_466, %ne3A_467 : i32
      %and3A_469 = arith.andi %ne3A_465, %ne3A_468 : i1
      %sub3A_470 = arith.constant 1 : i32
      %sub3A_471 = arith.subi %div3A_450, %sub3A_470 : i32
      %select_n3A_472 = arith.select %and3A_469, %sub3A_471, %div3A_450 : i32
      %jit3A_473 = arith.constant 50 : i32
      %eq3A_474 = arith.constant 0 : i32
      %eq3A_475 = arith.cmpi eq, %jit3A_473, %eq3A_474 : i32
      %jit3A_476 = arith.constant 1 : i32
      %select_n3A_477 = arith.select %eq3A_475, %jit3A_476, %jit3A_473 : i32
      %rem3A_478 = arith.remsi %mul3A_448, %select_n3A_477 : i32
      %ne3A_479 = arith.constant 0 : i32
      %ne3A_480 = arith.cmpi ne, %rem3A_478, %ne3A_479 : i32
      %lt3A_481 = arith.constant 0 : i32
      %lt3A_482 = arith.cmpi slt, %rem3A_478, %lt3A_481 : i32
      %lt3A_483 = arith.constant 0 : i32
      %lt3A_484 = arith.cmpi slt, %select_n3A_477, %lt3A_483 : i32
      %ne3A_485 = arith.xori %lt3A_482, %lt3A_484 : i1
      %and3A_486 = arith.andi %ne3A_485, %ne3A_480 : i1
      %add3A_487 = arith.addi %rem3A_478, %select_n3A_477 : i32
      %select_n3A_488 = arith.select %and3A_486, %add3A_487, %rem3A_478 : i32
      %add3A_489 = arith.constant 1 : i32
      %add3A_490 = arith.addi %mul3A_448, %add3A_489 : i32
      %min3A = arith.constant 199 : i32
      %min3A_491 = arith.minsi %add3A_490, %min3A : i32
      %jit3A_492 = arith.constant 50 : i32
      %div3A_493 = arith.divsi %min3A_491, %jit3A_492 : i32
      %sign3A_494 = arith.constant 0 : i32
      %sign3A_495 = arith.cmpi sgt, %min3A_491, %sign3A_494 : i32
      %sign3A_496 = arith.extui %sign3A_495 : i1 to i32
      %sign3A_497 = arith.constant 0 : i32
      %sign3A_498 = arith.cmpi slt, %min3A_491, %sign3A_497 : i32
      %sign3A_499 = arith.extui %sign3A_498 : i1 to i32
      %sign3A_500 = arith.subi %sign3A_496, %sign3A_499 : i32
      %sign3A_501 = arith.constant 0 : i32
      %sign3A_502 = arith.cmpi sgt, %jit3A_492, %sign3A_501 : i32
      %sign3A_503 = arith.extui %sign3A_502 : i1 to i32
      %sign3A_504 = arith.constant 0 : i32
      %sign3A_505 = arith.cmpi slt, %jit3A_492, %sign3A_504 : i32
      %sign3A_506 = arith.extui %sign3A_505 : i1 to i32
      %sign3A_507 = arith.subi %sign3A_503, %sign3A_506 : i32
      %ne3A_508 = arith.cmpi ne, %sign3A_500, %sign3A_507 : i32
      %rem3A_509 = arith.remsi %min3A_491, %jit3A_492 : i32
      %ne3A_510 = arith.constant 0 : i32
      %ne3A_511 = arith.cmpi ne, %rem3A_509, %ne3A_510 : i32
      %and3A_512 = arith.andi %ne3A_508, %ne3A_511 : i1
      %sub3A_513 = arith.constant 1 : i32
      %sub3A_514 = arith.subi %div3A_493, %sub3A_513 : i32
      %select_n3A_515 = arith.select %and3A_512, %sub3A_514, %div3A_493 : i32
      %jit3A_516 = arith.constant 50 : i32
      %eq3A_517 = arith.constant 0 : i32
      %eq3A_518 = arith.cmpi eq, %jit3A_516, %eq3A_517 : i32
      %jit3A_519 = arith.constant 1 : i32
      %select_n3A_520 = arith.select %eq3A_518, %jit3A_519, %jit3A_516 : i32
      %rem3A_521 = arith.remsi %min3A_491, %select_n3A_520 : i32
      %ne3A_522 = arith.constant 0 : i32
      %ne3A_523 = arith.cmpi ne, %rem3A_521, %ne3A_522 : i32
      %lt3A_524 = arith.constant 0 : i32
      %lt3A_525 = arith.cmpi slt, %rem3A_521, %lt3A_524 : i32
      %lt3A_526 = arith.constant 0 : i32
      %lt3A_527 = arith.cmpi slt, %select_n3A_520, %lt3A_526 : i32
      %ne3A_528 = arith.xori %lt3A_525, %lt3A_527 : i1
      %and3A_529 = arith.andi %ne3A_528, %ne3A_523 : i1
      %add3A_530 = arith.addi %rem3A_521, %select_n3A_520 : i32
      %select_n3A_531 = arith.select %and3A_529, %add3A_530, %rem3A_521 : i32
      %mul3A_532 = arith.constant 6400 : i32
      %mul3A_533 = arith.muli %select_n3A_515, %mul3A_532 : i32
      %add3A_534 = arith.addi %mul3A_533, %select_n3A_531 : i32
      %add3A_535 = arith.constant 0 : i32
      %add3A_536 = arith.addi %add3A_534, %add3A_535 : i32
      %add3A_537 = vector.broadcast %add3A_536 : i32 to vector<16xi32>
      %add3A_538 = arith.addi %mul3A_5, %add3A_537 : vector<16xi32>
      %gather3A_539 = tpu.vector_load_idx %arg5[%add3A_538] : memref<25600xi32, #tpu.memory_space<vmem>>[vector<16xi32>], vector<16xi32>,
      %swap3A_540 = arith.constant 0 : index
      %swap3A_541 = tpu.vector_load %arg6[%swap3A_540] {strides = array<i32>} : memref<128xi32, #tpu.memory_space<vmem>>, vector<16xi32>,
      tpu.vector_store %arg6[%swap3A_540], %gather3A_539 {strides = array<i32>} : memref<128xi32, #tpu.memory_space<vmem>>, vector<16xi32>,
      %add3A_542 = arith.constant 800 : i32
      %add3A_543 = arith.addi %add3A_534, %add3A_542 : i32
      %add3A_544 = vector.broadcast %add3A_543 : i32 to vector<16xi32>
      %add3A_545 = arith.addi %mul3A_5, %add3A_544 : vector<16xi32>
      %gather3A_546 = tpu.vector_load_idx %arg5[%add3A_545] : memref<25600xi32, #tpu.memory_space<vmem>>[vector<16xi32>], vector<16xi32>,
      %swap3A_547 = arith.constant 16 : index
      %swap3A_548 = tpu.vector_load %arg6[%swap3A_547] {strides = array<i32>} : memref<128xi32, #tpu.memory_space<vmem>>, vector<16xi32>,
      tpu.vector_store %arg6[%swap3A_547], %gather3A_546 {strides = array<i32>} : memref<128xi32, #tpu.memory_space<vmem>>, vector<16xi32>,
      %add3A_549 = arith.constant 1600 : i32
      %add3A_550 = arith.addi %add3A_534, %add3A_549 : i32
      %add3A_551 = vector.broadcast %add3A_550 : i32 to vector<16xi32>
      %add3A_552 = arith.addi %mul3A_5, %add3A_551 : vector<16xi32>
      %gather3A_553 = tpu.vector_load_idx %arg5[%add3A_552] : memref<25600xi32, #tpu.memory_space<vmem>>[vector<16xi32>], vector<16xi32>,
      %swap3A_554 = arith.constant 32 : index
      %swap3A_555 = tpu.vector_load %arg6[%swap3A_554] {strides = array<i32>} : memref<128xi32, #tpu.memory_space<vmem>>, vector<16xi32>,
      tpu.vector_store %arg6[%swap3A_554], %gather3A_553 {strides = array<i32>} : memref<128xi32, #tpu.memory_space<vmem>>, vector<16xi32>,
      %add3A_556 = arith.constant 2400 : i32
      %add3A_557 = arith.addi %add3A_534, %add3A_556 : i32
      %add3A_558 = vector.broadcast %add3A_557 : i32 to vector<16xi32>
      %add3A_559 = arith.addi %mul3A_5, %add3A_558 : vector<16xi32>
      %gather3A_560 = tpu.vector_load_idx %arg5[%add3A_559] : memref<25600xi32, #tpu.memory_space<vmem>>[vector<16xi32>], vector<16xi32>,
      %swap3A_561 = arith.constant 48 : index
      %swap3A_562 = tpu.vector_load %arg6[%swap3A_561] {strides = array<i32>} : memref<128xi32, #tpu.memory_space<vmem>>, vector<16xi32>,
      tpu.vector_store %arg6[%swap3A_561], %gather3A_560 {strides = array<i32>} : memref<128xi32, #tpu.memory_space<vmem>>, vector<16xi32>,
      %add3A_563 = arith.constant 3200 : i32
      %add3A_564 = arith.addi %add3A_534, %add3A_563 : i32
      %add3A_565 = vector.broadcast %add3A_564 : i32 to vector<16xi32>
      %add3A_566 = arith.addi %mul3A_5, %add3A_565 : vector<16xi32>
      %gather3A_567 = tpu.vector_load_idx %arg5[%add3A_566] : memref<25600xi32, #tpu.memory_space<vmem>>[vector<16xi32>], vector<16xi32>,
      %swap3A_568 = arith.constant 64 : index
      %swap3A_569 = tpu.vector_load %arg6[%swap3A_568] {strides = array<i32>} : memref<128xi32, #tpu.memory_space<vmem>>, vector<16xi32>,
      tpu.vector_store %arg6[%swap3A_568], %gather3A_567 {strides = array<i32>} : memref<128xi32, #tpu.memory_space<vmem>>, vector<16xi32>,
      %add3A_570 = arith.constant 4000 : i32
      %add3A_571 = arith.addi %add3A_534, %add3A_570 : i32
      %add3A_572 = vector.broadcast %add3A_571 : i32 to vector<16xi32>
      %add3A_573 = arith.addi %mul3A_5, %add3A_572 : vector<16xi32>
      %gather3A_574 = tpu.vector_load_idx %arg5[%add3A_573] : memref<25600xi32, #tpu.memory_space<vmem>>[vector<16xi32>], vector<16xi32>,
      %swap3A_575 = arith.constant 80 : index
      %swap3A_576 = tpu.vector_load %arg6[%swap3A_575] {strides = array<i32>} : memref<128xi32, #tpu.memory_space<vmem>>, vector<16xi32>,
      tpu.vector_store %arg6[%swap3A_575], %gather3A_574 {strides = array<i32>} : memref<128xi32, #tpu.memory_space<vmem>>, vector<16xi32>,
      %add3A_577 = arith.constant 4800 : i32
      %add3A_578 = arith.addi %add3A_534, %add3A_577 : i32
      %add3A_579 = vector.broadcast %add3A_578 : i32 to vector<16xi32>
      %add3A_580 = arith.addi %mul3A_5, %add3A_579 : vector<16xi32>
      %gather3A_581 = tpu.vector_load_idx %arg5[%add3A_580] : memref<25600xi32, #tpu.memory_space<vmem>>[vector<16xi32>], vector<16xi32>,
      %swap3A_582 = arith.constant 96 : index
      %swap3A_583 = tpu.vector_load %arg6[%swap3A_582] {strides = array<i32>} : memref<128xi32, #tpu.memory_space<vmem>>, vector<16xi32>,
      tpu.vector_store %arg6[%swap3A_582], %gather3A_581 {strides = array<i32>} : memref<128xi32, #tpu.memory_space<vmem>>, vector<16xi32>,
      %add3A_584 = arith.constant 5600 : i32
      %add3A_585 = arith.addi %add3A_534, %add3A_584 : i32
      %add3A_586 = vector.broadcast %add3A_585 : i32 to vector<16xi32>
      %add3A_587 = arith.addi %mul3A_5, %add3A_586 : vector<16xi32>
      %gather3A_588 = tpu.vector_load_idx %arg5[%add3A_587] : memref<25600xi32, #tpu.memory_space<vmem>>[vector<16xi32>], vector<16xi32>,
      %swap3A_589 = arith.constant 112 : index
      %swap3A_590 = tpu.vector_load %arg6[%swap3A_589] {strides = array<i32>} : memref<128xi32, #tpu.memory_space<vmem>>, vector<16xi32>,
      tpu.vector_store %arg6[%swap3A_589], %gather3A_588 {strides = array<i32>} : memref<128xi32, #tpu.memory_space<vmem>>, vector<16xi32>,
      %dma_start3A_591 = arith.constant 1 : i32
      %dma_start3A_592 = arith.constant 0 : i32
      %dma_start3A_593 = arith.constant 0 : i32
      %dma_start3A_594 = tpu.memref_slice %arg7[%dma_start3A_591, %dma_start3A_592, %dma_start3A_593] : memref<2x128x64xf32, #tpu.memory_space<vmem>> -> memref<1x128x64xf32, #tpu.memory_space<vmem>>
      %dma_start3A_595 = tpu.memref_squeeze %dma_start3A_594 : memref<1x128x64xf32, #tpu.memory_space<vmem>> -> memref<128x64xf32, #tpu.memory_space<vmem>>
      %dma_start3A_596 = arith.constant 0 : i32
      %dma_start3A_597 = arith.constant 0 : i32
      %dma_start3A_598 = tpu.memref_slice %arg3[%dma_start3A_596, %dma_start3A_597] : memref<1000000x64xf32, #tpu.memory_space<hbm>> -> memref<1000000x64xf32, #tpu.memory_space<hbm>>
      tpu.enqueue_indirect_dma source(%dma_start3A_598 : memref<1000000x64xf32, #tpu.memory_space<hbm>>) target(%dma_start3A_595 : memref<128x64xf32, #tpu.memory_space<vmem>>) offsets(%arg6 : memref<128xi32, #tpu.memory_space<vmem>>) semaphore(%arg9 : memref<!tpu.dma_semaphore, #tpu.memory_space<semaphore_mem>>)
      %ge3A = arith.constant 2 : i32
      %ge3A_599 = arith.cmpi sge, %mul3A_448, %ge3A : i32
      %convert_element_type3A = arith.extui %ge3A_599 : i1 to i32
      %cond3A = arith.constant 0 : i32
      %cond3A_600 = arith.cmpi ne, %convert_element_type3A, %cond3A : i32
      scf.if %cond3A_600 {
        %dma_wait3A_1087 = arith.constant 0 : i32
        %dma_wait3A_1088 = arith.constant 0 : i32
        %dma_wait3A_1089 = arith.constant 0 : i32
        %dma_wait3A_1090 = arith.constant 0 : i32
        %dma_wait3A_1091 = arith.constant 0 : i32
        %dma_wait3A_1092 = arith.constant 0 : i32
        %dma_wait3A_1093 = tpu.memref_slice %arg8[%dma_wait3A_1090, %dma_wait3A_1091, %dma_wait3A_1092] : memref<2x64x129xf32, #tpu.memory_space<vmem>> -> memref<1x8x128xf32, #tpu.memory_space<vmem>>
        %dma_wait3A_1094 = tpu.memref_squeeze %dma_wait3A_1093 : memref<1x8x128xf32, #tpu.memory_space<vmem>> -> memref<8x128xf32, #tpu.memory_space<vmem>>
        %dma_wait3A_1095 = arith.constant 0 : i32
        %dma_wait3A_1096 = arith.constant 0 : i32
        %dma_wait3A_1097 = tpu.memref_slice %arg4[%dma_wait3A_1087, %dma_wait3A_1088, %dma_wait3A_1089, %dma_wait3A_1095, %dma_wait3A_1096] : memref<50x8x128x8x128xf32, #tpu.memory_space<hbm>> -> memref<1x1x1x8x128xf32, #tpu.memory_space<hbm>>
        %dma_wait3A_1098 = tpu.memref_squeeze %dma_wait3A_1097 : memref<1x1x1x8x128xf32, #tpu.memory_space<hbm>> -> memref<8x128xf32, #tpu.memory_space<hbm>>
        %dma_wait3A_1099 = arith.constant 0 : i32
        %dma_wait3A_1100 = arith.constant 0 : i32
        %dma_wait3A_1101 = tpu.memref_slice %arg8[%dma_wait3A_1090, %dma_wait3A_1099, %dma_wait3A_1100] : memref<2x64x129xf32, #tpu.memory_space<vmem>> -> memref<1x8x128xf32, #tpu.memory_space<vmem>>
        %dma_wait3A_1102 = tpu.memref_squeeze %dma_wait3A_1101 : memref<1x8x128xf32, #tpu.memory_space<vmem>> -> memref<8x128xf32, #tpu.memory_space<vmem>>
        %dma_wait3A_1103 = arith.constant 0 : i32
        %dma_wait3A_1104 = arith.constant 0 : i32
        %dma_wait3A_1105 = tpu.memref_slice %arg4[%dma_wait3A_1087, %dma_wait3A_1088, %dma_wait3A_1089, %dma_wait3A_1103, %dma_wait3A_1104] : memref<50x8x128x8x128xf32, #tpu.memory_space<hbm>> -> memref<1x1x1x8x128xf32, #tpu.memory_space<hbm>>
        %dma_wait3A_1106 = tpu.memref_squeeze %dma_wait3A_1105 : memref<1x1x1x8x128xf32, #tpu.memory_space<hbm>> -> memref<8x128xf32, #tpu.memory_space<hbm>>
        tpu.wait_dma2 semaphore(%arg10 : memref<!tpu.dma_semaphore, #tpu.memory_space<semaphore_mem>>) src(%dma_wait3A_1106 : memref<8x128xf32, #tpu.memory_space<hbm>>) dst(%dma_wait3A_1102 : memref<8x128xf32, #tpu.memory_space<vmem>>)
        %dma_wait3A_1107 = arith.constant 0 : i32
        %dma_wait3A_1108 = arith.constant 0 : i32
        %dma_wait3A_1109 = arith.constant 0 : i32
        %dma_wait3A_1110 = arith.constant 0 : i32
        %dma_wait3A_1111 = arith.constant 8 : i32
        %dma_wait3A_1112 = arith.constant 0 : i32
        %dma_wait3A_1113 = tpu.memref_slice %arg8[%dma_wait3A_1110, %dma_wait3A_1111, %dma_wait3A_1112] : memref<2x64x129xf32, #tpu.memory_space<vmem>> -> memref<1x8x128xf32, #tpu.memory_space<vmem>>
        %dma_wait3A_1114 = tpu.memref_squeeze %dma_wait3A_1113 : memref<1x8x128xf32, #tpu.memory_space<vmem>> -> memref<8x128xf32, #tpu.memory_space<vmem>>
        %dma_wait3A_1115 = arith.constant 0 : i32
        %dma_wait3A_1116 = arith.constant 0 : i32
        %dma_wait3A_1117 = tpu.memref_slice %arg4[%dma_wait3A_1107, %dma_wait3A_1108, %dma_wait3A_1109, %dma_wait3A_1115, %dma_wait3A_1116] : memref<50x8x128x8x128xf32, #tpu.memory_space<hbm>> -> memref<1x1x1x8x128xf32, #tpu.memory_space<hbm>>
        %dma_wait3A_1118 = tpu.memref_squeeze %dma_wait3A_1117 : memref<1x1x1x8x128xf32, #tpu.memory_space<hbm>> -> memref<8x128xf32, #tpu.memory_space<hbm>>
        %dma_wait3A_1119 = arith.constant 8 : i32
        %dma_wait3A_1120 = arith.constant 0 : i32
        %dma_wait3A_1121 = tpu.memref_slice %arg8[%dma_wait3A_1110, %dma_wait3A_1119, %dma_wait3A_1120] : memref<2x64x129xf32, #tpu.memory_space<vmem>> -> memref<1x8x128xf32, #tpu.memory_space<vmem>>
        %dma_wait3A_1122 = tpu.memref_squeeze %dma_wait3A_1121 : memref<1x8x128xf32, #tpu.memory_space<vmem>> -> memref<8x128xf32, #tpu.memory_space<vmem>>
        %dma_wait3A_1123 = arith.constant 0 : i32
        %dma_wait3A_1124 = arith.constant 0 : i32
        %dma_wait3A_1125 = tpu.memref_slice %arg4[%dma_wait3A_1107, %dma_wait3A_1108, %dma_wait3A_1109, %dma_wait3A_1123, %dma_wait3A_1124] : memref<50x8x128x8x128xf32, #tpu.memory_space<hbm>> -> memref<1x1x1x8x128xf32, #tpu.memory_space<hbm>>
        %dma_wait3A_1126 = tpu.memref_squeeze %dma_wait3A_1125 : memref<1x1x1x8x128xf32, #tpu.memory_space<hbm>> -> memref<8x128xf32, #tpu.memory_space<hbm>>
        tpu.wait_dma2 semaphore(%arg10 : memref<!tpu.dma_semaphore, #tpu.memory_space<semaphore_mem>>) src(%dma_wait3A_1126 : memref<8x128xf32, #tpu.memory_space<hbm>>) dst(%dma_wait3A_1122 : memref<8x128xf32, #tpu.memory_space<vmem>>)
        %dma_wait3A_1127 = arith.constant 0 : i32
        %dma_wait3A_1128 = arith.constant 0 : i32
        %dma_wait3A_1129 = arith.constant 0 : i32
        %dma_wait3A_1130 = arith.constant 0 : i32
        %dma_wait3A_1131 = arith.constant 16 : i32
        %dma_wait3A_1132 = arith.constant 0 : i32
        %dma_wait3A_1133 = tpu.memref_slice %arg8[%dma_wait3A_1130, %dma_wait3A_1131, %dma_wait3A_1132] : memref<2x64x129xf32, #tpu.memory_space<vmem>> -> memref<1x8x128xf32, #tpu.memory_space<vmem>>
        %dma_wait3A_1134 = tpu.memref_squeeze %dma_wait3A_1133 : memref<1x8x128xf32, #tpu.memory_space<vmem>> -> memref<8x128xf32, #tpu.memory_space<vmem>>
        %dma_wait3A_1135 = arith.constant 0 : i32
        %dma_wait3A_1136 = arith.constant 0 : i32
        %dma_wait3A_1137 = tpu.memref_slice %arg4[%dma_wait3A_1127, %dma_wait3A_1128, %dma_wait3A_1129, %dma_wait3A_1135, %dma_wait3A_1136] : memref<50x8x128x8x128xf32, #tpu.memory_space<hbm>> -> memref<1x1x1x8x128xf32, #tpu.memory_space<hbm>>
        %dma_wait3A_1138 = tpu.memref_squeeze %dma_wait3A_1137 : memref<1x1x1x8x128xf32, #tpu.memory_space<hbm>> -> memref<8x128xf32, #tpu.memory_space<hbm>>
        %dma_wait3A_1139 = arith.constant 16 : i32
        %dma_wait3A_1140 = arith.constant 0 : i32
        %dma_wait3A_1141 = tpu.memref_slice %arg8[%dma_wait3A_1130, %dma_wait3A_1139, %dma_wait3A_1140] : memref<2x64x129xf32, #tpu.memory_space<vmem>> -> memref<1x8x128xf32, #tpu.memory_space<vmem>>
        %dma_wait3A_1142 = tpu.memref_squeeze %dma_wait3A_1141 : memref<1x8x128xf32, #tpu.memory_space<vmem>> -> memref<8x128xf32, #tpu.memory_space<vmem>>
        %dma_wait3A_1143 = arith.constant 0 : i32
        %dma_wait3A_1144 = arith.constant 0 : i32
        %dma_wait3A_1145 = tpu.memref_slice %arg4[%dma_wait3A_1127, %dma_wait3A_1128, %dma_wait3A_1129, %dma_wait3A_1143, %dma_wait3A_1144] : memref<50x8x128x8x128xf32, #tpu.memory_space<hbm>> -> memref<1x1x1x8x128xf32, #tpu.memory_space<hbm>>
        %dma_wait3A_1146 = tpu.memref_squeeze %dma_wait3A_1145 : memref<1x1x1x8x128xf32, #tpu.memory_space<hbm>> -> memref<8x128xf32, #tpu.memory_space<hbm>>
        tpu.wait_dma2 semaphore(%arg10 : memref<!tpu.dma_semaphore, #tpu.memory_space<semaphore_mem>>) src(%dma_wait3A_1146 : memref<8x128xf32, #tpu.memory_space<hbm>>) dst(%dma_wait3A_1142 : memref<8x128xf32, #tpu.memory_space<vmem>>)
        %dma_wait3A_1147 = arith.constant 0 : i32
        %dma_wait3A_1148 = arith.constant 0 : i32
        %dma_wait3A_1149 = arith.constant 0 : i32
        %dma_wait3A_1150 = arith.constant 0 : i32
        %dma_wait3A_1151 = arith.constant 24 : i32
        %dma_wait3A_1152 = arith.constant 0 : i32
        %dma_wait3A_1153 = tpu.memref_slice %arg8[%dma_wait3A_1150, %dma_wait3A_1151, %dma_wait3A_1152] : memref<2x64x129xf32, #tpu.memory_space<vmem>> -> memref<1x8x128xf32, #tpu.memory_space<vmem>>
        %dma_wait3A_1154 = tpu.memref_squeeze %dma_wait3A_1153 : memref<1x8x128xf32, #tpu.memory_space<vmem>> -> memref<8x128xf32, #tpu.memory_space<vmem>>
        %dma_wait3A_1155 = arith.constant 0 : i32
        %dma_wait3A_1156 = arith.constant 0 : i32
        %dma_wait3A_1157 = tpu.memref_slice %arg4[%dma_wait3A_1147, %dma_wait3A_1148, %dma_wait3A_1149, %dma_wait3A_1155, %dma_wait3A_1156] : memref<50x8x128x8x128xf32, #tpu.memory_space<hbm>> -> memref<1x1x1x8x128xf32, #tpu.memory_space<hbm>>
        %dma_wait3A_1158 = tpu.memref_squeeze %dma_wait3A_1157 : memref<1x1x1x8x128xf32, #tpu.memory_space<hbm>> -> memref<8x128xf32, #tpu.memory_space<hbm>>
        %dma_wait3A_1159 = arith.constant 24 : i32
        %dma_wait3A_1160 = arith.constant 0 : i32
        %dma_wait3A_1161 = tpu.memref_slice %arg8[%dma_wait3A_1150, %dma_wait3A_1159, %dma_wait3A_1160] : memref<2x64x129xf32, #tpu.memory_space<vmem>> -> memref<1x8x128xf32, #tpu.memory_space<vmem>>
        %dma_wait3A_1162 = tpu.memref_squeeze %dma_wait3A_1161 : memref<1x8x128xf32, #tpu.memory_space<vmem>> -> memref<8x128xf32, #tpu.memory_space<vmem>>
        %dma_wait3A_1163 = arith.constant 0 : i32
        %dma_wait3A_1164 = arith.constant 0 : i32
        %dma_wait3A_1165 = tpu.memref_slice %arg4[%dma_wait3A_1147, %dma_wait3A_1148, %dma_wait3A_1149, %dma_wait3A_1163, %dma_wait3A_1164] : memref<50x8x128x8x128xf32, #tpu.memory_space<hbm>> -> memref<1x1x1x8x128xf32, #tpu.memory_space<hbm>>
        %dma_wait3A_1166 = tpu.memref_squeeze %dma_wait3A_1165 : memref<1x1x1x8x128xf32, #tpu.memory_space<hbm>> -> memref<8x128xf32, #tpu.memory_space<hbm>>
        tpu.wait_dma2 semaphore(%arg10 : memref<!tpu.dma_semaphore, #tpu.memory_space<semaphore_mem>>) src(%dma_wait3A_1166 : memref<8x128xf32, #tpu.memory_space<hbm>>) dst(%dma_wait3A_1162 : memref<8x128xf32, #tpu.memory_space<vmem>>)
        %dma_wait3A_1167 = arith.constant 0 : i32
        %dma_wait3A_1168 = arith.constant 0 : i32
        %dma_wait3A_1169 = arith.constant 0 : i32
        %dma_wait3A_1170 = arith.constant 0 : i32
        %dma_wait3A_1171 = arith.constant 32 : i32
        %dma_wait3A_1172 = arith.constant 0 : i32
        %dma_wait3A_1173 = tpu.memref_slice %arg8[%dma_wait3A_1170, %dma_wait3A_1171, %dma_wait3A_1172] : memref<2x64x129xf32, #tpu.memory_space<vmem>> -> memref<1x8x128xf32, #tpu.memory_space<vmem>>
        %dma_wait3A_1174 = tpu.memref_squeeze %dma_wait3A_1173 : memref<1x8x128xf32, #tpu.memory_space<vmem>> -> memref<8x128xf32, #tpu.memory_space<vmem>>
        %dma_wait3A_1175 = arith.constant 0 : i32
        %dma_wait3A_1176 = arith.constant 0 : i32
        %dma_wait3A_1177 = tpu.memref_slice %arg4[%dma_wait3A_1167, %dma_wait3A_1168, %dma_wait3A_1169, %dma_wait3A_1175, %dma_wait3A_1176] : memref<50x8x128x8x128xf32, #tpu.memory_space<hbm>> -> memref<1x1x1x8x128xf32, #tpu.memory_space<hbm>>
        %dma_wait3A_1178 = tpu.memref_squeeze %dma_wait3A_1177 : memref<1x1x1x8x128xf32, #tpu.memory_space<hbm>> -> memref<8x128xf32, #tpu.memory_space<hbm>>
        %dma_wait3A_1179 = arith.constant 32 : i32
        %dma_wait3A_1180 = arith.constant 0 : i32
        %dma_wait3A_1181 = tpu.memref_slice %arg8[%dma_wait3A_1170, %dma_wait3A_1179, %dma_wait3A_1180] : memref<2x64x129xf32, #tpu.memory_space<vmem>> -> memref<1x8x128xf32, #tpu.memory_space<vmem>>
        %dma_wait3A_1182 = tpu.memref_squeeze %dma_wait3A_1181 : memref<1x8x128xf32, #tpu.memory_space<vmem>> -> memref<8x128xf32, #tpu.memory_space<vmem>>
        %dma_wait3A_1183 = arith.constant 0 : i32
        %dma_wait3A_1184 = arith.constant 0 : i32
        %dma_wait3A_1185 = tpu.memref_slice %arg4[%dma_wait3A_1167, %dma_wait3A_1168, %dma_wait3A_1169, %dma_wait3A_1183, %dma_wait3A_1184] : memref<50x8x128x8x128xf32, #tpu.memory_space<hbm>> -> memref<1x1x1x8x128xf32, #tpu.memory_space<hbm>>
        %dma_wait3A_1186 = tpu.memref_squeeze %dma_wait3A_1185 : memref<1x1x1x8x128xf32, #tpu.memory_space<hbm>> -> memref<8x128xf32, #tpu.memory_space<hbm>>
        tpu.wait_dma2 semaphore(%arg10 : memref<!tpu.dma_semaphore, #tpu.memory_space<semaphore_mem>>) src(%dma_wait3A_1186 : memref<8x128xf32, #tpu.memory_space<hbm>>) dst(%dma_wait3A_1182 : memref<8x128xf32, #tpu.memory_space<vmem>>)
        %dma_wait3A_1187 = arith.constant 0 : i32
        %dma_wait3A_1188 = arith.constant 0 : i32
        %dma_wait3A_1189 = arith.constant 0 : i32
        %dma_wait3A_1190 = arith.constant 0 : i32
        %dma_wait3A_1191 = arith.constant 40 : i32
        %dma_wait3A_1192 = arith.constant 0 : i32
        %dma_wait3A_1193 = tpu.memref_slice %arg8[%dma_wait3A_1190, %dma_wait3A_1191, %dma_wait3A_1192] : memref<2x64x129xf32, #tpu.memory_space<vmem>> -> memref<1x8x128xf32, #tpu.memory_space<vmem>>
        %dma_wait3A_1194 = tpu.memref_squeeze %dma_wait3A_1193 : memref<1x8x128xf32, #tpu.memory_space<vmem>> -> memref<8x128xf32, #tpu.memory_space<vmem>>
        %dma_wait3A_1195 = arith.constant 0 : i32
        %dma_wait3A_1196 = arith.constant 0 : i32
        %dma_wait3A_1197 = tpu.memref_slice %arg4[%dma_wait3A_1187, %dma_wait3A_1188, %dma_wait3A_1189, %dma_wait3A_1195, %dma_wait3A_1196] : memref<50x8x128x8x128xf32, #tpu.memory_space<hbm>> -> memref<1x1x1x8x128xf32, #tpu.memory_space<hbm>>
        %dma_wait3A_1198 = tpu.memref_squeeze %dma_wait3A_1197 : memref<1x1x1x8x128xf32, #tpu.memory_space<hbm>> -> memref<8x128xf32, #tpu.memory_space<hbm>>
        %dma_wait3A_1199 = arith.constant 40 : i32
        %dma_wait3A_1200 = arith.constant 0 : i32
        %dma_wait3A_1201 = tpu.memref_slice %arg8[%dma_wait3A_1190, %dma_wait3A_1199, %dma_wait3A_1200] : memref<2x64x129xf32, #tpu.memory_space<vmem>> -> memref<1x8x128xf32, #tpu.memory_space<vmem>>
        %dma_wait3A_1202 = tpu.memref_squeeze %dma_wait3A_1201 : memref<1x8x128xf32, #tpu.memory_space<vmem>> -> memref<8x128xf32, #tpu.memory_space<vmem>>
        %dma_wait3A_1203 = arith.constant 0 : i32
        %dma_wait3A_1204 = arith.constant 0 : i32
        %dma_wait3A_1205 = tpu.memref_slice %arg4[%dma_wait3A_1187, %dma_wait3A_1188, %dma_wait3A_1189, %dma_wait3A_1203, %dma_wait3A_1204] : memref<50x8x128x8x128xf32, #tpu.memory_space<hbm>> -> memref<1x1x1x8x128xf32, #tpu.memory_space<hbm>>
        %dma_wait3A_1206 = tpu.memref_squeeze %dma_wait3A_1205 : memref<1x1x1x8x128xf32, #tpu.memory_space<hbm>> -> memref<8x128xf32, #tpu.memory_space<hbm>>
        tpu.wait_dma2 semaphore(%arg10 : memref<!tpu.dma_semaphore, #tpu.memory_space<semaphore_mem>>) src(%dma_wait3A_1206 : memref<8x128xf32, #tpu.memory_space<hbm>>) dst(%dma_wait3A_1202 : memref<8x128xf32, #tpu.memory_space<vmem>>)
        %dma_wait3A_1207 = arith.constant 0 : i32
        %dma_wait3A_1208 = arith.constant 0 : i32
        %dma_wait3A_1209 = arith.constant 0 : i32
        %dma_wait3A_1210 = arith.constant 0 : i32
        %dma_wait3A_1211 = arith.constant 48 : i32
        %dma_wait3A_1212 = arith.constant 0 : i32
        %dma_wait3A_1213 = tpu.memref_slice %arg8[%dma_wait3A_1210, %dma_wait3A_1211, %dma_wait3A_1212] : memref<2x64x129xf32, #tpu.memory_space<vmem>> -> memref<1x8x128xf32, #tpu.memory_space<vmem>>
        %dma_wait3A_1214 = tpu.memref_squeeze %dma_wait3A_1213 : memref<1x8x128xf32, #tpu.memory_space<vmem>> -> memref<8x128xf32, #tpu.memory_space<vmem>>
        %dma_wait3A_1215 = arith.constant 0 : i32
        %dma_wait3A_1216 = arith.constant 0 : i32
        %dma_wait3A_1217 = tpu.memref_slice %arg4[%dma_wait3A_1207, %dma_wait3A_1208, %dma_wait3A_1209, %dma_wait3A_1215, %dma_wait3A_1216] : memref<50x8x128x8x128xf32, #tpu.memory_space<hbm>> -> memref<1x1x1x8x128xf32, #tpu.memory_space<hbm>>
        %dma_wait3A_1218 = tpu.memref_squeeze %dma_wait3A_1217 : memref<1x1x1x8x128xf32, #tpu.memory_space<hbm>> -> memref<8x128xf32, #tpu.memory_space<hbm>>
        %dma_wait3A_1219 = arith.constant 48 : i32
        %dma_wait3A_1220 = arith.constant 0 : i32
        %dma_wait3A_1221 = tpu.memref_slice %arg8[%dma_wait3A_1210, %dma_wait3A_1219, %dma_wait3A_1220] : memref<2x64x129xf32, #tpu.memory_space<vmem>> -> memref<1x8x128xf32, #tpu.memory_space<vmem>>
        %dma_wait3A_1222 = tpu.memref_squeeze %dma_wait3A_1221 : memref<1x8x128xf32, #tpu.memory_space<vmem>> -> memref<8x128xf32, #tpu.memory_space<vmem>>
        %dma_wait3A_1223 = arith.constant 0 : i32
        %dma_wait3A_1224 = arith.constant 0 : i32
        %dma_wait3A_1225 = tpu.memref_slice %arg4[%dma_wait3A_1207, %dma_wait3A_1208, %dma_wait3A_1209, %dma_wait3A_1223, %dma_wait3A_1224] : memref<50x8x128x8x128xf32, #tpu.memory_space<hbm>> -> memref<1x1x1x8x128xf32, #tpu.memory_space<hbm>>
        %dma_wait3A_1226 = tpu.memref_squeeze %dma_wait3A_1225 : memref<1x1x1x8x128xf32, #tpu.memory_space<hbm>> -> memref<8x128xf32, #tpu.memory_space<hbm>>
        tpu.wait_dma2 semaphore(%arg10 : memref<!tpu.dma_semaphore, #tpu.memory_space<semaphore_mem>>) src(%dma_wait3A_1226 : memref<8x128xf32, #tpu.memory_space<hbm>>) dst(%dma_wait3A_1222 : memref<8x128xf32, #tpu.memory_space<vmem>>)
        %dma_wait3A_1227 = arith.constant 0 : i32
        %dma_wait3A_1228 = arith.constant 0 : i32
        %dma_wait3A_1229 = arith.constant 0 : i32
        %dma_wait3A_1230 = arith.constant 0 : i32
        %dma_wait3A_1231 = arith.constant 56 : i32
        %dma_wait3A_1232 = arith.constant 0 : i32
        %dma_wait3A_1233 = tpu.memref_slice %arg8[%dma_wait3A_1230, %dma_wait3A_1231, %dma_wait3A_1232] : memref<2x64x129xf32, #tpu.memory_space<vmem>> -> memref<1x8x128xf32, #tpu.memory_space<vmem>>
        %dma_wait3A_1234 = tpu.memref_squeeze %dma_wait3A_1233 : memref<1x8x128xf32, #tpu.memory_space<vmem>> -> memref<8x128xf32, #tpu.memory_space<vmem>>
        %dma_wait3A_1235 = arith.constant 0 : i32
        %dma_wait3A_1236 = arith.constant 0 : i32
        %dma_wait3A_1237 = tpu.memref_slice %arg4[%dma_wait3A_1227, %dma_wait3A_1228, %dma_wait3A_1229, %dma_wait3A_1235, %dma_wait3A_1236] : memref<50x8x128x8x128xf32, #tpu.memory_space<hbm>> -> memref<1x1x1x8x128xf32, #tpu.memory_space<hbm>>
        %dma_wait3A_1238 = tpu.memref_squeeze %dma_wait3A_1237 : memref<1x1x1x8x128xf32, #tpu.memory_space<hbm>> -> memref<8x128xf32, #tpu.memory_space<hbm>>
        %dma_wait3A_1239 = arith.constant 56 : i32
        %dma_wait3A_1240 = arith.constant 0 : i32
        %dma_wait3A_1241 = tpu.memref_slice %arg8[%dma_wait3A_1230, %dma_wait3A_1239, %dma_wait3A_1240] : memref<2x64x129xf32, #tpu.memory_space<vmem>> -> memref<1x8x128xf32, #tpu.memory_space<vmem>>
        %dma_wait3A_1242 = tpu.memref_squeeze %dma_wait3A_1241 : memref<1x8x128xf32, #tpu.memory_space<vmem>> -> memref<8x128xf32, #tpu.memory_space<vmem>>
        %dma_wait3A_1243 = arith.constant 0 : i32
        %dma_wait3A_1244 = arith.constant 0 : i32
        %dma_wait3A_1245 = tpu.memref_slice %arg4[%dma_wait3A_1227, %dma_wait3A_1228, %dma_wait3A_1229, %dma_wait3A_1243, %dma_wait3A_1244] : memref<50x8x128x8x128xf32, #tpu.memory_space<hbm>> -> memref<1x1x1x8x128xf32, #tpu.memory_space<hbm>>
        %dma_wait3A_1246 = tpu.memref_squeeze %dma_wait3A_1245 : memref<1x1x1x8x128xf32, #tpu.memory_space<hbm>> -> memref<8x128xf32, #tpu.memory_space<hbm>>
        tpu.wait_dma2 semaphore(%arg10 : memref<!tpu.dma_semaphore, #tpu.memory_space<semaphore_mem>>) src(%dma_wait3A_1246 : memref<8x128xf32, #tpu.memory_space<hbm>>) dst(%dma_wait3A_1242 : memref<8x128xf32, #tpu.memory_space<vmem>>)
      } else {
      }
      %scan3A_601 = arith.constant 0 : i32
      %scan3A_602 = arith.constant 0 : i32
      %scan3A_603 = arith.constant 0 : i32
      %scan3A_604 = arith.constant 0 : i32
      %scan3A_605 = arith.constant 128 : i32
      %scan3A_606 = arith.addi %scan3A_604, %scan3A_605 : i32
      %scan3A_607 = arith.constant 8 : i32
      scf.for %scan3A_1087 = %scan3A_604 to %scan3A_606 step %scan3A_607  : i32 {
        %mul3A_1088 = arith.constant 0 : i32
        %mul3A_1089 = vector.broadcast %mul3A_1088 : i32 to vector<16xi32>
        %mul3A_1090 = arith.muli %iota3A, %mul3A_1089 : vector<16xi32>
        %add3A_1091 = vector.broadcast %scan3A_1087 : i32 to vector<16xi32>
        %add3A_1092 = arith.addi %mul3A_1090, %add3A_1091 : vector<16xi32>
        %get3A = arith.constant 0 : i32
        %get3A_1093 = arith.constant 0 : i32
        %get3A_1094 = tpu.memref_slice %arg7[%scan3A_602, %get3A, %get3A_1093] : memref<2x128x64xf32, #tpu.memory_space<vmem>> -> memref<1x128x64xf32, #tpu.memory_space<vmem>>
        %get3A_1095 = tpu.memref_squeeze %get3A_1094 : memref<1x128x64xf32, #tpu.memory_space<vmem>> -> memref<128x64xf32, #tpu.memory_space<vmem>>
        %get3A_1096 = arith.index_cast %scan3A_1087 : i32 to index
        %get3A_1097 = arith.constant 0 : index
        %get3A_1098 = tpu.vector_load %get3A_1095[%get3A_1096, %get3A_1097] {strides = array<i32>} : memref<128x64xf32, #tpu.memory_space<vmem>>, vector<16xf32>,
        %scatter3A = arith.constant 0 : i32
        %scatter3A_1099 = arith.constant 0 : i32
        %scatter3A_1100 = tpu.memref_slice %arg8[%scan3A_603, %scatter3A, %scatter3A_1099] : memref<2x64x129xf32, #tpu.memory_space<vmem>> -> memref<1x64x129xf32, #tpu.memory_space<vmem>>
        %scatter3A_1101 = tpu.memref_squeeze %scatter3A_1100 : memref<1x64x129xf32, #tpu.memory_space<vmem>> -> memref<64x129xf32, #tpu.memory_space<vmem>>
        tpu.vector_store_idx %scatter3A_1101[%add3A_8, %add3A_1092], %get3A_1098 : memref<64x129xf32, #tpu.memory_space<vmem>>[vector<16xi32>, vector<16xi32>], vector<16xf32>,
        %get3A_1102 = arith.constant 0 : i32
        %get3A_1103 = arith.constant 0 : i32
        %get3A_1104 = tpu.memref_slice %arg7[%scan3A_602, %get3A_1102, %get3A_1103] : memref<2x128x64xf32, #tpu.memory_space<vmem>> -> memref<1x128x64xf32, #tpu.memory_space<vmem>>
        %get3A_1105 = tpu.memref_squeeze %get3A_1104 : memref<1x128x64xf32, #tpu.memory_space<vmem>> -> memref<128x64xf32, #tpu.memory_space<vmem>>
        %get3A_1106 = arith.index_cast %scan3A_1087 : i32 to index
        %get3A_1107 = arith.constant 16 : index
        %get3A_1108 = tpu.vector_load %get3A_1105[%get3A_1106, %get3A_1107] {strides = array<i32>} : memref<128x64xf32, #tpu.memory_space<vmem>>, vector<16xf32>,
        %scatter3A_1109 = arith.constant 0 : i32
        %scatter3A_1110 = arith.constant 0 : i32
        %scatter3A_1111 = tpu.memref_slice %arg8[%scan3A_603, %scatter3A_1109, %scatter3A_1110] : memref<2x64x129xf32, #tpu.memory_space<vmem>> -> memref<1x64x129xf32, #tpu.memory_space<vmem>>
        %scatter3A_1112 = tpu.memref_squeeze %scatter3A_1111 : memref<1x64x129xf32, #tpu.memory_space<vmem>> -> memref<64x129xf32, #tpu.memory_space<vmem>>
        tpu.vector_store_idx %scatter3A_1112[%add3A_11, %add3A_1092], %get3A_1108 : memref<64x129xf32, #tpu.memory_space<vmem>>[vector<16xi32>, vector<16xi32>], vector<16xf32>,
        %get3A_1113 = arith.constant 0 : i32
        %get3A_1114 = arith.constant 0 : i32
        %get3A_1115 = tpu.memref_slice %arg7[%scan3A_602, %get3A_1113, %get3A_1114] : memref<2x128x64xf32, #tpu.memory_space<vmem>> -> memref<1x128x64xf32, #tpu.memory_space<vmem>>
        %get3A_1116 = tpu.memref_squeeze %get3A_1115 : memref<1x128x64xf32, #tpu.memory_space<vmem>> -> memref<128x64xf32, #tpu.memory_space<vmem>>
        %get3A_1117 = arith.index_cast %scan3A_1087 : i32 to index
        %get3A_1118 = arith.constant 32 : index
        %get3A_1119 = tpu.vector_load %get3A_1116[%get3A_1117, %get3A_1118] {strides = array<i32>} : memref<128x64xf32, #tpu.memory_space<vmem>>, vector<16xf32>,
        %scatter3A_1120 = arith.constant 0 : i32
        %scatter3A_1121 = arith.constant 0 : i32
        %scatter3A_1122 = tpu.memref_slice %arg8[%scan3A_603, %scatter3A_1120, %scatter3A_1121] : memref<2x64x129xf32, #tpu.memory_space<vmem>> -> memref<1x64x129xf32, #tpu.memory_space<vmem>>
        %scatter3A_1123 = tpu.memref_squeeze %scatter3A_1122 : memref<1x64x129xf32, #tpu.memory_space<vmem>> -> memref<64x129xf32, #tpu.memory_space<vmem>>
        tpu.vector_store_idx %scatter3A_1123[%add3A_14, %add3A_1092], %get3A_1119 : memref<64x129xf32, #tpu.memory_space<vmem>>[vector<16xi32>, vector<16xi32>], vector<16xf32>,
        %get3A_1124 = arith.constant 0 : i32
        %get3A_1125 = arith.constant 0 : i32
        %get3A_1126 = tpu.memref_slice %arg7[%scan3A_602, %get3A_1124, %get3A_1125] : memref<2x128x64xf32, #tpu.memory_space<vmem>> -> memref<1x128x64xf32, #tpu.memory_space<vmem>>
        %get3A_1127 = tpu.memref_squeeze %get3A_1126 : memref<1x128x64xf32, #tpu.memory_space<vmem>> -> memref<128x64xf32, #tpu.memory_space<vmem>>
        %get3A_1128 = arith.index_cast %scan3A_1087 : i32 to index
        %get3A_1129 = arith.constant 48 : index
        %get3A_1130 = tpu.vector_load %get3A_1127[%get3A_1128, %get3A_1129] {strides = array<i32>} : memref<128x64xf32, #tpu.memory_space<vmem>>, vector<16xf32>,
        %scatter3A_1131 = arith.constant 0 : i32
        %scatter3A_1132 = arith.constant 0 : i32
        %scatter3A_1133 = tpu.memref_slice %arg8[%scan3A_603, %scatter3A_1131, %scatter3A_1132] : memref<2x64x129xf32, #tpu.memory_space<vmem>> -> memref<1x64x129xf32, #tpu.memory_space<vmem>>
        %scatter3A_1134 = tpu.memref_squeeze %scatter3A_1133 : memref<1x64x129xf32, #tpu.memory_space<vmem>> -> memref<64x129xf32, #tpu.memory_space<vmem>>
        tpu.vector_store_idx %scatter3A_1134[%add3A_17, %add3A_1092], %get3A_1130 : memref<64x129xf32, #tpu.memory_space<vmem>>[vector<16xi32>, vector<16xi32>], vector<16xf32>,
        %scan3A_1135 = arith.constant 1 : i32
        %scan3A_1136 = arith.addi %scan3A_1087, %scan3A_1135 : i32
        %mul3A_1137 = arith.constant 0 : i32
        %mul3A_1138 = vector.broadcast %mul3A_1137 : i32 to vector<16xi32>
        %mul3A_1139 = arith.muli %iota3A, %mul3A_1138 : vector<16xi32>
        %add3A_1140 = vector.broadcast %scan3A_1136 : i32 to vector<16xi32>
        %add3A_1141 = arith.addi %mul3A_1139, %add3A_1140 : vector<16xi32>
        %get3A_1142 = arith.constant 0 : i32
        %get3A_1143 = arith.constant 0 : i32
        %get3A_1144 = tpu.memref_slice %arg7[%scan3A_602, %get3A_1142, %get3A_1143] : memref<2x128x64xf32, #tpu.memory_space<vmem>> -> memref<1x128x64xf32, #tpu.memory_space<vmem>>
        %get3A_1145 = tpu.memref_squeeze %get3A_1144 : memref<1x128x64xf32, #tpu.memory_space<vmem>> -> memref<128x64xf32, #tpu.memory_space<vmem>>
        %get3A_1146 = arith.index_cast %scan3A_1136 : i32 to index
        %get3A_1147 = arith.constant 0 : index
        %get3A_1148 = tpu.vector_load %get3A_1145[%get3A_1146, %get3A_1147] {strides = array<i32>} : memref<128x64xf32, #tpu.memory_space<vmem>>, vector<16xf32>,
        %scatter3A_1149 = arith.constant 0 : i32
        %scatter3A_1150 = arith.constant 0 : i32
        %scatter3A_1151 = tpu.memref_slice %arg8[%scan3A_603, %scatter3A_1149, %scatter3A_1150] : memref<2x64x129xf32, #tpu.memory_space<vmem>> -> memref<1x64x129xf32, #tpu.memory_space<vmem>>
        %scatter3A_1152 = tpu.memref_squeeze %scatter3A_1151 : memref<1x64x129xf32, #tpu.memory_space<vmem>> -> memref<64x129xf32, #tpu.memory_space<vmem>>
        tpu.vector_store_idx %scatter3A_1152[%add3A_8, %add3A_1141], %get3A_1148 : memref<64x129xf32, #tpu.memory_space<vmem>>[vector<16xi32>, vector<16xi32>], vector<16xf32>,
        %get3A_1153 = arith.constant 0 : i32
        %get3A_1154 = arith.constant 0 : i32
        %get3A_1155 = tpu.memref_slice %arg7[%scan3A_602, %get3A_1153, %get3A_1154] : memref<2x128x64xf32, #tpu.memory_space<vmem>> -> memref<1x128x64xf32, #tpu.memory_space<vmem>>
        %get3A_1156 = tpu.memref_squeeze %get3A_1155 : memref<1x128x64xf32, #tpu.memory_space<vmem>> -> memref<128x64xf32, #tpu.memory_space<vmem>>
        %get3A_1157 = arith.index_cast %scan3A_1136 : i32 to index
        %get3A_1158 = arith.constant 16 : index
        %get3A_1159 = tpu.vector_load %get3A_1156[%get3A_1157, %get3A_1158] {strides = array<i32>} : memref<128x64xf32, #tpu.memory_space<vmem>>, vector<16xf32>,
        %scatter3A_1160 = arith.constant 0 : i32
        %scatter3A_1161 = arith.constant 0 : i32
        %scatter3A_1162 = tpu.memref_slice %arg8[%scan3A_603, %scatter3A_1160, %scatter3A_1161] : memref<2x64x129xf32, #tpu.memory_space<vmem>> -> memref<1x64x129xf32, #tpu.memory_space<vmem>>
        %scatter3A_1163 = tpu.memref_squeeze %scatter3A_1162 : memref<1x64x129xf32, #tpu.memory_space<vmem>> -> memref<64x129xf32, #tpu.memory_space<vmem>>
        tpu.vector_store_idx %scatter3A_1163[%add3A_11, %add3A_1141], %get3A_1159 : memref<64x129xf32, #tpu.memory_space<vmem>>[vector<16xi32>, vector<16xi32>], vector<16xf32>,
        %get3A_1164 = arith.constant 0 : i32
        %get3A_1165 = arith.constant 0 : i32
        %get3A_1166 = tpu.memref_slice %arg7[%scan3A_602, %get3A_1164, %get3A_1165] : memref<2x128x64xf32, #tpu.memory_space<vmem>> -> memref<1x128x64xf32, #tpu.memory_space<vmem>>
        %get3A_1167 = tpu.memref_squeeze %get3A_1166 : memref<1x128x64xf32, #tpu.memory_space<vmem>> -> memref<128x64xf32, #tpu.memory_space<vmem>>
        %get3A_1168 = arith.index_cast %scan3A_1136 : i32 to index
        %get3A_1169 = arith.constant 32 : index
        %get3A_1170 = tpu.vector_load %get3A_1167[%get3A_1168, %get3A_1169] {strides = array<i32>} : memref<128x64xf32, #tpu.memory_space<vmem>>, vector<16xf32>,
        %scatter3A_1171 = arith.constant 0 : i32
        %scatter3A_1172 = arith.constant 0 : i32
        %scatter3A_1173 = tpu.memref_slice %arg8[%scan3A_603, %scatter3A_1171, %scatter3A_1172] : memref<2x64x129xf32, #tpu.memory_space<vmem>> -> memref<1x64x129xf32, #tpu.memory_space<vmem>>
        %scatter3A_1174 = tpu.memref_squeeze %scatter3A_1173 : memref<1x64x129xf32, #tpu.memory_space<vmem>> -> memref<64x129xf32, #tpu.memory_space<vmem>>
        tpu.vector_store_idx %scatter3A_1174[%add3A_14, %add3A_1141], %get3A_1170 : memref<64x129xf32, #tpu.memory_space<vmem>>[vector<16xi32>, vector<16xi32>], vector<16xf32>,
        %get3A_1175 = arith.constant 0 : i32
        %get3A_1176 = arith.constant 0 : i32
        %get3A_1177 = tpu.memref_slice %arg7[%scan3A_602, %get3A_1175, %get3A_1176] : memref<2x128x64xf32, #tpu.memory_space<vmem>> -> memref<1x128x64xf32, #tpu.memory_space<vmem>>
        %get3A_1178 = tpu.memref_squeeze %get3A_1177 : memref<1x128x64xf32, #tpu.memory_space<vmem>> -> memref<128x64xf32, #tpu.memory_space<vmem>>
        %get3A_1179 = arith.index_cast %scan3A_1136 : i32 to index
        %get3A_1180 = arith.constant 48 : index
        %get3A_1181 = tpu.vector_load %get3A_1178[%get3A_1179, %get3A_1180] {strides = array<i32>} : memref<128x64xf32, #tpu.memory_space<vmem>>, vector<16xf32>,
        %scatter3A_1182 = arith.constant 0 : i32
        %scatter3A_1183 = arith.constant 0 : i32
        %scatter3A_1184 = tpu.memref_slice %arg8[%scan3A_603, %scatter3A_1182, %scatter3A_1183] : memref<2x64x129xf32, #tpu.memory_space<vmem>> -> memref<1x64x129xf32, #tpu.memory_space<vmem>>
        %scatter3A_1185 = tpu.memref_squeeze %scatter3A_1184 : memref<1x64x129xf32, #tpu.memory_space<vmem>> -> memref<64x129xf32, #tpu.memory_space<vmem>>
        tpu.vector_store_idx %scatter3A_1185[%add3A_17, %add3A_1141], %get3A_1181 : memref<64x129xf32, #tpu.memory_space<vmem>>[vector<16xi32>, vector<16xi32>], vector<16xf32>,
        %scan3A_1186 = arith.constant 2 : i32
        %scan3A_1187 = arith.addi %scan3A_1087, %scan3A_1186 : i32
        %mul3A_1188 = arith.constant 0 : i32
        %mul3A_1189 = vector.broadcast %mul3A_1188 : i32 to vector<16xi32>
        %mul3A_1190 = arith.muli %iota3A, %mul3A_1189 : vector<16xi32>
        %add3A_1191 = vector.broadcast %scan3A_1187 : i32 to vector<16xi32>
        %add3A_1192 = arith.addi %mul3A_1190, %add3A_1191 : vector<16xi32>
        %get3A_1193 = arith.constant 0 : i32
        %get3A_1194 = arith.constant 0 : i32
        %get3A_1195 = tpu.memref_slice %arg7[%scan3A_602, %get3A_1193, %get3A_1194] : memref<2x128x64xf32, #tpu.memory_space<vmem>> -> memref<1x128x64xf32, #tpu.memory_space<vmem>>
        %get3A_1196 = tpu.memref_squeeze %get3A_1195 : memref<1x128x64xf32, #tpu.memory_space<vmem>> -> memref<128x64xf32, #tpu.memory_space<vmem>>
        %get3A_1197 = arith.index_cast %scan3A_1187 : i32 to index
        %get3A_1198 = arith.constant 0 : index
        %get3A_1199 = tpu.vector_load %get3A_1196[%get3A_1197, %get3A_1198] {strides = array<i32>} : memref<128x64xf32, #tpu.memory_space<vmem>>, vector<16xf32>,
        %scatter3A_1200 = arith.constant 0 : i32
        %scatter3A_1201 = arith.constant 0 : i32
        %scatter3A_1202 = tpu.memref_slice %arg8[%scan3A_603, %scatter3A_1200, %scatter3A_1201] : memref<2x64x129xf32, #tpu.memory_space<vmem>> -> memref<1x64x129xf32, #tpu.memory_space<vmem>>
        %scatter3A_1203 = tpu.memref_squeeze %scatter3A_1202 : memref<1x64x129xf32, #tpu.memory_space<vmem>> -> memref<64x129xf32, #tpu.memory_space<vmem>>
        tpu.vector_store_idx %scatter3A_1203[%add3A_8, %add3A_1192], %get3A_1199 : memref<64x129xf32, #tpu.memory_space<vmem>>[vector<16xi32>, vector<16xi32>], vector<16xf32>,
        %get3A_1204 = arith.constant 0 : i32
        %get3A_1205 = arith.constant 0 : i32
        %get3A_1206 = tpu.memref_slice %arg7[%scan3A_602, %get3A_1204, %get3A_1205] : memref<2x128x64xf32, #tpu.memory_space<vmem>> -> memref<1x128x64xf32, #tpu.memory_space<vmem>>
        %get3A_1207 = tpu.memref_squeeze %get3A_1206 : memref<1x128x64xf32, #tpu.memory_space<vmem>> -> memref<128x64xf32, #tpu.memory_space<vmem>>
        %get3A_1208 = arith.index_cast %scan3A_1187 : i32 to index
        %get3A_1209 = arith.constant 16 : index
        %get3A_1210 = tpu.vector_load %get3A_1207[%get3A_1208, %get3A_1209] {strides = array<i32>} : memref<128x64xf32, #tpu.memory_space<vmem>>, vector<16xf32>,
        %scatter3A_1211 = arith.constant 0 : i32
        %scatter3A_1212 = arith.constant 0 : i32
        %scatter3A_1213 = tpu.memref_slice %arg8[%scan3A_603, %scatter3A_1211, %scatter3A_1212] : memref<2x64x129xf32, #tpu.memory_space<vmem>> -> memref<1x64x129xf32, #tpu.memory_space<vmem>>
        %scatter3A_1214 = tpu.memref_squeeze %scatter3A_1213 : memref<1x64x129xf32, #tpu.memory_space<vmem>> -> memref<64x129xf32, #tpu.memory_space<vmem>>
        tpu.vector_store_idx %scatter3A_1214[%add3A_11, %add3A_1192], %get3A_1210 : memref<64x129xf32, #tpu.memory_space<vmem>>[vector<16xi32>, vector<16xi32>], vector<16xf32>,
        %get3A_1215 = arith.constant 0 : i32
        %get3A_1216 = arith.constant 0 : i32
        %get3A_1217 = tpu.memref_slice %arg7[%scan3A_602, %get3A_1215, %get3A_1216] : memref<2x128x64xf32, #tpu.memory_space<vmem>> -> memref<1x128x64xf32, #tpu.memory_space<vmem>>
        %get3A_1218 = tpu.memref_squeeze %get3A_1217 : memref<1x128x64xf32, #tpu.memory_space<vmem>> -> memref<128x64xf32, #tpu.memory_space<vmem>>
        %get3A_1219 = arith.index_cast %scan3A_1187 : i32 to index
        %get3A_1220 = arith.constant 32 : index
        %get3A_1221 = tpu.vector_load %get3A_1218[%get3A_1219, %get3A_1220] {strides = array<i32>} : memref<128x64xf32, #tpu.memory_space<vmem>>, vector<16xf32>,
        %scatter3A_1222 = arith.constant 0 : i32
        %scatter3A_1223 = arith.constant 0 : i32
        %scatter3A_1224 = tpu.memref_slice %arg8[%scan3A_603, %scatter3A_1222, %scatter3A_1223] : memref<2x64x129xf32, #tpu.memory_space<vmem>> -> memref<1x64x129xf32, #tpu.memory_space<vmem>>
        %scatter3A_1225 = tpu.memref_squeeze %scatter3A_1224 : memref<1x64x129xf32, #tpu.memory_space<vmem>> -> memref<64x129xf32, #tpu.memory_space<vmem>>
        tpu.vector_store_idx %scatter3A_1225[%add3A_14, %add3A_1192], %get3A_1221 : memref<64x129xf32, #tpu.memory_space<vmem>>[vector<16xi32>, vector<16xi32>], vector<16xf32>,
        %get3A_1226 = arith.constant 0 : i32
        %get3A_1227 = arith.constant 0 : i32
        %get3A_1228 = tpu.memref_slice %arg7[%scan3A_602, %get3A_1226, %get3A_1227] : memref<2x128x64xf32, #tpu.memory_space<vmem>> -> memref<1x128x64xf32, #tpu.memory_space<vmem>>
        %get3A_1229 = tpu.memref_squeeze %get3A_1228 : memref<1x128x64xf32, #tpu.memory_space<vmem>> -> memref<128x64xf32, #tpu.memory_space<vmem>>
        %get3A_1230 = arith.index_cast %scan3A_1187 : i32 to index
        %get3A_1231 = arith.constant 48 : index
        %get3A_1232 = tpu.vector_load %get3A_1229[%get3A_1230, %get3A_1231] {strides = array<i32>} : memref<128x64xf32, #tpu.memory_space<vmem>>, vector<16xf32>,
        %scatter3A_1233 = arith.constant 0 : i32
        %scatter3A_1234 = arith.constant 0 : i32
        %scatter3A_1235 = tpu.memref_slice %arg8[%scan3A_603, %scatter3A_1233, %scatter3A_1234] : memref<2x64x129xf32, #tpu.memory_space<vmem>> -> memref<1x64x129xf32, #tpu.memory_space<vmem>>
        %scatter3A_1236 = tpu.memref_squeeze %scatter3A_1235 : memref<1x64x129xf32, #tpu.memory_space<vmem>> -> memref<64x129xf32, #tpu.memory_space<vmem>>
        tpu.vector_store_idx %scatter3A_1236[%add3A_17, %add3A_1192], %get3A_1232 : memref<64x129xf32, #tpu.memory_space<vmem>>[vector<16xi32>, vector<16xi32>], vector<16xf32>,
        %scan3A_1237 = arith.constant 3 : i32
        %scan3A_1238 = arith.addi %scan3A_1087, %scan3A_1237 : i32
        %mul3A_1239 = arith.constant 0 : i32
        %mul3A_1240 = vector.broadcast %mul3A_1239 : i32 to vector<16xi32>
        %mul3A_1241 = arith.muli %iota3A, %mul3A_1240 : vector<16xi32>
        %add3A_1242 = vector.broadcast %scan3A_1238 : i32 to vector<16xi32>
        %add3A_1243 = arith.addi %mul3A_1241, %add3A_1242 : vector<16xi32>
        %get3A_1244 = arith.constant 0 : i32
        %get3A_1245 = arith.constant 0 : i32
        %get3A_1246 = tpu.memref_slice %arg7[%scan3A_602, %get3A_1244, %get3A_1245] : memref<2x128x64xf32, #tpu.memory_space<vmem>> -> memref<1x128x64xf32, #tpu.memory_space<vmem>>
        %get3A_1247 = tpu.memref_squeeze %get3A_1246 : memref<1x128x64xf32, #tpu.memory_space<vmem>> -> memref<128x64xf32, #tpu.memory_space<vmem>>
        %get3A_1248 = arith.index_cast %scan3A_1238 : i32 to index
        %get3A_1249 = arith.constant 0 : index
        %get3A_1250 = tpu.vector_load %get3A_1247[%get3A_1248, %get3A_1249] {strides = array<i32>} : memref<128x64xf32, #tpu.memory_space<vmem>>, vector<16xf32>,
        %scatter3A_1251 = arith.constant 0 : i32
        %scatter3A_1252 = arith.constant 0 : i32
        %scatter3A_1253 = tpu.memref_slice %arg8[%scan3A_603, %scatter3A_1251, %scatter3A_1252] : memref<2x64x129xf32, #tpu.memory_space<vmem>> -> memref<1x64x129xf32, #tpu.memory_space<vmem>>
        %scatter3A_1254 = tpu.memref_squeeze %scatter3A_1253 : memref<1x64x129xf32, #tpu.memory_space<vmem>> -> memref<64x129xf32, #tpu.memory_space<vmem>>
        tpu.vector_store_idx %scatter3A_1254[%add3A_8, %add3A_1243], %get3A_1250 : memref<64x129xf32, #tpu.memory_space<vmem>>[vector<16xi32>, vector<16xi32>], vector<16xf32>,
        %get3A_1255 = arith.constant 0 : i32
        %get3A_1256 = arith.constant 0 : i32
        %get3A_1257 = tpu.memref_slice %arg7[%scan3A_602, %get3A_1255, %get3A_1256] : memref<2x128x64xf32, #tpu.memory_space<vmem>> -> memref<1x128x64xf32, #tpu.memory_space<vmem>>
        %get3A_1258 = tpu.memref_squeeze %get3A_1257 : memref<1x128x64xf32, #tpu.memory_space<vmem>> -> memref<128x64xf32, #tpu.memory_space<vmem>>
        %get3A_1259 = arith.index_cast %scan3A_1238 : i32 to index
        %get3A_1260 = arith.constant 16 : index
        %get3A_1261 = tpu.vector_load %get3A_1258[%get3A_1259, %get3A_1260] {strides = array<i32>} : memref<128x64xf32, #tpu.memory_space<vmem>>, vector<16xf32>,
        %scatter3A_1262 = arith.constant 0 : i32
        %scatter3A_1263 = arith.constant 0 : i32
        %scatter3A_1264 = tpu.memref_slice %arg8[%scan3A_603, %scatter3A_1262, %scatter3A_1263] : memref<2x64x129xf32, #tpu.memory_space<vmem>> -> memref<1x64x129xf32, #tpu.memory_space<vmem>>
        %scatter3A_1265 = tpu.memref_squeeze %scatter3A_1264 : memref<1x64x129xf32, #tpu.memory_space<vmem>> -> memref<64x129xf32, #tpu.memory_space<vmem>>
        tpu.vector_store_idx %scatter3A_1265[%add3A_11, %add3A_1243], %get3A_1261 : memref<64x129xf32, #tpu.memory_space<vmem>>[vector<16xi32>, vector<16xi32>], vector<16xf32>,
        %get3A_1266 = arith.constant 0 : i32
        %get3A_1267 = arith.constant 0 : i32
        %get3A_1268 = tpu.memref_slice %arg7[%scan3A_602, %get3A_1266, %get3A_1267] : memref<2x128x64xf32, #tpu.memory_space<vmem>> -> memref<1x128x64xf32, #tpu.memory_space<vmem>>
        %get3A_1269 = tpu.memref_squeeze %get3A_1268 : memref<1x128x64xf32, #tpu.memory_space<vmem>> -> memref<128x64xf32, #tpu.memory_space<vmem>>
        %get3A_1270 = arith.index_cast %scan3A_1238 : i32 to index
        %get3A_1271 = arith.constant 32 : index
        %get3A_1272 = tpu.vector_load %get3A_1269[%get3A_1270, %get3A_1271] {strides = array<i32>} : memref<128x64xf32, #tpu.memory_space<vmem>>, vector<16xf32>,
        %scatter3A_1273 = arith.constant 0 : i32
        %scatter3A_1274 = arith.constant 0 : i32
        %scatter3A_1275 = tpu.memref_slice %arg8[%scan3A_603, %scatter3A_1273, %scatter3A_1274] : memref<2x64x129xf32, #tpu.memory_space<vmem>> -> memref<1x64x129xf32, #tpu.memory_space<vmem>>
        %scatter3A_1276 = tpu.memref_squeeze %scatter3A_1275 : memref<1x64x129xf32, #tpu.memory_space<vmem>> -> memref<64x129xf32, #tpu.memory_space<vmem>>
        tpu.vector_store_idx %scatter3A_1276[%add3A_14, %add3A_1243], %get3A_1272 : memref<64x129xf32, #tpu.memory_space<vmem>>[vector<16xi32>, vector<16xi32>], vector<16xf32>,
        %get3A_1277 = arith.constant 0 : i32
        %get3A_1278 = arith.constant 0 : i32
        %get3A_1279 = tpu.memref_slice %arg7[%scan3A_602, %get3A_1277, %get3A_1278] : memref<2x128x64xf32, #tpu.memory_space<vmem>> -> memref<1x128x64xf32, #tpu.memory_space<vmem>>
        %get3A_1280 = tpu.memref_squeeze %get3A_1279 : memref<1x128x64xf32, #tpu.memory_space<vmem>> -> memref<128x64xf32, #tpu.memory_space<vmem>>
        %get3A_1281 = arith.index_cast %scan3A_1238 : i32 to index
        %get3A_1282 = arith.constant 48 : index
        %get3A_1283 = tpu.vector_load %get3A_1280[%get3A_1281, %get3A_1282] {strides = array<i32>} : memref<128x64xf32, #tpu.memory_space<vmem>>, vector<16xf32>,
        %scatter3A_1284 = arith.constant 0 : i32
        %scatter3A_1285 = arith.constant 0 : i32
        %scatter3A_1286 = tpu.memref_slice %arg8[%scan3A_603, %scatter3A_1284, %scatter3A_1285] : memref<2x64x129xf32, #tpu.memory_space<vmem>> -> memref<1x64x129xf32, #tpu.memory_space<vmem>>
        %scatter3A_1287 = tpu.memref_squeeze %scatter3A_1286 : memref<1x64x129xf32, #tpu.memory_space<vmem>> -> memref<64x129xf32, #tpu.memory_space<vmem>>
        tpu.vector_store_idx %scatter3A_1287[%add3A_17, %add3A_1243], %get3A_1283 : memref<64x129xf32, #tpu.memory_space<vmem>>[vector<16xi32>, vector<16xi32>], vector<16xf32>,
        %scan3A_1288 = arith.constant 4 : i32
        %scan3A_1289 = arith.addi %scan3A_1087, %scan3A_1288 : i32
        %mul3A_1290 = arith.constant 0 : i32
        %mul3A_1291 = vector.broadcast %mul3A_1290 : i32 to vector<16xi32>
        %mul3A_1292 = arith.muli %iota3A, %mul3A_1291 : vector<16xi32>
        %add3A_1293 = vector.broadcast %scan3A_1289 : i32 to vector<16xi32>
        %add3A_1294 = arith.addi %mul3A_1292, %add3A_1293 : vector<16xi32>
        %get3A_1295 = arith.constant 0 : i32
        %get3A_1296 = arith.constant 0 : i32
        %get3A_1297 = tpu.memref_slice %arg7[%scan3A_602, %get3A_1295, %get3A_1296] : memref<2x128x64xf32, #tpu.memory_space<vmem>> -> memref<1x128x64xf32, #tpu.memory_space<vmem>>
        %get3A_1298 = tpu.memref_squeeze %get3A_1297 : memref<1x128x64xf32, #tpu.memory_space<vmem>> -> memref<128x64xf32, #tpu.memory_space<vmem>>
        %get3A_1299 = arith.index_cast %scan3A_1289 : i32 to index
        %get3A_1300 = arith.constant 0 : index
        %get3A_1301 = tpu.vector_load %get3A_1298[%get3A_1299, %get3A_1300] {strides = array<i32>} : memref<128x64xf32, #tpu.memory_space<vmem>>, vector<16xf32>,
        %scatter3A_1302 = arith.constant 0 : i32
        %scatter3A_1303 = arith.constant 0 : i32
        %scatter3A_1304 = tpu.memref_slice %arg8[%scan3A_603, %scatter3A_1302, %scatter3A_1303] : memref<2x64x129xf32, #tpu.memory_space<vmem>> -> memref<1x64x129xf32, #tpu.memory_space<vmem>>
        %scatter3A_1305 = tpu.memref_squeeze %scatter3A_1304 : memref<1x64x129xf32, #tpu.memory_space<vmem>> -> memref<64x129xf32, #tpu.memory_space<vmem>>
        tpu.vector_store_idx %scatter3A_1305[%add3A_8, %add3A_1294], %get3A_1301 : memref<64x129xf32, #tpu.memory_space<vmem>>[vector<16xi32>, vector<16xi32>], vector<16xf32>,
        %get3A_1306 = arith.constant 0 : i32
        %get3A_1307 = arith.constant 0 : i32
        %get3A_1308 = tpu.memref_slice %arg7[%scan3A_602, %get3A_1306, %get3A_1307] : memref<2x128x64xf32, #tpu.memory_space<vmem>> -> memref<1x128x64xf32, #tpu.memory_space<vmem>>
        %get3A_1309 = tpu.memref_squeeze %get3A_1308 : memref<1x128x64xf32, #tpu.memory_space<vmem>> -> memref<128x64xf32, #tpu.memory_space<vmem>>
        %get3A_1310 = arith.index_cast %scan3A_1289 : i32 to index
        %get3A_1311 = arith.constant 16 : index
        %get3A_1312 = tpu.vector_load %get3A_1309[%get3A_1310, %get3A_1311] {strides = array<i32>} : memref<128x64xf32, #tpu.memory_space<vmem>>, vector<16xf32>,
        %scatter3A_1313 = arith.constant 0 : i32
        %scatter3A_1314 = arith.constant 0 : i32
        %scatter3A_1315 = tpu.memref_slice %arg8[%scan3A_603, %scatter3A_1313, %scatter3A_1314] : memref<2x64x129xf32, #tpu.memory_space<vmem>> -> memref<1x64x129xf32, #tpu.memory_space<vmem>>
        %scatter3A_1316 = tpu.memref_squeeze %scatter3A_1315 : memref<1x64x129xf32, #tpu.memory_space<vmem>> -> memref<64x129xf32, #tpu.memory_space<vmem>>
        tpu.vector_store_idx %scatter3A_1316[%add3A_11, %add3A_1294], %get3A_1312 : memref<64x129xf32, #tpu.memory_space<vmem>>[vector<16xi32>, vector<16xi32>], vector<16xf32>,
        %get3A_1317 = arith.constant 0 : i32
        %get3A_1318 = arith.constant 0 : i32
        %get3A_1319 = tpu.memref_slice %arg7[%scan3A_602, %get3A_1317, %get3A_1318] : memref<2x128x64xf32, #tpu.memory_space<vmem>> -> memref<1x128x64xf32, #tpu.memory_space<vmem>>
        %get3A_1320 = tpu.memref_squeeze %get3A_1319 : memref<1x128x64xf32, #tpu.memory_space<vmem>> -> memref<128x64xf32, #tpu.memory_space<vmem>>
        %get3A_1321 = arith.index_cast %scan3A_1289 : i32 to index
        %get3A_1322 = arith.constant 32 : index
        %get3A_1323 = tpu.vector_load %get3A_1320[%get3A_1321, %get3A_1322] {strides = array<i32>} : memref<128x64xf32, #tpu.memory_space<vmem>>, vector<16xf32>,
        %scatter3A_1324 = arith.constant 0 : i32
        %scatter3A_1325 = arith.constant 0 : i32
        %scatter3A_1326 = tpu.memref_slice %arg8[%scan3A_603, %scatter3A_1324, %scatter3A_1325] : memref<2x64x129xf32, #tpu.memory_space<vmem>> -> memref<1x64x129xf32, #tpu.memory_space<vmem>>
        %scatter3A_1327 = tpu.memref_squeeze %scatter3A_1326 : memref<1x64x129xf32, #tpu.memory_space<vmem>> -> memref<64x129xf32, #tpu.memory_space<vmem>>
        tpu.vector_store_idx %scatter3A_1327[%add3A_14, %add3A_1294], %get3A_1323 : memref<64x129xf32, #tpu.memory_space<vmem>>[vector<16xi32>, vector<16xi32>], vector<16xf32>,
        %get3A_1328 = arith.constant 0 : i32
        %get3A_1329 = arith.constant 0 : i32
        %get3A_1330 = tpu.memref_slice %arg7[%scan3A_602, %get3A_1328, %get3A_1329] : memref<2x128x64xf32, #tpu.memory_space<vmem>> -> memref<1x128x64xf32, #tpu.memory_space<vmem>>
        %get3A_1331 = tpu.memref_squeeze %get3A_1330 : memref<1x128x64xf32, #tpu.memory_space<vmem>> -> memref<128x64xf32, #tpu.memory_space<vmem>>
        %get3A_1332 = arith.index_cast %scan3A_1289 : i32 to index
        %get3A_1333 = arith.constant 48 : index
        %get3A_1334 = tpu.vector_load %get3A_1331[%get3A_1332, %get3A_1333] {strides = array<i32>} : memref<128x64xf32, #tpu.memory_space<vmem>>, vector<16xf32>,
        %scatter3A_1335 = arith.constant 0 : i32
        %scatter3A_1336 = arith.constant 0 : i32
        %scatter3A_1337 = tpu.memref_slice %arg8[%scan3A_603, %scatter3A_1335, %scatter3A_1336] : memref<2x64x129xf32, #tpu.memory_space<vmem>> -> memref<1x64x129xf32, #tpu.memory_space<vmem>>
        %scatter3A_1338 = tpu.memref_squeeze %scatter3A_1337 : memref<1x64x129xf32, #tpu.memory_space<vmem>> -> memref<64x129xf32, #tpu.memory_space<vmem>>
        tpu.vector_store_idx %scatter3A_1338[%add3A_17, %add3A_1294], %get3A_1334 : memref<64x129xf32, #tpu.memory_space<vmem>>[vector<16xi32>, vector<16xi32>], vector<16xf32>,
        %scan3A_1339 = arith.constant 5 : i32
        %scan3A_1340 = arith.addi %scan3A_1087, %scan3A_1339 : i32
        %mul3A_1341 = arith.constant 0 : i32
        %mul3A_1342 = vector.broadcast %mul3A_1341 : i32 to vector<16xi32>
        %mul3A_1343 = arith.muli %iota3A, %mul3A_1342 : vector<16xi32>
        %add3A_1344 = vector.broadcast %scan3A_1340 : i32 to vector<16xi32>
        %add3A_1345 = arith.addi %mul3A_1343, %add3A_1344 : vector<16xi32>
        %get3A_1346 = arith.constant 0 : i32
        %get3A_1347 = arith.constant 0 : i32
        %get3A_1348 = tpu.memref_slice %arg7[%scan3A_602, %get3A_1346, %get3A_1347] : memref<2x128x64xf32, #tpu.memory_space<vmem>> -> memref<1x128x64xf32, #tpu.memory_space<vmem>>
        %get3A_1349 = tpu.memref_squeeze %get3A_1348 : memref<1x128x64xf32, #tpu.memory_space<vmem>> -> memref<128x64xf32, #tpu.memory_space<vmem>>
        %get3A_1350 = arith.index_cast %scan3A_1340 : i32 to index
        %get3A_1351 = arith.constant 0 : index
        %get3A_1352 = tpu.vector_load %get3A_1349[%get3A_1350, %get3A_1351] {strides = array<i32>} : memref<128x64xf32, #tpu.memory_space<vmem>>, vector<16xf32>,
        %scatter3A_1353 = arith.constant 0 : i32
        %scatter3A_1354 = arith.constant 0 : i32
        %scatter3A_1355 = tpu.memref_slice %arg8[%scan3A_603, %scatter3A_1353, %scatter3A_1354] : memref<2x64x129xf32, #tpu.memory_space<vmem>> -> memref<1x64x129xf32, #tpu.memory_space<vmem>>
        %scatter3A_1356 = tpu.memref_squeeze %scatter3A_1355 : memref<1x64x129xf32, #tpu.memory_space<vmem>> -> memref<64x129xf32, #tpu.memory_space<vmem>>
        tpu.vector_store_idx %scatter3A_1356[%add3A_8, %add3A_1345], %get3A_1352 : memref<64x129xf32, #tpu.memory_space<vmem>>[vector<16xi32>, vector<16xi32>], vector<16xf32>,
        %get3A_1357 = arith.constant 0 : i32
        %get3A_1358 = arith.constant 0 : i32
        %get3A_1359 = tpu.memref_slice %arg7[%scan3A_602, %get3A_1357, %get3A_1358] : memref<2x128x64xf32, #tpu.memory_space<vmem>> -> memref<1x128x64xf32, #tpu.memory_space<vmem>>
        %get3A_1360 = tpu.memref_squeeze %get3A_1359 : memref<1x128x64xf32, #tpu.memory_space<vmem>> -> memref<128x64xf32, #tpu.memory_space<vmem>>
        %get3A_1361 = arith.index_cast %scan3A_1340 : i32 to index
        %get3A_1362 = arith.constant 16 : index
        %get3A_1363 = tpu.vector_load %get3A_1360[%get3A_1361, %get3A_1362] {strides = array<i32>} : memref<128x64xf32, #tpu.memory_space<vmem>>, vector<16xf32>,
        %scatter3A_1364 = arith.constant 0 : i32
        %scatter3A_1365 = arith.constant 0 : i32
        %scatter3A_1366 = tpu.memref_slice %arg8[%scan3A_603, %scatter3A_1364, %scatter3A_1365] : memref<2x64x129xf32, #tpu.memory_space<vmem>> -> memref<1x64x129xf32, #tpu.memory_space<vmem>>
        %scatter3A_1367 = tpu.memref_squeeze %scatter3A_1366 : memref<1x64x129xf32, #tpu.memory_space<vmem>> -> memref<64x129xf32, #tpu.memory_space<vmem>>
        tpu.vector_store_idx %scatter3A_1367[%add3A_11, %add3A_1345], %get3A_1363 : memref<64x129xf32, #tpu.memory_space<vmem>>[vector<16xi32>, vector<16xi32>], vector<16xf32>,
        %get3A_1368 = arith.constant 0 : i32
        %get3A_1369 = arith.constant 0 : i32
        %get3A_1370 = tpu.memref_slice %arg7[%scan3A_602, %get3A_1368, %get3A_1369] : memref<2x128x64xf32, #tpu.memory_space<vmem>> -> memref<1x128x64xf32, #tpu.memory_space<vmem>>
        %get3A_1371 = tpu.memref_squeeze %get3A_1370 : memref<1x128x64xf32, #tpu.memory_space<vmem>> -> memref<128x64xf32, #tpu.memory_space<vmem>>
        %get3A_1372 = arith.index_cast %scan3A_1340 : i32 to index
        %get3A_1373 = arith.constant 32 : index
        %get3A_1374 = tpu.vector_load %get3A_1371[%get3A_1372, %get3A_1373] {strides = array<i32>} : memref<128x64xf32, #tpu.memory_space<vmem>>, vector<16xf32>,
        %scatter3A_1375 = arith.constant 0 : i32
        %scatter3A_1376 = arith.constant 0 : i32
        %scatter3A_1377 = tpu.memref_slice %arg8[%scan3A_603, %scatter3A_1375, %scatter3A_1376] : memref<2x64x129xf32, #tpu.memory_space<vmem>> -> memref<1x64x129xf32, #tpu.memory_space<vmem>>
        %scatter3A_1378 = tpu.memref_squeeze %scatter3A_1377 : memref<1x64x129xf32, #tpu.memory_space<vmem>> -> memref<64x129xf32, #tpu.memory_space<vmem>>
        tpu.vector_store_idx %scatter3A_1378[%add3A_14, %add3A_1345], %get3A_1374 : memref<64x129xf32, #tpu.memory_space<vmem>>[vector<16xi32>, vector<16xi32>], vector<16xf32>,
        %get3A_1379 = arith.constant 0 : i32
        %get3A_1380 = arith.constant 0 : i32
        %get3A_1381 = tpu.memref_slice %arg7[%scan3A_602, %get3A_1379, %get3A_1380] : memref<2x128x64xf32, #tpu.memory_space<vmem>> -> memref<1x128x64xf32, #tpu.memory_space<vmem>>
        %get3A_1382 = tpu.memref_squeeze %get3A_1381 : memref<1x128x64xf32, #tpu.memory_space<vmem>> -> memref<128x64xf32, #tpu.memory_space<vmem>>
        %get3A_1383 = arith.index_cast %scan3A_1340 : i32 to index
        %get3A_1384 = arith.constant 48 : index
        %get3A_1385 = tpu.vector_load %get3A_1382[%get3A_1383, %get3A_1384] {strides = array<i32>} : memref<128x64xf32, #tpu.memory_space<vmem>>, vector<16xf32>,
        %scatter3A_1386 = arith.constant 0 : i32
        %scatter3A_1387 = arith.constant 0 : i32
        %scatter3A_1388 = tpu.memref_slice %arg8[%scan3A_603, %scatter3A_1386, %scatter3A_1387] : memref<2x64x129xf32, #tpu.memory_space<vmem>> -> memref<1x64x129xf32, #tpu.memory_space<vmem>>
        %scatter3A_1389 = tpu.memref_squeeze %scatter3A_1388 : memref<1x64x129xf32, #tpu.memory_space<vmem>> -> memref<64x129xf32, #tpu.memory_space<vmem>>
        tpu.vector_store_idx %scatter3A_1389[%add3A_17, %add3A_1345], %get3A_1385 : memref<64x129xf32, #tpu.memory_space<vmem>>[vector<16xi32>, vector<16xi32>], vector<16xf32>,
        %scan3A_1390 = arith.constant 6 : i32
        %scan3A_1391 = arith.addi %scan3A_1087, %scan3A_1390 : i32
        %mul3A_1392 = arith.constant 0 : i32
        %mul3A_1393 = vector.broadcast %mul3A_1392 : i32 to vector<16xi32>
        %mul3A_1394 = arith.muli %iota3A, %mul3A_1393 : vector<16xi32>
        %add3A_1395 = vector.broadcast %scan3A_1391 : i32 to vector<16xi32>
        %add3A_1396 = arith.addi %mul3A_1394, %add3A_1395 : vector<16xi32>
        %get3A_1397 = arith.constant 0 : i32
        %get3A_1398 = arith.constant 0 : i32
        %get3A_1399 = tpu.memref_slice %arg7[%scan3A_602, %get3A_1397, %get3A_1398] : memref<2x128x64xf32, #tpu.memory_space<vmem>> -> memref<1x128x64xf32, #tpu.memory_space<vmem>>
        %get3A_1400 = tpu.memref_squeeze %get3A_1399 : memref<1x128x64xf32, #tpu.memory_space<vmem>> -> memref<128x64xf32, #tpu.memory_space<vmem>>
        %get3A_1401 = arith.index_cast %scan3A_1391 : i32 to index
        %get3A_1402 = arith.constant 0 : index
        %get3A_1403 = tpu.vector_load %get3A_1400[%get3A_1401, %get3A_1402] {strides = array<i32>} : memref<128x64xf32, #tpu.memory_space<vmem>>, vector<16xf32>,
        %scatter3A_1404 = arith.constant 0 : i32
        %scatter3A_1405 = arith.constant 0 : i32
        %scatter3A_1406 = tpu.memref_slice %arg8[%scan3A_603, %scatter3A_1404, %scatter3A_1405] : memref<2x64x129xf32, #tpu.memory_space<vmem>> -> memref<1x64x129xf32, #tpu.memory_space<vmem>>
        %scatter3A_1407 = tpu.memref_squeeze %scatter3A_1406 : memref<1x64x129xf32, #tpu.memory_space<vmem>> -> memref<64x129xf32, #tpu.memory_space<vmem>>
        tpu.vector_store_idx %scatter3A_1407[%add3A_8, %add3A_1396], %get3A_1403 : memref<64x129xf32, #tpu.memory_space<vmem>>[vector<16xi32>, vector<16xi32>], vector<16xf32>,
        %get3A_1408 = arith.constant 0 : i32
        %get3A_1409 = arith.constant 0 : i32
        %get3A_1410 = tpu.memref_slice %arg7[%scan3A_602, %get3A_1408, %get3A_1409] : memref<2x128x64xf32, #tpu.memory_space<vmem>> -> memref<1x128x64xf32, #tpu.memory_space<vmem>>
        %get3A_1411 = tpu.memref_squeeze %get3A_1410 : memref<1x128x64xf32, #tpu.memory_space<vmem>> -> memref<128x64xf32, #tpu.memory_space<vmem>>
        %get3A_1412 = arith.index_cast %scan3A_1391 : i32 to index
        %get3A_1413 = arith.constant 16 : index
        %get3A_1414 = tpu.vector_load %get3A_1411[%get3A_1412, %get3A_1413] {strides = array<i32>} : memref<128x64xf32, #tpu.memory_space<vmem>>, vector<16xf32>,
        %scatter3A_1415 = arith.constant 0 : i32
        %scatter3A_1416 = arith.constant 0 : i32
        %scatter3A_1417 = tpu.memref_slice %arg8[%scan3A_603, %scatter3A_1415, %scatter3A_1416] : memref<2x64x129xf32, #tpu.memory_space<vmem>> -> memref<1x64x129xf32, #tpu.memory_space<vmem>>
        %scatter3A_1418 = tpu.memref_squeeze %scatter3A_1417 : memref<1x64x129xf32, #tpu.memory_space<vmem>> -> memref<64x129xf32, #tpu.memory_space<vmem>>
        tpu.vector_store_idx %scatter3A_1418[%add3A_11, %add3A_1396], %get3A_1414 : memref<64x129xf32, #tpu.memory_space<vmem>>[vector<16xi32>, vector<16xi32>], vector<16xf32>,
        %get3A_1419 = arith.constant 0 : i32
        %get3A_1420 = arith.constant 0 : i32
        %get3A_1421 = tpu.memref_slice %arg7[%scan3A_602, %get3A_1419, %get3A_1420] : memref<2x128x64xf32, #tpu.memory_space<vmem>> -> memref<1x128x64xf32, #tpu.memory_space<vmem>>
        %get3A_1422 = tpu.memref_squeeze %get3A_1421 : memref<1x128x64xf32, #tpu.memory_space<vmem>> -> memref<128x64xf32, #tpu.memory_space<vmem>>
        %get3A_1423 = arith.index_cast %scan3A_1391 : i32 to index
        %get3A_1424 = arith.constant 32 : index
        %get3A_1425 = tpu.vector_load %get3A_1422[%get3A_1423, %get3A_1424] {strides = array<i32>} : memref<128x64xf32, #tpu.memory_space<vmem>>, vector<16xf32>,
        %scatter3A_1426 = arith.constant 0 : i32
        %scatter3A_1427 = arith.constant 0 : i32
        %scatter3A_1428 = tpu.memref_slice %arg8[%scan3A_603, %scatter3A_1426, %scatter3A_1427] : memref<2x64x129xf32, #tpu.memory_space<vmem>> -> memref<1x64x129xf32, #tpu.memory_space<vmem>>
        %scatter3A_1429 = tpu.memref_squeeze %scatter3A_1428 : memref<1x64x129xf32, #tpu.memory_space<vmem>> -> memref<64x129xf32, #tpu.memory_space<vmem>>
        tpu.vector_store_idx %scatter3A_1429[%add3A_14, %add3A_1396], %get3A_1425 : memref<64x129xf32, #tpu.memory_space<vmem>>[vector<16xi32>, vector<16xi32>], vector<16xf32>,
        %get3A_1430 = arith.constant 0 : i32
        %get3A_1431 = arith.constant 0 : i32
        %get3A_1432 = tpu.memref_slice %arg7[%scan3A_602, %get3A_1430, %get3A_1431] : memref<2x128x64xf32, #tpu.memory_space<vmem>> -> memref<1x128x64xf32, #tpu.memory_space<vmem>>
        %get3A_1433 = tpu.memref_squeeze %get3A_1432 : memref<1x128x64xf32, #tpu.memory_space<vmem>> -> memref<128x64xf32, #tpu.memory_space<vmem>>
        %get3A_1434 = arith.index_cast %scan3A_1391 : i32 to index
        %get3A_1435 = arith.constant 48 : index
        %get3A_1436 = tpu.vector_load %get3A_1433[%get3A_1434, %get3A_1435] {strides = array<i32>} : memref<128x64xf32, #tpu.memory_space<vmem>>, vector<16xf32>,
        %scatter3A_1437 = arith.constant 0 : i32
        %scatter3A_1438 = arith.constant 0 : i32
        %scatter3A_1439 = tpu.memref_slice %arg8[%scan3A_603, %scatter3A_1437, %scatter3A_1438] : memref<2x64x129xf32, #tpu.memory_space<vmem>> -> memref<1x64x129xf32, #tpu.memory_space<vmem>>
        %scatter3A_1440 = tpu.memref_squeeze %scatter3A_1439 : memref<1x64x129xf32, #tpu.memory_space<vmem>> -> memref<64x129xf32, #tpu.memory_space<vmem>>
        tpu.vector_store_idx %scatter3A_1440[%add3A_17, %add3A_1396], %get3A_1436 : memref<64x129xf32, #tpu.memory_space<vmem>>[vector<16xi32>, vector<16xi32>], vector<16xf32>,
        %scan3A_1441 = arith.constant 7 : i32
        %scan3A_1442 = arith.addi %scan3A_1087, %scan3A_1441 : i32
        %mul3A_1443 = arith.constant 0 : i32
        %mul3A_1444 = vector.broadcast %mul3A_1443 : i32 to vector<16xi32>
        %mul3A_1445 = arith.muli %iota3A, %mul3A_1444 : vector<16xi32>
        %add3A_1446 = vector.broadcast %scan3A_1442 : i32 to vector<16xi32>
        %add3A_1447 = arith.addi %mul3A_1445, %add3A_1446 : vector<16xi32>
        %get3A_1448 = arith.constant 0 : i32
        %get3A_1449 = arith.constant 0 : i32
        %get3A_1450 = tpu.memref_slice %arg7[%scan3A_602, %get3A_1448, %get3A_1449] : memref<2x128x64xf32, #tpu.memory_space<vmem>> -> memref<1x128x64xf32, #tpu.memory_space<vmem>>
        %get3A_1451 = tpu.memref_squeeze %get3A_1450 : memref<1x128x64xf32, #tpu.memory_space<vmem>> -> memref<128x64xf32, #tpu.memory_space<vmem>>
        %get3A_1452 = arith.index_cast %scan3A_1442 : i32 to index
        %get3A_1453 = arith.constant 0 : index
        %get3A_1454 = tpu.vector_load %get3A_1451[%get3A_1452, %get3A_1453] {strides = array<i32>} : memref<128x64xf32, #tpu.memory_space<vmem>>, vector<16xf32>,
        %scatter3A_1455 = arith.constant 0 : i32
        %scatter3A_1456 = arith.constant 0 : i32
        %scatter3A_1457 = tpu.memref_slice %arg8[%scan3A_603, %scatter3A_1455, %scatter3A_1456] : memref<2x64x129xf32, #tpu.memory_space<vmem>> -> memref<1x64x129xf32, #tpu.memory_space<vmem>>
        %scatter3A_1458 = tpu.memref_squeeze %scatter3A_1457 : memref<1x64x129xf32, #tpu.memory_space<vmem>> -> memref<64x129xf32, #tpu.memory_space<vmem>>
        tpu.vector_store_idx %scatter3A_1458[%add3A_8, %add3A_1447], %get3A_1454 : memref<64x129xf32, #tpu.memory_space<vmem>>[vector<16xi32>, vector<16xi32>], vector<16xf32>,
        %get3A_1459 = arith.constant 0 : i32
        %get3A_1460 = arith.constant 0 : i32
        %get3A_1461 = tpu.memref_slice %arg7[%scan3A_602, %get3A_1459, %get3A_1460] : memref<2x128x64xf32, #tpu.memory_space<vmem>> -> memref<1x128x64xf32, #tpu.memory_space<vmem>>
        %get3A_1462 = tpu.memref_squeeze %get3A_1461 : memref<1x128x64xf32, #tpu.memory_space<vmem>> -> memref<128x64xf32, #tpu.memory_space<vmem>>
        %get3A_1463 = arith.index_cast %scan3A_1442 : i32 to index
        %get3A_1464 = arith.constant 16 : index
        %get3A_1465 = tpu.vector_load %get3A_1462[%get3A_1463, %get3A_1464] {strides = array<i32>} : memref<128x64xf32, #tpu.memory_space<vmem>>, vector<16xf32>,
        %scatter3A_1466 = arith.constant 0 : i32
        %scatter3A_1467 = arith.constant 0 : i32
        %scatter3A_1468 = tpu.memref_slice %arg8[%scan3A_603, %scatter3A_1466, %scatter3A_1467] : memref<2x64x129xf32, #tpu.memory_space<vmem>> -> memref<1x64x129xf32, #tpu.memory_space<vmem>>
        %scatter3A_1469 = tpu.memref_squeeze %scatter3A_1468 : memref<1x64x129xf32, #tpu.memory_space<vmem>> -> memref<64x129xf32, #tpu.memory_space<vmem>>
        tpu.vector_store_idx %scatter3A_1469[%add3A_11, %add3A_1447], %get3A_1465 : memref<64x129xf32, #tpu.memory_space<vmem>>[vector<16xi32>, vector<16xi32>], vector<16xf32>,
        %get3A_1470 = arith.constant 0 : i32
        %get3A_1471 = arith.constant 0 : i32
        %get3A_1472 = tpu.memref_slice %arg7[%scan3A_602, %get3A_1470, %get3A_1471] : memref<2x128x64xf32, #tpu.memory_space<vmem>> -> memref<1x128x64xf32, #tpu.memory_space<vmem>>
        %get3A_1473 = tpu.memref_squeeze %get3A_1472 : memref<1x128x64xf32, #tpu.memory_space<vmem>> -> memref<128x64xf32, #tpu.memory_space<vmem>>
        %get3A_1474 = arith.index_cast %scan3A_1442 : i32 to index
        %get3A_1475 = arith.constant 32 : index
        %get3A_1476 = tpu.vector_load %get3A_1473[%get3A_1474, %get3A_1475] {strides = array<i32>} : memref<128x64xf32, #tpu.memory_space<vmem>>, vector<16xf32>,
        %scatter3A_1477 = arith.constant 0 : i32
        %scatter3A_1478 = arith.constant 0 : i32
        %scatter3A_1479 = tpu.memref_slice %arg8[%scan3A_603, %scatter3A_1477, %scatter3A_1478] : memref<2x64x129xf32, #tpu.memory_space<vmem>> -> memref<1x64x129xf32, #tpu.memory_space<vmem>>
        %scatter3A_1480 = tpu.memref_squeeze %scatter3A_1479 : memref<1x64x129xf32, #tpu.memory_space<vmem>> -> memref<64x129xf32, #tpu.memory_space<vmem>>
        tpu.vector_store_idx %scatter3A_1480[%add3A_14, %add3A_1447], %get3A_1476 : memref<64x129xf32, #tpu.memory_space<vmem>>[vector<16xi32>, vector<16xi32>], vector<16xf32>,
        %get3A_1481 = arith.constant 0 : i32
        %get3A_1482 = arith.constant 0 : i32
        %get3A_1483 = tpu.memref_slice %arg7[%scan3A_602, %get3A_1481, %get3A_1482] : memref<2x128x64xf32, #tpu.memory_space<vmem>> -> memref<1x128x64xf32, #tpu.memory_space<vmem>>
        %get3A_1484 = tpu.memref_squeeze %get3A_1483 : memref<1x128x64xf32, #tpu.memory_space<vmem>> -> memref<128x64xf32, #tpu.memory_space<vmem>>
        %get3A_1485 = arith.index_cast %scan3A_1442 : i32 to index
        %get3A_1486 = arith.constant 48 : index
        %get3A_1487 = tpu.vector_load %get3A_1484[%get3A_1485, %get3A_1486] {strides = array<i32>} : memref<128x64xf32, #tpu.memory_space<vmem>>, vector<16xf32>,
        %scatter3A_1488 = arith.constant 0 : i32
        %scatter3A_1489 = arith.constant 0 : i32
        %scatter3A_1490 = tpu.memref_slice %arg8[%scan3A_603, %scatter3A_1488, %scatter3A_1489] : memref<2x64x129xf32, #tpu.memory_space<vmem>> -> memref<1x64x129xf32, #tpu.memory_space<vmem>>
        %scatter3A_1491 = tpu.memref_squeeze %scatter3A_1490 : memref<1x64x129xf32, #tpu.memory_space<vmem>> -> memref<64x129xf32, #tpu.memory_space<vmem>>
        tpu.vector_store_idx %scatter3A_1491[%add3A_17, %add3A_1447], %get3A_1487 : memref<64x129xf32, #tpu.memory_space<vmem>>[vector<16xi32>, vector<16xi32>], vector<16xf32>,
      }
      %scan3A_608 = arith.constant 128 : i32
      %mul3A_609 = arith.constant 4 : i32
      %mul3A_610 = arith.muli %add3A, %mul3A_609 : i32
      %add3A_611 = arith.addi %mul3A_610, %select_n3A_472 : i32
      %dma_start3A_612 = arith.constant 0 : i32
      %dma_start3A_613 = arith.constant 0 : i32
      %dma_start3A_614 = arith.constant 0 : i32
      %dma_start3A_615 = arith.constant 0 : i32
      %dma_start3A_616 = tpu.memref_slice %arg8[%dma_start3A_612, %dma_start3A_614, %dma_start3A_615] : memref<2x64x129xf32, #tpu.memory_space<vmem>> -> memref<1x8x128xf32, #tpu.memory_space<vmem>>
      %dma_start3A_617 = tpu.memref_squeeze %dma_start3A_616 : memref<1x8x128xf32, #tpu.memory_space<vmem>> -> memref<8x128xf32, #tpu.memory_space<vmem>>
      %dma_start3A_618 = arith.constant 0 : i32
      %dma_start3A_619 = arith.constant 0 : i32
      %dma_start3A_620 = tpu.memref_slice %arg4[%select_n3A_488, %dma_start3A_613, %add3A_611, %dma_start3A_618, %dma_start3A_619] : memref<50x8x128x8x128xf32, #tpu.memory_space<hbm>> -> memref<1x1x1x8x128xf32, #tpu.memory_space<hbm>>
      %dma_start3A_621 = tpu.memref_squeeze %dma_start3A_620 : memref<1x1x1x8x128xf32, #tpu.memory_space<hbm>> -> memref<8x128xf32, #tpu.memory_space<hbm>>
      %dma_start3A_622 = arith.constant 0 : i32
      %dma_start3A_623 = arith.constant 0 : i32
      %dma_start3A_624 = tpu.memref_slice %arg4[%select_n3A_488, %dma_start3A_613, %add3A_611, %dma_start3A_622, %dma_start3A_623] : memref<50x8x128x8x128xf32, #tpu.memory_space<hbm>> -> memref<1x1x1x8x128xf32, #tpu.memory_space<hbm>>
      %dma_start3A_625 = tpu.memref_squeeze %dma_start3A_624 : memref<1x1x1x8x128xf32, #tpu.memory_space<hbm>> -> memref<8x128xf32, #tpu.memory_space<hbm>>
      %dma_start3A_626 = arith.constant 0 : i32
      %dma_start3A_627 = arith.constant 0 : i32
      %dma_start3A_628 = tpu.memref_slice %arg8[%dma_start3A_612, %dma_start3A_626, %dma_start3A_627] : memref<2x64x129xf32, #tpu.memory_space<vmem>> -> memref<1x8x128xf32, #tpu.memory_space<vmem>>
      %dma_start3A_629 = tpu.memref_squeeze %dma_start3A_628 : memref<1x8x128xf32, #tpu.memory_space<vmem>> -> memref<8x128xf32, #tpu.memory_space<vmem>>
      tpu.enqueue_dma source(%dma_start3A_629 : memref<8x128xf32, #tpu.memory_space<vmem>>) target(%dma_start3A_625 : memref<8x128xf32, #tpu.memory_space<hbm>>) target_semaphore(%arg10 : memref<!tpu.dma_semaphore, #tpu.memory_space<semaphore_mem>>)
      %dma_start3A_630 = arith.constant 0 : i32
      %dma_start3A_631 = arith.constant 1 : i32
      %dma_start3A_632 = arith.constant 8 : i32
      %dma_start3A_633 = arith.constant 0 : i32
      %dma_start3A_634 = tpu.memref_slice %arg8[%dma_start3A_630, %dma_start3A_632, %dma_start3A_633] : memref<2x64x129xf32, #tpu.memory_space<vmem>> -> memref<1x8x128xf32, #tpu.memory_space<vmem>>
      %dma_start3A_635 = tpu.memref_squeeze %dma_start3A_634 : memref<1x8x128xf32, #tpu.memory_space<vmem>> -> memref<8x128xf32, #tpu.memory_space<vmem>>
      %dma_start3A_636 = arith.constant 0 : i32
      %dma_start3A_637 = arith.constant 0 : i32
      %dma_start3A_638 = tpu.memref_slice %arg4[%select_n3A_488, %dma_start3A_631, %add3A_611, %dma_start3A_636, %dma_start3A_637] : memref<50x8x128x8x128xf32, #tpu.memory_space<hbm>> -> memref<1x1x1x8x128xf32, #tpu.memory_space<hbm>>
      %dma_start3A_639 = tpu.memref_squeeze %dma_start3A_638 : memref<1x1x1x8x128xf32, #tpu.memory_space<hbm>> -> memref<8x128xf32, #tpu.memory_space<hbm>>
      %dma_start3A_640 = arith.constant 0 : i32
      %dma_start3A_641 = arith.constant 0 : i32
      %dma_start3A_642 = tpu.memref_slice %arg4[%select_n3A_488, %dma_start3A_631, %add3A_611, %dma_start3A_640, %dma_start3A_641] : memref<50x8x128x8x128xf32, #tpu.memory_space<hbm>> -> memref<1x1x1x8x128xf32, #tpu.memory_space<hbm>>
      %dma_start3A_643 = tpu.memref_squeeze %dma_start3A_642 : memref<1x1x1x8x128xf32, #tpu.memory_space<hbm>> -> memref<8x128xf32, #tpu.memory_space<hbm>>
      %dma_start3A_644 = arith.constant 8 : i32
      %dma_start3A_645 = arith.constant 0 : i32
      %dma_start3A_646 = tpu.memref_slice %arg8[%dma_start3A_630, %dma_start3A_644, %dma_start3A_645] : memref<2x64x129xf32, #tpu.memory_space<vmem>> -> memref<1x8x128xf32, #tpu.memory_space<vmem>>
      %dma_start3A_647 = tpu.memref_squeeze %dma_start3A_646 : memref<1x8x128xf32, #tpu.memory_space<vmem>> -> memref<8x128xf32, #tpu.memory_space<vmem>>
      tpu.enqueue_dma source(%dma_start3A_647 : memref<8x128xf32, #tpu.memory_space<vmem>>) target(%dma_start3A_643 : memref<8x128xf32, #tpu.memory_space<hbm>>) target_semaphore(%arg10 : memref<!tpu.dma_semaphore, #tpu.memory_space<semaphore_mem>>)
      %dma_start3A_648 = arith.constant 0 : i32
      %dma_start3A_649 = arith.constant 2 : i32
      %dma_start3A_650 = arith.constant 16 : i32
      %dma_start3A_651 = arith.constant 0 : i32
      %dma_start3A_652 = tpu.memref_slice %arg8[%dma_start3A_648, %dma_start3A_650, %dma_start3A_651] : memref<2x64x129xf32, #tpu.memory_space<vmem>> -> memref<1x8x128xf32, #tpu.memory_space<vmem>>
      %dma_start3A_653 = tpu.memref_squeeze %dma_start3A_652 : memref<1x8x128xf32, #tpu.memory_space<vmem>> -> memref<8x128xf32, #tpu.memory_space<vmem>>
      %dma_start3A_654 = arith.constant 0 : i32
      %dma_start3A_655 = arith.constant 0 : i32
      %dma_start3A_656 = tpu.memref_slice %arg4[%select_n3A_488, %dma_start3A_649, %add3A_611, %dma_start3A_654, %dma_start3A_655] : memref<50x8x128x8x128xf32, #tpu.memory_space<hbm>> -> memref<1x1x1x8x128xf32, #tpu.memory_space<hbm>>
      %dma_start3A_657 = tpu.memref_squeeze %dma_start3A_656 : memref<1x1x1x8x128xf32, #tpu.memory_space<hbm>> -> memref<8x128xf32, #tpu.memory_space<hbm>>
      %dma_start3A_658 = arith.constant 0 : i32
      %dma_start3A_659 = arith.constant 0 : i32
      %dma_start3A_660 = tpu.memref_slice %arg4[%select_n3A_488, %dma_start3A_649, %add3A_611, %dma_start3A_658, %dma_start3A_659] : memref<50x8x128x8x128xf32, #tpu.memory_space<hbm>> -> memref<1x1x1x8x128xf32, #tpu.memory_space<hbm>>
      %dma_start3A_661 = tpu.memref_squeeze %dma_start3A_660 : memref<1x1x1x8x128xf32, #tpu.memory_space<hbm>> -> memref<8x128xf32, #tpu.memory_space<hbm>>
      %dma_start3A_662 = arith.constant 16 : i32
      %dma_start3A_663 = arith.constant 0 : i32
      %dma_start3A_664 = tpu.memref_slice %arg8[%dma_start3A_648, %dma_start3A_662, %dma_start3A_663] : memref<2x64x129xf32, #tpu.memory_space<vmem>> -> memref<1x8x128xf32, #tpu.memory_space<vmem>>
      %dma_start3A_665 = tpu.memref_squeeze %dma_start3A_664 : memref<1x8x128xf32, #tpu.memory_space<vmem>> -> memref<8x128xf32, #tpu.memory_space<vmem>>
      tpu.enqueue_dma source(%dma_start3A_665 : memref<8x128xf32, #tpu.memory_space<vmem>>) target(%dma_start3A_661 : memref<8x128xf32, #tpu.memory_space<hbm>>) target_semaphore(%arg10 : memref<!tpu.dma_semaphore, #tpu.memory_space<semaphore_mem>>)
      %dma_start3A_666 = arith.constant 0 : i32
      %dma_start3A_667 = arith.constant 3 : i32
      %dma_start3A_668 = arith.constant 24 : i32
      %dma_start3A_669 = arith.constant 0 : i32
      %dma_start3A_670 = tpu.memref_slice %arg8[%dma_start3A_666, %dma_start3A_668, %dma_start3A_669] : memref<2x64x129xf32, #tpu.memory_space<vmem>> -> memref<1x8x128xf32, #tpu.memory_space<vmem>>
      %dma_start3A_671 = tpu.memref_squeeze %dma_start3A_670 : memref<1x8x128xf32, #tpu.memory_space<vmem>> -> memref<8x128xf32, #tpu.memory_space<vmem>>
      %dma_start3A_672 = arith.constant 0 : i32
      %dma_start3A_673 = arith.constant 0 : i32
      %dma_start3A_674 = tpu.memref_slice %arg4[%select_n3A_488, %dma_start3A_667, %add3A_611, %dma_start3A_672, %dma_start3A_673] : memref<50x8x128x8x128xf32, #tpu.memory_space<hbm>> -> memref<1x1x1x8x128xf32, #tpu.memory_space<hbm>>
      %dma_start3A_675 = tpu.memref_squeeze %dma_start3A_674 : memref<1x1x1x8x128xf32, #tpu.memory_space<hbm>> -> memref<8x128xf32, #tpu.memory_space<hbm>>
      %dma_start3A_676 = arith.constant 0 : i32
      %dma_start3A_677 = arith.constant 0 : i32
      %dma_start3A_678 = tpu.memref_slice %arg4[%select_n3A_488, %dma_start3A_667, %add3A_611, %dma_start3A_676, %dma_start3A_677] : memref<50x8x128x8x128xf32, #tpu.memory_space<hbm>> -> memref<1x1x1x8x128xf32, #tpu.memory_space<hbm>>
      %dma_start3A_679 = tpu.memref_squeeze %dma_start3A_678 : memref<1x1x1x8x128xf32, #tpu.memory_space<hbm>> -> memref<8x128xf32, #tpu.memory_space<hbm>>
      %dma_start3A_680 = arith.constant 24 : i32
      %dma_start3A_681 = arith.constant 0 : i32
      %dma_start3A_682 = tpu.memref_slice %arg8[%dma_start3A_666, %dma_start3A_680, %dma_start3A_681] : memref<2x64x129xf32, #tpu.memory_space<vmem>> -> memref<1x8x128xf32, #tpu.memory_space<vmem>>
      %dma_start3A_683 = tpu.memref_squeeze %dma_start3A_682 : memref<1x8x128xf32, #tpu.memory_space<vmem>> -> memref<8x128xf32, #tpu.memory_space<vmem>>
      tpu.enqueue_dma source(%dma_start3A_683 : memref<8x128xf32, #tpu.memory_space<vmem>>) target(%dma_start3A_679 : memref<8x128xf32, #tpu.memory_space<hbm>>) target_semaphore(%arg10 : memref<!tpu.dma_semaphore, #tpu.memory_space<semaphore_mem>>)
      %dma_start3A_684 = arith.constant 0 : i32
      %dma_start3A_685 = arith.constant 4 : i32
      %dma_start3A_686 = arith.constant 32 : i32
      %dma_start3A_687 = arith.constant 0 : i32
      %dma_start3A_688 = tpu.memref_slice %arg8[%dma_start3A_684, %dma_start3A_686, %dma_start3A_687] : memref<2x64x129xf32, #tpu.memory_space<vmem>> -> memref<1x8x128xf32, #tpu.memory_space<vmem>>
      %dma_start3A_689 = tpu.memref_squeeze %dma_start3A_688 : memref<1x8x128xf32, #tpu.memory_space<vmem>> -> memref<8x128xf32, #tpu.memory_space<vmem>>
      %dma_start3A_690 = arith.constant 0 : i32
      %dma_start3A_691 = arith.constant 0 : i32
      %dma_start3A_692 = tpu.memref_slice %arg4[%select_n3A_488, %dma_start3A_685, %add3A_611, %dma_start3A_690, %dma_start3A_691] : memref<50x8x128x8x128xf32, #tpu.memory_space<hbm>> -> memref<1x1x1x8x128xf32, #tpu.memory_space<hbm>>
      %dma_start3A_693 = tpu.memref_squeeze %dma_start3A_692 : memref<1x1x1x8x128xf32, #tpu.memory_space<hbm>> -> memref<8x128xf32, #tpu.memory_space<hbm>>
      %dma_start3A_694 = arith.constant 0 : i32
      %dma_start3A_695 = arith.constant 0 : i32
      %dma_start3A_696 = tpu.memref_slice %arg4[%select_n3A_488, %dma_start3A_685, %add3A_611, %dma_start3A_694, %dma_start3A_695] : memref<50x8x128x8x128xf32, #tpu.memory_space<hbm>> -> memref<1x1x1x8x128xf32, #tpu.memory_space<hbm>>
      %dma_start3A_697 = tpu.memref_squeeze %dma_start3A_696 : memref<1x1x1x8x128xf32, #tpu.memory_space<hbm>> -> memref<8x128xf32, #tpu.memory_space<hbm>>
      %dma_start3A_698 = arith.constant 32 : i32
      %dma_start3A_699 = arith.constant 0 : i32
      %dma_start3A_700 = tpu.memref_slice %arg8[%dma_start3A_684, %dma_start3A_698, %dma_start3A_699] : memref<2x64x129xf32, #tpu.memory_space<vmem>> -> memref<1x8x128xf32, #tpu.memory_space<vmem>>
      %dma_start3A_701 = tpu.memref_squeeze %dma_start3A_700 : memref<1x8x128xf32, #tpu.memory_space<vmem>> -> memref<8x128xf32, #tpu.memory_space<vmem>>
      tpu.enqueue_dma source(%dma_start3A_701 : memref<8x128xf32, #tpu.memory_space<vmem>>) target(%dma_start3A_697 : memref<8x128xf32, #tpu.memory_space<hbm>>) target_semaphore(%arg10 : memref<!tpu.dma_semaphore, #tpu.memory_space<semaphore_mem>>)
      %dma_start3A_702 = arith.constant 0 : i32
      %dma_start3A_703 = arith.constant 5 : i32
      %dma_start3A_704 = arith.constant 40 : i32
      %dma_start3A_705 = arith.constant 0 : i32
      %dma_start3A_706 = tpu.memref_slice %arg8[%dma_start3A_702, %dma_start3A_704, %dma_start3A_705] : memref<2x64x129xf32, #tpu.memory_space<vmem>> -> memref<1x8x128xf32, #tpu.memory_space<vmem>>
      %dma_start3A_707 = tpu.memref_squeeze %dma_start3A_706 : memref<1x8x128xf32, #tpu.memory_space<vmem>> -> memref<8x128xf32, #tpu.memory_space<vmem>>
      %dma_start3A_708 = arith.constant 0 : i32
      %dma_start3A_709 = arith.constant 0 : i32
      %dma_start3A_710 = tpu.memref_slice %arg4[%select_n3A_488, %dma_start3A_703, %add3A_611, %dma_start3A_708, %dma_start3A_709] : memref<50x8x128x8x128xf32, #tpu.memory_space<hbm>> -> memref<1x1x1x8x128xf32, #tpu.memory_space<hbm>>
      %dma_start3A_711 = tpu.memref_squeeze %dma_start3A_710 : memref<1x1x1x8x128xf32, #tpu.memory_space<hbm>> -> memref<8x128xf32, #tpu.memory_space<hbm>>
      %dma_start3A_712 = arith.constant 0 : i32
      %dma_start3A_713 = arith.constant 0 : i32
      %dma_start3A_714 = tpu.memref_slice %arg4[%select_n3A_488, %dma_start3A_703, %add3A_611, %dma_start3A_712, %dma_start3A_713] : memref<50x8x128x8x128xf32, #tpu.memory_space<hbm>> -> memref<1x1x1x8x128xf32, #tpu.memory_space<hbm>>
      %dma_start3A_715 = tpu.memref_squeeze %dma_start3A_714 : memref<1x1x1x8x128xf32, #tpu.memory_space<hbm>> -> memref<8x128xf32, #tpu.memory_space<hbm>>
      %dma_start3A_716 = arith.constant 40 : i32
      %dma_start3A_717 = arith.constant 0 : i32
      %dma_start3A_718 = tpu.memref_slice %arg8[%dma_start3A_702, %dma_start3A_716, %dma_start3A_717] : memref<2x64x129xf32, #tpu.memory_space<vmem>> -> memref<1x8x128xf32, #tpu.memory_space<vmem>>
      %dma_start3A_719 = tpu.memref_squeeze %dma_start3A_718 : memref<1x8x128xf32, #tpu.memory_space<vmem>> -> memref<8x128xf32, #tpu.memory_space<vmem>>
      tpu.enqueue_dma source(%dma_start3A_719 : memref<8x128xf32, #tpu.memory_space<vmem>>) target(%dma_start3A_715 : memref<8x128xf32, #tpu.memory_space<hbm>>) target_semaphore(%arg10 : memref<!tpu.dma_semaphore, #tpu.memory_space<semaphore_mem>>)
      %dma_start3A_720 = arith.constant 0 : i32
      %dma_start3A_721 = arith.constant 6 : i32
      %dma_start3A_722 = arith.constant 48 : i32
      %dma_start3A_723 = arith.constant 0 : i32
      %dma_start3A_724 = tpu.memref_slice %arg8[%dma_start3A_720, %dma_start3A_722, %dma_start3A_723] : memref<2x64x129xf32, #tpu.memory_space<vmem>> -> memref<1x8x128xf32, #tpu.memory_space<vmem>>
      %dma_start3A_725 = tpu.memref_squeeze %dma_start3A_724 : memref<1x8x128xf32, #tpu.memory_space<vmem>> -> memref<8x128xf32, #tpu.memory_space<vmem>>
      %dma_start3A_726 = arith.constant 0 : i32
      %dma_start3A_727 = arith.constant 0 : i32
      %dma_start3A_728 = tpu.memref_slice %arg4[%select_n3A_488, %dma_start3A_721, %add3A_611, %dma_start3A_726, %dma_start3A_727] : memref<50x8x128x8x128xf32, #tpu.memory_space<hbm>> -> memref<1x1x1x8x128xf32, #tpu.memory_space<hbm>>
      %dma_start3A_729 = tpu.memref_squeeze %dma_start3A_728 : memref<1x1x1x8x128xf32, #tpu.memory_space<hbm>> -> memref<8x128xf32, #tpu.memory_space<hbm>>
      %dma_start3A_730 = arith.constant 0 : i32
      %dma_start3A_731 = arith.constant 0 : i32
      %dma_start3A_732 = tpu.memref_slice %arg4[%select_n3A_488, %dma_start3A_721, %add3A_611, %dma_start3A_730, %dma_start3A_731] : memref<50x8x128x8x128xf32, #tpu.memory_space<hbm>> -> memref<1x1x1x8x128xf32, #tpu.memory_space<hbm>>
      %dma_start3A_733 = tpu.memref_squeeze %dma_start3A_732 : memref<1x1x1x8x128xf32, #tpu.memory_space<hbm>> -> memref<8x128xf32, #tpu.memory_space<hbm>>
      %dma_start3A_734 = arith.constant 48 : i32
      %dma_start3A_735 = arith.constant 0 : i32
      %dma_start3A_736 = tpu.memref_slice %arg8[%dma_start3A_720, %dma_start3A_734, %dma_start3A_735] : memref<2x64x129xf32, #tpu.memory_space<vmem>> -> memref<1x8x128xf32, #tpu.memory_space<vmem>>
      %dma_start3A_737 = tpu.memref_squeeze %dma_start3A_736 : memref<1x8x128xf32, #tpu.memory_space<vmem>> -> memref<8x128xf32, #tpu.memory_space<vmem>>
      tpu.enqueue_dma source(%dma_start3A_737 : memref<8x128xf32, #tpu.memory_space<vmem>>) target(%dma_start3A_733 : memref<8x128xf32, #tpu.memory_space<hbm>>) target_semaphore(%arg10 : memref<!tpu.dma_semaphore, #tpu.memory_space<semaphore_mem>>)
      %dma_start3A_738 = arith.constant 0 : i32
      %dma_start3A_739 = arith.constant 7 : i32
      %dma_start3A_740 = arith.constant 56 : i32
      %dma_start3A_741 = arith.constant 0 : i32
      %dma_start3A_742 = tpu.memref_slice %arg8[%dma_start3A_738, %dma_start3A_740, %dma_start3A_741] : memref<2x64x129xf32, #tpu.memory_space<vmem>> -> memref<1x8x128xf32, #tpu.memory_space<vmem>>
      %dma_start3A_743 = tpu.memref_squeeze %dma_start3A_742 : memref<1x8x128xf32, #tpu.memory_space<vmem>> -> memref<8x128xf32, #tpu.memory_space<vmem>>
      %dma_start3A_744 = arith.constant 0 : i32
      %dma_start3A_745 = arith.constant 0 : i32
      %dma_start3A_746 = tpu.memref_slice %arg4[%select_n3A_488, %dma_start3A_739, %add3A_611, %dma_start3A_744, %dma_start3A_745] : memref<50x8x128x8x128xf32, #tpu.memory_space<hbm>> -> memref<1x1x1x8x128xf32, #tpu.memory_space<hbm>>
      %dma_start3A_747 = tpu.memref_squeeze %dma_start3A_746 : memref<1x1x1x8x128xf32, #tpu.memory_space<hbm>> -> memref<8x128xf32, #tpu.memory_space<hbm>>
      %dma_start3A_748 = arith.constant 0 : i32
      %dma_start3A_749 = arith.constant 0 : i32
      %dma_start3A_750 = tpu.memref_slice %arg4[%select_n3A_488, %dma_start3A_739, %add3A_611, %dma_start3A_748, %dma_start3A_749] : memref<50x8x128x8x128xf32, #tpu.memory_space<hbm>> -> memref<1x1x1x8x128xf32, #tpu.memory_space<hbm>>
      %dma_start3A_751 = tpu.memref_squeeze %dma_start3A_750 : memref<1x1x1x8x128xf32, #tpu.memory_space<hbm>> -> memref<8x128xf32, #tpu.memory_space<hbm>>
      %dma_start3A_752 = arith.constant 56 : i32
      %dma_start3A_753 = arith.constant 0 : i32
      %dma_start3A_754 = tpu.memref_slice %arg8[%dma_start3A_738, %dma_start3A_752, %dma_start3A_753] : memref<2x64x129xf32, #tpu.memory_space<vmem>> -> memref<1x8x128xf32, #tpu.memory_space<vmem>>
      %dma_start3A_755 = tpu.memref_squeeze %dma_start3A_754 : memref<1x8x128xf32, #tpu.memory_space<vmem>> -> memref<8x128xf32, #tpu.memory_space<vmem>>
      tpu.enqueue_dma source(%dma_start3A_755 : memref<8x128xf32, #tpu.memory_space<vmem>>) target(%dma_start3A_751 : memref<8x128xf32, #tpu.memory_space<hbm>>) target_semaphore(%arg10 : memref<!tpu.dma_semaphore, #tpu.memory_space<semaphore_mem>>)
      %dma_wait3A_756 = arith.constant 1 : i32
      %dma_wait3A_757 = arith.constant 0 : i32
      %dma_wait3A_758 = arith.constant 0 : i32
      %dma_wait3A_759 = tpu.memref_slice %arg7[%dma_wait3A_756, %dma_wait3A_757, %dma_wait3A_758] : memref<2x128x64xf32, #tpu.memory_space<vmem>> -> memref<1x128x64xf32, #tpu.memory_space<vmem>>
      %dma_wait3A_760 = tpu.memref_squeeze %dma_wait3A_759 : memref<1x128x64xf32, #tpu.memory_space<vmem>> -> memref<128x64xf32, #tpu.memory_space<vmem>>
      %dma_wait3A_761 = arith.constant 0 : i32
      %dma_wait3A_762 = arith.constant 0 : i32
      %dma_wait3A_763 = tpu.memref_slice %arg3[%dma_wait3A_761, %dma_wait3A_762] : memref<1000000x64xf32, #tpu.memory_space<hbm>> -> memref<1000000x64xf32, #tpu.memory_space<hbm>>
      tpu.wait_indirect_dma semaphore(%arg9 : memref<!tpu.dma_semaphore, #tpu.memory_space<semaphore_mem>>) src(%dma_wait3A_763 : memref<1000000x64xf32, #tpu.memory_space<hbm>>) dst(%dma_wait3A_760 : memref<128x64xf32, #tpu.memory_space<vmem>>)
      %mul3A_764 = arith.constant 2 : i32
      %mul3A_765 = arith.muli %mul3A_764, %scan3A_446 : i32
      %add3A_766 = arith.constant 1 : i32
      %add3A_767 = arith.addi %mul3A_765, %add3A_766 : i32
      %jit3A_768 = arith.constant 50 : i32
      %div3A_769 = arith.divsi %add3A_767, %jit3A_768 : i32
      %sign3A_770 = arith.constant 0 : i32
      %sign3A_771 = arith.cmpi sgt, %add3A_767, %sign3A_770 : i32
      %sign3A_772 = arith.extui %sign3A_771 : i1 to i32
      %sign3A_773 = arith.constant 0 : i32
      %sign3A_774 = arith.cmpi slt, %add3A_767, %sign3A_773 : i32
      %sign3A_775 = arith.extui %sign3A_774 : i1 to i32
      %sign3A_776 = arith.subi %sign3A_772, %sign3A_775 : i32
      %sign3A_777 = arith.constant 0 : i32
      %sign3A_778 = arith.cmpi sgt, %jit3A_768, %sign3A_777 : i32
      %sign3A_779 = arith.extui %sign3A_778 : i1 to i32
      %sign3A_780 = arith.constant 0 : i32
      %sign3A_781 = arith.cmpi slt, %jit3A_768, %sign3A_780 : i32
      %sign3A_782 = arith.extui %sign3A_781 : i1 to i32
      %sign3A_783 = arith.subi %sign3A_779, %sign3A_782 : i32
      %ne3A_784 = arith.cmpi ne, %sign3A_776, %sign3A_783 : i32
      %rem3A_785 = arith.remsi %add3A_767, %jit3A_768 : i32
      %ne3A_786 = arith.constant 0 : i32
      %ne3A_787 = arith.cmpi ne, %rem3A_785, %ne3A_786 : i32
      %and3A_788 = arith.andi %ne3A_784, %ne3A_787 : i1
      %sub3A_789 = arith.constant 1 : i32
      %sub3A_790 = arith.subi %div3A_769, %sub3A_789 : i32
      %select_n3A_791 = arith.select %and3A_788, %sub3A_790, %div3A_769 : i32
      %jit3A_792 = arith.constant 50 : i32
      %eq3A_793 = arith.constant 0 : i32
      %eq3A_794 = arith.cmpi eq, %jit3A_792, %eq3A_793 : i32
      %jit3A_795 = arith.constant 1 : i32
      %select_n3A_796 = arith.select %eq3A_794, %jit3A_795, %jit3A_792 : i32
      %rem3A_797 = arith.remsi %add3A_767, %select_n3A_796 : i32
      %ne3A_798 = arith.constant 0 : i32
      %ne3A_799 = arith.cmpi ne, %rem3A_797, %ne3A_798 : i32
      %lt3A_800 = arith.constant 0 : i32
      %lt3A_801 = arith.cmpi slt, %rem3A_797, %lt3A_800 : i32
      %lt3A_802 = arith.constant 0 : i32
      %lt3A_803 = arith.cmpi slt, %select_n3A_796, %lt3A_802 : i32
      %ne3A_804 = arith.xori %lt3A_801, %lt3A_803 : i1
      %and3A_805 = arith.andi %ne3A_804, %ne3A_799 : i1
      %add3A_806 = arith.addi %rem3A_797, %select_n3A_796 : i32
      %select_n3A_807 = arith.select %and3A_805, %add3A_806, %rem3A_797 : i32
      %add3A_808 = arith.constant 1 : i32
      %add3A_809 = arith.addi %add3A_767, %add3A_808 : i32
      %min3A_810 = arith.constant 199 : i32
      %min3A_811 = arith.minsi %add3A_809, %min3A_810 : i32
      %jit3A_812 = arith.constant 50 : i32
      %div3A_813 = arith.divsi %min3A_811, %jit3A_812 : i32
      %sign3A_814 = arith.constant 0 : i32
      %sign3A_815 = arith.cmpi sgt, %min3A_811, %sign3A_814 : i32
      %sign3A_816 = arith.extui %sign3A_815 : i1 to i32
      %sign3A_817 = arith.constant 0 : i32
      %sign3A_818 = arith.cmpi slt, %min3A_811, %sign3A_817 : i32
      %sign3A_819 = arith.extui %sign3A_818 : i1 to i32
      %sign3A_820 = arith.subi %sign3A_816, %sign3A_819 : i32
      %sign3A_821 = arith.constant 0 : i32
      %sign3A_822 = arith.cmpi sgt, %jit3A_812, %sign3A_821 : i32
      %sign3A_823 = arith.extui %sign3A_822 : i1 to i32
      %sign3A_824 = arith.constant 0 : i32
      %sign3A_825 = arith.cmpi slt, %jit3A_812, %sign3A_824 : i32
      %sign3A_826 = arith.extui %sign3A_825 : i1 to i32
      %sign3A_827 = arith.subi %sign3A_823, %sign3A_826 : i32
      %ne3A_828 = arith.cmpi ne, %sign3A_820, %sign3A_827 : i32
      %rem3A_829 = arith.remsi %min3A_811, %jit3A_812 : i32
      %ne3A_830 = arith.constant 0 : i32
      %ne3A_831 = arith.cmpi ne, %rem3A_829, %ne3A_830 : i32
      %and3A_832 = arith.andi %ne3A_828, %ne3A_831 : i1
      %sub3A_833 = arith.constant 1 : i32
      %sub3A_834 = arith.subi %div3A_813, %sub3A_833 : i32
      %select_n3A_835 = arith.select %and3A_832, %sub3A_834, %div3A_813 : i32
      %jit3A_836 = arith.constant 50 : i32
      %eq3A_837 = arith.constant 0 : i32
      %eq3A_838 = arith.cmpi eq, %jit3A_836, %eq3A_837 : i32
      %jit3A_839 = arith.constant 1 : i32
      %select_n3A_840 = arith.select %eq3A_838, %jit3A_839, %jit3A_836 : i32
      %rem3A_841 = arith.remsi %min3A_811, %select_n3A_840 : i32
      %ne3A_842 = arith.constant 0 : i32
      %ne3A_843 = arith.cmpi ne, %rem3A_841, %ne3A_842 : i32
      %lt3A_844 = arith.constant 0 : i32
      %lt3A_845 = arith.cmpi slt, %rem3A_841, %lt3A_844 : i32
      %lt3A_846 = arith.constant 0 : i32
      %lt3A_847 = arith.cmpi slt, %select_n3A_840, %lt3A_846 : i32
      %ne3A_848 = arith.xori %lt3A_845, %lt3A_847 : i1
      %and3A_849 = arith.andi %ne3A_848, %ne3A_843 : i1
      %add3A_850 = arith.addi %rem3A_841, %select_n3A_840 : i32
      %select_n3A_851 = arith.select %and3A_849, %add3A_850, %rem3A_841 : i32
      %mul3A_852 = arith.constant 6400 : i32
      %mul3A_853 = arith.muli %select_n3A_835, %mul3A_852 : i32
      %add3A_854 = arith.addi %mul3A_853, %select_n3A_851 : i32
      %add3A_855 = arith.constant 0 : i32
      %add3A_856 = arith.addi %add3A_854, %add3A_855 : i32
      %add3A_857 = vector.broadcast %add3A_856 : i32 to vector<16xi32>
      %add3A_858 = arith.addi %mul3A_5, %add3A_857 : vector<16xi32>
      %gather3A_859 = tpu.vector_load_idx %arg5[%add3A_858] : memref<25600xi32, #tpu.memory_space<vmem>>[vector<16xi32>], vector<16xi32>,
      %swap3A_860 = arith.constant 0 : index
      %swap3A_861 = tpu.vector_load %arg6[%swap3A_860] {strides = array<i32>} : memref<128xi32, #tpu.memory_space<vmem>>, vector<16xi32>,
      tpu.vector_store %arg6[%swap3A_860], %gather3A_859 {strides = array<i32>} : memref<128xi32, #tpu.memory_space<vmem>>, vector<16xi32>,
      %add3A_862 = arith.constant 800 : i32
      %add3A_863 = arith.addi %add3A_854, %add3A_862 : i32
      %add3A_864 = vector.broadcast %add3A_863 : i32 to vector<16xi32>
      %add3A_865 = arith.addi %mul3A_5, %add3A_864 : vector<16xi32>
      %gather3A_866 = tpu.vector_load_idx %arg5[%add3A_865] : memref<25600xi32, #tpu.memory_space<vmem>>[vector<16xi32>], vector<16xi32>,
      %swap3A_867 = arith.constant 16 : index
      %swap3A_868 = tpu.vector_load %arg6[%swap3A_867] {strides = array<i32>} : memref<128xi32, #tpu.memory_space<vmem>>, vector<16xi32>,
      tpu.vector_store %arg6[%swap3A_867], %gather3A_866 {strides = array<i32>} : memref<128xi32, #tpu.memory_space<vmem>>, vector<16xi32>,
      %add3A_869 = arith.constant 1600 : i32
      %add3A_870 = arith.addi %add3A_854, %add3A_869 : i32
      %add3A_871 = vector.broadcast %add3A_870 : i32 to vector<16xi32>
      %add3A_872 = arith.addi %mul3A_5, %add3A_871 : vector<16xi32>
      %gather3A_873 = tpu.vector_load_idx %arg5[%add3A_872] : memref<25600xi32, #tpu.memory_space<vmem>>[vector<16xi32>], vector<16xi32>,
      %swap3A_874 = arith.constant 32 : index
      %swap3A_875 = tpu.vector_load %arg6[%swap3A_874] {strides = array<i32>} : memref<128xi32, #tpu.memory_space<vmem>>, vector<16xi32>,
      tpu.vector_store %arg6[%swap3A_874], %gather3A_873 {strides = array<i32>} : memref<128xi32, #tpu.memory_space<vmem>>, vector<16xi32>,
      %add3A_876 = arith.constant 2400 : i32
      %add3A_877 = arith.addi %add3A_854, %add3A_876 : i32
      %add3A_878 = vector.broadcast %add3A_877 : i32 to vector<16xi32>
      %add3A_879 = arith.addi %mul3A_5, %add3A_878 : vector<16xi32>
      %gather3A_880 = tpu.vector_load_idx %arg5[%add3A_879] : memref<25600xi32, #tpu.memory_space<vmem>>[vector<16xi32>], vector<16xi32>,
      %swap3A_881 = arith.constant 48 : index
      %swap3A_882 = tpu.vector_load %arg6[%swap3A_881] {strides = array<i32>} : memref<128xi32, #tpu.memory_space<vmem>>, vector<16xi32>,
      tpu.vector_store %arg6[%swap3A_881], %gather3A_880 {strides = array<i32>} : memref<128xi32, #tpu.memory_space<vmem>>, vector<16xi32>,
      %add3A_883 = arith.constant 3200 : i32
      %add3A_884 = arith.addi %add3A_854, %add3A_883 : i32
      %add3A_885 = vector.broadcast %add3A_884 : i32 to vector<16xi32>
      %add3A_886 = arith.addi %mul3A_5, %add3A_885 : vector<16xi32>
      %gather3A_887 = tpu.vector_load_idx %arg5[%add3A_886] : memref<25600xi32, #tpu.memory_space<vmem>>[vector<16xi32>], vector<16xi32>,
      %swap3A_888 = arith.constant 64 : index
      %swap3A_889 = tpu.vector_load %arg6[%swap3A_888] {strides = array<i32>} : memref<128xi32, #tpu.memory_space<vmem>>, vector<16xi32>,
      tpu.vector_store %arg6[%swap3A_888], %gather3A_887 {strides = array<i32>} : memref<128xi32, #tpu.memory_space<vmem>>, vector<16xi32>,
      %add3A_890 = arith.constant 4000 : i32
      %add3A_891 = arith.addi %add3A_854, %add3A_890 : i32
      %add3A_892 = vector.broadcast %add3A_891 : i32 to vector<16xi32>
      %add3A_893 = arith.addi %mul3A_5, %add3A_892 : vector<16xi32>
      %gather3A_894 = tpu.vector_load_idx %arg5[%add3A_893] : memref<25600xi32, #tpu.memory_space<vmem>>[vector<16xi32>], vector<16xi32>,
      %swap3A_895 = arith.constant 80 : index
      %swap3A_896 = tpu.vector_load %arg6[%swap3A_895] {strides = array<i32>} : memref<128xi32, #tpu.memory_space<vmem>>, vector<16xi32>,
      tpu.vector_store %arg6[%swap3A_895], %gather3A_894 {strides = array<i32>} : memref<128xi32, #tpu.memory_space<vmem>>, vector<16xi32>,
      %add3A_897 = arith.constant 4800 : i32
      %add3A_898 = arith.addi %add3A_854, %add3A_897 : i32
      %add3A_899 = vector.broadcast %add3A_898 : i32 to vector<16xi32>
      %add3A_900 = arith.addi %mul3A_5, %add3A_899 : vector<16xi32>
      %gather3A_901 = tpu.vector_load_idx %arg5[%add3A_900] : memref<25600xi32, #tpu.memory_space<vmem>>[vector<16xi32>], vector<16xi32>,
      %swap3A_902 = arith.constant 96 : index
      %swap3A_903 = tpu.vector_load %arg6[%swap3A_902] {strides = array<i32>} : memref<128xi32, #tpu.memory_space<vmem>>, vector<16xi32>,
      tpu.vector_store %arg6[%swap3A_902], %gather3A_901 {strides = array<i32>} : memref<128xi32, #tpu.memory_space<vmem>>, vector<16xi32>,
      %add3A_904 = arith.constant 5600 : i32
      %add3A_905 = arith.addi %add3A_854, %add3A_904 : i32
      %add3A_906 = vector.broadcast %add3A_905 : i32 to vector<16xi32>
      %add3A_907 = arith.addi %mul3A_5, %add3A_906 : vector<16xi32>
      %gather3A_908 = tpu.vector_load_idx %arg5[%add3A_907] : memref<25600xi32, #tpu.memory_space<vmem>>[vector<16xi32>], vector<16xi32>,
      %swap3A_909 = arith.constant 112 : index
      %swap3A_910 = tpu.vector_load %arg6[%swap3A_909] {strides = array<i32>} : memref<128xi32, #tpu.memory_space<vmem>>, vector<16xi32>,
      tpu.vector_store %arg6[%swap3A_909], %gather3A_908 {strides = array<i32>} : memref<128xi32, #tpu.memory_space<vmem>>, vector<16xi32>,
      %dma_start3A_911 = arith.constant 0 : i32
      %dma_start3A_912 = arith.constant 0 : i32
      %dma_start3A_913 = arith.constant 0 : i32
      %dma_start3A_914 = tpu.memref_slice %arg7[%dma_start3A_911, %dma_start3A_912, %dma_start3A_913] : memref<2x128x64xf32, #tpu.memory_space<vmem>> -> memref<1x128x64xf32, #tpu.memory_space<vmem>>
      %dma_start3A_915 = tpu.memref_squeeze %dma_start3A_914 : memref<1x128x64xf32, #tpu.memory_space<vmem>> -> memref<128x64xf32, #tpu.memory_space<vmem>>
      %dma_start3A_916 = arith.constant 0 : i32
      %dma_start3A_917 = arith.constant 0 : i32
      %dma_start3A_918 = tpu.memref_slice %arg3[%dma_start3A_916, %dma_start3A_917] : memref<1000000x64xf32, #tpu.memory_space<hbm>> -> memref<1000000x64xf32, #tpu.memory_space<hbm>>
      tpu.enqueue_indirect_dma source(%dma_start3A_918 : memref<1000000x64xf32, #tpu.memory_space<hbm>>) target(%dma_start3A_915 : memref<128x64xf32, #tpu.memory_space<vmem>>) offsets(%arg6 : memref<128xi32, #tpu.memory_space<vmem>>) semaphore(%arg9 : memref<!tpu.dma_semaphore, #tpu.memory_space<semaphore_mem>>)
      %ge3A_919 = arith.constant 2 : i32
      %ge3A_920 = arith.cmpi sge, %add3A_767, %ge3A_919 : i32
      %convert_element_type3A_921 = arith.extui %ge3A_920 : i1 to i32
      %cond3A_922 = arith.constant 0 : i32
      %cond3A_923 = arith.cmpi ne, %convert_element_type3A_921, %cond3A_922 : i32
      scf.if %cond3A_923 {
        %dma_wait3A_1087 = arith.constant 0 : i32
        %dma_wait3A_1088 = arith.constant 0 : i32
        %dma_wait3A_1089 = arith.constant 0 : i32
        %dma_wait3A_1090 = arith.constant 1 : i32
        %dma_wait3A_1091 = arith.constant 0 : i32
        %dma_wait3A_1092 = arith.constant 0 : i32
        %dma_wait3A_1093 = tpu.memref_slice %arg8[%dma_wait3A_1090, %dma_wait3A_1091, %dma_wait3A_1092] : memref<2x64x129xf32, #tpu.memory_space<vmem>> -> memref<1x8x128xf32, #tpu.memory_space<vmem>>
        %dma_wait3A_1094 = tpu.memref_squeeze %dma_wait3A_1093 : memref<1x8x128xf32, #tpu.memory_space<vmem>> -> memref<8x128xf32, #tpu.memory_space<vmem>>
        %dma_wait3A_1095 = arith.constant 0 : i32
        %dma_wait3A_1096 = arith.constant 0 : i32
        %dma_wait3A_1097 = tpu.memref_slice %arg4[%dma_wait3A_1087, %dma_wait3A_1088, %dma_wait3A_1089, %dma_wait3A_1095, %dma_wait3A_1096] : memref<50x8x128x8x128xf32, #tpu.memory_space<hbm>> -> memref<1x1x1x8x128xf32, #tpu.memory_space<hbm>>
        %dma_wait3A_1098 = tpu.memref_squeeze %dma_wait3A_1097 : memref<1x1x1x8x128xf32, #tpu.memory_space<hbm>> -> memref<8x128xf32, #tpu.memory_space<hbm>>
        %dma_wait3A_1099 = arith.constant 0 : i32
        %dma_wait3A_1100 = arith.constant 0 : i32
        %dma_wait3A_1101 = tpu.memref_slice %arg8[%dma_wait3A_1090, %dma_wait3A_1099, %dma_wait3A_1100] : memref<2x64x129xf32, #tpu.memory_space<vmem>> -> memref<1x8x128xf32, #tpu.memory_space<vmem>>
        %dma_wait3A_1102 = tpu.memref_squeeze %dma_wait3A_1101 : memref<1x8x128xf32, #tpu.memory_space<vmem>> -> memref<8x128xf32, #tpu.memory_space<vmem>>
        %dma_wait3A_1103 = arith.constant 0 : i32
        %dma_wait3A_1104 = arith.constant 0 : i32
        %dma_wait3A_1105 = tpu.memref_slice %arg4[%dma_wait3A_1087, %dma_wait3A_1088, %dma_wait3A_1089, %dma_wait3A_1103, %dma_wait3A_1104] : memref<50x8x128x8x128xf32, #tpu.memory_space<hbm>> -> memref<1x1x1x8x128xf32, #tpu.memory_space<hbm>>
        %dma_wait3A_1106 = tpu.memref_squeeze %dma_wait3A_1105 : memref<1x1x1x8x128xf32, #tpu.memory_space<hbm>> -> memref<8x128xf32, #tpu.memory_space<hbm>>
        tpu.wait_dma2 semaphore(%arg11 : memref<!tpu.dma_semaphore, #tpu.memory_space<semaphore_mem>>) src(%dma_wait3A_1106 : memref<8x128xf32, #tpu.memory_space<hbm>>) dst(%dma_wait3A_1102 : memref<8x128xf32, #tpu.memory_space<vmem>>)
        %dma_wait3A_1107 = arith.constant 0 : i32
        %dma_wait3A_1108 = arith.constant 0 : i32
        %dma_wait3A_1109 = arith.constant 0 : i32
        %dma_wait3A_1110 = arith.constant 1 : i32
        %dma_wait3A_1111 = arith.constant 8 : i32
        %dma_wait3A_1112 = arith.constant 0 : i32
        %dma_wait3A_1113 = tpu.memref_slice %arg8[%dma_wait3A_1110, %dma_wait3A_1111, %dma_wait3A_1112] : memref<2x64x129xf32, #tpu.memory_space<vmem>> -> memref<1x8x128xf32, #tpu.memory_space<vmem>>
        %dma_wait3A_1114 = tpu.memref_squeeze %dma_wait3A_1113 : memref<1x8x128xf32, #tpu.memory_space<vmem>> -> memref<8x128xf32, #tpu.memory_space<vmem>>
        %dma_wait3A_1115 = arith.constant 0 : i32
        %dma_wait3A_1116 = arith.constant 0 : i32
        %dma_wait3A_1117 = tpu.memref_slice %arg4[%dma_wait3A_1107, %dma_wait3A_1108, %dma_wait3A_1109, %dma_wait3A_1115, %dma_wait3A_1116] : memref<50x8x128x8x128xf32, #tpu.memory_space<hbm>> -> memref<1x1x1x8x128xf32, #tpu.memory_space<hbm>>
        %dma_wait3A_1118 = tpu.memref_squeeze %dma_wait3A_1117 : memref<1x1x1x8x128xf32, #tpu.memory_space<hbm>> -> memref<8x128xf32, #tpu.memory_space<hbm>>
        %dma_wait3A_1119 = arith.constant 8 : i32
        %dma_wait3A_1120 = arith.constant 0 : i32
        %dma_wait3A_1121 = tpu.memref_slice %arg8[%dma_wait3A_1110, %dma_wait3A_1119, %dma_wait3A_1120] : memref<2x64x129xf32, #tpu.memory_space<vmem>> -> memref<1x8x128xf32, #tpu.memory_space<vmem>>
        %dma_wait3A_1122 = tpu.memref_squeeze %dma_wait3A_1121 : memref<1x8x128xf32, #tpu.memory_space<vmem>> -> memref<8x128xf32, #tpu.memory_space<vmem>>
        %dma_wait3A_1123 = arith.constant 0 : i32
        %dma_wait3A_1124 = arith.constant 0 : i32
        %dma_wait3A_1125 = tpu.memref_slice %arg4[%dma_wait3A_1107, %dma_wait3A_1108, %dma_wait3A_1109, %dma_wait3A_1123, %dma_wait3A_1124] : memref<50x8x128x8x128xf32, #tpu.memory_space<hbm>> -> memref<1x1x1x8x128xf32, #tpu.memory_space<hbm>>
        %dma_wait3A_1126 = tpu.memref_squeeze %dma_wait3A_1125 : memref<1x1x1x8x128xf32, #tpu.memory_space<hbm>> -> memref<8x128xf32, #tpu.memory_space<hbm>>
        tpu.wait_dma2 semaphore(%arg11 : memref<!tpu.dma_semaphore, #tpu.memory_space<semaphore_mem>>) src(%dma_wait3A_1126 : memref<8x128xf32, #tpu.memory_space<hbm>>) dst(%dma_wait3A_1122 : memref<8x128xf32, #tpu.memory_space<vmem>>)
        %dma_wait3A_1127 = arith.constant 0 : i32
        %dma_wait3A_1128 = arith.constant 0 : i32
        %dma_wait3A_1129 = arith.constant 0 : i32
        %dma_wait3A_1130 = arith.constant 1 : i32
        %dma_wait3A_1131 = arith.constant 16 : i32
        %dma_wait3A_1132 = arith.constant 0 : i32
        %dma_wait3A_1133 = tpu.memref_slice %arg8[%dma_wait3A_1130, %dma_wait3A_1131, %dma_wait3A_1132] : memref<2x64x129xf32, #tpu.memory_space<vmem>> -> memref<1x8x128xf32, #tpu.memory_space<vmem>>
        %dma_wait3A_1134 = tpu.memref_squeeze %dma_wait3A_1133 : memref<1x8x128xf32, #tpu.memory_space<vmem>> -> memref<8x128xf32, #tpu.memory_space<vmem>>
        %dma_wait3A_1135 = arith.constant 0 : i32
        %dma_wait3A_1136 = arith.constant 0 : i32
        %dma_wait3A_1137 = tpu.memref_slice %arg4[%dma_wait3A_1127, %dma_wait3A_1128, %dma_wait3A_1129, %dma_wait3A_1135, %dma_wait3A_1136] : memref<50x8x128x8x128xf32, #tpu.memory_space<hbm>> -> memref<1x1x1x8x128xf32, #tpu.memory_space<hbm>>
        %dma_wait3A_1138 = tpu.memref_squeeze %dma_wait3A_1137 : memref<1x1x1x8x128xf32, #tpu.memory_space<hbm>> -> memref<8x128xf32, #tpu.memory_space<hbm>>
        %dma_wait3A_1139 = arith.constant 16 : i32
        %dma_wait3A_1140 = arith.constant 0 : i32
        %dma_wait3A_1141 = tpu.memref_slice %arg8[%dma_wait3A_1130, %dma_wait3A_1139, %dma_wait3A_1140] : memref<2x64x129xf32, #tpu.memory_space<vmem>> -> memref<1x8x128xf32, #tpu.memory_space<vmem>>
        %dma_wait3A_1142 = tpu.memref_squeeze %dma_wait3A_1141 : memref<1x8x128xf32, #tpu.memory_space<vmem>> -> memref<8x128xf32, #tpu.memory_space<vmem>>
        %dma_wait3A_1143 = arith.constant 0 : i32
        %dma_wait3A_1144 = arith.constant 0 : i32
        %dma_wait3A_1145 = tpu.memref_slice %arg4[%dma_wait3A_1127, %dma_wait3A_1128, %dma_wait3A_1129, %dma_wait3A_1143, %dma_wait3A_1144] : memref<50x8x128x8x128xf32, #tpu.memory_space<hbm>> -> memref<1x1x1x8x128xf32, #tpu.memory_space<hbm>>
        %dma_wait3A_1146 = tpu.memref_squeeze %dma_wait3A_1145 : memref<1x1x1x8x128xf32, #tpu.memory_space<hbm>> -> memref<8x128xf32, #tpu.memory_space<hbm>>
        tpu.wait_dma2 semaphore(%arg11 : memref<!tpu.dma_semaphore, #tpu.memory_space<semaphore_mem>>) src(%dma_wait3A_1146 : memref<8x128xf32, #tpu.memory_space<hbm>>) dst(%dma_wait3A_1142 : memref<8x128xf32, #tpu.memory_space<vmem>>)
        %dma_wait3A_1147 = arith.constant 0 : i32
        %dma_wait3A_1148 = arith.constant 0 : i32
        %dma_wait3A_1149 = arith.constant 0 : i32
        %dma_wait3A_1150 = arith.constant 1 : i32
        %dma_wait3A_1151 = arith.constant 24 : i32
        %dma_wait3A_1152 = arith.constant 0 : i32
        %dma_wait3A_1153 = tpu.memref_slice %arg8[%dma_wait3A_1150, %dma_wait3A_1151, %dma_wait3A_1152] : memref<2x64x129xf32, #tpu.memory_space<vmem>> -> memref<1x8x128xf32, #tpu.memory_space<vmem>>
        %dma_wait3A_1154 = tpu.memref_squeeze %dma_wait3A_1153 : memref<1x8x128xf32, #tpu.memory_space<vmem>> -> memref<8x128xf32, #tpu.memory_space<vmem>>
        %dma_wait3A_1155 = arith.constant 0 : i32
        %dma_wait3A_1156 = arith.constant 0 : i32
        %dma_wait3A_1157 = tpu.memref_slice %arg4[%dma_wait3A_1147, %dma_wait3A_1148, %dma_wait3A_1149, %dma_wait3A_1155, %dma_wait3A_1156] : memref<50x8x128x8x128xf32, #tpu.memory_space<hbm>> -> memref<1x1x1x8x128xf32, #tpu.memory_space<hbm>>
        %dma_wait3A_1158 = tpu.memref_squeeze %dma_wait3A_1157 : memref<1x1x1x8x128xf32, #tpu.memory_space<hbm>> -> memref<8x128xf32, #tpu.memory_space<hbm>>
        %dma_wait3A_1159 = arith.constant 24 : i32
        %dma_wait3A_1160 = arith.constant 0 : i32
        %dma_wait3A_1161 = tpu.memref_slice %arg8[%dma_wait3A_1150, %dma_wait3A_1159, %dma_wait3A_1160] : memref<2x64x129xf32, #tpu.memory_space<vmem>> -> memref<1x8x128xf32, #tpu.memory_space<vmem>>
        %dma_wait3A_1162 = tpu.memref_squeeze %dma_wait3A_1161 : memref<1x8x128xf32, #tpu.memory_space<vmem>> -> memref<8x128xf32, #tpu.memory_space<vmem>>
        %dma_wait3A_1163 = arith.constant 0 : i32
        %dma_wait3A_1164 = arith.constant 0 : i32
        %dma_wait3A_1165 = tpu.memref_slice %arg4[%dma_wait3A_1147, %dma_wait3A_1148, %dma_wait3A_1149, %dma_wait3A_1163, %dma_wait3A_1164] : memref<50x8x128x8x128xf32, #tpu.memory_space<hbm>> -> memref<1x1x1x8x128xf32, #tpu.memory_space<hbm>>
        %dma_wait3A_1166 = tpu.memref_squeeze %dma_wait3A_1165 : memref<1x1x1x8x128xf32, #tpu.memory_space<hbm>> -> memref<8x128xf32, #tpu.memory_space<hbm>>
        tpu.wait_dma2 semaphore(%arg11 : memref<!tpu.dma_semaphore, #tpu.memory_space<semaphore_mem>>) src(%dma_wait3A_1166 : memref<8x128xf32, #tpu.memory_space<hbm>>) dst(%dma_wait3A_1162 : memref<8x128xf32, #tpu.memory_space<vmem>>)
        %dma_wait3A_1167 = arith.constant 0 : i32
        %dma_wait3A_1168 = arith.constant 0 : i32
        %dma_wait3A_1169 = arith.constant 0 : i32
        %dma_wait3A_1170 = arith.constant 1 : i32
        %dma_wait3A_1171 = arith.constant 32 : i32
        %dma_wait3A_1172 = arith.constant 0 : i32
        %dma_wait3A_1173 = tpu.memref_slice %arg8[%dma_wait3A_1170, %dma_wait3A_1171, %dma_wait3A_1172] : memref<2x64x129xf32, #tpu.memory_space<vmem>> -> memref<1x8x128xf32, #tpu.memory_space<vmem>>
        %dma_wait3A_1174 = tpu.memref_squeeze %dma_wait3A_1173 : memref<1x8x128xf32, #tpu.memory_space<vmem>> -> memref<8x128xf32, #tpu.memory_space<vmem>>
        %dma_wait3A_1175 = arith.constant 0 : i32
        %dma_wait3A_1176 = arith.constant 0 : i32
        %dma_wait3A_1177 = tpu.memref_slice %arg4[%dma_wait3A_1167, %dma_wait3A_1168, %dma_wait3A_1169, %dma_wait3A_1175, %dma_wait3A_1176] : memref<50x8x128x8x128xf32, #tpu.memory_space<hbm>> -> memref<1x1x1x8x128xf32, #tpu.memory_space<hbm>>
        %dma_wait3A_1178 = tpu.memref_squeeze %dma_wait3A_1177 : memref<1x1x1x8x128xf32, #tpu.memory_space<hbm>> -> memref<8x128xf32, #tpu.memory_space<hbm>>
        %dma_wait3A_1179 = arith.constant 32 : i32
        %dma_wait3A_1180 = arith.constant 0 : i32
        %dma_wait3A_1181 = tpu.memref_slice %arg8[%dma_wait3A_1170, %dma_wait3A_1179, %dma_wait3A_1180] : memref<2x64x129xf32, #tpu.memory_space<vmem>> -> memref<1x8x128xf32, #tpu.memory_space<vmem>>
        %dma_wait3A_1182 = tpu.memref_squeeze %dma_wait3A_1181 : memref<1x8x128xf32, #tpu.memory_space<vmem>> -> memref<8x128xf32, #tpu.memory_space<vmem>>
        %dma_wait3A_1183 = arith.constant 0 : i32
        %dma_wait3A_1184 = arith.constant 0 : i32
        %dma_wait3A_1185 = tpu.memref_slice %arg4[%dma_wait3A_1167, %dma_wait3A_1168, %dma_wait3A_1169, %dma_wait3A_1183, %dma_wait3A_1184] : memref<50x8x128x8x128xf32, #tpu.memory_space<hbm>> -> memref<1x1x1x8x128xf32, #tpu.memory_space<hbm>>
        %dma_wait3A_1186 = tpu.memref_squeeze %dma_wait3A_1185 : memref<1x1x1x8x128xf32, #tpu.memory_space<hbm>> -> memref<8x128xf32, #tpu.memory_space<hbm>>
        tpu.wait_dma2 semaphore(%arg11 : memref<!tpu.dma_semaphore, #tpu.memory_space<semaphore_mem>>) src(%dma_wait3A_1186 : memref<8x128xf32, #tpu.memory_space<hbm>>) dst(%dma_wait3A_1182 : memref<8x128xf32, #tpu.memory_space<vmem>>)
        %dma_wait3A_1187 = arith.constant 0 : i32
        %dma_wait3A_1188 = arith.constant 0 : i32
        %dma_wait3A_1189 = arith.constant 0 : i32
        %dma_wait3A_1190 = arith.constant 1 : i32
        %dma_wait3A_1191 = arith.constant 40 : i32
        %dma_wait3A_1192 = arith.constant 0 : i32
        %dma_wait3A_1193 = tpu.memref_slice %arg8[%dma_wait3A_1190, %dma_wait3A_1191, %dma_wait3A_1192] : memref<2x64x129xf32, #tpu.memory_space<vmem>> -> memref<1x8x128xf32, #tpu.memory_space<vmem>>
        %dma_wait3A_1194 = tpu.memref_squeeze %dma_wait3A_1193 : memref<1x8x128xf32, #tpu.memory_space<vmem>> -> memref<8x128xf32, #tpu.memory_space<vmem>>
        %dma_wait3A_1195 = arith.constant 0 : i32
        %dma_wait3A_1196 = arith.constant 0 : i32
        %dma_wait3A_1197 = tpu.memref_slice %arg4[%dma_wait3A_1187, %dma_wait3A_1188, %dma_wait3A_1189, %dma_wait3A_1195, %dma_wait3A_1196] : memref<50x8x128x8x128xf32, #tpu.memory_space<hbm>> -> memref<1x1x1x8x128xf32, #tpu.memory_space<hbm>>
        %dma_wait3A_1198 = tpu.memref_squeeze %dma_wait3A_1197 : memref<1x1x1x8x128xf32, #tpu.memory_space<hbm>> -> memref<8x128xf32, #tpu.memory_space<hbm>>
        %dma_wait3A_1199 = arith.constant 40 : i32
        %dma_wait3A_1200 = arith.constant 0 : i32
        %dma_wait3A_1201 = tpu.memref_slice %arg8[%dma_wait3A_1190, %dma_wait3A_1199, %dma_wait3A_1200] : memref<2x64x129xf32, #tpu.memory_space<vmem>> -> memref<1x8x128xf32, #tpu.memory_space<vmem>>
        %dma_wait3A_1202 = tpu.memref_squeeze %dma_wait3A_1201 : memref<1x8x128xf32, #tpu.memory_space<vmem>> -> memref<8x128xf32, #tpu.memory_space<vmem>>
        %dma_wait3A_1203 = arith.constant 0 : i32
        %dma_wait3A_1204 = arith.constant 0 : i32
        %dma_wait3A_1205 = tpu.memref_slice %arg4[%dma_wait3A_1187, %dma_wait3A_1188, %dma_wait3A_1189, %dma_wait3A_1203, %dma_wait3A_1204] : memref<50x8x128x8x128xf32, #tpu.memory_space<hbm>> -> memref<1x1x1x8x128xf32, #tpu.memory_space<hbm>>
        %dma_wait3A_1206 = tpu.memref_squeeze %dma_wait3A_1205 : memref<1x1x1x8x128xf32, #tpu.memory_space<hbm>> -> memref<8x128xf32, #tpu.memory_space<hbm>>
        tpu.wait_dma2 semaphore(%arg11 : memref<!tpu.dma_semaphore, #tpu.memory_space<semaphore_mem>>) src(%dma_wait3A_1206 : memref<8x128xf32, #tpu.memory_space<hbm>>) dst(%dma_wait3A_1202 : memref<8x128xf32, #tpu.memory_space<vmem>>)
        %dma_wait3A_1207 = arith.constant 0 : i32
        %dma_wait3A_1208 = arith.constant 0 : i32
        %dma_wait3A_1209 = arith.constant 0 : i32
        %dma_wait3A_1210 = arith.constant 1 : i32
        %dma_wait3A_1211 = arith.constant 48 : i32
        %dma_wait3A_1212 = arith.constant 0 : i32
        %dma_wait3A_1213 = tpu.memref_slice %arg8[%dma_wait3A_1210, %dma_wait3A_1211, %dma_wait3A_1212] : memref<2x64x129xf32, #tpu.memory_space<vmem>> -> memref<1x8x128xf32, #tpu.memory_space<vmem>>
        %dma_wait3A_1214 = tpu.memref_squeeze %dma_wait3A_1213 : memref<1x8x128xf32, #tpu.memory_space<vmem>> -> memref<8x128xf32, #tpu.memory_space<vmem>>
        %dma_wait3A_1215 = arith.constant 0 : i32
        %dma_wait3A_1216 = arith.constant 0 : i32
        %dma_wait3A_1217 = tpu.memref_slice %arg4[%dma_wait3A_1207, %dma_wait3A_1208, %dma_wait3A_1209, %dma_wait3A_1215, %dma_wait3A_1216] : memref<50x8x128x8x128xf32, #tpu.memory_space<hbm>> -> memref<1x1x1x8x128xf32, #tpu.memory_space<hbm>>
        %dma_wait3A_1218 = tpu.memref_squeeze %dma_wait3A_1217 : memref<1x1x1x8x128xf32, #tpu.memory_space<hbm>> -> memref<8x128xf32, #tpu.memory_space<hbm>>
        %dma_wait3A_1219 = arith.constant 48 : i32
        %dma_wait3A_1220 = arith.constant 0 : i32
        %dma_wait3A_1221 = tpu.memref_slice %arg8[%dma_wait3A_1210, %dma_wait3A_1219, %dma_wait3A_1220] : memref<2x64x129xf32, #tpu.memory_space<vmem>> -> memref<1x8x128xf32, #tpu.memory_space<vmem>>
        %dma_wait3A_1222 = tpu.memref_squeeze %dma_wait3A_1221 : memref<1x8x128xf32, #tpu.memory_space<vmem>> -> memref<8x128xf32, #tpu.memory_space<vmem>>
        %dma_wait3A_1223 = arith.constant 0 : i32
        %dma_wait3A_1224 = arith.constant 0 : i32
        %dma_wait3A_1225 = tpu.memref_slice %arg4[%dma_wait3A_1207, %dma_wait3A_1208, %dma_wait3A_1209, %dma_wait3A_1223, %dma_wait3A_1224] : memref<50x8x128x8x128xf32, #tpu.memory_space<hbm>> -> memref<1x1x1x8x128xf32, #tpu.memory_space<hbm>>
        %dma_wait3A_1226 = tpu.memref_squeeze %dma_wait3A_1225 : memref<1x1x1x8x128xf32, #tpu.memory_space<hbm>> -> memref<8x128xf32, #tpu.memory_space<hbm>>
        tpu.wait_dma2 semaphore(%arg11 : memref<!tpu.dma_semaphore, #tpu.memory_space<semaphore_mem>>) src(%dma_wait3A_1226 : memref<8x128xf32, #tpu.memory_space<hbm>>) dst(%dma_wait3A_1222 : memref<8x128xf32, #tpu.memory_space<vmem>>)
        %dma_wait3A_1227 = arith.constant 0 : i32
        %dma_wait3A_1228 = arith.constant 0 : i32
        %dma_wait3A_1229 = arith.constant 0 : i32
        %dma_wait3A_1230 = arith.constant 1 : i32
        %dma_wait3A_1231 = arith.constant 56 : i32
        %dma_wait3A_1232 = arith.constant 0 : i32
        %dma_wait3A_1233 = tpu.memref_slice %arg8[%dma_wait3A_1230, %dma_wait3A_1231, %dma_wait3A_1232] : memref<2x64x129xf32, #tpu.memory_space<vmem>> -> memref<1x8x128xf32, #tpu.memory_space<vmem>>
        %dma_wait3A_1234 = tpu.memref_squeeze %dma_wait3A_1233 : memref<1x8x128xf32, #tpu.memory_space<vmem>> -> memref<8x128xf32, #tpu.memory_space<vmem>>
        %dma_wait3A_1235 = arith.constant 0 : i32
        %dma_wait3A_1236 = arith.constant 0 : i32
        %dma_wait3A_1237 = tpu.memref_slice %arg4[%dma_wait3A_1227, %dma_wait3A_1228, %dma_wait3A_1229, %dma_wait3A_1235, %dma_wait3A_1236] : memref<50x8x128x8x128xf32, #tpu.memory_space<hbm>> -> memref<1x1x1x8x128xf32, #tpu.memory_space<hbm>>
        %dma_wait3A_1238 = tpu.memref_squeeze %dma_wait3A_1237 : memref<1x1x1x8x128xf32, #tpu.memory_space<hbm>> -> memref<8x128xf32, #tpu.memory_space<hbm>>
        %dma_wait3A_1239 = arith.constant 56 : i32
        %dma_wait3A_1240 = arith.constant 0 : i32
        %dma_wait3A_1241 = tpu.memref_slice %arg8[%dma_wait3A_1230, %dma_wait3A_1239, %dma_wait3A_1240] : memref<2x64x129xf32, #tpu.memory_space<vmem>> -> memref<1x8x128xf32, #tpu.memory_space<vmem>>
        %dma_wait3A_1242 = tpu.memref_squeeze %dma_wait3A_1241 : memref<1x8x128xf32, #tpu.memory_space<vmem>> -> memref<8x128xf32, #tpu.memory_space<vmem>>
        %dma_wait3A_1243 = arith.constant 0 : i32
        %dma_wait3A_1244 = arith.constant 0 : i32
        %dma_wait3A_1245 = tpu.memref_slice %arg4[%dma_wait3A_1227, %dma_wait3A_1228, %dma_wait3A_1229, %dma_wait3A_1243, %dma_wait3A_1244] : memref<50x8x128x8x128xf32, #tpu.memory_space<hbm>> -> memref<1x1x1x8x128xf32, #tpu.memory_space<hbm>>
        %dma_wait3A_1246 = tpu.memref_squeeze %dma_wait3A_1245 : memref<1x1x1x8x128xf32, #tpu.memory_space<hbm>> -> memref<8x128xf32, #tpu.memory_space<hbm>>
        tpu.wait_dma2 semaphore(%arg11 : memref<!tpu.dma_semaphore, #tpu.memory_space<semaphore_mem>>) src(%dma_wait3A_1246 : memref<8x128xf32, #tpu.memory_space<hbm>>) dst(%dma_wait3A_1242 : memref<8x128xf32, #tpu.memory_space<vmem>>)
      } else {
      }
      %scan3A_924 = arith.constant 0 : i32
      %scan3A_925 = arith.constant 1 : i32
      %scan3A_926 = arith.constant 1 : i32
      %scan3A_927 = arith.constant 0 : i32
      %scan3A_928 = arith.constant 128 : i32
      %scan3A_929 = arith.addi %scan3A_927, %scan3A_928 : i32
      %scan3A_930 = arith.constant 8 : i32
      scf.for %scan3A_1087 = %scan3A_927 to %scan3A_929 step %scan3A_930  : i32 {
        %mul3A_1088 = arith.constant 0 : i32
        %mul3A_1089 = vector.broadcast %mul3A_1088 : i32 to vector<16xi32>
        %mul3A_1090 = arith.muli %iota3A, %mul3A_1089 : vector<16xi32>
        %add3A_1091 = vector.broadcast %scan3A_1087 : i32 to vector<16xi32>
        %add3A_1092 = arith.addi %mul3A_1090, %add3A_1091 : vector<16xi32>
        %get3A = arith.constant 0 : i32
        %get3A_1093 = arith.constant 0 : i32
        %get3A_1094 = tpu.memref_slice %arg7[%scan3A_925, %get3A, %get3A_1093] : memref<2x128x64xf32, #tpu.memory_space<vmem>> -> memref<1x128x64xf32, #tpu.memory_space<vmem>>
        %get3A_1095 = tpu.memref_squeeze %get3A_1094 : memref<1x128x64xf32, #tpu.memory_space<vmem>> -> memref<128x64xf32, #tpu.memory_space<vmem>>
        %get3A_1096 = arith.index_cast %scan3A_1087 : i32 to index
        %get3A_1097 = arith.constant 0 : index
        %get3A_1098 = tpu.vector_load %get3A_1095[%get3A_1096, %get3A_1097] {strides = array<i32>} : memref<128x64xf32, #tpu.memory_space<vmem>>, vector<16xf32>,
        %scatter3A = arith.constant 0 : i32
        %scatter3A_1099 = arith.constant 0 : i32
        %scatter3A_1100 = tpu.memref_slice %arg8[%scan3A_926, %scatter3A, %scatter3A_1099] : memref<2x64x129xf32, #tpu.memory_space<vmem>> -> memref<1x64x129xf32, #tpu.memory_space<vmem>>
        %scatter3A_1101 = tpu.memref_squeeze %scatter3A_1100 : memref<1x64x129xf32, #tpu.memory_space<vmem>> -> memref<64x129xf32, #tpu.memory_space<vmem>>
        tpu.vector_store_idx %scatter3A_1101[%add3A_8, %add3A_1092], %get3A_1098 : memref<64x129xf32, #tpu.memory_space<vmem>>[vector<16xi32>, vector<16xi32>], vector<16xf32>,
        %get3A_1102 = arith.constant 0 : i32
        %get3A_1103 = arith.constant 0 : i32
        %get3A_1104 = tpu.memref_slice %arg7[%scan3A_925, %get3A_1102, %get3A_1103] : memref<2x128x64xf32, #tpu.memory_space<vmem>> -> memref<1x128x64xf32, #tpu.memory_space<vmem>>
        %get3A_1105 = tpu.memref_squeeze %get3A_1104 : memref<1x128x64xf32, #tpu.memory_space<vmem>> -> memref<128x64xf32, #tpu.memory_space<vmem>>
        %get3A_1106 = arith.index_cast %scan3A_1087 : i32 to index
        %get3A_1107 = arith.constant 16 : index
        %get3A_1108 = tpu.vector_load %get3A_1105[%get3A_1106, %get3A_1107] {strides = array<i32>} : memref<128x64xf32, #tpu.memory_space<vmem>>, vector<16xf32>,
        %scatter3A_1109 = arith.constant 0 : i32
        %scatter3A_1110 = arith.constant 0 : i32
        %scatter3A_1111 = tpu.memref_slice %arg8[%scan3A_926, %scatter3A_1109, %scatter3A_1110] : memref<2x64x129xf32, #tpu.memory_space<vmem>> -> memref<1x64x129xf32, #tpu.memory_space<vmem>>
        %scatter3A_1112 = tpu.memref_squeeze %scatter3A_1111 : memref<1x64x129xf32, #tpu.memory_space<vmem>> -> memref<64x129xf32, #tpu.memory_space<vmem>>
        tpu.vector_store_idx %scatter3A_1112[%add3A_11, %add3A_1092], %get3A_1108 : memref<64x129xf32, #tpu.memory_space<vmem>>[vector<16xi32>, vector<16xi32>], vector<16xf32>,
        %get3A_1113 = arith.constant 0 : i32
        %get3A_1114 = arith.constant 0 : i32
        %get3A_1115 = tpu.memref_slice %arg7[%scan3A_925, %get3A_1113, %get3A_1114] : memref<2x128x64xf32, #tpu.memory_space<vmem>> -> memref<1x128x64xf32, #tpu.memory_space<vmem>>
        %get3A_1116 = tpu.memref_squeeze %get3A_1115 : memref<1x128x64xf32, #tpu.memory_space<vmem>> -> memref<128x64xf32, #tpu.memory_space<vmem>>
        %get3A_1117 = arith.index_cast %scan3A_1087 : i32 to index
        %get3A_1118 = arith.constant 32 : index
        %get3A_1119 = tpu.vector_load %get3A_1116[%get3A_1117, %get3A_1118] {strides = array<i32>} : memref<128x64xf32, #tpu.memory_space<vmem>>, vector<16xf32>,
        %scatter3A_1120 = arith.constant 0 : i32
        %scatter3A_1121 = arith.constant 0 : i32
        %scatter3A_1122 = tpu.memref_slice %arg8[%scan3A_926, %scatter3A_1120, %scatter3A_1121] : memref<2x64x129xf32, #tpu.memory_space<vmem>> -> memref<1x64x129xf32, #tpu.memory_space<vmem>>
        %scatter3A_1123 = tpu.memref_squeeze %scatter3A_1122 : memref<1x64x129xf32, #tpu.memory_space<vmem>> -> memref<64x129xf32, #tpu.memory_space<vmem>>
        tpu.vector_store_idx %scatter3A_1123[%add3A_14, %add3A_1092], %get3A_1119 : memref<64x129xf32, #tpu.memory_space<vmem>>[vector<16xi32>, vector<16xi32>], vector<16xf32>,
        %get3A_1124 = arith.constant 0 : i32
        %get3A_1125 = arith.constant 0 : i32
        %get3A_1126 = tpu.memref_slice %arg7[%scan3A_925, %get3A_1124, %get3A_1125] : memref<2x128x64xf32, #tpu.memory_space<vmem>> -> memref<1x128x64xf32, #tpu.memory_space<vmem>>
        %get3A_1127 = tpu.memref_squeeze %get3A_1126 : memref<1x128x64xf32, #tpu.memory_space<vmem>> -> memref<128x64xf32, #tpu.memory_space<vmem>>
        %get3A_1128 = arith.index_cast %scan3A_1087 : i32 to index
        %get3A_1129 = arith.constant 48 : index
        %get3A_1130 = tpu.vector_load %get3A_1127[%get3A_1128, %get3A_1129] {strides = array<i32>} : memref<128x64xf32, #tpu.memory_space<vmem>>, vector<16xf32>,
        %scatter3A_1131 = arith.constant 0 : i32
        %scatter3A_1132 = arith.constant 0 : i32
        %scatter3A_1133 = tpu.memref_slice %arg8[%scan3A_926, %scatter3A_1131, %scatter3A_1132] : memref<2x64x129xf32, #tpu.memory_space<vmem>> -> memref<1x64x129xf32, #tpu.memory_space<vmem>>
        %scatter3A_1134 = tpu.memref_squeeze %scatter3A_1133 : memref<1x64x129xf32, #tpu.memory_space<vmem>> -> memref<64x129xf32, #tpu.memory_space<vmem>>
        tpu.vector_store_idx %scatter3A_1134[%add3A_17, %add3A_1092], %get3A_1130 : memref<64x129xf32, #tpu.memory_space<vmem>>[vector<16xi32>, vector<16xi32>], vector<16xf32>,
        %scan3A_1135 = arith.constant 1 : i32
        %scan3A_1136 = arith.addi %scan3A_1087, %scan3A_1135 : i32
        %mul3A_1137 = arith.constant 0 : i32
        %mul3A_1138 = vector.broadcast %mul3A_1137 : i32 to vector<16xi32>
        %mul3A_1139 = arith.muli %iota3A, %mul3A_1138 : vector<16xi32>
        %add3A_1140 = vector.broadcast %scan3A_1136 : i32 to vector<16xi32>
        %add3A_1141 = arith.addi %mul3A_1139, %add3A_1140 : vector<16xi32>
        %get3A_1142 = arith.constant 0 : i32
        %get3A_1143 = arith.constant 0 : i32
        %get3A_1144 = tpu.memref_slice %arg7[%scan3A_925, %get3A_1142, %get3A_1143] : memref<2x128x64xf32, #tpu.memory_space<vmem>> -> memref<1x128x64xf32, #tpu.memory_space<vmem>>
        %get3A_1145 = tpu.memref_squeeze %get3A_1144 : memref<1x128x64xf32, #tpu.memory_space<vmem>> -> memref<128x64xf32, #tpu.memory_space<vmem>>
        %get3A_1146 = arith.index_cast %scan3A_1136 : i32 to index
        %get3A_1147 = arith.constant 0 : index
        %get3A_1148 = tpu.vector_load %get3A_1145[%get3A_1146, %get3A_1147] {strides = array<i32>} : memref<128x64xf32, #tpu.memory_space<vmem>>, vector<16xf32>,
        %scatter3A_1149 = arith.constant 0 : i32
        %scatter3A_1150 = arith.constant 0 : i32
        %scatter3A_1151 = tpu.memref_slice %arg8[%scan3A_926, %scatter3A_1149, %scatter3A_1150] : memref<2x64x129xf32, #tpu.memory_space<vmem>> -> memref<1x64x129xf32, #tpu.memory_space<vmem>>
        %scatter3A_1152 = tpu.memref_squeeze %scatter3A_1151 : memref<1x64x129xf32, #tpu.memory_space<vmem>> -> memref<64x129xf32, #tpu.memory_space<vmem>>
        tpu.vector_store_idx %scatter3A_1152[%add3A_8, %add3A_1141], %get3A_1148 : memref<64x129xf32, #tpu.memory_space<vmem>>[vector<16xi32>, vector<16xi32>], vector<16xf32>,
        %get3A_1153 = arith.constant 0 : i32
        %get3A_1154 = arith.constant 0 : i32
        %get3A_1155 = tpu.memref_slice %arg7[%scan3A_925, %get3A_1153, %get3A_1154] : memref<2x128x64xf32, #tpu.memory_space<vmem>> -> memref<1x128x64xf32, #tpu.memory_space<vmem>>
        %get3A_1156 = tpu.memref_squeeze %get3A_1155 : memref<1x128x64xf32, #tpu.memory_space<vmem>> -> memref<128x64xf32, #tpu.memory_space<vmem>>
        %get3A_1157 = arith.index_cast %scan3A_1136 : i32 to index
        %get3A_1158 = arith.constant 16 : index
        %get3A_1159 = tpu.vector_load %get3A_1156[%get3A_1157, %get3A_1158] {strides = array<i32>} : memref<128x64xf32, #tpu.memory_space<vmem>>, vector<16xf32>,
        %scatter3A_1160 = arith.constant 0 : i32
        %scatter3A_1161 = arith.constant 0 : i32
        %scatter3A_1162 = tpu.memref_slice %arg8[%scan3A_926, %scatter3A_1160, %scatter3A_1161] : memref<2x64x129xf32, #tpu.memory_space<vmem>> -> memref<1x64x129xf32, #tpu.memory_space<vmem>>
        %scatter3A_1163 = tpu.memref_squeeze %scatter3A_1162 : memref<1x64x129xf32, #tpu.memory_space<vmem>> -> memref<64x129xf32, #tpu.memory_space<vmem>>
        tpu.vector_store_idx %scatter3A_1163[%add3A_11, %add3A_1141], %get3A_1159 : memref<64x129xf32, #tpu.memory_space<vmem>>[vector<16xi32>, vector<16xi32>], vector<16xf32>,
        %get3A_1164 = arith.constant 0 : i32
        %get3A_1165 = arith.constant 0 : i32
        %get3A_1166 = tpu.memref_slice %arg7[%scan3A_925, %get3A_1164, %get3A_1165] : memref<2x128x64xf32, #tpu.memory_space<vmem>> -> memref<1x128x64xf32, #tpu.memory_space<vmem>>
        %get3A_1167 = tpu.memref_squeeze %get3A_1166 : memref<1x128x64xf32, #tpu.memory_space<vmem>> -> memref<128x64xf32, #tpu.memory_space<vmem>>
        %get3A_1168 = arith.index_cast %scan3A_1136 : i32 to index
        %get3A_1169 = arith.constant 32 : index
        %get3A_1170 = tpu.vector_load %get3A_1167[%get3A_1168, %get3A_1169] {strides = array<i32>} : memref<128x64xf32, #tpu.memory_space<vmem>>, vector<16xf32>,
        %scatter3A_1171 = arith.constant 0 : i32
        %scatter3A_1172 = arith.constant 0 : i32
        %scatter3A_1173 = tpu.memref_slice %arg8[%scan3A_926, %scatter3A_1171, %scatter3A_1172] : memref<2x64x129xf32, #tpu.memory_space<vmem>> -> memref<1x64x129xf32, #tpu.memory_space<vmem>>
        %scatter3A_1174 = tpu.memref_squeeze %scatter3A_1173 : memref<1x64x129xf32, #tpu.memory_space<vmem>> -> memref<64x129xf32, #tpu.memory_space<vmem>>
        tpu.vector_store_idx %scatter3A_1174[%add3A_14, %add3A_1141], %get3A_1170 : memref<64x129xf32, #tpu.memory_space<vmem>>[vector<16xi32>, vector<16xi32>], vector<16xf32>,
        %get3A_1175 = arith.constant 0 : i32
        %get3A_1176 = arith.constant 0 : i32
        %get3A_1177 = tpu.memref_slice %arg7[%scan3A_925, %get3A_1175, %get3A_1176] : memref<2x128x64xf32, #tpu.memory_space<vmem>> -> memref<1x128x64xf32, #tpu.memory_space<vmem>>
        %get3A_1178 = tpu.memref_squeeze %get3A_1177 : memref<1x128x64xf32, #tpu.memory_space<vmem>> -> memref<128x64xf32, #tpu.memory_space<vmem>>
        %get3A_1179 = arith.index_cast %scan3A_1136 : i32 to index
        %get3A_1180 = arith.constant 48 : index
        %get3A_1181 = tpu.vector_load %get3A_1178[%get3A_1179, %get3A_1180] {strides = array<i32>} : memref<128x64xf32, #tpu.memory_space<vmem>>, vector<16xf32>,
        %scatter3A_1182 = arith.constant 0 : i32
        %scatter3A_1183 = arith.constant 0 : i32
        %scatter3A_1184 = tpu.memref_slice %arg8[%scan3A_926, %scatter3A_1182, %scatter3A_1183] : memref<2x64x129xf32, #tpu.memory_space<vmem>> -> memref<1x64x129xf32, #tpu.memory_space<vmem>>
        %scatter3A_1185 = tpu.memref_squeeze %scatter3A_1184 : memref<1x64x129xf32, #tpu.memory_space<vmem>> -> memref<64x129xf32, #tpu.memory_space<vmem>>
        tpu.vector_store_idx %scatter3A_1185[%add3A_17, %add3A_1141], %get3A_1181 : memref<64x129xf32, #tpu.memory_space<vmem>>[vector<16xi32>, vector<16xi32>], vector<16xf32>,
        %scan3A_1186 = arith.constant 2 : i32
        %scan3A_1187 = arith.addi %scan3A_1087, %scan3A_1186 : i32
        %mul3A_1188 = arith.constant 0 : i32
        %mul3A_1189 = vector.broadcast %mul3A_1188 : i32 to vector<16xi32>
        %mul3A_1190 = arith.muli %iota3A, %mul3A_1189 : vector<16xi32>
        %add3A_1191 = vector.broadcast %scan3A_1187 : i32 to vector<16xi32>
        %add3A_1192 = arith.addi %mul3A_1190, %add3A_1191 : vector<16xi32>
        %get3A_1193 = arith.constant 0 : i32
        %get3A_1194 = arith.constant 0 : i32
        %get3A_1195 = tpu.memref_slice %arg7[%scan3A_925, %get3A_1193, %get3A_1194] : memref<2x128x64xf32, #tpu.memory_space<vmem>> -> memref<1x128x64xf32, #tpu.memory_space<vmem>>
        %get3A_1196 = tpu.memref_squeeze %get3A_1195 : memref<1x128x64xf32, #tpu.memory_space<vmem>> -> memref<128x64xf32, #tpu.memory_space<vmem>>
        %get3A_1197 = arith.index_cast %scan3A_1187 : i32 to index
        %get3A_1198 = arith.constant 0 : index
        %get3A_1199 = tpu.vector_load %get3A_1196[%get3A_1197, %get3A_1198] {strides = array<i32>} : memref<128x64xf32, #tpu.memory_space<vmem>>, vector<16xf32>,
        %scatter3A_1200 = arith.constant 0 : i32
        %scatter3A_1201 = arith.constant 0 : i32
        %scatter3A_1202 = tpu.memref_slice %arg8[%scan3A_926, %scatter3A_1200, %scatter3A_1201] : memref<2x64x129xf32, #tpu.memory_space<vmem>> -> memref<1x64x129xf32, #tpu.memory_space<vmem>>
        %scatter3A_1203 = tpu.memref_squeeze %scatter3A_1202 : memref<1x64x129xf32, #tpu.memory_space<vmem>> -> memref<64x129xf32, #tpu.memory_space<vmem>>
        tpu.vector_store_idx %scatter3A_1203[%add3A_8, %add3A_1192], %get3A_1199 : memref<64x129xf32, #tpu.memory_space<vmem>>[vector<16xi32>, vector<16xi32>], vector<16xf32>,
        %get3A_1204 = arith.constant 0 : i32
        %get3A_1205 = arith.constant 0 : i32
        %get3A_1206 = tpu.memref_slice %arg7[%scan3A_925, %get3A_1204, %get3A_1205] : memref<2x128x64xf32, #tpu.memory_space<vmem>> -> memref<1x128x64xf32, #tpu.memory_space<vmem>>
        %get3A_1207 = tpu.memref_squeeze %get3A_1206 : memref<1x128x64xf32, #tpu.memory_space<vmem>> -> memref<128x64xf32, #tpu.memory_space<vmem>>
        %get3A_1208 = arith.index_cast %scan3A_1187 : i32 to index
        %get3A_1209 = arith.constant 16 : index
        %get3A_1210 = tpu.vector_load %get3A_1207[%get3A_1208, %get3A_1209] {strides = array<i32>} : memref<128x64xf32, #tpu.memory_space<vmem>>, vector<16xf32>,
        %scatter3A_1211 = arith.constant 0 : i32
        %scatter3A_1212 = arith.constant 0 : i32
        %scatter3A_1213 = tpu.memref_slice %arg8[%scan3A_926, %scatter3A_1211, %scatter3A_1212] : memref<2x64x129xf32, #tpu.memory_space<vmem>> -> memref<1x64x129xf32, #tpu.memory_space<vmem>>
        %scatter3A_1214 = tpu.memref_squeeze %scatter3A_1213 : memref<1x64x129xf32, #tpu.memory_space<vmem>> -> memref<64x129xf32, #tpu.memory_space<vmem>>
        tpu.vector_store_idx %scatter3A_1214[%add3A_11, %add3A_1192], %get3A_1210 : memref<64x129xf32, #tpu.memory_space<vmem>>[vector<16xi32>, vector<16xi32>], vector<16xf32>,
        %get3A_1215 = arith.constant 0 : i32
        %get3A_1216 = arith.constant 0 : i32
        %get3A_1217 = tpu.memref_slice %arg7[%scan3A_925, %get3A_1215, %get3A_1216] : memref<2x128x64xf32, #tpu.memory_space<vmem>> -> memref<1x128x64xf32, #tpu.memory_space<vmem>>
        %get3A_1218 = tpu.memref_squeeze %get3A_1217 : memref<1x128x64xf32, #tpu.memory_space<vmem>> -> memref<128x64xf32, #tpu.memory_space<vmem>>
        %get3A_1219 = arith.index_cast %scan3A_1187 : i32 to index
        %get3A_1220 = arith.constant 32 : index
        %get3A_1221 = tpu.vector_load %get3A_1218[%get3A_1219, %get3A_1220] {strides = array<i32>} : memref<128x64xf32, #tpu.memory_space<vmem>>, vector<16xf32>,
        %scatter3A_1222 = arith.constant 0 : i32
        %scatter3A_1223 = arith.constant 0 : i32
        %scatter3A_1224 = tpu.memref_slice %arg8[%scan3A_926, %scatter3A_1222, %scatter3A_1223] : memref<2x64x129xf32, #tpu.memory_space<vmem>> -> memref<1x64x129xf32, #tpu.memory_space<vmem>>
        %scatter3A_1225 = tpu.memref_squeeze %scatter3A_1224 : memref<1x64x129xf32, #tpu.memory_space<vmem>> -> memref<64x129xf32, #tpu.memory_space<vmem>>
        tpu.vector_store_idx %scatter3A_1225[%add3A_14, %add3A_1192], %get3A_1221 : memref<64x129xf32, #tpu.memory_space<vmem>>[vector<16xi32>, vector<16xi32>], vector<16xf32>,
        %get3A_1226 = arith.constant 0 : i32
        %get3A_1227 = arith.constant 0 : i32
        %get3A_1228 = tpu.memref_slice %arg7[%scan3A_925, %get3A_1226, %get3A_1227] : memref<2x128x64xf32, #tpu.memory_space<vmem>> -> memref<1x128x64xf32, #tpu.memory_space<vmem>>
        %get3A_1229 = tpu.memref_squeeze %get3A_1228 : memref<1x128x64xf32, #tpu.memory_space<vmem>> -> memref<128x64xf32, #tpu.memory_space<vmem>>
        %get3A_1230 = arith.index_cast %scan3A_1187 : i32 to index
        %get3A_1231 = arith.constant 48 : index
        %get3A_1232 = tpu.vector_load %get3A_1229[%get3A_1230, %get3A_1231] {strides = array<i32>} : memref<128x64xf32, #tpu.memory_space<vmem>>, vector<16xf32>,
        %scatter3A_1233 = arith.constant 0 : i32
        %scatter3A_1234 = arith.constant 0 : i32
        %scatter3A_1235 = tpu.memref_slice %arg8[%scan3A_926, %scatter3A_1233, %scatter3A_1234] : memref<2x64x129xf32, #tpu.memory_space<vmem>> -> memref<1x64x129xf32, #tpu.memory_space<vmem>>
        %scatter3A_1236 = tpu.memref_squeeze %scatter3A_1235 : memref<1x64x129xf32, #tpu.memory_space<vmem>> -> memref<64x129xf32, #tpu.memory_space<vmem>>
        tpu.vector_store_idx %scatter3A_1236[%add3A_17, %add3A_1192], %get3A_1232 : memref<64x129xf32, #tpu.memory_space<vmem>>[vector<16xi32>, vector<16xi32>], vector<16xf32>,
        %scan3A_1237 = arith.constant 3 : i32
        %scan3A_1238 = arith.addi %scan3A_1087, %scan3A_1237 : i32
        %mul3A_1239 = arith.constant 0 : i32
        %mul3A_1240 = vector.broadcast %mul3A_1239 : i32 to vector<16xi32>
        %mul3A_1241 = arith.muli %iota3A, %mul3A_1240 : vector<16xi32>
        %add3A_1242 = vector.broadcast %scan3A_1238 : i32 to vector<16xi32>
        %add3A_1243 = arith.addi %mul3A_1241, %add3A_1242 : vector<16xi32>
        %get3A_1244 = arith.constant 0 : i32
        %get3A_1245 = arith.constant 0 : i32
        %get3A_1246 = tpu.memref_slice %arg7[%scan3A_925, %get3A_1244, %get3A_1245] : memref<2x128x64xf32, #tpu.memory_space<vmem>> -> memref<1x128x64xf32, #tpu.memory_space<vmem>>
        %get3A_1247 = tpu.memref_squeeze %get3A_1246 : memref<1x128x64xf32, #tpu.memory_space<vmem>> -> memref<128x64xf32, #tpu.memory_space<vmem>>
        %get3A_1248 = arith.index_cast %scan3A_1238 : i32 to index
        %get3A_1249 = arith.constant 0 : index
        %get3A_1250 = tpu.vector_load %get3A_1247[%get3A_1248, %get3A_1249] {strides = array<i32>} : memref<128x64xf32, #tpu.memory_space<vmem>>, vector<16xf32>,
        %scatter3A_1251 = arith.constant 0 : i32
        %scatter3A_1252 = arith.constant 0 : i32
        %scatter3A_1253 = tpu.memref_slice %arg8[%scan3A_926, %scatter3A_1251, %scatter3A_1252] : memref<2x64x129xf32, #tpu.memory_space<vmem>> -> memref<1x64x129xf32, #tpu.memory_space<vmem>>
        %scatter3A_1254 = tpu.memref_squeeze %scatter3A_1253 : memref<1x64x129xf32, #tpu.memory_space<vmem>> -> memref<64x129xf32, #tpu.memory_space<vmem>>
        tpu.vector_store_idx %scatter3A_1254[%add3A_8, %add3A_1243], %get3A_1250 : memref<64x129xf32, #tpu.memory_space<vmem>>[vector<16xi32>, vector<16xi32>], vector<16xf32>,
        %get3A_1255 = arith.constant 0 : i32
        %get3A_1256 = arith.constant 0 : i32
        %get3A_1257 = tpu.memref_slice %arg7[%scan3A_925, %get3A_1255, %get3A_1256] : memref<2x128x64xf32, #tpu.memory_space<vmem>> -> memref<1x128x64xf32, #tpu.memory_space<vmem>>
        %get3A_1258 = tpu.memref_squeeze %get3A_1257 : memref<1x128x64xf32, #tpu.memory_space<vmem>> -> memref<128x64xf32, #tpu.memory_space<vmem>>
        %get3A_1259 = arith.index_cast %scan3A_1238 : i32 to index
        %get3A_1260 = arith.constant 16 : index
        %get3A_1261 = tpu.vector_load %get3A_1258[%get3A_1259, %get3A_1260] {strides = array<i32>} : memref<128x64xf32, #tpu.memory_space<vmem>>, vector<16xf32>,
        %scatter3A_1262 = arith.constant 0 : i32
        %scatter3A_1263 = arith.constant 0 : i32
        %scatter3A_1264 = tpu.memref_slice %arg8[%scan3A_926, %scatter3A_1262, %scatter3A_1263] : memref<2x64x129xf32, #tpu.memory_space<vmem>> -> memref<1x64x129xf32, #tpu.memory_space<vmem>>
        %scatter3A_1265 = tpu.memref_squeeze %scatter3A_1264 : memref<1x64x129xf32, #tpu.memory_space<vmem>> -> memref<64x129xf32, #tpu.memory_space<vmem>>
        tpu.vector_store_idx %scatter3A_1265[%add3A_11, %add3A_1243], %get3A_1261 : memref<64x129xf32, #tpu.memory_space<vmem>>[vector<16xi32>, vector<16xi32>], vector<16xf32>,
        %get3A_1266 = arith.constant 0 : i32
        %get3A_1267 = arith.constant 0 : i32
        %get3A_1268 = tpu.memref_slice %arg7[%scan3A_925, %get3A_1266, %get3A_1267] : memref<2x128x64xf32, #tpu.memory_space<vmem>> -> memref<1x128x64xf32, #tpu.memory_space<vmem>>
        %get3A_1269 = tpu.memref_squeeze %get3A_1268 : memref<1x128x64xf32, #tpu.memory_space<vmem>> -> memref<128x64xf32, #tpu.memory_space<vmem>>
        %get3A_1270 = arith.index_cast %scan3A_1238 : i32 to index
        %get3A_1271 = arith.constant 32 : index
        %get3A_1272 = tpu.vector_load %get3A_1269[%get3A_1270, %get3A_1271] {strides = array<i32>} : memref<128x64xf32, #tpu.memory_space<vmem>>, vector<16xf32>,
        %scatter3A_1273 = arith.constant 0 : i32
        %scatter3A_1274 = arith.constant 0 : i32
        %scatter3A_1275 = tpu.memref_slice %arg8[%scan3A_926, %scatter3A_1273, %scatter3A_1274] : memref<2x64x129xf32, #tpu.memory_space<vmem>> -> memref<1x64x129xf32, #tpu.memory_space<vmem>>
        %scatter3A_1276 = tpu.memref_squeeze %scatter3A_1275 : memref<1x64x129xf32, #tpu.memory_space<vmem>> -> memref<64x129xf32, #tpu.memory_space<vmem>>
        tpu.vector_store_idx %scatter3A_1276[%add3A_14, %add3A_1243], %get3A_1272 : memref<64x129xf32, #tpu.memory_space<vmem>>[vector<16xi32>, vector<16xi32>], vector<16xf32>,
        %get3A_1277 = arith.constant 0 : i32
        %get3A_1278 = arith.constant 0 : i32
        %get3A_1279 = tpu.memref_slice %arg7[%scan3A_925, %get3A_1277, %get3A_1278] : memref<2x128x64xf32, #tpu.memory_space<vmem>> -> memref<1x128x64xf32, #tpu.memory_space<vmem>>
        %get3A_1280 = tpu.memref_squeeze %get3A_1279 : memref<1x128x64xf32, #tpu.memory_space<vmem>> -> memref<128x64xf32, #tpu.memory_space<vmem>>
        %get3A_1281 = arith.index_cast %scan3A_1238 : i32 to index
        %get3A_1282 = arith.constant 48 : index
        %get3A_1283 = tpu.vector_load %get3A_1280[%get3A_1281, %get3A_1282] {strides = array<i32>} : memref<128x64xf32, #tpu.memory_space<vmem>>, vector<16xf32>,
        %scatter3A_1284 = arith.constant 0 : i32
        %scatter3A_1285 = arith.constant 0 : i32
        %scatter3A_1286 = tpu.memref_slice %arg8[%scan3A_926, %scatter3A_1284, %scatter3A_1285] : memref<2x64x129xf32, #tpu.memory_space<vmem>> -> memref<1x64x129xf32, #tpu.memory_space<vmem>>
        %scatter3A_1287 = tpu.memref_squeeze %scatter3A_1286 : memref<1x64x129xf32, #tpu.memory_space<vmem>> -> memref<64x129xf32, #tpu.memory_space<vmem>>
        tpu.vector_store_idx %scatter3A_1287[%add3A_17, %add3A_1243], %get3A_1283 : memref<64x129xf32, #tpu.memory_space<vmem>>[vector<16xi32>, vector<16xi32>], vector<16xf32>,
        %scan3A_1288 = arith.constant 4 : i32
        %scan3A_1289 = arith.addi %scan3A_1087, %scan3A_1288 : i32
        %mul3A_1290 = arith.constant 0 : i32
        %mul3A_1291 = vector.broadcast %mul3A_1290 : i32 to vector<16xi32>
        %mul3A_1292 = arith.muli %iota3A, %mul3A_1291 : vector<16xi32>
        %add3A_1293 = vector.broadcast %scan3A_1289 : i32 to vector<16xi32>
        %add3A_1294 = arith.addi %mul3A_1292, %add3A_1293 : vector<16xi32>
        %get3A_1295 = arith.constant 0 : i32
        %get3A_1296 = arith.constant 0 : i32
        %get3A_1297 = tpu.memref_slice %arg7[%scan3A_925, %get3A_1295, %get3A_1296] : memref<2x128x64xf32, #tpu.memory_space<vmem>> -> memref<1x128x64xf32, #tpu.memory_space<vmem>>
        %get3A_1298 = tpu.memref_squeeze %get3A_1297 : memref<1x128x64xf32, #tpu.memory_space<vmem>> -> memref<128x64xf32, #tpu.memory_space<vmem>>
        %get3A_1299 = arith.index_cast %scan3A_1289 : i32 to index
        %get3A_1300 = arith.constant 0 : index
        %get3A_1301 = tpu.vector_load %get3A_1298[%get3A_1299, %get3A_1300] {strides = array<i32>} : memref<128x64xf32, #tpu.memory_space<vmem>>, vector<16xf32>,
        %scatter3A_1302 = arith.constant 0 : i32
        %scatter3A_1303 = arith.constant 0 : i32
        %scatter3A_1304 = tpu.memref_slice %arg8[%scan3A_926, %scatter3A_1302, %scatter3A_1303] : memref<2x64x129xf32, #tpu.memory_space<vmem>> -> memref<1x64x129xf32, #tpu.memory_space<vmem>>
        %scatter3A_1305 = tpu.memref_squeeze %scatter3A_1304 : memref<1x64x129xf32, #tpu.memory_space<vmem>> -> memref<64x129xf32, #tpu.memory_space<vmem>>
        tpu.vector_store_idx %scatter3A_1305[%add3A_8, %add3A_1294], %get3A_1301 : memref<64x129xf32, #tpu.memory_space<vmem>>[vector<16xi32>, vector<16xi32>], vector<16xf32>,
        %get3A_1306 = arith.constant 0 : i32
        %get3A_1307 = arith.constant 0 : i32
        %get3A_1308 = tpu.memref_slice %arg7[%scan3A_925, %get3A_1306, %get3A_1307] : memref<2x128x64xf32, #tpu.memory_space<vmem>> -> memref<1x128x64xf32, #tpu.memory_space<vmem>>
        %get3A_1309 = tpu.memref_squeeze %get3A_1308 : memref<1x128x64xf32, #tpu.memory_space<vmem>> -> memref<128x64xf32, #tpu.memory_space<vmem>>
        %get3A_1310 = arith.index_cast %scan3A_1289 : i32 to index
        %get3A_1311 = arith.constant 16 : index
        %get3A_1312 = tpu.vector_load %get3A_1309[%get3A_1310, %get3A_1311] {strides = array<i32>} : memref<128x64xf32, #tpu.memory_space<vmem>>, vector<16xf32>,
        %scatter3A_1313 = arith.constant 0 : i32
        %scatter3A_1314 = arith.constant 0 : i32
        %scatter3A_1315 = tpu.memref_slice %arg8[%scan3A_926, %scatter3A_1313, %scatter3A_1314] : memref<2x64x129xf32, #tpu.memory_space<vmem>> -> memref<1x64x129xf32, #tpu.memory_space<vmem>>
        %scatter3A_1316 = tpu.memref_squeeze %scatter3A_1315 : memref<1x64x129xf32, #tpu.memory_space<vmem>> -> memref<64x129xf32, #tpu.memory_space<vmem>>
        tpu.vector_store_idx %scatter3A_1316[%add3A_11, %add3A_1294], %get3A_1312 : memref<64x129xf32, #tpu.memory_space<vmem>>[vector<16xi32>, vector<16xi32>], vector<16xf32>,
        %get3A_1317 = arith.constant 0 : i32
        %get3A_1318 = arith.constant 0 : i32
        %get3A_1319 = tpu.memref_slice %arg7[%scan3A_925, %get3A_1317, %get3A_1318] : memref<2x128x64xf32, #tpu.memory_space<vmem>> -> memref<1x128x64xf32, #tpu.memory_space<vmem>>
        %get3A_1320 = tpu.memref_squeeze %get3A_1319 : memref<1x128x64xf32, #tpu.memory_space<vmem>> -> memref<128x64xf32, #tpu.memory_space<vmem>>
        %get3A_1321 = arith.index_cast %scan3A_1289 : i32 to index
        %get3A_1322 = arith.constant 32 : index
        %get3A_1323 = tpu.vector_load %get3A_1320[%get3A_1321, %get3A_1322] {strides = array<i32>} : memref<128x64xf32, #tpu.memory_space<vmem>>, vector<16xf32>,
        %scatter3A_1324 = arith.constant 0 : i32
        %scatter3A_1325 = arith.constant 0 : i32
        %scatter3A_1326 = tpu.memref_slice %arg8[%scan3A_926, %scatter3A_1324, %scatter3A_1325] : memref<2x64x129xf32, #tpu.memory_space<vmem>> -> memref<1x64x129xf32, #tpu.memory_space<vmem>>
        %scatter3A_1327 = tpu.memref_squeeze %scatter3A_1326 : memref<1x64x129xf32, #tpu.memory_space<vmem>> -> memref<64x129xf32, #tpu.memory_space<vmem>>
        tpu.vector_store_idx %scatter3A_1327[%add3A_14, %add3A_1294], %get3A_1323 : memref<64x129xf32, #tpu.memory_space<vmem>>[vector<16xi32>, vector<16xi32>], vector<16xf32>,
        %get3A_1328 = arith.constant 0 : i32
        %get3A_1329 = arith.constant 0 : i32
        %get3A_1330 = tpu.memref_slice %arg7[%scan3A_925, %get3A_1328, %get3A_1329] : memref<2x128x64xf32, #tpu.memory_space<vmem>> -> memref<1x128x64xf32, #tpu.memory_space<vmem>>
        %get3A_1331 = tpu.memref_squeeze %get3A_1330 : memref<1x128x64xf32, #tpu.memory_space<vmem>> -> memref<128x64xf32, #tpu.memory_space<vmem>>
        %get3A_1332 = arith.index_cast %scan3A_1289 : i32 to index
        %get3A_1333 = arith.constant 48 : index
        %get3A_1334 = tpu.vector_load %get3A_1331[%get3A_1332, %get3A_1333] {strides = array<i32>} : memref<128x64xf32, #tpu.memory_space<vmem>>, vector<16xf32>,
        %scatter3A_1335 = arith.constant 0 : i32
        %scatter3A_1336 = arith.constant 0 : i32
        %scatter3A_1337 = tpu.memref_slice %arg8[%scan3A_926, %scatter3A_1335, %scatter3A_1336] : memref<2x64x129xf32, #tpu.memory_space<vmem>> -> memref<1x64x129xf32, #tpu.memory_space<vmem>>
        %scatter3A_1338 = tpu.memref_squeeze %scatter3A_1337 : memref<1x64x129xf32, #tpu.memory_space<vmem>> -> memref<64x129xf32, #tpu.memory_space<vmem>>
        tpu.vector_store_idx %scatter3A_1338[%add3A_17, %add3A_1294], %get3A_1334 : memref<64x129xf32, #tpu.memory_space<vmem>>[vector<16xi32>, vector<16xi32>], vector<16xf32>,
        %scan3A_1339 = arith.constant 5 : i32
        %scan3A_1340 = arith.addi %scan3A_1087, %scan3A_1339 : i32
        %mul3A_1341 = arith.constant 0 : i32
        %mul3A_1342 = vector.broadcast %mul3A_1341 : i32 to vector<16xi32>
        %mul3A_1343 = arith.muli %iota3A, %mul3A_1342 : vector<16xi32>
        %add3A_1344 = vector.broadcast %scan3A_1340 : i32 to vector<16xi32>
        %add3A_1345 = arith.addi %mul3A_1343, %add3A_1344 : vector<16xi32>
        %get3A_1346 = arith.constant 0 : i32
        %get3A_1347 = arith.constant 0 : i32
        %get3A_1348 = tpu.memref_slice %arg7[%scan3A_925, %get3A_1346, %get3A_1347] : memref<2x128x64xf32, #tpu.memory_space<vmem>> -> memref<1x128x64xf32, #tpu.memory_space<vmem>>
        %get3A_1349 = tpu.memref_squeeze %get3A_1348 : memref<1x128x64xf32, #tpu.memory_space<vmem>> -> memref<128x64xf32, #tpu.memory_space<vmem>>
        %get3A_1350 = arith.index_cast %scan3A_1340 : i32 to index
        %get3A_1351 = arith.constant 0 : index
        %get3A_1352 = tpu.vector_load %get3A_1349[%get3A_1350, %get3A_1351] {strides = array<i32>} : memref<128x64xf32, #tpu.memory_space<vmem>>, vector<16xf32>,
        %scatter3A_1353 = arith.constant 0 : i32
        %scatter3A_1354 = arith.constant 0 : i32
        %scatter3A_1355 = tpu.memref_slice %arg8[%scan3A_926, %scatter3A_1353, %scatter3A_1354] : memref<2x64x129xf32, #tpu.memory_space<vmem>> -> memref<1x64x129xf32, #tpu.memory_space<vmem>>
        %scatter3A_1356 = tpu.memref_squeeze %scatter3A_1355 : memref<1x64x129xf32, #tpu.memory_space<vmem>> -> memref<64x129xf32, #tpu.memory_space<vmem>>
        tpu.vector_store_idx %scatter3A_1356[%add3A_8, %add3A_1345], %get3A_1352 : memref<64x129xf32, #tpu.memory_space<vmem>>[vector<16xi32>, vector<16xi32>], vector<16xf32>,
        %get3A_1357 = arith.constant 0 : i32
        %get3A_1358 = arith.constant 0 : i32
        %get3A_1359 = tpu.memref_slice %arg7[%scan3A_925, %get3A_1357, %get3A_1358] : memref<2x128x64xf32, #tpu.memory_space<vmem>> -> memref<1x128x64xf32, #tpu.memory_space<vmem>>
        %get3A_1360 = tpu.memref_squeeze %get3A_1359 : memref<1x128x64xf32, #tpu.memory_space<vmem>> -> memref<128x64xf32, #tpu.memory_space<vmem>>
        %get3A_1361 = arith.index_cast %scan3A_1340 : i32 to index
        %get3A_1362 = arith.constant 16 : index
        %get3A_1363 = tpu.vector_load %get3A_1360[%get3A_1361, %get3A_1362] {strides = array<i32>} : memref<128x64xf32, #tpu.memory_space<vmem>>, vector<16xf32>,
        %scatter3A_1364 = arith.constant 0 : i32
        %scatter3A_1365 = arith.constant 0 : i32
        %scatter3A_1366 = tpu.memref_slice %arg8[%scan3A_926, %scatter3A_1364, %scatter3A_1365] : memref<2x64x129xf32, #tpu.memory_space<vmem>> -> memref<1x64x129xf32, #tpu.memory_space<vmem>>
        %scatter3A_1367 = tpu.memref_squeeze %scatter3A_1366 : memref<1x64x129xf32, #tpu.memory_space<vmem>> -> memref<64x129xf32, #tpu.memory_space<vmem>>
        tpu.vector_store_idx %scatter3A_1367[%add3A_11, %add3A_1345], %get3A_1363 : memref<64x129xf32, #tpu.memory_space<vmem>>[vector<16xi32>, vector<16xi32>], vector<16xf32>,
        %get3A_1368 = arith.constant 0 : i32
        %get3A_1369 = arith.constant 0 : i32
        %get3A_1370 = tpu.memref_slice %arg7[%scan3A_925, %get3A_1368, %get3A_1369] : memref<2x128x64xf32, #tpu.memory_space<vmem>> -> memref<1x128x64xf32, #tpu.memory_space<vmem>>
        %get3A_1371 = tpu.memref_squeeze %get3A_1370 : memref<1x128x64xf32, #tpu.memory_space<vmem>> -> memref<128x64xf32, #tpu.memory_space<vmem>>
        %get3A_1372 = arith.index_cast %scan3A_1340 : i32 to index
        %get3A_1373 = arith.constant 32 : index
        %get3A_1374 = tpu.vector_load %get3A_1371[%get3A_1372, %get3A_1373] {strides = array<i32>} : memref<128x64xf32, #tpu.memory_space<vmem>>, vector<16xf32>,
        %scatter3A_1375 = arith.constant 0 : i32
        %scatter3A_1376 = arith.constant 0 : i32
        %scatter3A_1377 = tpu.memref_slice %arg8[%scan3A_926, %scatter3A_1375, %scatter3A_1376] : memref<2x64x129xf32, #tpu.memory_space<vmem>> -> memref<1x64x129xf32, #tpu.memory_space<vmem>>
        %scatter3A_1378 = tpu.memref_squeeze %scatter3A_1377 : memref<1x64x129xf32, #tpu.memory_space<vmem>> -> memref<64x129xf32, #tpu.memory_space<vmem>>
        tpu.vector_store_idx %scatter3A_1378[%add3A_14, %add3A_1345], %get3A_1374 : memref<64x129xf32, #tpu.memory_space<vmem>>[vector<16xi32>, vector<16xi32>], vector<16xf32>,
        %get3A_1379 = arith.constant 0 : i32
        %get3A_1380 = arith.constant 0 : i32
        %get3A_1381 = tpu.memref_slice %arg7[%scan3A_925, %get3A_1379, %get3A_1380] : memref<2x128x64xf32, #tpu.memory_space<vmem>> -> memref<1x128x64xf32, #tpu.memory_space<vmem>>
        %get3A_1382 = tpu.memref_squeeze %get3A_1381 : memref<1x128x64xf32, #tpu.memory_space<vmem>> -> memref<128x64xf32, #tpu.memory_space<vmem>>
        %get3A_1383 = arith.index_cast %scan3A_1340 : i32 to index
        %get3A_1384 = arith.constant 48 : index
        %get3A_1385 = tpu.vector_load %get3A_1382[%get3A_1383, %get3A_1384] {strides = array<i32>} : memref<128x64xf32, #tpu.memory_space<vmem>>, vector<16xf32>,
        %scatter3A_1386 = arith.constant 0 : i32
        %scatter3A_1387 = arith.constant 0 : i32
        %scatter3A_1388 = tpu.memref_slice %arg8[%scan3A_926, %scatter3A_1386, %scatter3A_1387] : memref<2x64x129xf32, #tpu.memory_space<vmem>> -> memref<1x64x129xf32, #tpu.memory_space<vmem>>
        %scatter3A_1389 = tpu.memref_squeeze %scatter3A_1388 : memref<1x64x129xf32, #tpu.memory_space<vmem>> -> memref<64x129xf32, #tpu.memory_space<vmem>>
        tpu.vector_store_idx %scatter3A_1389[%add3A_17, %add3A_1345], %get3A_1385 : memref<64x129xf32, #tpu.memory_space<vmem>>[vector<16xi32>, vector<16xi32>], vector<16xf32>,
        %scan3A_1390 = arith.constant 6 : i32
        %scan3A_1391 = arith.addi %scan3A_1087, %scan3A_1390 : i32
        %mul3A_1392 = arith.constant 0 : i32
        %mul3A_1393 = vector.broadcast %mul3A_1392 : i32 to vector<16xi32>
        %mul3A_1394 = arith.muli %iota3A, %mul3A_1393 : vector<16xi32>
        %add3A_1395 = vector.broadcast %scan3A_1391 : i32 to vector<16xi32>
        %add3A_1396 = arith.addi %mul3A_1394, %add3A_1395 : vector<16xi32>
        %get3A_1397 = arith.constant 0 : i32
        %get3A_1398 = arith.constant 0 : i32
        %get3A_1399 = tpu.memref_slice %arg7[%scan3A_925, %get3A_1397, %get3A_1398] : memref<2x128x64xf32, #tpu.memory_space<vmem>> -> memref<1x128x64xf32, #tpu.memory_space<vmem>>
        %get3A_1400 = tpu.memref_squeeze %get3A_1399 : memref<1x128x64xf32, #tpu.memory_space<vmem>> -> memref<128x64xf32, #tpu.memory_space<vmem>>
        %get3A_1401 = arith.index_cast %scan3A_1391 : i32 to index
        %get3A_1402 = arith.constant 0 : index
        %get3A_1403 = tpu.vector_load %get3A_1400[%get3A_1401, %get3A_1402] {strides = array<i32>} : memref<128x64xf32, #tpu.memory_space<vmem>>, vector<16xf32>,
        %scatter3A_1404 = arith.constant 0 : i32
        %scatter3A_1405 = arith.constant 0 : i32
        %scatter3A_1406 = tpu.memref_slice %arg8[%scan3A_926, %scatter3A_1404, %scatter3A_1405] : memref<2x64x129xf32, #tpu.memory_space<vmem>> -> memref<1x64x129xf32, #tpu.memory_space<vmem>>
        %scatter3A_1407 = tpu.memref_squeeze %scatter3A_1406 : memref<1x64x129xf32, #tpu.memory_space<vmem>> -> memref<64x129xf32, #tpu.memory_space<vmem>>
        tpu.vector_store_idx %scatter3A_1407[%add3A_8, %add3A_1396], %get3A_1403 : memref<64x129xf32, #tpu.memory_space<vmem>>[vector<16xi32>, vector<16xi32>], vector<16xf32>,
        %get3A_1408 = arith.constant 0 : i32
        %get3A_1409 = arith.constant 0 : i32
        %get3A_1410 = tpu.memref_slice %arg7[%scan3A_925, %get3A_1408, %get3A_1409] : memref<2x128x64xf32, #tpu.memory_space<vmem>> -> memref<1x128x64xf32, #tpu.memory_space<vmem>>
        %get3A_1411 = tpu.memref_squeeze %get3A_1410 : memref<1x128x64xf32, #tpu.memory_space<vmem>> -> memref<128x64xf32, #tpu.memory_space<vmem>>
        %get3A_1412 = arith.index_cast %scan3A_1391 : i32 to index
        %get3A_1413 = arith.constant 16 : index
        %get3A_1414 = tpu.vector_load %get3A_1411[%get3A_1412, %get3A_1413] {strides = array<i32>} : memref<128x64xf32, #tpu.memory_space<vmem>>, vector<16xf32>,
        %scatter3A_1415 = arith.constant 0 : i32
        %scatter3A_1416 = arith.constant 0 : i32
        %scatter3A_1417 = tpu.memref_slice %arg8[%scan3A_926, %scatter3A_1415, %scatter3A_1416] : memref<2x64x129xf32, #tpu.memory_space<vmem>> -> memref<1x64x129xf32, #tpu.memory_space<vmem>>
        %scatter3A_1418 = tpu.memref_squeeze %scatter3A_1417 : memref<1x64x129xf32, #tpu.memory_space<vmem>> -> memref<64x129xf32, #tpu.memory_space<vmem>>
        tpu.vector_store_idx %scatter3A_1418[%add3A_11, %add3A_1396], %get3A_1414 : memref<64x129xf32, #tpu.memory_space<vmem>>[vector<16xi32>, vector<16xi32>], vector<16xf32>,
        %get3A_1419 = arith.constant 0 : i32
        %get3A_1420 = arith.constant 0 : i32
        %get3A_1421 = tpu.memref_slice %arg7[%scan3A_925, %get3A_1419, %get3A_1420] : memref<2x128x64xf32, #tpu.memory_space<vmem>> -> memref<1x128x64xf32, #tpu.memory_space<vmem>>
        %get3A_1422 = tpu.memref_squeeze %get3A_1421 : memref<1x128x64xf32, #tpu.memory_space<vmem>> -> memref<128x64xf32, #tpu.memory_space<vmem>>
        %get3A_1423 = arith.index_cast %scan3A_1391 : i32 to index
        %get3A_1424 = arith.constant 32 : index
        %get3A_1425 = tpu.vector_load %get3A_1422[%get3A_1423, %get3A_1424] {strides = array<i32>} : memref<128x64xf32, #tpu.memory_space<vmem>>, vector<16xf32>,
        %scatter3A_1426 = arith.constant 0 : i32
        %scatter3A_1427 = arith.constant 0 : i32
        %scatter3A_1428 = tpu.memref_slice %arg8[%scan3A_926, %scatter3A_1426, %scatter3A_1427] : memref<2x64x129xf32, #tpu.memory_space<vmem>> -> memref<1x64x129xf32, #tpu.memory_space<vmem>>
        %scatter3A_1429 = tpu.memref_squeeze %scatter3A_1428 : memref<1x64x129xf32, #tpu.memory_space<vmem>> -> memref<64x129xf32, #tpu.memory_space<vmem>>
        tpu.vector_store_idx %scatter3A_1429[%add3A_14, %add3A_1396], %get3A_1425 : memref<64x129xf32, #tpu.memory_space<vmem>>[vector<16xi32>, vector<16xi32>], vector<16xf32>,
        %get3A_1430 = arith.constant 0 : i32
        %get3A_1431 = arith.constant 0 : i32
        %get3A_1432 = tpu.memref_slice %arg7[%scan3A_925, %get3A_1430, %get3A_1431] : memref<2x128x64xf32, #tpu.memory_space<vmem>> -> memref<1x128x64xf32, #tpu.memory_space<vmem>>
        %get3A_1433 = tpu.memref_squeeze %get3A_1432 : memref<1x128x64xf32, #tpu.memory_space<vmem>> -> memref<128x64xf32, #tpu.memory_space<vmem>>
        %get3A_1434 = arith.index_cast %scan3A_1391 : i32 to index
        %get3A_1435 = arith.constant 48 : index
        %get3A_1436 = tpu.vector_load %get3A_1433[%get3A_1434, %get3A_1435] {strides = array<i32>} : memref<128x64xf32, #tpu.memory_space<vmem>>, vector<16xf32>,
        %scatter3A_1437 = arith.constant 0 : i32
        %scatter3A_1438 = arith.constant 0 : i32
        %scatter3A_1439 = tpu.memref_slice %arg8[%scan3A_926, %scatter3A_1437, %scatter3A_1438] : memref<2x64x129xf32, #tpu.memory_space<vmem>> -> memref<1x64x129xf32, #tpu.memory_space<vmem>>
        %scatter3A_1440 = tpu.memref_squeeze %scatter3A_1439 : memref<1x64x129xf32, #tpu.memory_space<vmem>> -> memref<64x129xf32, #tpu.memory_space<vmem>>
        tpu.vector_store_idx %scatter3A_1440[%add3A_17, %add3A_1396], %get3A_1436 : memref<64x129xf32, #tpu.memory_space<vmem>>[vector<16xi32>, vector<16xi32>], vector<16xf32>,
        %scan3A_1441 = arith.constant 7 : i32
        %scan3A_1442 = arith.addi %scan3A_1087, %scan3A_1441 : i32
        %mul3A_1443 = arith.constant 0 : i32
        %mul3A_1444 = vector.broadcast %mul3A_1443 : i32 to vector<16xi32>
        %mul3A_1445 = arith.muli %iota3A, %mul3A_1444 : vector<16xi32>
        %add3A_1446 = vector.broadcast %scan3A_1442 : i32 to vector<16xi32>
        %add3A_1447 = arith.addi %mul3A_1445, %add3A_1446 : vector<16xi32>
        %get3A_1448 = arith.constant 0 : i32
        %get3A_1449 = arith.constant 0 : i32
        %get3A_1450 = tpu.memref_slice %arg7[%scan3A_925, %get3A_1448, %get3A_1449] : memref<2x128x64xf32, #tpu.memory_space<vmem>> -> memref<1x128x64xf32, #tpu.memory_space<vmem>>
        %get3A_1451 = tpu.memref_squeeze %get3A_1450 : memref<1x128x64xf32, #tpu.memory_space<vmem>> -> memref<128x64xf32, #tpu.memory_space<vmem>>
        %get3A_1452 = arith.index_cast %scan3A_1442 : i32 to index
        %get3A_1453 = arith.constant 0 : index
        %get3A_1454 = tpu.vector_load %get3A_1451[%get3A_1452, %get3A_1453] {strides = array<i32>} : memref<128x64xf32, #tpu.memory_space<vmem>>, vector<16xf32>,
        %scatter3A_1455 = arith.constant 0 : i32
        %scatter3A_1456 = arith.constant 0 : i32
        %scatter3A_1457 = tpu.memref_slice %arg8[%scan3A_926, %scatter3A_1455, %scatter3A_1456] : memref<2x64x129xf32, #tpu.memory_space<vmem>> -> memref<1x64x129xf32, #tpu.memory_space<vmem>>
        %scatter3A_1458 = tpu.memref_squeeze %scatter3A_1457 : memref<1x64x129xf32, #tpu.memory_space<vmem>> -> memref<64x129xf32, #tpu.memory_space<vmem>>
        tpu.vector_store_idx %scatter3A_1458[%add3A_8, %add3A_1447], %get3A_1454 : memref<64x129xf32, #tpu.memory_space<vmem>>[vector<16xi32>, vector<16xi32>], vector<16xf32>,
        %get3A_1459 = arith.constant 0 : i32
        %get3A_1460 = arith.constant 0 : i32
        %get3A_1461 = tpu.memref_slice %arg7[%scan3A_925, %get3A_1459, %get3A_1460] : memref<2x128x64xf32, #tpu.memory_space<vmem>> -> memref<1x128x64xf32, #tpu.memory_space<vmem>>
        %get3A_1462 = tpu.memref_squeeze %get3A_1461 : memref<1x128x64xf32, #tpu.memory_space<vmem>> -> memref<128x64xf32, #tpu.memory_space<vmem>>
        %get3A_1463 = arith.index_cast %scan3A_1442 : i32 to index
        %get3A_1464 = arith.constant 16 : index
        %get3A_1465 = tpu.vector_load %get3A_1462[%get3A_1463, %get3A_1464] {strides = array<i32>} : memref<128x64xf32, #tpu.memory_space<vmem>>, vector<16xf32>,
        %scatter3A_1466 = arith.constant 0 : i32
        %scatter3A_1467 = arith.constant 0 : i32
        %scatter3A_1468 = tpu.memref_slice %arg8[%scan3A_926, %scatter3A_1466, %scatter3A_1467] : memref<2x64x129xf32, #tpu.memory_space<vmem>> -> memref<1x64x129xf32, #tpu.memory_space<vmem>>
        %scatter3A_1469 = tpu.memref_squeeze %scatter3A_1468 : memref<1x64x129xf32, #tpu.memory_space<vmem>> -> memref<64x129xf32, #tpu.memory_space<vmem>>
        tpu.vector_store_idx %scatter3A_1469[%add3A_11, %add3A_1447], %get3A_1465 : memref<64x129xf32, #tpu.memory_space<vmem>>[vector<16xi32>, vector<16xi32>], vector<16xf32>,
        %get3A_1470 = arith.constant 0 : i32
        %get3A_1471 = arith.constant 0 : i32
        %get3A_1472 = tpu.memref_slice %arg7[%scan3A_925, %get3A_1470, %get3A_1471] : memref<2x128x64xf32, #tpu.memory_space<vmem>> -> memref<1x128x64xf32, #tpu.memory_space<vmem>>
        %get3A_1473 = tpu.memref_squeeze %get3A_1472 : memref<1x128x64xf32, #tpu.memory_space<vmem>> -> memref<128x64xf32, #tpu.memory_space<vmem>>
        %get3A_1474 = arith.index_cast %scan3A_1442 : i32 to index
        %get3A_1475 = arith.constant 32 : index
        %get3A_1476 = tpu.vector_load %get3A_1473[%get3A_1474, %get3A_1475] {strides = array<i32>} : memref<128x64xf32, #tpu.memory_space<vmem>>, vector<16xf32>,
        %scatter3A_1477 = arith.constant 0 : i32
        %scatter3A_1478 = arith.constant 0 : i32
        %scatter3A_1479 = tpu.memref_slice %arg8[%scan3A_926, %scatter3A_1477, %scatter3A_1478] : memref<2x64x129xf32, #tpu.memory_space<vmem>> -> memref<1x64x129xf32, #tpu.memory_space<vmem>>
        %scatter3A_1480 = tpu.memref_squeeze %scatter3A_1479 : memref<1x64x129xf32, #tpu.memory_space<vmem>> -> memref<64x129xf32, #tpu.memory_space<vmem>>
        tpu.vector_store_idx %scatter3A_1480[%add3A_14, %add3A_1447], %get3A_1476 : memref<64x129xf32, #tpu.memory_space<vmem>>[vector<16xi32>, vector<16xi32>], vector<16xf32>,
        %get3A_1481 = arith.constant 0 : i32
        %get3A_1482 = arith.constant 0 : i32
        %get3A_1483 = tpu.memref_slice %arg7[%scan3A_925, %get3A_1481, %get3A_1482] : memref<2x128x64xf32, #tpu.memory_space<vmem>> -> memref<1x128x64xf32, #tpu.memory_space<vmem>>
        %get3A_1484 = tpu.memref_squeeze %get3A_1483 : memref<1x128x64xf32, #tpu.memory_space<vmem>> -> memref<128x64xf32, #tpu.memory_space<vmem>>
        %get3A_1485 = arith.index_cast %scan3A_1442 : i32 to index
        %get3A_1486 = arith.constant 48 : index
        %get3A_1487 = tpu.vector_load %get3A_1484[%get3A_1485, %get3A_1486] {strides = array<i32>} : memref<128x64xf32, #tpu.memory_space<vmem>>, vector<16xf32>,
        %scatter3A_1488 = arith.constant 0 : i32
        %scatter3A_1489 = arith.constant 0 : i32
        %scatter3A_1490 = tpu.memref_slice %arg8[%scan3A_926, %scatter3A_1488, %scatter3A_1489] : memref<2x64x129xf32, #tpu.memory_space<vmem>> -> memref<1x64x129xf32, #tpu.memory_space<vmem>>
        %scatter3A_1491 = tpu.memref_squeeze %scatter3A_1490 : memref<1x64x129xf32, #tpu.memory_space<vmem>> -> memref<64x129xf32, #tpu.memory_space<vmem>>
        tpu.vector_store_idx %scatter3A_1491[%add3A_17, %add3A_1447], %get3A_1487 : memref<64x129xf32, #tpu.memory_space<vmem>>[vector<16xi32>, vector<16xi32>], vector<16xf32>,
      }
      %scan3A_931 = arith.constant 128 : i32
      %mul3A_932 = arith.constant 4 : i32
      %mul3A_933 = arith.muli %add3A, %mul3A_932 : i32
      %add3A_934 = arith.addi %mul3A_933, %select_n3A_791 : i32
      %dma_start3A_935 = arith.constant 1 : i32
      %dma_start3A_936 = arith.constant 0 : i32
      %dma_start3A_937 = arith.constant 0 : i32
      %dma_start3A_938 = arith.constant 0 : i32
      %dma_start3A_939 = tpu.memref_slice %arg8[%dma_start3A_935, %dma_start3A_937, %dma_start3A_938] : memref<2x64x129xf32, #tpu.memory_space<vmem>> -> memref<1x8x128xf32, #tpu.memory_space<vmem>>
      %dma_start3A_940 = tpu.memref_squeeze %dma_start3A_939 : memref<1x8x128xf32, #tpu.memory_space<vmem>> -> memref<8x128xf32, #tpu.memory_space<vmem>>
      %dma_start3A_941 = arith.constant 0 : i32
      %dma_start3A_942 = arith.constant 0 : i32
      %dma_start3A_943 = tpu.memref_slice %arg4[%select_n3A_807, %dma_start3A_936, %add3A_934, %dma_start3A_941, %dma_start3A_942] : memref<50x8x128x8x128xf32, #tpu.memory_space<hbm>> -> memref<1x1x1x8x128xf32, #tpu.memory_space<hbm>>
      %dma_start3A_944 = tpu.memref_squeeze %dma_start3A_943 : memref<1x1x1x8x128xf32, #tpu.memory_space<hbm>> -> memref<8x128xf32, #tpu.memory_space<hbm>>
      %dma_start3A_945 = arith.constant 0 : i32
      %dma_start3A_946 = arith.constant 0 : i32
      %dma_start3A_947 = tpu.memref_slice %arg4[%select_n3A_807, %dma_start3A_936, %add3A_934, %dma_start3A_945, %dma_start3A_946] : memref<50x8x128x8x128xf32, #tpu.memory_space<hbm>> -> memref<1x1x1x8x128xf32, #tpu.memory_space<hbm>>
      %dma_start3A_948 = tpu.memref_squeeze %dma_start3A_947 : memref<1x1x1x8x128xf32, #tpu.memory_space<hbm>> -> memref<8x128xf32, #tpu.memory_space<hbm>>
      %dma_start3A_949 = arith.constant 0 : i32
      %dma_start3A_950 = arith.constant 0 : i32
      %dma_start3A_951 = tpu.memref_slice %arg8[%dma_start3A_935, %dma_start3A_949, %dma_start3A_950] : memref<2x64x129xf32, #tpu.memory_space<vmem>> -> memref<1x8x128xf32, #tpu.memory_space<vmem>>
      %dma_start3A_952 = tpu.memref_squeeze %dma_start3A_951 : memref<1x8x128xf32, #tpu.memory_space<vmem>> -> memref<8x128xf32, #tpu.memory_space<vmem>>
      tpu.enqueue_dma source(%dma_start3A_952 : memref<8x128xf32, #tpu.memory_space<vmem>>) target(%dma_start3A_948 : memref<8x128xf32, #tpu.memory_space<hbm>>) target_semaphore(%arg11 : memref<!tpu.dma_semaphore, #tpu.memory_space<semaphore_mem>>)
      %dma_start3A_953 = arith.constant 1 : i32
      %dma_start3A_954 = arith.constant 1 : i32
      %dma_start3A_955 = arith.constant 8 : i32
      %dma_start3A_956 = arith.constant 0 : i32
      %dma_start3A_957 = tpu.memref_slice %arg8[%dma_start3A_953, %dma_start3A_955, %dma_start3A_956] : memref<2x64x129xf32, #tpu.memory_space<vmem>> -> memref<1x8x128xf32, #tpu.memory_space<vmem>>
      %dma_start3A_958 = tpu.memref_squeeze %dma_start3A_957 : memref<1x8x128xf32, #tpu.memory_space<vmem>> -> memref<8x128xf32, #tpu.memory_space<vmem>>
      %dma_start3A_959 = arith.constant 0 : i32
      %dma_start3A_960 = arith.constant 0 : i32
      %dma_start3A_961 = tpu.memref_slice %arg4[%select_n3A_807, %dma_start3A_954, %add3A_934, %dma_start3A_959, %dma_start3A_960] : memref<50x8x128x8x128xf32, #tpu.memory_space<hbm>> -> memref<1x1x1x8x128xf32, #tpu.memory_space<hbm>>
      %dma_start3A_962 = tpu.memref_squeeze %dma_start3A_961 : memref<1x1x1x8x128xf32, #tpu.memory_space<hbm>> -> memref<8x128xf32, #tpu.memory_space<hbm>>
      %dma_start3A_963 = arith.constant 0 : i32
      %dma_start3A_964 = arith.constant 0 : i32
      %dma_start3A_965 = tpu.memref_slice %arg4[%select_n3A_807, %dma_start3A_954, %add3A_934, %dma_start3A_963, %dma_start3A_964] : memref<50x8x128x8x128xf32, #tpu.memory_space<hbm>> -> memref<1x1x1x8x128xf32, #tpu.memory_space<hbm>>
      %dma_start3A_966 = tpu.memref_squeeze %dma_start3A_965 : memref<1x1x1x8x128xf32, #tpu.memory_space<hbm>> -> memref<8x128xf32, #tpu.memory_space<hbm>>
      %dma_start3A_967 = arith.constant 8 : i32
      %dma_start3A_968 = arith.constant 0 : i32
      %dma_start3A_969 = tpu.memref_slice %arg8[%dma_start3A_953, %dma_start3A_967, %dma_start3A_968] : memref<2x64x129xf32, #tpu.memory_space<vmem>> -> memref<1x8x128xf32, #tpu.memory_space<vmem>>
      %dma_start3A_970 = tpu.memref_squeeze %dma_start3A_969 : memref<1x8x128xf32, #tpu.memory_space<vmem>> -> memref<8x128xf32, #tpu.memory_space<vmem>>
      tpu.enqueue_dma source(%dma_start3A_970 : memref<8x128xf32, #tpu.memory_space<vmem>>) target(%dma_start3A_966 : memref<8x128xf32, #tpu.memory_space<hbm>>) target_semaphore(%arg11 : memref<!tpu.dma_semaphore, #tpu.memory_space<semaphore_mem>>)
      %dma_start3A_971 = arith.constant 1 : i32
      %dma_start3A_972 = arith.constant 2 : i32
      %dma_start3A_973 = arith.constant 16 : i32
      %dma_start3A_974 = arith.constant 0 : i32
      %dma_start3A_975 = tpu.memref_slice %arg8[%dma_start3A_971, %dma_start3A_973, %dma_start3A_974] : memref<2x64x129xf32, #tpu.memory_space<vmem>> -> memref<1x8x128xf32, #tpu.memory_space<vmem>>
      %dma_start3A_976 = tpu.memref_squeeze %dma_start3A_975 : memref<1x8x128xf32, #tpu.memory_space<vmem>> -> memref<8x128xf32, #tpu.memory_space<vmem>>
      %dma_start3A_977 = arith.constant 0 : i32
      %dma_start3A_978 = arith.constant 0 : i32
      %dma_start3A_979 = tpu.memref_slice %arg4[%select_n3A_807, %dma_start3A_972, %add3A_934, %dma_start3A_977, %dma_start3A_978] : memref<50x8x128x8x128xf32, #tpu.memory_space<hbm>> -> memref<1x1x1x8x128xf32, #tpu.memory_space<hbm>>
      %dma_start3A_980 = tpu.memref_squeeze %dma_start3A_979 : memref<1x1x1x8x128xf32, #tpu.memory_space<hbm>> -> memref<8x128xf32, #tpu.memory_space<hbm>>
      %dma_start3A_981 = arith.constant 0 : i32
      %dma_start3A_982 = arith.constant 0 : i32
      %dma_start3A_983 = tpu.memref_slice %arg4[%select_n3A_807, %dma_start3A_972, %add3A_934, %dma_start3A_981, %dma_start3A_982] : memref<50x8x128x8x128xf32, #tpu.memory_space<hbm>> -> memref<1x1x1x8x128xf32, #tpu.memory_space<hbm>>
      %dma_start3A_984 = tpu.memref_squeeze %dma_start3A_983 : memref<1x1x1x8x128xf32, #tpu.memory_space<hbm>> -> memref<8x128xf32, #tpu.memory_space<hbm>>
      %dma_start3A_985 = arith.constant 16 : i32
      %dma_start3A_986 = arith.constant 0 : i32
      %dma_start3A_987 = tpu.memref_slice %arg8[%dma_start3A_971, %dma_start3A_985, %dma_start3A_986] : memref<2x64x129xf32, #tpu.memory_space<vmem>> -> memref<1x8x128xf32, #tpu.memory_space<vmem>>
      %dma_start3A_988 = tpu.memref_squeeze %dma_start3A_987 : memref<1x8x128xf32, #tpu.memory_space<vmem>> -> memref<8x128xf32, #tpu.memory_space<vmem>>
      tpu.enqueue_dma source(%dma_start3A_988 : memref<8x128xf32, #tpu.memory_space<vmem>>) target(%dma_start3A_984 : memref<8x128xf32, #tpu.memory_space<hbm>>) target_semaphore(%arg11 : memref<!tpu.dma_semaphore, #tpu.memory_space<semaphore_mem>>)
      %dma_start3A_989 = arith.constant 1 : i32
      %dma_start3A_990 = arith.constant 3 : i32
      %dma_start3A_991 = arith.constant 24 : i32
      %dma_start3A_992 = arith.constant 0 : i32
      %dma_start3A_993 = tpu.memref_slice %arg8[%dma_start3A_989, %dma_start3A_991, %dma_start3A_992] : memref<2x64x129xf32, #tpu.memory_space<vmem>> -> memref<1x8x128xf32, #tpu.memory_space<vmem>>
      %dma_start3A_994 = tpu.memref_squeeze %dma_start3A_993 : memref<1x8x128xf32, #tpu.memory_space<vmem>> -> memref<8x128xf32, #tpu.memory_space<vmem>>
      %dma_start3A_995 = arith.constant 0 : i32
      %dma_start3A_996 = arith.constant 0 : i32
      %dma_start3A_997 = tpu.memref_slice %arg4[%select_n3A_807, %dma_start3A_990, %add3A_934, %dma_start3A_995, %dma_start3A_996] : memref<50x8x128x8x128xf32, #tpu.memory_space<hbm>> -> memref<1x1x1x8x128xf32, #tpu.memory_space<hbm>>
      %dma_start3A_998 = tpu.memref_squeeze %dma_start3A_997 : memref<1x1x1x8x128xf32, #tpu.memory_space<hbm>> -> memref<8x128xf32, #tpu.memory_space<hbm>>
      %dma_start3A_999 = arith.constant 0 : i32
      %dma_start3A_1000 = arith.constant 0 : i32
      %dma_start3A_1001 = tpu.memref_slice %arg4[%select_n3A_807, %dma_start3A_990, %add3A_934, %dma_start3A_999, %dma_start3A_1000] : memref<50x8x128x8x128xf32, #tpu.memory_space<hbm>> -> memref<1x1x1x8x128xf32, #tpu.memory_space<hbm>>
      %dma_start3A_1002 = tpu.memref_squeeze %dma_start3A_1001 : memref<1x1x1x8x128xf32, #tpu.memory_space<hbm>> -> memref<8x128xf32, #tpu.memory_space<hbm>>
      %dma_start3A_1003 = arith.constant 24 : i32
      %dma_start3A_1004 = arith.constant 0 : i32
      %dma_start3A_1005 = tpu.memref_slice %arg8[%dma_start3A_989, %dma_start3A_1003, %dma_start3A_1004] : memref<2x64x129xf32, #tpu.memory_space<vmem>> -> memref<1x8x128xf32, #tpu.memory_space<vmem>>
      %dma_start3A_1006 = tpu.memref_squeeze %dma_start3A_1005 : memref<1x8x128xf32, #tpu.memory_space<vmem>> -> memref<8x128xf32, #tpu.memory_space<vmem>>
      tpu.enqueue_dma source(%dma_start3A_1006 : memref<8x128xf32, #tpu.memory_space<vmem>>) target(%dma_start3A_1002 : memref<8x128xf32, #tpu.memory_space<hbm>>) target_semaphore(%arg11 : memref<!tpu.dma_semaphore, #tpu.memory_space<semaphore_mem>>)
      %dma_start3A_1007 = arith.constant 1 : i32
      %dma_start3A_1008 = arith.constant 4 : i32
      %dma_start3A_1009 = arith.constant 32 : i32
      %dma_start3A_1010 = arith.constant 0 : i32
      %dma_start3A_1011 = tpu.memref_slice %arg8[%dma_start3A_1007, %dma_start3A_1009, %dma_start3A_1010] : memref<2x64x129xf32, #tpu.memory_space<vmem>> -> memref<1x8x128xf32, #tpu.memory_space<vmem>>
      %dma_start3A_1012 = tpu.memref_squeeze %dma_start3A_1011 : memref<1x8x128xf32, #tpu.memory_space<vmem>> -> memref<8x128xf32, #tpu.memory_space<vmem>>
      %dma_start3A_1013 = arith.constant 0 : i32
      %dma_start3A_1014 = arith.constant 0 : i32
      %dma_start3A_1015 = tpu.memref_slice %arg4[%select_n3A_807, %dma_start3A_1008, %add3A_934, %dma_start3A_1013, %dma_start3A_1014] : memref<50x8x128x8x128xf32, #tpu.memory_space<hbm>> -> memref<1x1x1x8x128xf32, #tpu.memory_space<hbm>>
      %dma_start3A_1016 = tpu.memref_squeeze %dma_start3A_1015 : memref<1x1x1x8x128xf32, #tpu.memory_space<hbm>> -> memref<8x128xf32, #tpu.memory_space<hbm>>
      %dma_start3A_1017 = arith.constant 0 : i32
      %dma_start3A_1018 = arith.constant 0 : i32
      %dma_start3A_1019 = tpu.memref_slice %arg4[%select_n3A_807, %dma_start3A_1008, %add3A_934, %dma_start3A_1017, %dma_start3A_1018] : memref<50x8x128x8x128xf32, #tpu.memory_space<hbm>> -> memref<1x1x1x8x128xf32, #tpu.memory_space<hbm>>
      %dma_start3A_1020 = tpu.memref_squeeze %dma_start3A_1019 : memref<1x1x1x8x128xf32, #tpu.memory_space<hbm>> -> memref<8x128xf32, #tpu.memory_space<hbm>>
      %dma_start3A_1021 = arith.constant 32 : i32
      %dma_start3A_1022 = arith.constant 0 : i32
      %dma_start3A_1023 = tpu.memref_slice %arg8[%dma_start3A_1007, %dma_start3A_1021, %dma_start3A_1022] : memref<2x64x129xf32, #tpu.memory_space<vmem>> -> memref<1x8x128xf32, #tpu.memory_space<vmem>>
      %dma_start3A_1024 = tpu.memref_squeeze %dma_start3A_1023 : memref<1x8x128xf32, #tpu.memory_space<vmem>> -> memref<8x128xf32, #tpu.memory_space<vmem>>
      tpu.enqueue_dma source(%dma_start3A_1024 : memref<8x128xf32, #tpu.memory_space<vmem>>) target(%dma_start3A_1020 : memref<8x128xf32, #tpu.memory_space<hbm>>) target_semaphore(%arg11 : memref<!tpu.dma_semaphore, #tpu.memory_space<semaphore_mem>>)
      %dma_start3A_1025 = arith.constant 1 : i32
      %dma_start3A_1026 = arith.constant 5 : i32
      %dma_start3A_1027 = arith.constant 40 : i32
      %dma_start3A_1028 = arith.constant 0 : i32
      %dma_start3A_1029 = tpu.memref_slice %arg8[%dma_start3A_1025, %dma_start3A_1027, %dma_start3A_1028] : memref<2x64x129xf32, #tpu.memory_space<vmem>> -> memref<1x8x128xf32, #tpu.memory_space<vmem>>
      %dma_start3A_1030 = tpu.memref_squeeze %dma_start3A_1029 : memref<1x8x128xf32, #tpu.memory_space<vmem>> -> memref<8x128xf32, #tpu.memory_space<vmem>>
      %dma_start3A_1031 = arith.constant 0 : i32
      %dma_start3A_1032 = arith.constant 0 : i32
      %dma_start3A_1033 = tpu.memref_slice %arg4[%select_n3A_807, %dma_start3A_1026, %add3A_934, %dma_start3A_1031, %dma_start3A_1032] : memref<50x8x128x8x128xf32, #tpu.memory_space<hbm>> -> memref<1x1x1x8x128xf32, #tpu.memory_space<hbm>>
      %dma_start3A_1034 = tpu.memref_squeeze %dma_start3A_1033 : memref<1x1x1x8x128xf32, #tpu.memory_space<hbm>> -> memref<8x128xf32, #tpu.memory_space<hbm>>
      %dma_start3A_1035 = arith.constant 0 : i32
      %dma_start3A_1036 = arith.constant 0 : i32
      %dma_start3A_1037 = tpu.memref_slice %arg4[%select_n3A_807, %dma_start3A_1026, %add3A_934, %dma_start3A_1035, %dma_start3A_1036] : memref<50x8x128x8x128xf32, #tpu.memory_space<hbm>> -> memref<1x1x1x8x128xf32, #tpu.memory_space<hbm>>
      %dma_start3A_1038 = tpu.memref_squeeze %dma_start3A_1037 : memref<1x1x1x8x128xf32, #tpu.memory_space<hbm>> -> memref<8x128xf32, #tpu.memory_space<hbm>>
      %dma_start3A_1039 = arith.constant 40 : i32
      %dma_start3A_1040 = arith.constant 0 : i32
      %dma_start3A_1041 = tpu.memref_slice %arg8[%dma_start3A_1025, %dma_start3A_1039, %dma_start3A_1040] : memref<2x64x129xf32, #tpu.memory_space<vmem>> -> memref<1x8x128xf32, #tpu.memory_space<vmem>>
      %dma_start3A_1042 = tpu.memref_squeeze %dma_start3A_1041 : memref<1x8x128xf32, #tpu.memory_space<vmem>> -> memref<8x128xf32, #tpu.memory_space<vmem>>
      tpu.enqueue_dma source(%dma_start3A_1042 : memref<8x128xf32, #tpu.memory_space<vmem>>) target(%dma_start3A_1038 : memref<8x128xf32, #tpu.memory_space<hbm>>) target_semaphore(%arg11 : memref<!tpu.dma_semaphore, #tpu.memory_space<semaphore_mem>>)
      %dma_start3A_1043 = arith.constant 1 : i32
      %dma_start3A_1044 = arith.constant 6 : i32
      %dma_start3A_1045 = arith.constant 48 : i32
      %dma_start3A_1046 = arith.constant 0 : i32
      %dma_start3A_1047 = tpu.memref_slice %arg8[%dma_start3A_1043, %dma_start3A_1045, %dma_start3A_1046] : memref<2x64x129xf32, #tpu.memory_space<vmem>> -> memref<1x8x128xf32, #tpu.memory_space<vmem>>
      %dma_start3A_1048 = tpu.memref_squeeze %dma_start3A_1047 : memref<1x8x128xf32, #tpu.memory_space<vmem>> -> memref<8x128xf32, #tpu.memory_space<vmem>>
      %dma_start3A_1049 = arith.constant 0 : i32
      %dma_start3A_1050 = arith.constant 0 : i32
      %dma_start3A_1051 = tpu.memref_slice %arg4[%select_n3A_807, %dma_start3A_1044, %add3A_934, %dma_start3A_1049, %dma_start3A_1050] : memref<50x8x128x8x128xf32, #tpu.memory_space<hbm>> -> memref<1x1x1x8x128xf32, #tpu.memory_space<hbm>>
      %dma_start3A_1052 = tpu.memref_squeeze %dma_start3A_1051 : memref<1x1x1x8x128xf32, #tpu.memory_space<hbm>> -> memref<8x128xf32, #tpu.memory_space<hbm>>
      %dma_start3A_1053 = arith.constant 0 : i32
      %dma_start3A_1054 = arith.constant 0 : i32
      %dma_start3A_1055 = tpu.memref_slice %arg4[%select_n3A_807, %dma_start3A_1044, %add3A_934, %dma_start3A_1053, %dma_start3A_1054] : memref<50x8x128x8x128xf32, #tpu.memory_space<hbm>> -> memref<1x1x1x8x128xf32, #tpu.memory_space<hbm>>
      %dma_start3A_1056 = tpu.memref_squeeze %dma_start3A_1055 : memref<1x1x1x8x128xf32, #tpu.memory_space<hbm>> -> memref<8x128xf32, #tpu.memory_space<hbm>>
      %dma_start3A_1057 = arith.constant 48 : i32
      %dma_start3A_1058 = arith.constant 0 : i32
      %dma_start3A_1059 = tpu.memref_slice %arg8[%dma_start3A_1043, %dma_start3A_1057, %dma_start3A_1058] : memref<2x64x129xf32, #tpu.memory_space<vmem>> -> memref<1x8x128xf32, #tpu.memory_space<vmem>>
      %dma_start3A_1060 = tpu.memref_squeeze %dma_start3A_1059 : memref<1x8x128xf32, #tpu.memory_space<vmem>> -> memref<8x128xf32, #tpu.memory_space<vmem>>
      tpu.enqueue_dma source(%dma_start3A_1060 : memref<8x128xf32, #tpu.memory_space<vmem>>) target(%dma_start3A_1056 : memref<8x128xf32, #tpu.memory_space<hbm>>) target_semaphore(%arg11 : memref<!tpu.dma_semaphore, #tpu.memory_space<semaphore_mem>>)
      %dma_start3A_1061 = arith.constant 1 : i32
      %dma_start3A_1062 = arith.constant 7 : i32
      %dma_start3A_1063 = arith.constant 56 : i32
      %dma_start3A_1064 = arith.constant 0 : i32
      %dma_start3A_1065 = tpu.memref_slice %arg8[%dma_start3A_1061, %dma_start3A_1063, %dma_start3A_1064] : memref<2x64x129xf32, #tpu.memory_space<vmem>> -> memref<1x8x128xf32, #tpu.memory_space<vmem>>
      %dma_start3A_1066 = tpu.memref_squeeze %dma_start3A_1065 : memref<1x8x128xf32, #tpu.memory_space<vmem>> -> memref<8x128xf32, #tpu.memory_space<vmem>>
      %dma_start3A_1067 = arith.constant 0 : i32
      %dma_start3A_1068 = arith.constant 0 : i32
      %dma_start3A_1069 = tpu.memref_slice %arg4[%select_n3A_807, %dma_start3A_1062, %add3A_934, %dma_start3A_1067, %dma_start3A_1068] : memref<50x8x128x8x128xf32, #tpu.memory_space<hbm>> -> memref<1x1x1x8x128xf32, #tpu.memory_space<hbm>>
      %dma_start3A_1070 = tpu.memref_squeeze %dma_start3A_1069 : memref<1x1x1x8x128xf32, #tpu.memory_space<hbm>> -> memref<8x128xf32, #tpu.memory_space<hbm>>
      %dma_start3A_1071 = arith.constant 0 : i32
      %dma_start3A_1072 = arith.constant 0 : i32
      %dma_start3A_1073 = tpu.memref_slice %arg4[%select_n3A_807, %dma_start3A_1062, %add3A_934, %dma_start3A_1071, %dma_start3A_1072] : memref<50x8x128x8x128xf32, #tpu.memory_space<hbm>> -> memref<1x1x1x8x128xf32, #tpu.memory_space<hbm>>
      %dma_start3A_1074 = tpu.memref_squeeze %dma_start3A_1073 : memref<1x1x1x8x128xf32, #tpu.memory_space<hbm>> -> memref<8x128xf32, #tpu.memory_space<hbm>>
      %dma_start3A_1075 = arith.constant 56 : i32
      %dma_start3A_1076 = arith.constant 0 : i32
      %dma_start3A_1077 = tpu.memref_slice %arg8[%dma_start3A_1061, %dma_start3A_1075, %dma_start3A_1076] : memref<2x64x129xf32, #tpu.memory_space<vmem>> -> memref<1x8x128xf32, #tpu.memory_space<vmem>>
      %dma_start3A_1078 = tpu.memref_squeeze %dma_start3A_1077 : memref<1x8x128xf32, #tpu.memory_space<vmem>> -> memref<8x128xf32, #tpu.memory_space<vmem>>
      tpu.enqueue_dma source(%dma_start3A_1078 : memref<8x128xf32, #tpu.memory_space<vmem>>) target(%dma_start3A_1074 : memref<8x128xf32, #tpu.memory_space<hbm>>) target_semaphore(%arg11 : memref<!tpu.dma_semaphore, #tpu.memory_space<semaphore_mem>>)
      %dma_wait3A_1079 = arith.constant 0 : i32
      %dma_wait3A_1080 = arith.constant 0 : i32
      %dma_wait3A_1081 = arith.constant 0 : i32
      %dma_wait3A_1082 = tpu.memref_slice %arg7[%dma_wait3A_1079, %dma_wait3A_1080, %dma_wait3A_1081] : memref<2x128x64xf32, #tpu.memory_space<vmem>> -> memref<1x128x64xf32, #tpu.memory_space<vmem>>
      %dma_wait3A_1083 = tpu.memref_squeeze %dma_wait3A_1082 : memref<1x128x64xf32, #tpu.memory_space<vmem>> -> memref<128x64xf32, #tpu.memory_space<vmem>>
      %dma_wait3A_1084 = arith.constant 0 : i32
      %dma_wait3A_1085 = arith.constant 0 : i32
      %dma_wait3A_1086 = tpu.memref_slice %arg3[%dma_wait3A_1084, %dma_wait3A_1085] : memref<1000000x64xf32, #tpu.memory_space<hbm>> -> memref<1000000x64xf32, #tpu.memory_space<hbm>>
      tpu.wait_indirect_dma semaphore(%arg9 : memref<!tpu.dma_semaphore, #tpu.memory_space<semaphore_mem>>) src(%dma_wait3A_1086 : memref<1000000x64xf32, #tpu.memory_space<hbm>>) dst(%dma_wait3A_1083 : memref<128x64xf32, #tpu.memory_space<vmem>>)
    }
    %scan3A_125 = arith.constant 100 : i32
    %dma_wait3A_126 = arith.constant 0 : i32
    %dma_wait3A_127 = arith.constant 0 : i32
    %dma_wait3A_128 = arith.constant 0 : i32
    %dma_wait3A_129 = arith.constant 0 : i32
    %dma_wait3A_130 = arith.constant 0 : i32
    %dma_wait3A_131 = arith.constant 0 : i32
    %dma_wait3A_132 = tpu.memref_slice %arg8[%dma_wait3A_129, %dma_wait3A_130, %dma_wait3A_131] : memref<2x64x129xf32, #tpu.memory_space<vmem>> -> memref<1x8x128xf32, #tpu.memory_space<vmem>>
    %dma_wait3A_133 = tpu.memref_squeeze %dma_wait3A_132 : memref<1x8x128xf32, #tpu.memory_space<vmem>> -> memref<8x128xf32, #tpu.memory_space<vmem>>
    %dma_wait3A_134 = arith.constant 0 : i32
    %dma_wait3A_135 = arith.constant 0 : i32
    %dma_wait3A_136 = tpu.memref_slice %arg4[%dma_wait3A_126, %dma_wait3A_127, %dma_wait3A_128, %dma_wait3A_134, %dma_wait3A_135] : memref<50x8x128x8x128xf32, #tpu.memory_space<hbm>> -> memref<1x1x1x8x128xf32, #tpu.memory_space<hbm>>
    %dma_wait3A_137 = tpu.memref_squeeze %dma_wait3A_136 : memref<1x1x1x8x128xf32, #tpu.memory_space<hbm>> -> memref<8x128xf32, #tpu.memory_space<hbm>>
    %dma_wait3A_138 = arith.constant 0 : i32
    %dma_wait3A_139 = arith.constant 0 : i32
    %dma_wait3A_140 = tpu.memref_slice %arg8[%dma_wait3A_129, %dma_wait3A_138, %dma_wait3A_139] : memref<2x64x129xf32, #tpu.memory_space<vmem>> -> memref<1x8x128xf32, #tpu.memory_space<vmem>>
    %dma_wait3A_141 = tpu.memref_squeeze %dma_wait3A_140 : memref<1x8x128xf32, #tpu.memory_space<vmem>> -> memref<8x128xf32, #tpu.memory_space<vmem>>
    %dma_wait3A_142 = arith.constant 0 : i32
    %dma_wait3A_143 = arith.constant 0 : i32
    %dma_wait3A_144 = tpu.memref_slice %arg4[%dma_wait3A_126, %dma_wait3A_127, %dma_wait3A_128, %dma_wait3A_142, %dma_wait3A_143] : memref<50x8x128x8x128xf32, #tpu.memory_space<hbm>> -> memref<1x1x1x8x128xf32, #tpu.memory_space<hbm>>
    %dma_wait3A_145 = tpu.memref_squeeze %dma_wait3A_144 : memref<1x1x1x8x128xf32, #tpu.memory_space<hbm>> -> memref<8x128xf32, #tpu.memory_space<hbm>>
    tpu.wait_dma2 semaphore(%arg10 : memref<!tpu.dma_semaphore, #tpu.memory_space<semaphore_mem>>) src(%dma_wait3A_145 : memref<8x128xf32, #tpu.memory_space<hbm>>) dst(%dma_wait3A_141 : memref<8x128xf32, #tpu.memory_space<vmem>>)
    %dma_wait3A_146 = arith.constant 0 : i32
    %dma_wait3A_147 = arith.constant 0 : i32
    %dma_wait3A_148 = arith.constant 0 : i32
    %dma_wait3A_149 = arith.constant 0 : i32
    %dma_wait3A_150 = arith.constant 8 : i32
    %dma_wait3A_151 = arith.constant 0 : i32
    %dma_wait3A_152 = tpu.memref_slice %arg8[%dma_wait3A_149, %dma_wait3A_150, %dma_wait3A_151] : memref<2x64x129xf32, #tpu.memory_space<vmem>> -> memref<1x8x128xf32, #tpu.memory_space<vmem>>
    %dma_wait3A_153 = tpu.memref_squeeze %dma_wait3A_152 : memref<1x8x128xf32, #tpu.memory_space<vmem>> -> memref<8x128xf32, #tpu.memory_space<vmem>>
    %dma_wait3A_154 = arith.constant 0 : i32
    %dma_wait3A_155 = arith.constant 0 : i32
    %dma_wait3A_156 = tpu.memref_slice %arg4[%dma_wait3A_146, %dma_wait3A_147, %dma_wait3A_148, %dma_wait3A_154, %dma_wait3A_155] : memref<50x8x128x8x128xf32, #tpu.memory_space<hbm>> -> memref<1x1x1x8x128xf32, #tpu.memory_space<hbm>>
    %dma_wait3A_157 = tpu.memref_squeeze %dma_wait3A_156 : memref<1x1x1x8x128xf32, #tpu.memory_space<hbm>> -> memref<8x128xf32, #tpu.memory_space<hbm>>
    %dma_wait3A_158 = arith.constant 8 : i32
    %dma_wait3A_159 = arith.constant 0 : i32
    %dma_wait3A_160 = tpu.memref_slice %arg8[%dma_wait3A_149, %dma_wait3A_158, %dma_wait3A_159] : memref<2x64x129xf32, #tpu.memory_space<vmem>> -> memref<1x8x128xf32, #tpu.memory_space<vmem>>
    %dma_wait3A_161 = tpu.memref_squeeze %dma_wait3A_160 : memref<1x8x128xf32, #tpu.memory_space<vmem>> -> memref<8x128xf32, #tpu.memory_space<vmem>>
    %dma_wait3A_162 = arith.constant 0 : i32
    %dma_wait3A_163 = arith.constant 0 : i32
    %dma_wait3A_164 = tpu.memref_slice %arg4[%dma_wait3A_146, %dma_wait3A_147, %dma_wait3A_148, %dma_wait3A_162, %dma_wait3A_163] : memref<50x8x128x8x128xf32, #tpu.memory_space<hbm>> -> memref<1x1x1x8x128xf32, #tpu.memory_space<hbm>>
    %dma_wait3A_165 = tpu.memref_squeeze %dma_wait3A_164 : memref<1x1x1x8x128xf32, #tpu.memory_space<hbm>> -> memref<8x128xf32, #tpu.memory_space<hbm>>
    tpu.wait_dma2 semaphore(%arg10 : memref<!tpu.dma_semaphore, #tpu.memory_space<semaphore_mem>>) src(%dma_wait3A_165 : memref<8x128xf32, #tpu.memory_space<hbm>>) dst(%dma_wait3A_161 : memref<8x128xf32, #tpu.memory_space<vmem>>)
    %dma_wait3A_166 = arith.constant 0 : i32
    %dma_wait3A_167 = arith.constant 0 : i32
    %dma_wait3A_168 = arith.constant 0 : i32
    %dma_wait3A_169 = arith.constant 0 : i32
    %dma_wait3A_170 = arith.constant 16 : i32
    %dma_wait3A_171 = arith.constant 0 : i32
    %dma_wait3A_172 = tpu.memref_slice %arg8[%dma_wait3A_169, %dma_wait3A_170, %dma_wait3A_171] : memref<2x64x129xf32, #tpu.memory_space<vmem>> -> memref<1x8x128xf32, #tpu.memory_space<vmem>>
    %dma_wait3A_173 = tpu.memref_squeeze %dma_wait3A_172 : memref<1x8x128xf32, #tpu.memory_space<vmem>> -> memref<8x128xf32, #tpu.memory_space<vmem>>
    %dma_wait3A_174 = arith.constant 0 : i32
    %dma_wait3A_175 = arith.constant 0 : i32
    %dma_wait3A_176 = tpu.memref_slice %arg4[%dma_wait3A_166, %dma_wait3A_167, %dma_wait3A_168, %dma_wait3A_174, %dma_wait3A_175] : memref<50x8x128x8x128xf32, #tpu.memory_space<hbm>> -> memref<1x1x1x8x128xf32, #tpu.memory_space<hbm>>
    %dma_wait3A_177 = tpu.memref_squeeze %dma_wait3A_176 : memref<1x1x1x8x128xf32, #tpu.memory_space<hbm>> -> memref<8x128xf32, #tpu.memory_space<hbm>>
    %dma_wait3A_178 = arith.constant 16 : i32
    %dma_wait3A_179 = arith.constant 0 : i32
    %dma_wait3A_180 = tpu.memref_slice %arg8[%dma_wait3A_169, %dma_wait3A_178, %dma_wait3A_179] : memref<2x64x129xf32, #tpu.memory_space<vmem>> -> memref<1x8x128xf32, #tpu.memory_space<vmem>>
    %dma_wait3A_181 = tpu.memref_squeeze %dma_wait3A_180 : memref<1x8x128xf32, #tpu.memory_space<vmem>> -> memref<8x128xf32, #tpu.memory_space<vmem>>
    %dma_wait3A_182 = arith.constant 0 : i32
    %dma_wait3A_183 = arith.constant 0 : i32
    %dma_wait3A_184 = tpu.memref_slice %arg4[%dma_wait3A_166, %dma_wait3A_167, %dma_wait3A_168, %dma_wait3A_182, %dma_wait3A_183] : memref<50x8x128x8x128xf32, #tpu.memory_space<hbm>> -> memref<1x1x1x8x128xf32, #tpu.memory_space<hbm>>
    %dma_wait3A_185 = tpu.memref_squeeze %dma_wait3A_184 : memref<1x1x1x8x128xf32, #tpu.memory_space<hbm>> -> memref<8x128xf32, #tpu.memory_space<hbm>>
    tpu.wait_dma2 semaphore(%arg10 : memref<!tpu.dma_semaphore, #tpu.memory_space<semaphore_mem>>) src(%dma_wait3A_185 : memref<8x128xf32, #tpu.memory_space<hbm>>) dst(%dma_wait3A_181 : memref<8x128xf32, #tpu.memory_space<vmem>>)
    %dma_wait3A_186 = arith.constant 0 : i32
    %dma_wait3A_187 = arith.constant 0 : i32
    %dma_wait3A_188 = arith.constant 0 : i32
    %dma_wait3A_189 = arith.constant 0 : i32
    %dma_wait3A_190 = arith.constant 24 : i32
    %dma_wait3A_191 = arith.constant 0 : i32
    %dma_wait3A_192 = tpu.memref_slice %arg8[%dma_wait3A_189, %dma_wait3A_190, %dma_wait3A_191] : memref<2x64x129xf32, #tpu.memory_space<vmem>> -> memref<1x8x128xf32, #tpu.memory_space<vmem>>
    %dma_wait3A_193 = tpu.memref_squeeze %dma_wait3A_192 : memref<1x8x128xf32, #tpu.memory_space<vmem>> -> memref<8x128xf32, #tpu.memory_space<vmem>>
    %dma_wait3A_194 = arith.constant 0 : i32
    %dma_wait3A_195 = arith.constant 0 : i32
    %dma_wait3A_196 = tpu.memref_slice %arg4[%dma_wait3A_186, %dma_wait3A_187, %dma_wait3A_188, %dma_wait3A_194, %dma_wait3A_195] : memref<50x8x128x8x128xf32, #tpu.memory_space<hbm>> -> memref<1x1x1x8x128xf32, #tpu.memory_space<hbm>>
    %dma_wait3A_197 = tpu.memref_squeeze %dma_wait3A_196 : memref<1x1x1x8x128xf32, #tpu.memory_space<hbm>> -> memref<8x128xf32, #tpu.memory_space<hbm>>
    %dma_wait3A_198 = arith.constant 24 : i32
    %dma_wait3A_199 = arith.constant 0 : i32
    %dma_wait3A_200 = tpu.memref_slice %arg8[%dma_wait3A_189, %dma_wait3A_198, %dma_wait3A_199] : memref<2x64x129xf32, #tpu.memory_space<vmem>> -> memref<1x8x128xf32, #tpu.memory_space<vmem>>
    %dma_wait3A_201 = tpu.memref_squeeze %dma_wait3A_200 : memref<1x8x128xf32, #tpu.memory_space<vmem>> -> memref<8x128xf32, #tpu.memory_space<vmem>>
    %dma_wait3A_202 = arith.constant 0 : i32
    %dma_wait3A_203 = arith.constant 0 : i32
    %dma_wait3A_204 = tpu.memref_slice %arg4[%dma_wait3A_186, %dma_wait3A_187, %dma_wait3A_188, %dma_wait3A_202, %dma_wait3A_203] : memref<50x8x128x8x128xf32, #tpu.memory_space<hbm>> -> memref<1x1x1x8x128xf32, #tpu.memory_space<hbm>>
    %dma_wait3A_205 = tpu.memref_squeeze %dma_wait3A_204 : memref<1x1x1x8x128xf32, #tpu.memory_space<hbm>> -> memref<8x128xf32, #tpu.memory_space<hbm>>
    tpu.wait_dma2 semaphore(%arg10 : memref<!tpu.dma_semaphore, #tpu.memory_space<semaphore_mem>>) src(%dma_wait3A_205 : memref<8x128xf32, #tpu.memory_space<hbm>>) dst(%dma_wait3A_201 : memref<8x128xf32, #tpu.memory_space<vmem>>)
    %dma_wait3A_206 = arith.constant 0 : i32
    %dma_wait3A_207 = arith.constant 0 : i32
    %dma_wait3A_208 = arith.constant 0 : i32
    %dma_wait3A_209 = arith.constant 0 : i32
    %dma_wait3A_210 = arith.constant 32 : i32
    %dma_wait3A_211 = arith.constant 0 : i32
    %dma_wait3A_212 = tpu.memref_slice %arg8[%dma_wait3A_209, %dma_wait3A_210, %dma_wait3A_211] : memref<2x64x129xf32, #tpu.memory_space<vmem>> -> memref<1x8x128xf32, #tpu.memory_space<vmem>>
    %dma_wait3A_213 = tpu.memref_squeeze %dma_wait3A_212 : memref<1x8x128xf32, #tpu.memory_space<vmem>> -> memref<8x128xf32, #tpu.memory_space<vmem>>
    %dma_wait3A_214 = arith.constant 0 : i32
    %dma_wait3A_215 = arith.constant 0 : i32
    %dma_wait3A_216 = tpu.memref_slice %arg4[%dma_wait3A_206, %dma_wait3A_207, %dma_wait3A_208, %dma_wait3A_214, %dma_wait3A_215] : memref<50x8x128x8x128xf32, #tpu.memory_space<hbm>> -> memref<1x1x1x8x128xf32, #tpu.memory_space<hbm>>
    %dma_wait3A_217 = tpu.memref_squeeze %dma_wait3A_216 : memref<1x1x1x8x128xf32, #tpu.memory_space<hbm>> -> memref<8x128xf32, #tpu.memory_space<hbm>>
    %dma_wait3A_218 = arith.constant 32 : i32
    %dma_wait3A_219 = arith.constant 0 : i32
    %dma_wait3A_220 = tpu.memref_slice %arg8[%dma_wait3A_209, %dma_wait3A_218, %dma_wait3A_219] : memref<2x64x129xf32, #tpu.memory_space<vmem>> -> memref<1x8x128xf32, #tpu.memory_space<vmem>>
    %dma_wait3A_221 = tpu.memref_squeeze %dma_wait3A_220 : memref<1x8x128xf32, #tpu.memory_space<vmem>> -> memref<8x128xf32, #tpu.memory_space<vmem>>
    %dma_wait3A_222 = arith.constant 0 : i32
    %dma_wait3A_223 = arith.constant 0 : i32
    %dma_wait3A_224 = tpu.memref_slice %arg4[%dma_wait3A_206, %dma_wait3A_207, %dma_wait3A_208, %dma_wait3A_222, %dma_wait3A_223] : memref<50x8x128x8x128xf32, #tpu.memory_space<hbm>> -> memref<1x1x1x8x128xf32, #tpu.memory_space<hbm>>
    %dma_wait3A_225 = tpu.memref_squeeze %dma_wait3A_224 : memref<1x1x1x8x128xf32, #tpu.memory_space<hbm>> -> memref<8x128xf32, #tpu.memory_space<hbm>>
    tpu.wait_dma2 semaphore(%arg10 : memref<!tpu.dma_semaphore, #tpu.memory_space<semaphore_mem>>) src(%dma_wait3A_225 : memref<8x128xf32, #tpu.memory_space<hbm>>) dst(%dma_wait3A_221 : memref<8x128xf32, #tpu.memory_space<vmem>>)
    %dma_wait3A_226 = arith.constant 0 : i32
    %dma_wait3A_227 = arith.constant 0 : i32
    %dma_wait3A_228 = arith.constant 0 : i32
    %dma_wait3A_229 = arith.constant 0 : i32
    %dma_wait3A_230 = arith.constant 40 : i32
    %dma_wait3A_231 = arith.constant 0 : i32
    %dma_wait3A_232 = tpu.memref_slice %arg8[%dma_wait3A_229, %dma_wait3A_230, %dma_wait3A_231] : memref<2x64x129xf32, #tpu.memory_space<vmem>> -> memref<1x8x128xf32, #tpu.memory_space<vmem>>
    %dma_wait3A_233 = tpu.memref_squeeze %dma_wait3A_232 : memref<1x8x128xf32, #tpu.memory_space<vmem>> -> memref<8x128xf32, #tpu.memory_space<vmem>>
    %dma_wait3A_234 = arith.constant 0 : i32
    %dma_wait3A_235 = arith.constant 0 : i32
    %dma_wait3A_236 = tpu.memref_slice %arg4[%dma_wait3A_226, %dma_wait3A_227, %dma_wait3A_228, %dma_wait3A_234, %dma_wait3A_235] : memref<50x8x128x8x128xf32, #tpu.memory_space<hbm>> -> memref<1x1x1x8x128xf32, #tpu.memory_space<hbm>>
    %dma_wait3A_237 = tpu.memref_squeeze %dma_wait3A_236 : memref<1x1x1x8x128xf32, #tpu.memory_space<hbm>> -> memref<8x128xf32, #tpu.memory_space<hbm>>
    %dma_wait3A_238 = arith.constant 40 : i32
    %dma_wait3A_239 = arith.constant 0 : i32
    %dma_wait3A_240 = tpu.memref_slice %arg8[%dma_wait3A_229, %dma_wait3A_238, %dma_wait3A_239] : memref<2x64x129xf32, #tpu.memory_space<vmem>> -> memref<1x8x128xf32, #tpu.memory_space<vmem>>
    %dma_wait3A_241 = tpu.memref_squeeze %dma_wait3A_240 : memref<1x8x128xf32, #tpu.memory_space<vmem>> -> memref<8x128xf32, #tpu.memory_space<vmem>>
    %dma_wait3A_242 = arith.constant 0 : i32
    %dma_wait3A_243 = arith.constant 0 : i32
    %dma_wait3A_244 = tpu.memref_slice %arg4[%dma_wait3A_226, %dma_wait3A_227, %dma_wait3A_228, %dma_wait3A_242, %dma_wait3A_243] : memref<50x8x128x8x128xf32, #tpu.memory_space<hbm>> -> memref<1x1x1x8x128xf32, #tpu.memory_space<hbm>>
    %dma_wait3A_245 = tpu.memref_squeeze %dma_wait3A_244 : memref<1x1x1x8x128xf32, #tpu.memory_space<hbm>> -> memref<8x128xf32, #tpu.memory_space<hbm>>
    tpu.wait_dma2 semaphore(%arg10 : memref<!tpu.dma_semaphore, #tpu.memory_space<semaphore_mem>>) src(%dma_wait3A_245 : memref<8x128xf32, #tpu.memory_space<hbm>>) dst(%dma_wait3A_241 : memref<8x128xf32, #tpu.memory_space<vmem>>)
    %dma_wait3A_246 = arith.constant 0 : i32
    %dma_wait3A_247 = arith.constant 0 : i32
    %dma_wait3A_248 = arith.constant 0 : i32
    %dma_wait3A_249 = arith.constant 0 : i32
    %dma_wait3A_250 = arith.constant 48 : i32
    %dma_wait3A_251 = arith.constant 0 : i32
    %dma_wait3A_252 = tpu.memref_slice %arg8[%dma_wait3A_249, %dma_wait3A_250, %dma_wait3A_251] : memref<2x64x129xf32, #tpu.memory_space<vmem>> -> memref<1x8x128xf32, #tpu.memory_space<vmem>>
    %dma_wait3A_253 = tpu.memref_squeeze %dma_wait3A_252 : memref<1x8x128xf32, #tpu.memory_space<vmem>> -> memref<8x128xf32, #tpu.memory_space<vmem>>
    %dma_wait3A_254 = arith.constant 0 : i32
    %dma_wait3A_255 = arith.constant 0 : i32
    %dma_wait3A_256 = tpu.memref_slice %arg4[%dma_wait3A_246, %dma_wait3A_247, %dma_wait3A_248, %dma_wait3A_254, %dma_wait3A_255] : memref<50x8x128x8x128xf32, #tpu.memory_space<hbm>> -> memref<1x1x1x8x128xf32, #tpu.memory_space<hbm>>
    %dma_wait3A_257 = tpu.memref_squeeze %dma_wait3A_256 : memref<1x1x1x8x128xf32, #tpu.memory_space<hbm>> -> memref<8x128xf32, #tpu.memory_space<hbm>>
    %dma_wait3A_258 = arith.constant 48 : i32
    %dma_wait3A_259 = arith.constant 0 : i32
    %dma_wait3A_260 = tpu.memref_slice %arg8[%dma_wait3A_249, %dma_wait3A_258, %dma_wait3A_259] : memref<2x64x129xf32, #tpu.memory_space<vmem>> -> memref<1x8x128xf32, #tpu.memory_space<vmem>>
    %dma_wait3A_261 = tpu.memref_squeeze %dma_wait3A_260 : memref<1x8x128xf32, #tpu.memory_space<vmem>> -> memref<8x128xf32, #tpu.memory_space<vmem>>
    %dma_wait3A_262 = arith.constant 0 : i32
    %dma_wait3A_263 = arith.constant 0 : i32
    %dma_wait3A_264 = tpu.memref_slice %arg4[%dma_wait3A_246, %dma_wait3A_247, %dma_wait3A_248, %dma_wait3A_262, %dma_wait3A_263] : memref<50x8x128x8x128xf32, #tpu.memory_space<hbm>> -> memref<1x1x1x8x128xf32, #tpu.memory_space<hbm>>
    %dma_wait3A_265 = tpu.memref_squeeze %dma_wait3A_264 : memref<1x1x1x8x128xf32, #tpu.memory_space<hbm>> -> memref<8x128xf32, #tpu.memory_space<hbm>>
    tpu.wait_dma2 semaphore(%arg10 : memref<!tpu.dma_semaphore, #tpu.memory_space<semaphore_mem>>) src(%dma_wait3A_265 : memref<8x128xf32, #tpu.memory_space<hbm>>) dst(%dma_wait3A_261 : memref<8x128xf32, #tpu.memory_space<vmem>>)
    %dma_wait3A_266 = arith.constant 0 : i32
    %dma_wait3A_267 = arith.constant 0 : i32
    %dma_wait3A_268 = arith.constant 0 : i32
    %dma_wait3A_269 = arith.constant 0 : i32
    %dma_wait3A_270 = arith.constant 56 : i32
    %dma_wait3A_271 = arith.constant 0 : i32
    %dma_wait3A_272 = tpu.memref_slice %arg8[%dma_wait3A_269, %dma_wait3A_270, %dma_wait3A_271] : memref<2x64x129xf32, #tpu.memory_space<vmem>> -> memref<1x8x128xf32, #tpu.memory_space<vmem>>
    %dma_wait3A_273 = tpu.memref_squeeze %dma_wait3A_272 : memref<1x8x128xf32, #tpu.memory_space<vmem>> -> memref<8x128xf32, #tpu.memory_space<vmem>>
    %dma_wait3A_274 = arith.constant 0 : i32
    %dma_wait3A_275 = arith.constant 0 : i32
    %dma_wait3A_276 = tpu.memref_slice %arg4[%dma_wait3A_266, %dma_wait3A_267, %dma_wait3A_268, %dma_wait3A_274, %dma_wait3A_275] : memref<50x8x128x8x128xf32, #tpu.memory_space<hbm>> -> memref<1x1x1x8x128xf32, #tpu.memory_space<hbm>>
    %dma_wait3A_277 = tpu.memref_squeeze %dma_wait3A_276 : memref<1x1x1x8x128xf32, #tpu.memory_space<hbm>> -> memref<8x128xf32, #tpu.memory_space<hbm>>
    %dma_wait3A_278 = arith.constant 56 : i32
    %dma_wait3A_279 = arith.constant 0 : i32
    %dma_wait3A_280 = tpu.memref_slice %arg8[%dma_wait3A_269, %dma_wait3A_278, %dma_wait3A_279] : memref<2x64x129xf32, #tpu.memory_space<vmem>> -> memref<1x8x128xf32, #tpu.memory_space<vmem>>
    %dma_wait3A_281 = tpu.memref_squeeze %dma_wait3A_280 : memref<1x8x128xf32, #tpu.memory_space<vmem>> -> memref<8x128xf32, #tpu.memory_space<vmem>>
    %dma_wait3A_282 = arith.constant 0 : i32
    %dma_wait3A_283 = arith.constant 0 : i32
    %dma_wait3A_284 = tpu.memref_slice %arg4[%dma_wait3A_266, %dma_wait3A_267, %dma_wait3A_268, %dma_wait3A_282, %dma_wait3A_283] : memref<50x8x128x8x128xf32, #tpu.memory_space<hbm>> -> memref<1x1x1x8x128xf32, #tpu.memory_space<hbm>>
    %dma_wait3A_285 = tpu.memref_squeeze %dma_wait3A_284 : memref<1x1x1x8x128xf32, #tpu.memory_space<hbm>> -> memref<8x128xf32, #tpu.memory_space<hbm>>
    tpu.wait_dma2 semaphore(%arg10 : memref<!tpu.dma_semaphore, #tpu.memory_space<semaphore_mem>>) src(%dma_wait3A_285 : memref<8x128xf32, #tpu.memory_space<hbm>>) dst(%dma_wait3A_281 : memref<8x128xf32, #tpu.memory_space<vmem>>)
    %dma_wait3A_286 = arith.constant 0 : i32
    %dma_wait3A_287 = arith.constant 0 : i32
    %dma_wait3A_288 = arith.constant 0 : i32
    %dma_wait3A_289 = arith.constant 1 : i32
    %dma_wait3A_290 = arith.constant 0 : i32
    %dma_wait3A_291 = arith.constant 0 : i32
    %dma_wait3A_292 = tpu.memref_slice %arg8[%dma_wait3A_289, %dma_wait3A_290, %dma_wait3A_291] : memref<2x64x129xf32, #tpu.memory_space<vmem>> -> memref<1x8x128xf32, #tpu.memory_space<vmem>>
    %dma_wait3A_293 = tpu.memref_squeeze %dma_wait3A_292 : memref<1x8x128xf32, #tpu.memory_space<vmem>> -> memref<8x128xf32, #tpu.memory_space<vmem>>
    %dma_wait3A_294 = arith.constant 0 : i32
    %dma_wait3A_295 = arith.constant 0 : i32
    %dma_wait3A_296 = tpu.memref_slice %arg4[%dma_wait3A_286, %dma_wait3A_287, %dma_wait3A_288, %dma_wait3A_294, %dma_wait3A_295] : memref<50x8x128x8x128xf32, #tpu.memory_space<hbm>> -> memref<1x1x1x8x128xf32, #tpu.memory_space<hbm>>
    %dma_wait3A_297 = tpu.memref_squeeze %dma_wait3A_296 : memref<1x1x1x8x128xf32, #tpu.memory_space<hbm>> -> memref<8x128xf32, #tpu.memory_space<hbm>>
    %dma_wait3A_298 = arith.constant 0 : i32
    %dma_wait3A_299 = arith.constant 0 : i32
    %dma_wait3A_300 = tpu.memref_slice %arg8[%dma_wait3A_289, %dma_wait3A_298, %dma_wait3A_299] : memref<2x64x129xf32, #tpu.memory_space<vmem>> -> memref<1x8x128xf32, #tpu.memory_space<vmem>>
    %dma_wait3A_301 = tpu.memref_squeeze %dma_wait3A_300 : memref<1x8x128xf32, #tpu.memory_space<vmem>> -> memref<8x128xf32, #tpu.memory_space<vmem>>
    %dma_wait3A_302 = arith.constant 0 : i32
    %dma_wait3A_303 = arith.constant 0 : i32
    %dma_wait3A_304 = tpu.memref_slice %arg4[%dma_wait3A_286, %dma_wait3A_287, %dma_wait3A_288, %dma_wait3A_302, %dma_wait3A_303] : memref<50x8x128x8x128xf32, #tpu.memory_space<hbm>> -> memref<1x1x1x8x128xf32, #tpu.memory_space<hbm>>
    %dma_wait3A_305 = tpu.memref_squeeze %dma_wait3A_304 : memref<1x1x1x8x128xf32, #tpu.memory_space<hbm>> -> memref<8x128xf32, #tpu.memory_space<hbm>>
    tpu.wait_dma2 semaphore(%arg11 : memref<!tpu.dma_semaphore, #tpu.memory_space<semaphore_mem>>) src(%dma_wait3A_305 : memref<8x128xf32, #tpu.memory_space<hbm>>) dst(%dma_wait3A_301 : memref<8x128xf32, #tpu.memory_space<vmem>>)
    %dma_wait3A_306 = arith.constant 0 : i32
    %dma_wait3A_307 = arith.constant 0 : i32
    %dma_wait3A_308 = arith.constant 0 : i32
    %dma_wait3A_309 = arith.constant 1 : i32
    %dma_wait3A_310 = arith.constant 8 : i32
    %dma_wait3A_311 = arith.constant 0 : i32
    %dma_wait3A_312 = tpu.memref_slice %arg8[%dma_wait3A_309, %dma_wait3A_310, %dma_wait3A_311] : memref<2x64x129xf32, #tpu.memory_space<vmem>> -> memref<1x8x128xf32, #tpu.memory_space<vmem>>
    %dma_wait3A_313 = tpu.memref_squeeze %dma_wait3A_312 : memref<1x8x128xf32, #tpu.memory_space<vmem>> -> memref<8x128xf32, #tpu.memory_space<vmem>>
    %dma_wait3A_314 = arith.constant 0 : i32
    %dma_wait3A_315 = arith.constant 0 : i32
    %dma_wait3A_316 = tpu.memref_slice %arg4[%dma_wait3A_306, %dma_wait3A_307, %dma_wait3A_308, %dma_wait3A_314, %dma_wait3A_315] : memref<50x8x128x8x128xf32, #tpu.memory_space<hbm>> -> memref<1x1x1x8x128xf32, #tpu.memory_space<hbm>>
    %dma_wait3A_317 = tpu.memref_squeeze %dma_wait3A_316 : memref<1x1x1x8x128xf32, #tpu.memory_space<hbm>> -> memref<8x128xf32, #tpu.memory_space<hbm>>
    %dma_wait3A_318 = arith.constant 8 : i32
    %dma_wait3A_319 = arith.constant 0 : i32
    %dma_wait3A_320 = tpu.memref_slice %arg8[%dma_wait3A_309, %dma_wait3A_318, %dma_wait3A_319] : memref<2x64x129xf32, #tpu.memory_space<vmem>> -> memref<1x8x128xf32, #tpu.memory_space<vmem>>
    %dma_wait3A_321 = tpu.memref_squeeze %dma_wait3A_320 : memref<1x8x128xf32, #tpu.memory_space<vmem>> -> memref<8x128xf32, #tpu.memory_space<vmem>>
    %dma_wait3A_322 = arith.constant 0 : i32
    %dma_wait3A_323 = arith.constant 0 : i32
    %dma_wait3A_324 = tpu.memref_slice %arg4[%dma_wait3A_306, %dma_wait3A_307, %dma_wait3A_308, %dma_wait3A_322, %dma_wait3A_323] : memref<50x8x128x8x128xf32, #tpu.memory_space<hbm>> -> memref<1x1x1x8x128xf32, #tpu.memory_space<hbm>>
    %dma_wait3A_325 = tpu.memref_squeeze %dma_wait3A_324 : memref<1x1x1x8x128xf32, #tpu.memory_space<hbm>> -> memref<8x128xf32, #tpu.memory_space<hbm>>
    tpu.wait_dma2 semaphore(%arg11 : memref<!tpu.dma_semaphore, #tpu.memory_space<semaphore_mem>>) src(%dma_wait3A_325 : memref<8x128xf32, #tpu.memory_space<hbm>>) dst(%dma_wait3A_321 : memref<8x128xf32, #tpu.memory_space<vmem>>)
    %dma_wait3A_326 = arith.constant 0 : i32
    %dma_wait3A_327 = arith.constant 0 : i32
    %dma_wait3A_328 = arith.constant 0 : i32
    %dma_wait3A_329 = arith.constant 1 : i32
    %dma_wait3A_330 = arith.constant 16 : i32
    %dma_wait3A_331 = arith.constant 0 : i32
    %dma_wait3A_332 = tpu.memref_slice %arg8[%dma_wait3A_329, %dma_wait3A_330, %dma_wait3A_331] : memref<2x64x129xf32, #tpu.memory_space<vmem>> -> memref<1x8x128xf32, #tpu.memory_space<vmem>>
    %dma_wait3A_333 = tpu.memref_squeeze %dma_wait3A_332 : memref<1x8x128xf32, #tpu.memory_space<vmem>> -> memref<8x128xf32, #tpu.memory_space<vmem>>
    %dma_wait3A_334 = arith.constant 0 : i32
    %dma_wait3A_335 = arith.constant 0 : i32
    %dma_wait3A_336 = tpu.memref_slice %arg4[%dma_wait3A_326, %dma_wait3A_327, %dma_wait3A_328, %dma_wait3A_334, %dma_wait3A_335] : memref<50x8x128x8x128xf32, #tpu.memory_space<hbm>> -> memref<1x1x1x8x128xf32, #tpu.memory_space<hbm>>
    %dma_wait3A_337 = tpu.memref_squeeze %dma_wait3A_336 : memref<1x1x1x8x128xf32, #tpu.memory_space<hbm>> -> memref<8x128xf32, #tpu.memory_space<hbm>>
    %dma_wait3A_338 = arith.constant 16 : i32
    %dma_wait3A_339 = arith.constant 0 : i32
    %dma_wait3A_340 = tpu.memref_slice %arg8[%dma_wait3A_329, %dma_wait3A_338, %dma_wait3A_339] : memref<2x64x129xf32, #tpu.memory_space<vmem>> -> memref<1x8x128xf32, #tpu.memory_space<vmem>>
    %dma_wait3A_341 = tpu.memref_squeeze %dma_wait3A_340 : memref<1x8x128xf32, #tpu.memory_space<vmem>> -> memref<8x128xf32, #tpu.memory_space<vmem>>
    %dma_wait3A_342 = arith.constant 0 : i32
    %dma_wait3A_343 = arith.constant 0 : i32
    %dma_wait3A_344 = tpu.memref_slice %arg4[%dma_wait3A_326, %dma_wait3A_327, %dma_wait3A_328, %dma_wait3A_342, %dma_wait3A_343] : memref<50x8x128x8x128xf32, #tpu.memory_space<hbm>> -> memref<1x1x1x8x128xf32, #tpu.memory_space<hbm>>
    %dma_wait3A_345 = tpu.memref_squeeze %dma_wait3A_344 : memref<1x1x1x8x128xf32, #tpu.memory_space<hbm>> -> memref<8x128xf32, #tpu.memory_space<hbm>>
    tpu.wait_dma2 semaphore(%arg11 : memref<!tpu.dma_semaphore, #tpu.memory_space<semaphore_mem>>) src(%dma_wait3A_345 : memref<8x128xf32, #tpu.memory_space<hbm>>) dst(%dma_wait3A_341 : memref<8x128xf32, #tpu.memory_space<vmem>>)
    %dma_wait3A_346 = arith.constant 0 : i32
    %dma_wait3A_347 = arith.constant 0 : i32
    %dma_wait3A_348 = arith.constant 0 : i32
    %dma_wait3A_349 = arith.constant 1 : i32
    %dma_wait3A_350 = arith.constant 24 : i32
    %dma_wait3A_351 = arith.constant 0 : i32
    %dma_wait3A_352 = tpu.memref_slice %arg8[%dma_wait3A_349, %dma_wait3A_350, %dma_wait3A_351] : memref<2x64x129xf32, #tpu.memory_space<vmem>> -> memref<1x8x128xf32, #tpu.memory_space<vmem>>
    %dma_wait3A_353 = tpu.memref_squeeze %dma_wait3A_352 : memref<1x8x128xf32, #tpu.memory_space<vmem>> -> memref<8x128xf32, #tpu.memory_space<vmem>>
    %dma_wait3A_354 = arith.constant 0 : i32
    %dma_wait3A_355 = arith.constant 0 : i32
    %dma_wait3A_356 = tpu.memref_slice %arg4[%dma_wait3A_346, %dma_wait3A_347, %dma_wait3A_348, %dma_wait3A_354, %dma_wait3A_355] : memref<50x8x128x8x128xf32, #tpu.memory_space<hbm>> -> memref<1x1x1x8x128xf32, #tpu.memory_space<hbm>>
    %dma_wait3A_357 = tpu.memref_squeeze %dma_wait3A_356 : memref<1x1x1x8x128xf32, #tpu.memory_space<hbm>> -> memref<8x128xf32, #tpu.memory_space<hbm>>
    %dma_wait3A_358 = arith.constant 24 : i32
    %dma_wait3A_359 = arith.constant 0 : i32
    %dma_wait3A_360 = tpu.memref_slice %arg8[%dma_wait3A_349, %dma_wait3A_358, %dma_wait3A_359] : memref<2x64x129xf32, #tpu.memory_space<vmem>> -> memref<1x8x128xf32, #tpu.memory_space<vmem>>
    %dma_wait3A_361 = tpu.memref_squeeze %dma_wait3A_360 : memref<1x8x128xf32, #tpu.memory_space<vmem>> -> memref<8x128xf32, #tpu.memory_space<vmem>>
    %dma_wait3A_362 = arith.constant 0 : i32
    %dma_wait3A_363 = arith.constant 0 : i32
    %dma_wait3A_364 = tpu.memref_slice %arg4[%dma_wait3A_346, %dma_wait3A_347, %dma_wait3A_348, %dma_wait3A_362, %dma_wait3A_363] : memref<50x8x128x8x128xf32, #tpu.memory_space<hbm>> -> memref<1x1x1x8x128xf32, #tpu.memory_space<hbm>>
    %dma_wait3A_365 = tpu.memref_squeeze %dma_wait3A_364 : memref<1x1x1x8x128xf32, #tpu.memory_space<hbm>> -> memref<8x128xf32, #tpu.memory_space<hbm>>
    tpu.wait_dma2 semaphore(%arg11 : memref<!tpu.dma_semaphore, #tpu.memory_space<semaphore_mem>>) src(%dma_wait3A_365 : memref<8x128xf32, #tpu.memory_space<hbm>>) dst(%dma_wait3A_361 : memref<8x128xf32, #tpu.memory_space<vmem>>)
    %dma_wait3A_366 = arith.constant 0 : i32
    %dma_wait3A_367 = arith.constant 0 : i32
    %dma_wait3A_368 = arith.constant 0 : i32
    %dma_wait3A_369 = arith.constant 1 : i32
    %dma_wait3A_370 = arith.constant 32 : i32
    %dma_wait3A_371 = arith.constant 0 : i32
    %dma_wait3A_372 = tpu.memref_slice %arg8[%dma_wait3A_369, %dma_wait3A_370, %dma_wait3A_371] : memref<2x64x129xf32, #tpu.memory_space<vmem>> -> memref<1x8x128xf32, #tpu.memory_space<vmem>>
    %dma_wait3A_373 = tpu.memref_squeeze %dma_wait3A_372 : memref<1x8x128xf32, #tpu.memory_space<vmem>> -> memref<8x128xf32, #tpu.memory_space<vmem>>
    %dma_wait3A_374 = arith.constant 0 : i32
    %dma_wait3A_375 = arith.constant 0 : i32
    %dma_wait3A_376 = tpu.memref_slice %arg4[%dma_wait3A_366, %dma_wait3A_367, %dma_wait3A_368, %dma_wait3A_374, %dma_wait3A_375] : memref<50x8x128x8x128xf32, #tpu.memory_space<hbm>> -> memref<1x1x1x8x128xf32, #tpu.memory_space<hbm>>
    %dma_wait3A_377 = tpu.memref_squeeze %dma_wait3A_376 : memref<1x1x1x8x128xf32, #tpu.memory_space<hbm>> -> memref<8x128xf32, #tpu.memory_space<hbm>>
    %dma_wait3A_378 = arith.constant 32 : i32
    %dma_wait3A_379 = arith.constant 0 : i32
    %dma_wait3A_380 = tpu.memref_slice %arg8[%dma_wait3A_369, %dma_wait3A_378, %dma_wait3A_379] : memref<2x64x129xf32, #tpu.memory_space<vmem>> -> memref<1x8x128xf32, #tpu.memory_space<vmem>>
    %dma_wait3A_381 = tpu.memref_squeeze %dma_wait3A_380 : memref<1x8x128xf32, #tpu.memory_space<vmem>> -> memref<8x128xf32, #tpu.memory_space<vmem>>
    %dma_wait3A_382 = arith.constant 0 : i32
    %dma_wait3A_383 = arith.constant 0 : i32
    %dma_wait3A_384 = tpu.memref_slice %arg4[%dma_wait3A_366, %dma_wait3A_367, %dma_wait3A_368, %dma_wait3A_382, %dma_wait3A_383] : memref<50x8x128x8x128xf32, #tpu.memory_space<hbm>> -> memref<1x1x1x8x128xf32, #tpu.memory_space<hbm>>
    %dma_wait3A_385 = tpu.memref_squeeze %dma_wait3A_384 : memref<1x1x1x8x128xf32, #tpu.memory_space<hbm>> -> memref<8x128xf32, #tpu.memory_space<hbm>>
    tpu.wait_dma2 semaphore(%arg11 : memref<!tpu.dma_semaphore, #tpu.memory_space<semaphore_mem>>) src(%dma_wait3A_385 : memref<8x128xf32, #tpu.memory_space<hbm>>) dst(%dma_wait3A_381 : memref<8x128xf32, #tpu.memory_space<vmem>>)
    %dma_wait3A_386 = arith.constant 0 : i32
    %dma_wait3A_387 = arith.constant 0 : i32
    %dma_wait3A_388 = arith.constant 0 : i32
    %dma_wait3A_389 = arith.constant 1 : i32
    %dma_wait3A_390 = arith.constant 40 : i32
    %dma_wait3A_391 = arith.constant 0 : i32
    %dma_wait3A_392 = tpu.memref_slice %arg8[%dma_wait3A_389, %dma_wait3A_390, %dma_wait3A_391] : memref<2x64x129xf32, #tpu.memory_space<vmem>> -> memref<1x8x128xf32, #tpu.memory_space<vmem>>
    %dma_wait3A_393 = tpu.memref_squeeze %dma_wait3A_392 : memref<1x8x128xf32, #tpu.memory_space<vmem>> -> memref<8x128xf32, #tpu.memory_space<vmem>>
    %dma_wait3A_394 = arith.constant 0 : i32
    %dma_wait3A_395 = arith.constant 0 : i32
    %dma_wait3A_396 = tpu.memref_slice %arg4[%dma_wait3A_386, %dma_wait3A_387, %dma_wait3A_388, %dma_wait3A_394, %dma_wait3A_395] : memref<50x8x128x8x128xf32, #tpu.memory_space<hbm>> -> memref<1x1x1x8x128xf32, #tpu.memory_space<hbm>>
    %dma_wait3A_397 = tpu.memref_squeeze %dma_wait3A_396 : memref<1x1x1x8x128xf32, #tpu.memory_space<hbm>> -> memref<8x128xf32, #tpu.memory_space<hbm>>
    %dma_wait3A_398 = arith.constant 40 : i32
    %dma_wait3A_399 = arith.constant 0 : i32
    %dma_wait3A_400 = tpu.memref_slice %arg8[%dma_wait3A_389, %dma_wait3A_398, %dma_wait3A_399] : memref<2x64x129xf32, #tpu.memory_space<vmem>> -> memref<1x8x128xf32, #tpu.memory_space<vmem>>
    %dma_wait3A_401 = tpu.memref_squeeze %dma_wait3A_400 : memref<1x8x128xf32, #tpu.memory_space<vmem>> -> memref<8x128xf32, #tpu.memory_space<vmem>>
    %dma_wait3A_402 = arith.constant 0 : i32
    %dma_wait3A_403 = arith.constant 0 : i32
    %dma_wait3A_404 = tpu.memref_slice %arg4[%dma_wait3A_386, %dma_wait3A_387, %dma_wait3A_388, %dma_wait3A_402, %dma_wait3A_403] : memref<50x8x128x8x128xf32, #tpu.memory_space<hbm>> -> memref<1x1x1x8x128xf32, #tpu.memory_space<hbm>>
    %dma_wait3A_405 = tpu.memref_squeeze %dma_wait3A_404 : memref<1x1x1x8x128xf32, #tpu.memory_space<hbm>> -> memref<8x128xf32, #tpu.memory_space<hbm>>
    tpu.wait_dma2 semaphore(%arg11 : memref<!tpu.dma_semaphore, #tpu.memory_space<semaphore_mem>>) src(%dma_wait3A_405 : memref<8x128xf32, #tpu.memory_space<hbm>>) dst(%dma_wait3A_401 : memref<8x128xf32, #tpu.memory_space<vmem>>)
    %dma_wait3A_406 = arith.constant 0 : i32
    %dma_wait3A_407 = arith.constant 0 : i32
    %dma_wait3A_408 = arith.constant 0 : i32
    %dma_wait3A_409 = arith.constant 1 : i32
    %dma_wait3A_410 = arith.constant 48 : i32
    %dma_wait3A_411 = arith.constant 0 : i32
    %dma_wait3A_412 = tpu.memref_slice %arg8[%dma_wait3A_409, %dma_wait3A_410, %dma_wait3A_411] : memref<2x64x129xf32, #tpu.memory_space<vmem>> -> memref<1x8x128xf32, #tpu.memory_space<vmem>>
    %dma_wait3A_413 = tpu.memref_squeeze %dma_wait3A_412 : memref<1x8x128xf32, #tpu.memory_space<vmem>> -> memref<8x128xf32, #tpu.memory_space<vmem>>
    %dma_wait3A_414 = arith.constant 0 : i32
    %dma_wait3A_415 = arith.constant 0 : i32
    %dma_wait3A_416 = tpu.memref_slice %arg4[%dma_wait3A_406, %dma_wait3A_407, %dma_wait3A_408, %dma_wait3A_414, %dma_wait3A_415] : memref<50x8x128x8x128xf32, #tpu.memory_space<hbm>> -> memref<1x1x1x8x128xf32, #tpu.memory_space<hbm>>
    %dma_wait3A_417 = tpu.memref_squeeze %dma_wait3A_416 : memref<1x1x1x8x128xf32, #tpu.memory_space<hbm>> -> memref<8x128xf32, #tpu.memory_space<hbm>>
    %dma_wait3A_418 = arith.constant 48 : i32
    %dma_wait3A_419 = arith.constant 0 : i32
    %dma_wait3A_420 = tpu.memref_slice %arg8[%dma_wait3A_409, %dma_wait3A_418, %dma_wait3A_419] : memref<2x64x129xf32, #tpu.memory_space<vmem>> -> memref<1x8x128xf32, #tpu.memory_space<vmem>>
    %dma_wait3A_421 = tpu.memref_squeeze %dma_wait3A_420 : memref<1x8x128xf32, #tpu.memory_space<vmem>> -> memref<8x128xf32, #tpu.memory_space<vmem>>
    %dma_wait3A_422 = arith.constant 0 : i32
    %dma_wait3A_423 = arith.constant 0 : i32
    %dma_wait3A_424 = tpu.memref_slice %arg4[%dma_wait3A_406, %dma_wait3A_407, %dma_wait3A_408, %dma_wait3A_422, %dma_wait3A_423] : memref<50x8x128x8x128xf32, #tpu.memory_space<hbm>> -> memref<1x1x1x8x128xf32, #tpu.memory_space<hbm>>
    %dma_wait3A_425 = tpu.memref_squeeze %dma_wait3A_424 : memref<1x1x1x8x128xf32, #tpu.memory_space<hbm>> -> memref<8x128xf32, #tpu.memory_space<hbm>>
    tpu.wait_dma2 semaphore(%arg11 : memref<!tpu.dma_semaphore, #tpu.memory_space<semaphore_mem>>) src(%dma_wait3A_425 : memref<8x128xf32, #tpu.memory_space<hbm>>) dst(%dma_wait3A_421 : memref<8x128xf32, #tpu.memory_space<vmem>>)
    %dma_wait3A_426 = arith.constant 0 : i32
    %dma_wait3A_427 = arith.constant 0 : i32
    %dma_wait3A_428 = arith.constant 0 : i32
    %dma_wait3A_429 = arith.constant 1 : i32
    %dma_wait3A_430 = arith.constant 56 : i32
    %dma_wait3A_431 = arith.constant 0 : i32
    %dma_wait3A_432 = tpu.memref_slice %arg8[%dma_wait3A_429, %dma_wait3A_430, %dma_wait3A_431] : memref<2x64x129xf32, #tpu.memory_space<vmem>> -> memref<1x8x128xf32, #tpu.memory_space<vmem>>
    %dma_wait3A_433 = tpu.memref_squeeze %dma_wait3A_432 : memref<1x8x128xf32, #tpu.memory_space<vmem>> -> memref<8x128xf32, #tpu.memory_space<vmem>>
    %dma_wait3A_434 = arith.constant 0 : i32
    %dma_wait3A_435 = arith.constant 0 : i32
    %dma_wait3A_436 = tpu.memref_slice %arg4[%dma_wait3A_426, %dma_wait3A_427, %dma_wait3A_428, %dma_wait3A_434, %dma_wait3A_435] : memref<50x8x128x8x128xf32, #tpu.memory_space<hbm>> -> memref<1x1x1x8x128xf32, #tpu.memory_space<hbm>>
    %dma_wait3A_437 = tpu.memref_squeeze %dma_wait3A_436 : memref<1x1x1x8x128xf32, #tpu.memory_space<hbm>> -> memref<8x128xf32, #tpu.memory_space<hbm>>
    %dma_wait3A_438 = arith.constant 56 : i32
    %dma_wait3A_439 = arith.constant 0 : i32
    %dma_wait3A_440 = tpu.memref_slice %arg8[%dma_wait3A_429, %dma_wait3A_438, %dma_wait3A_439] : memref<2x64x129xf32, #tpu.memory_space<vmem>> -> memref<1x8x128xf32, #tpu.memory_space<vmem>>
    %dma_wait3A_441 = tpu.memref_squeeze %dma_wait3A_440 : memref<1x8x128xf32, #tpu.memory_space<vmem>> -> memref<8x128xf32, #tpu.memory_space<vmem>>
    %dma_wait3A_442 = arith.constant 0 : i32
    %dma_wait3A_443 = arith.constant 0 : i32
    %dma_wait3A_444 = tpu.memref_slice %arg4[%dma_wait3A_426, %dma_wait3A_427, %dma_wait3A_428, %dma_wait3A_442, %dma_wait3A_443] : memref<50x8x128x8x128xf32, #tpu.memory_space<hbm>> -> memref<1x1x1x8x128xf32, #tpu.memory_space<hbm>>
    %dma_wait3A_445 = tpu.memref_squeeze %dma_wait3A_444 : memref<1x1x1x8x128xf32, #tpu.memory_space<hbm>> -> memref<8x128xf32, #tpu.memory_space<hbm>>
    tpu.wait_dma2 semaphore(%arg11 : memref<!tpu.dma_semaphore, #tpu.memory_space<semaphore_mem>>) src(%dma_wait3A_445 : memref<8x128xf32, #tpu.memory_space<hbm>>) dst(%dma_wait3A_441 : memref<8x128xf32, #tpu.memory_space<vmem>>)
    return
  }
}

</mosaic_0001>

<sc_bundles>
// kernel: kernel.3.cloned.1.call-start
scs
__scs_entry_jumppad:
0x0: {  	(pc) =	sbr.rel $0x88, $3  }
0x1: {  	(tag) =	ssettag $0x0;
	lr =	simm.s32 $0x1  }
0x2: {  	[smem:$0x3F9F] =	sst lr;
	_ =	strace $0xD0000000  }
0x3: {  	_ = 	snop  }
0x4: {  	_ = 	snop  }
0x5: {  	_ = 	snop  }
0x6: {  	_ = 	snop  }
0x7: {  	_ = 	snop  }
__scs_overlays_trampoline_lowered:
0x8: {  	[smem:$0x3FAE] =	sst s0  }
0x9: {  	[smem:$0x3FAF] =	sst s1  }
0xa: {  	[smem:$0x3FB0] =	sst s2  }
0xb: {  	[smem:$0x3FB1] =	sst s3  }
0xc: {  	[smem:$0x3FB2] =	sst s4  }
0xd: {  	[smem:$0x3FB3] =	sst s5  }
0xe: {  	[smem:$0x3FB4] =	sst s6  }
0xf: {  	[smem:$0x3FB5] =	sst s7  }
0x10: {  	[smem:$0x3FB6] =	sst s8  }
0x11: {  	[smem:$0x3FB7] =	sst s9;
	s0 =	simm.s32 @!p0 $0x0  }
0x12: {  	s1 =	sld [smem:$0x3F9D];
	s0 =	simm.s32 @p0 $0x1  }
0x13: {  	[smem:$0x3FB8] =	sst s0;
	s0 =	simm.s32 @!p1 $0x0  }
0x14: {  	s2 =	sld [smem:$0x3F9C];
	s0 =	simm.s32 @p1 $0x1  }
0x15: {  	[smem:$0x3FB9] =	sst s0;
	s0 =	simm.s32 @!p2 $0x0  }
0x16: {  	s3 =	sld [smem:$0x3FDB];
	s0 =	simm.s32 @p2 $0x1  }
0x17: {  	s4 =	simm.s32 $0x1BF5;
	[smem:$0x3FBB] =	sst s0  }
0x18: {  	s0 =	sld [smem:$0x3F9E];
	_ =	swait.ge [sflag:s4], $0x0  }
0x19: {  	s7 =	sld [smem:$0x3F9F]  }
0x1a: {  	s8 =	sadd.s32 $0xFFFFE003, lr  }
0x1b: {  	s9 =	sadd.s32 $0xFFFFFEF7, lr;
	s5 =	simm.s32 $0xFFFFFFFF;
	p2 =	slt.u32 s8, $0xFFFFF086  }
0x1c: {  	p1 =	slt.u32 s9, $0xF7A;
	s5 =	simm.s32 @!p2 $0x0  }
0x1d: {  	s5 =	simm.s32 @p1 $0x1;
	p0 =	seq.s32 s7, s2  }
0x1e: {  	s7 =	smul.u32 @!p0 $0xF7A, s2;
	p2 =	seq.s32 @!p0 s5, $0x0  }
0x1f: {  	s9 =	smul.u32 $0xF7A, s1;
	s8 =	simm.s32 @!p0 $0x1BF5;
	p2 =	por !p2, p0  }
0x20: {  	[sflag:s8] =	ssyncset.s32 @!p0 $0xFFFFF086;
	s6 =	sadd.s32 @!p0 s3, s7;
	s7 =	simm.s32 @!p0 $0x108  }
0x21: {  	s3 =	sadd.s32 s3, s9;
	s6 =	sadd.s32 @!p0 $0x88, s6;
	s7 =	simm.s32 @p2 $0x1082  }
0x22: {  	[simem:s7], [sflag:s8] =	dma.local @!p0 [hbm:s6], $0xF7A  }
0x23: {  	s9 =	sor.u32 $0xD0000000, s2;
	s6 =	simm.s32 $0x108;
	_ =	swait.ge @!p0 [sflag:s8], $0x0  }
0x24: {  	s3 =	sadd.s32 $0x88, s3;
	s6 =	simm.s32 @!p1 $0x1082;
	[sflag:s4] =	ssyncset.s32 $0xFFFFF086  }
0x25: {  	[simem:s6], [sflag:s4] =	dma.local [hbm:s3], $0xF7A  }
0x26: {  	[smem:$0x3F9F] =	sst s1;
	(tag) =	ssettag s2;
	_ =	strace s9  }
0x27: {  	s1 =	sld [smem:$0x3FAF]  }
0x28: {  	s2 =	sld [smem:$0x3FB0]  }
0x29: {  	s4 =	sld [smem:$0x3FB2]  }
0x2a: {  	p0 =	seq.s32 s5, $0x0;
	s5 =	sld [smem:$0x3FB3]  }
0x2b: {  	s6 =	sld [smem:$0x3FB4]  }
0x2c: {  	s7 =	sld [smem:$0x3FB5]  }
0x2d: {  	s3 =	simm.s32 $0x108;
	s8 =	sld [smem:$0x3FB6]  }
0x2e: {  	s3 =	simm.s32 @!p0 $0x1082;
	s9 =	sld [smem:$0x3FB7]  }
0x2f: {  	lr =	sadd.s32 s0, s3;
	s0 =	sld [smem:$0x3FAE]  }
0x30: {  	s3 =	sld [smem:$0x3FB1]  }
0x31: {  	[smem:$0x3FBA] =	sst s10  }
0x32: {  	s10 =	sld [smem:$0x3FB8];
	_ =	sdelay $0x3  }
0x33: {  	p0 =	seq.s32 s10, $0x1;
	s10 =	sld [smem:$0x3FBA];
	_ =	sdelay $0x3  }
0x34: {  	[smem:$0x3FBA] =	sst s10  }
0x35: {  	s10 =	sld [smem:$0x3FB9];
	_ =	sdelay $0x3  }
0x36: {  	p1 =	seq.s32 s10, $0x1;
	s10 =	sld [smem:$0x3FBA];
	_ =	sdelay $0x3  }
0x37: {  	[smem:$0x3FBA] =	sst s10  }
0x38: {  	s10 =	sld [smem:$0x3FBB]  }
0x39: {  	_ = 	snop;
	(pc) =	sbr.ind lr, $3  }
0x3a: {  	_ = 	snop  }
0x3b: {  	_ = 	snop  }
0x3c: {  	p2 =	seq.s32 s10, $0x1;
	s10 =	sld [smem:$0x3FBA]  }
0x3d: {  	_ =	shalt  }
0x3e: {  	_ =	shalt  }
0x3f: {  	_ =	shalt  }
0x40: {  	_ =	shalt  }
0x41: {  	_ =	shalt  }
0x42: {  	_ =	shalt  }
0x43: {  	_ =	shalt  }
0x44: {  	_ =	shalt  }
0x45: {  	_ =	shalt  }
0x46: {  	_ =	shalt  }
0x47: {  	_ =	shalt  }
0x48: {  	_ =	shalt  }
0x49: {  	_ =	shalt  }
0x4a: {  	_ =	shalt  }
0x4b: {  	_ =	shalt  }
0x4c: {  	_ =	shalt  }
0x4d: {  	_ =	shalt  }
0x4e: {  	_ =	shalt  }
0x4f: {  	_ =	shalt  }
0x50: {  	_ =	shalt  }
0x51: {  	_ =	shalt  }
0x52: {  	_ =	shalt  }
0x53: {  	_ =	shalt  }
0x54: {  	_ =	shalt  }
0x55: {  	_ =	shalt  }
0x56: {  	_ =	shalt  }
0x57: {  	_ =	shalt  }
0x58: {  	_ =	shalt  }
0x59: {  	_ =	shalt  }
0x5a: {  	_ =	shalt  }
0x5b: {  	_ =	shalt  }
0x5c: {  	_ =	shalt  }
0x5d: {  	_ =	shalt  }
0x5e: {  	_ =	shalt  }
0x5f: {  	_ =	shalt  }
0x60: {  	_ =	shalt  }
0x61: {  	_ =	shalt  }
0x62: {  	_ =	shalt  }
0x63: {  	_ =	shalt  }
0x64: {  	_ =	shalt  }
0x65: {  	_ =	shalt  }
0x66: {  	_ =	shalt  }
0x67: {  	_ =	shalt  }
0x68: {  	_ =	shalt  }
0x69: {  	_ =	shalt  }
0x6a: {  	_ =	shalt  }
0x6b: {  	_ =	shalt  }
0x6c: {  	_ =	shalt  }
0x6d: {  	_ =	shalt  }
0x6e: {  	_ =	shalt  }
0x6f: {  	_ =	shalt  }
0x70: {  	_ =	shalt  }
0x71: {  	_ =	shalt  }
0x72: {  	_ =	shalt  }
0x73: {  	_ =	shalt  }
0x74: {  	_ =	shalt  }
0x75: {  	_ =	shalt  }
0x76: {  	_ =	shalt  }
0x77: {  	_ =	shalt  }
0x78: {  	_ =	shalt  }
0x79: {  	_ =	shalt  }
0x7a: {  	_ =	shalt  }
0x7b: {  	_ =	shalt  }
0x7c: {  	_ =	shalt  }
0x7d: {  	_ =	shalt  }
0x7e: {  	_ =	shalt  }
0x7f: {  	_ =	shalt  }
0x80: {  	_ =	shalt  }
0x81: {  	_ =	shalt  }
0x82: {  	_ =	shalt  }
0x83: {  	_ =	shalt  }
0x84: {  	_ =	shalt  }
0x85: {  	_ =	shalt  }
0x86: {  	_ =	shalt  }
0x87: {  	_ =	shalt  }
.Lfunc_end0:
.L_simem_size_0:
called_computation_lowered:
.L_overlay_start_0:
0x88: {  	s2 =	sld [smem:$0x3FD9]  }
0x89: {  	s3 =	sld [smem:$0x3FFE];
	_ =	sdelay $0x1  }
0x8a: {  	s1 =	srdreg.scid  }
0x8b: {  	s0 =	sand.u32 $0x1, s1  }
0x8c: {  	s17 =	sshll.u32 s0, $0xA;
	s2 =	sadd.s32 s3, s2  }
0x8d: {  	s2 =	sadd.s32 s2, s17  }
0x8e: {  	[smem:$0x3FC6] =	sst s2  }
0x8f: {  	_ = 	snop  }
0x90: {  	s2 =	sld [smem:$0x3FD0];
	(tm) =	ssettm $0x1  }
0x91: {  	s18 =	sld [smem:$0x3FFB];
	_ =	sdelay $0x3  }
0x92: {  	_ =	strace s18  }
0x93: {  	s3 =	sld [smem:$0x3FFC];
	_ =	sdelay $0x3  }
0x94: {  	_ =	strace s3  }
0x95: {  	s3 =	sld [smem:$0x3FFD];
	_ =	sdelay $0x3  }
0x96: {  	_ =	strace s3  }
0x97: {  	_ =	strace $0x8FFFFFFF  }
0x98: {  	s19 =	sld [smem:$0x3FDB];
	_ =	sdelay $0x1  }
0x99: {  	s4 =	simm.s32 $_scs_section_size  }
0x9a: {  	s5 =	simm.s32 $_size__tile_overlayer_lowered;
	s6 =	simm.s32 $_tile_overlayer_lowered  }
0x9b: {  	s22 =	simm.s32 $0x1BFF;
	s21 =	sshll.u32 s6, $0x1;
	s3 =	sadd.s32 s4, s19  }
0x9c: {  	s7 =	simm.s32 $0x0;
	s20 =	sshll.u32 s5, $0x1;
	s5 =	sadd.s32 s21, s3  }
0x9d: {  	[timem:s7], [sflag:s22] =	dma.local [hbm:s5], s20  }
0x9e: {  	_ =	swait.ge [sflag:s22], s20  }
0x9f: {  	s4 =	ssub.s32 $0x0, s20;
	[sflag:s22] =	ssyncset.done $0x0  }
0xa0: {  	[sflag:s22] =	ssyncadd.s32 s4;
	_ =	sdelay $0x1  }
0xa1: {  	s23 =	simm.s32 $0x1B8B  }
0xa2: {  	_ =	swait.ge [sflag:s23], $0x1  }
0xa3: {  	[sflag:s23] =	ssyncset.done $0x0  }
0xa4: {  	s25 =	simm.s32 $0x1B8E;
	s24 =	sld [smem:$0x3FFE];
	[sflag:s23] =	ssyncadd.s32 $0xFFFFFFFF  }
0xa5: {  	s26 =	simm.s32 $execute0_lowered;
	[smem:$0x3FD2] =	sst s25  }
0xa6: {  	s5 =	sshll.u32 s26, $0x1;
	_ =	strace $0x80000046;
	[dreg:$0x1] =	wrdreg $0xFFFFFFFF  }
0xa7: {  	s28 =	simm.s32 $_size_execute0_lowered;
	s3 =	sadd.s32 s3, s5;
	[dreg:$0x0] =	wrdreg $0x0  }
0xa8: {  	s5 =	sshll.u32 s28, $0x1;
	[dreg:$0x2] =	wrdreg s3  }
0xa9: {  	[dreg:$0x3] =	wrdreg s5  }
0xaa: {  	[dreg:$0x4] =	wrdreg $0xC0  }
0xab: {  	_ =	task [dreg:s7], $0x5FFFF  }
0xac: {  	[dreg:$0x1] =	wrdreg $0xFFFFFFFF  }
0xad: {  	[dreg:$0x0] =	wrdreg $0x60  }
0xae: {  	[dreg:$0x2] =	wrdreg s24  }
0xaf: {  	[dreg:$0x3] =	wrdreg s2  }
0xb0: {  	[dreg:$0x4] =	wrdreg $0x9  }
0xb1: {  	_ =	task.clear_ibuf [dreg:s7], $0x5FFFF;
	_ =	strace $0x90000046  }
0xb2: {  	s29 =	simm.s32 $0x9;
	_ =	strace $0x80000048  }
0xb3: {  	_ =	swait.ge [sflag:s29], $0x1  }
0xb4: {  	[sflag:s29] =	ssyncadd.s32 $0xFFFFFFFF  }
0xb5: {  	_ =	strace $0x90000048  }
0xb6: {  	_ =	sfence  }
0xb7: {  	s30 =	sld [smem:$0x0];
	_ =	sdelay $0x2  }
0xb8: {  	s31 =	sshll.u32 s1, $0xD;
	s1 =	sshrl.u32 s1, $0x2  }
0xb9: {  	s3 =	sand.u32 $0x4000, s31;
	s1 =	sadd.s32 s1, s30  }
0xba: {  	s0 =	sor.u32 s3, s0;
	s1 =	sshll.u32 s1, $0x11  }
0xbb: {  	s0 =	sor.u32 s1, s0  }
0xbc: {  	s0 =	sadd.s32 $0x8F2B, s0  }
0xbd: {  	[sflag:s0] =	ssyncadd.remote.s32 $0x1  }
0xbe: {  	_ =	sfence.sel $0xFFFF  }
0xbf: {  	[dreg:$0x0] =	wrdreg $0xFFFFFFFF;
	(pc) =	sbr.abs _section_cstart, $3  }
0xc0: {  	[dreg:$0x1] =	wrdreg $0xFFFFFFFF  }
0xc1: {  	_ =	task.clear_ibuf [dreg:s7], $0x2FFFF;
	_ =	strace $0x9FFFFFFF  }
0xc2: {  	(tm) =	ssettm $0x7FFFFFFF  }
0xc3: {  	_ =	shalt  }
tec
execute0_lowered:
.L_overlay_start_1:
0x0: {  	(tag) =	ssettag $0x1  }
0x1: {  	v6 =	vlaneseq.u32  }
0x2: {  	v0 =	vmul.u32 $0x32, v6  }
0x3: {  	s0 =	rddreg [dreg:$0x0];
	s1 =	srdreg.scid;
	v9 =	vimm.s32 $0x0;
	vm0 =	vcmask $0x300;
	v6 =	vmul.u32 $0x88, v6  }
0x4: {  	s3 =	stileid.u32;
	s2 =	rddreg [dreg:$0x1];
	v9 =	vsel vm0, $0x3, v9;
	v1 =	vadd.s32 $0x320, v0;
	v2 =	vadd.s32 $0x640, v0  }
0x5: {  	s9 =	simm.s32 $0x80;
	s10 =	simm.s32 $0x6400;
	s12 =	simm.s32 $0x1;
	v3 =	vadd.s32 $0x960, v0;
	v4 =	vadd.s32 $0xC80, v0;
	v5 =	vadd.s32 $0xFA0, v0  }
0x6: {  	s14 =	simm.s32 $0xA480;
	s7 =	simm.s32 $0xC680;
	s19 =	simm.s32 $0xE198;
	v7 =	vadd.s32 $0x12C0, v0;
	v8 =	vadd.s32 $0x15E0, v0;
	v10 =	vadd.s32 $0x880, v6  }
0x7: {  	s20 =	simm.s32 $0xE220;
	s21 =	simm.s32 $0xE2A8;
	s22 =	simm.s32 $0xE330;
	v11 =	vadd.s32 $0x1100, v6;
	v12 =	vadd.s32 $0x1980, v6;
	v13 =	vor.u32 $0x1, v6  }
0x8: {  	s23 =	simm.s32 $0xE3B8;
	s24 =	simm.s32 $0xE440;
	s11 =	simm.s32 $0xE550;
	v14 =	vadd.s32 $0x881, v6;
	v15 =	vadd.s32 $0x1101, v6;
	v16 =	vadd.s32 $0x1981, v6  }
0x9: {  	s28 =	simm.s32 $0xE660;
	s1 =	sand.u32 $0x1, s1;
	s4 =	sshll.u32 s3, $0x1;
	v17 =	vor.u32 $0x2, v6;
	v18 =	vadd.s32 $0x882, v6;
	v19 =	vadd.s32 $0x1102, v6  }
0xa: {  	s29 =	simm.s32 $0xE6E8;
	s3 =	simm.s32 $0x0;
	s5 =	sor.u32 s1, s4;
	v20 =	vadd.s32 $0x1982, v6;
	v21 =	vor.u32 $0x3, v6;
	v22 =	vadd.s32 $0x883, v6  }
0xb: {  	s30 =	simm.s32 $0xE770;
	[smem:$0x7FF] =	sst s3;
	s4 =	smul.u32 $0xC80, s5;
	v23 =	vadd.s32 $0x1103, v6;
	v24 =	vadd.s32 $0x1983, v6;
	v25 =	vor.u32 $0x4, v6  }
0xc: {  	s31 =	simm.s32 $0xE7F8;
	s1 =	ssub.s32 $0x2, s1;
	_ =	strace $0x80000047;
	v26 =	vadd.s32 $0x884, v6;
	v27 =	vadd.s32 $0x1104, v6;
	v28 =	vadd.s32 $0x1984, v6  }
0xd: {  	s25 =	sshrl.u32 s1, $0x1;
	v29 =	vor.u32 $0x5, v6;
	v30 =	vadd.s32 $0x885, v6;
	v31 =	vadd.s32 $0x1105, v6;
	s6 =	sadd.s32 s4, s0;
	s4 =	sadd.s32 $0xF42A00, s0  }
0xe: {  	v32 =	vadd.s32 $0x1985, v6;
	v33 =	vor.u32 $0x6, v6;
	v34 =	vadd.s32 $0x886, v6;
	s0 =	ssub.s32 s1, s25;
	s25 =	simm.s32 $0xE4C8;
	s26 =	sadd.s32 $0x600, s6  }
0xf: {  	v35 =	vadd.s32 $0x1106, v6;
	v36 =	vadd.s32 $0x1986, v6;
	v37 =	vor.u32 $0x7, v6;
	s6 =	sshll.u32 s5, $0xC;
	s0 =	smax.u32 s0, $0x1;
	[dreg:$0x3] =	wrdreg s26  }
0x10: {  	v38 =	vadd.s32 $0x887, v6;
	v39 =	vadd.s32 $0x1107, v6;
	v40 =	vadd.s32 $0x1987, v6;
	s5 =	simm.s32 $0x0;
	[dreg:$0x4] =	wrdreg s0;
	s26 =	simm.s32 $0xE5D8  }
.LBB2_1:
0x11: {  	[dreg:$0x5] =	wrdreg s5  }
0x12: {  	s0 =	rddreg [dreg:$0x3];
	s17 =	simm.s32 $0x4  }
0x13: {  	[tilespmem:s3], [sflag:$0x4] =	stream.linear.gather [hbm4b:s0+s3], $0x6400, $0x38;
	[tilespmem:$0xE880] =	vst v63  }
0x14: {  	_ =	swait.ge [sflag:s17], $0x6400  }
0x15: {  	[sflag:s17] =	ssyncset.done $0x0  }
0x16: {  	[sflag:s17] =	ssyncadd.s32 $0xFFFF9C00  }
0x17: {  	v41 =	vld.idx.msk [tilespmem:v0+s3+$0x0], $0xffff;
	_ =	sdelay $0x4  }
0x18: {  	[tilespmem:$0x6400] =	vst v41  }
0x19: {  	v41 =	vld.idx.msk [tilespmem:v1+s3+$0x0], $0xffff;
	_ =	sdelay $0x4  }
0x1a: {  	[tilespmem:$0x6410] =	vst v41  }
0x1b: {  	v41 =	vld.idx.msk [tilespmem:v2+s3+$0x0], $0xffff;
	_ =	sdelay $0x4  }
0x1c: {  	[tilespmem:$0x6420] =	vst v41  }
0x1d: {  	v41 =	vld.idx.msk [tilespmem:v3+s3+$0x0], $0xffff;
	_ =	sdelay $0x4  }
0x1e: {  	[tilespmem:$0x6430] =	vst v41  }
0x1f: {  	v41 =	vld.idx.msk [tilespmem:v4+s3+$0x0], $0xffff;
	_ =	sdelay $0x4  }
0x20: {  	[tilespmem:$0x6440] =	vst v41  }
0x21: {  	v41 =	vld.idx.msk [tilespmem:v5+s3+$0x0], $0xffff;
	_ =	sdelay $0x4  }
0x22: {  	[tilespmem:$0x6450] =	vst v41  }
0x23: {  	v41 =	vld.idx.msk [tilespmem:v7+s3+$0x0], $0xffff;
	_ =	sdelay $0x4  }
0x24: {  	[tilespmem:$0x6460] =	vst v41  }
0x25: {  	v41 =	vld.idx.msk [tilespmem:v8+s3+$0x0], $0xffff;
	_ =	sdelay $0x4  }
0x26: {  	s18 =	simm.s32 $0x6480;
	[tilespmem:$0x6470] =	vst v41  }
0x27: {  	[tilespmem:s18], [sflag:$0x1] =	stream.indirect.gather [hbm4b:s4+s9], $0x40, s10, s9, $0xb8;
	[tilespmem:$0xE880] =	vst v63  }
0x28: {  	_ =	swait.ge [sflag:s12], $0x2000  }
0x29: {  	[sflag:s12] =	ssyncset.done $0x0  }
0x2a: {  	s1 =	simm.s32 $0x0;
	[sflag:s12] =	ssyncadd.s32 $0xFFFFE000  }
.LBB2_2:
0x2b: {  	s0 =	sshllo.u32 s1, $0x1  }
0x2c: {  	s5 =	smul.u32 $0x29, s0;
	_ =	sdelay $0x1  }
0x2d: {  	s8 =	smul.u32 $0x52, s1;
	s5 =	sshrl.u32 s5, $0xB  }
0x2e: {  	s5 =	sand.u32 $0x1F, s5  }
0x2f: {  	s8 =	sshrl.u32 s8, $0xB;
	s5 =	smul.u32 $0x32, s5  }
0x30: {  	s8 =	sand.u32 $0x1F, s8  }
0x31: {  	s13 =	smul.u32 $0x1900, s8;
	s5 =	ssub.s32 s0, s5  }
0x32: {  	s5 =	sand.u32 $0xFF, s5  }
0x33: {  	s5 =	sor.u32 s5, s13  }
0x34: {  	v41 =	vadd.s32 s5, v0;
	_ =	sdelay $0x4  }
0x35: {  	s13 =	sadd.s32 $0x320, s5;
	v41 =	vld.idx.msk [tilespmem:v41+s3+$0x0], $0xffff  }
0x36: {  	v42 =	vadd.s32 s13, v0;
	_ =	sdelay $0x3  }
0x37: {  	[tilespmem:$0x6400] =	vst v41  }
0x38: {  	s16 =	sadd.s32 $0x640, s5;
	v41 =	vld.idx.msk [tilespmem:v42+s3+$0x0], $0xffff  }
0x39: {  	v58 =	vadd.s32 s16, v0;
	_ =	sdelay $0x3  }
0x3a: {  	[tilespmem:$0x6410] =	vst v41  }
0x3b: {  	s17 =	sadd.s32 $0x960, s5;
	v41 =	vld.idx.msk [tilespmem:v58+s3+$0x0], $0xffff  }
0x3c: {  	v59 =	vadd.s32 s17, v0;
	_ =	sdelay $0x3  }
0x3d: {  	[tilespmem:$0x6420] =	vst v41  }
0x3e: {  	s18 =	sadd.s32 $0xC80, s5;
	v41 =	vld.idx.msk [tilespmem:v59+s3+$0x0], $0xffff  }
0x3f: {  	v60 =	vadd.s32 s18, v0;
	_ =	sdelay $0x3  }
0x40: {  	[tilespmem:$0x6430] =	vst v41  }
0x41: {  	s15 =	sadd.s32 $0xFA0, s5;
	v41 =	vld.idx.msk [tilespmem:v60+s3+$0x0], $0xffff  }
0x42: {  	v61 =	vadd.s32 s15, v0;
	_ =	sdelay $0x3  }
0x43: {  	[tilespmem:$0x6440] =	vst v41  }
0x44: {  	s16 =	sadd.s32 $0x12C0, s5;
	v41 =	vld.idx.msk [tilespmem:v61+s3+$0x0], $0xffff  }
0x45: {  	v62 =	vadd.s32 s16, v0;
	_ =	sdelay $0x3  }
0x46: {  	[tilespmem:$0x6450] =	vst v41  }
0x47: {  	s5 =	sadd.s32 $0x15E0, s5;
	v41 =	vld.idx.msk [tilespmem:v62+s3+$0x0], $0xffff  }
0x48: {  	v63 =	vadd.s32 s5, v0;
	_ =	sdelay $0x3  }
0x49: {  	[tilespmem:$0x6460] =	vst v41  }
0x4a: {  	v41 =	vld.idx.msk [tilespmem:v63+s3+$0x0], $0xffff;
	_ =	sdelay $0x3  }
0x4b: {  	p0 =	seq.s32 s1, $0x0  }
0x4c: {  	s17 =	simm.s32 $0x8480;
	s5 =	simm.s32 @!p0 $0x2;
	[tilespmem:$0x6470] =	vst v41  }
0x4d: {  	[tilespmem:s17], [sflag:$0x1] =	stream.indirect.gather [hbm4b:s4+s9], $0x40, s10, s9, $0xb8;
	[tilespmem:$0xE880] =	vst v63  }
0x4e: {  	_ =	swait.ge @!p0 [sflag:s5], $0x400  }
0x4f: {  	[sflag:s5] =	ssyncset.done @!p0 $0x0  }
0x50: {  	[sflag:s5] =	ssyncadd.s32 @!p0 $0xFFFFFC00  }
0x51: {  	_ =	swait.ge @!p0 [sflag:s5], $0x400  }
0x52: {  	[sflag:s5] =	ssyncset.done @!p0 $0x0  }
0x53: {  	[sflag:s5] =	ssyncadd.s32 @!p0 $0xFFFFFC00  }
0x54: {  	_ =	swait.ge @!p0 [sflag:s5], $0x400  }
0x55: {  	[sflag:s5] =	ssyncset.done @!p0 $0x0  }
0x56: {  	[sflag:s5] =	ssyncadd.s32 @!p0 $0xFFFFFC00  }
0x57: {  	_ =	swait.ge @!p0 [sflag:s5], $0x400  }
0x58: {  	[sflag:s5] =	ssyncset.done @!p0 $0x0  }
0x59: {  	[sflag:s5] =	ssyncadd.s32 @!p0 $0xFFFFFC00  }
0x5a: {  	_ =	swait.ge @!p0 [sflag:s5], $0x400  }
0x5b: {  	[sflag:s5] =	ssyncset.done @!p0 $0x0  }
0x5c: {  	[sflag:s5] =	ssyncadd.s32 @!p0 $0xFFFFFC00  }
0x5d: {  	_ =	swait.ge @!p0 [sflag:s5], $0x400  }
0x5e: {  	[sflag:s5] =	ssyncset.done @!p0 $0x0  }
0x5f: {  	[sflag:s5] =	ssyncadd.s32 @!p0 $0xFFFFFC00  }
0x60: {  	s18 =	simm.s32 $0x0;
	_ =	swait.ge @!p0 [sflag:s5], $0x400  }
0x61: {  	v45 =	vmov s18;
	[sflag:s5] =	ssyncset.done @!p0 $0x0  }
0x62: {  	v41 =	vshrl.u32 v45, $0x3;
	[sflag:s5] =	ssyncadd.s32 @!p0 $0xFFFFFC00  }
0x63: {  	v41 =	vshll.u32 v41, v9;
	_ =	swait.ge @!p0 [sflag:s5], $0x400  }
0x64: {  	v41 =	vbroadcast v41, $0x0;
	[sflag:s5] =	ssyncset.done @!p0 $0x0  }
0x65: {  	[sflag:s5] =	ssyncadd.s32 @!p0 $0xFFFFFC00;
	s5 =	simm.s32 $0x6580  }
0x66: {  	v43 =	vadd.s32 v6, v41;
	v46 =	vld [tilespmem:s5+$0xFFFFFF00];
	_ =	sdelay $0x4  }
0x67: {  	[tilespmem:v43+s14+$0x0] =	vst.idx.msk $0xffff, v46  }
0x68: {  	v47 =	vadd.s32 v10, v41;
	v42 =	vld [tilespmem:s5+$0xFFFFFF10];
	_ =	sdelay $0x4  }
0x69: {  	[tilespmem:v47+s14+$0x0] =	vst.idx.msk $0xffff, v42  }
0x6a: {  	v48 =	vadd.s32 v11, v41;
	v42 =	vld [tilespmem:s5+$0xFFFFFF20];
	_ =	sdelay $0x4  }
0x6b: {  	[tilespmem:v48+s14+$0x0] =	vst.idx.msk $0xffff, v42  }
0x6c: {  	s15 =	simm.s32 $0x1;
	v41 =	vadd.s32 v12, v41;
	v42 =	vld [tilespmem:s5+$0xFFFFFF30]  }
0x6d: {  	v49 =	vmov s15  }
0x6e: {  	v43 =	vshrl.u32 v49, $0x3  }
0x6f: {  	v43 =	vshll.u32 v43, v9  }
0x70: {  	v43 =	vbroadcast v43, $0x0  }
0x71: {  	[tilespmem:v41+s14+$0x0] =	vst.idx.msk $0xffff, v42  }
0x72: {  	v50 =	vadd.s32 v13, v43;
	v41 =	vld [tilespmem:s5+$0xFFFFFF40];
	_ =	sdelay $0x4  }
0x73: {  	[tilespmem:v50+s14+$0x0] =	vst.idx.msk $0xffff, v41  }
0x74: {  	v51 =	vadd.s32 v14, v43;
	v41 =	vld [tilespmem:s5+$0xFFFFFF50];
	_ =	sdelay $0x4  }
0x75: {  	[tilespmem:v51+s14+$0x0] =	vst.idx.msk $0xffff, v41  }
0x76: {  	v52 =	vadd.s32 v15, v43;
	v41 =	vld [tilespmem:s5+$0xFFFFFF60];
	_ =	sdelay $0x4  }
0x77: {  	[tilespmem:v52+s14+$0x0] =	vst.idx.msk $0xffff, v41  }
0x78: {  	s16 =	simm.s32 $0x2;
	v53 =	vadd.s32 v16, v43;
	v41 =	vld [tilespmem:s5+$0xFFFFFF70]  }
0x79: {  	v54 =	vmov s16  }
0x7a: {  	v43 =	vshrl.u32 v54, $0x3  }
0x7b: {  	v43 =	vshll.u32 v43, v9  }
0x7c: {  	v43 =	vbroadcast v43, $0x0  }
0x7d: {  	[tilespmem:v53+s14+$0x0] =	vst.idx.msk $0xffff, v41  }
0x7e: {  	v55 =	vadd.s32 v17, v43;
	v41 =	vld [tilespmem:s5+$0xFFFFFF80];
	_ =	sdelay $0x4  }
0x7f: {  	[tilespmem:v55+s14+$0x0] =	vst.idx.msk $0xffff, v41  }
0x80: {  	v56 =	vadd.s32 v18, v43;
	v41 =	vld [tilespmem:s5+$0xFFFFFF90];
	_ =	sdelay $0x4  }
0x81: {  	[tilespmem:v56+s14+$0x0] =	vst.idx.msk $0xffff, v41  }
0x82: {  	v57 =	vadd.s32 v19, v43;
	v41 =	vld [tilespmem:s5+$0xFFFFFFA0];
	_ =	sdelay $0x4  }
0x83: {  	[tilespmem:v57+s14+$0x0] =	vst.idx.msk $0xffff, v41  }
0x84: {  	s17 =	simm.s32 $0x3;
	v58 =	vadd.s32 v20, v43;
	v41 =	vld [tilespmem:s5+$0xFFFFFFB0]  }
0x85: {  	v59 =	vmov s17  }
0x86: {  	v43 =	vshrl.u32 v59, $0x3  }
0x87: {  	v43 =	vshll.u32 v43, v9  }
0x88: {  	v43 =	vbroadcast v43, $0x0  }
0x89: {  	[tilespmem:v58+s14+$0x0] =	vst.idx.msk $0xffff, v41  }
0x8a: {  	v60 =	vadd.s32 v21, v43;
	v41 =	vld [tilespmem:s5+$0xFFFFFFC0];
	_ =	sdelay $0x4  }
0x8b: {  	[tilespmem:v60+s14+$0x0] =	vst.idx.msk $0xffff, v41  }
0x8c: {  	v61 =	vadd.s32 v22, v43;
	v41 =	vld [tilespmem:s5+$0xFFFFFFD0];
	_ =	sdelay $0x4  }
0x8d: {  	[tilespmem:v61+s14+$0x0] =	vst.idx.msk $0xffff, v41  }
0x8e: {  	v62 =	vadd.s32 v23, v43;
	v41 =	vld [tilespmem:s5+$0xFFFFFFE0];
	_ =	sdelay $0x4  }
0x8f: {  	[tilespmem:v62+s14+$0x0] =	vst.idx.msk $0xffff, v41  }
0x90: {  	s18 =	simm.s32 $0x4;
	v63 =	vadd.s32 v24, v43;
	v41 =	vld [tilespmem:s5+$0xFFFFFFF0]  }
0x91: {  	v45 =	vmov s18  }
0x92: {  	v43 =	vshrl.u32 v45, $0x3  }
0x93: {  	v43 =	vshll.u32 v43, v9  }
0x94: {  	v43 =	vbroadcast v43, $0x0  }
0x95: {  	[tilespmem:v63+s14+$0x0] =	vst.idx.msk $0xffff, v41  }
0x96: {  	v46 =	vadd.s32 v25, v43;
	v41 =	vld [tilespmem:s5+$0x0];
	_ =	sdelay $0x4  }
0x97: {  	[tilespmem:v46+s14+$0x0] =	vst.idx.msk $0xffff, v41  }
0x98: {  	v47 =	vadd.s32 v26, v43;
	v41 =	vld [tilespmem:s5+$0x10];
	_ =	sdelay $0x4  }
0x99: {  	[tilespmem:v47+s14+$0x0] =	vst.idx.msk $0xffff, v41  }
0x9a: {  	v48 =	vadd.s32 v27, v43;
	v41 =	vld [tilespmem:s5+$0x20];
	_ =	sdelay $0x4  }
0x9b: {  	[tilespmem:v48+s14+$0x0] =	vst.idx.msk $0xffff, v41  }
0x9c: {  	s15 =	simm.s32 $0x5;
	v49 =	vadd.s32 v28, v43;
	v41 =	vld [tilespmem:s5+$0x30]  }
0x9d: {  	v50 =	vmov s15  }
0x9e: {  	v43 =	vshrl.u32 v50, $0x3  }
0x9f: {  	v43 =	vshll.u32 v43, v9  }
0xa0: {  	v43 =	vbroadcast v43, $0x0  }
0xa1: {  	[tilespmem:v49+s14+$0x0] =	vst.idx.msk $0xffff, v41  }
0xa2: {  	v51 =	vadd.s32 v29, v43;
	v41 =	vld [tilespmem:s5+$0x40];
	_ =	sdelay $0x4  }
0xa3: {  	[tilespmem:v51+s14+$0x0] =	vst.idx.msk $0xffff, v41  }
0xa4: {  	v52 =	vadd.s32 v30, v43;
	v41 =	vld [tilespmem:s5+$0x50];
	_ =	sdelay $0x4  }
0xa5: {  	[tilespmem:v52+s14+$0x0] =	vst.idx.msk $0xffff, v41  }
0xa6: {  	v53 =	vadd.s32 v31, v43;
	v41 =	vld [tilespmem:s5+$0x60];
	_ =	sdelay $0x4  }
0xa7: {  	[tilespmem:v53+s14+$0x0] =	vst.idx.msk $0xffff, v41  }
0xa8: {  	s16 =	simm.s32 $0x6;
	v54 =	vadd.s32 v32, v43;
	v41 =	vld [tilespmem:s5+$0x70]  }
0xa9: {  	v55 =	vmov s16  }
0xaa: {  	v43 =	vshrl.u32 v55, $0x3  }
0xab: {  	v43 =	vshll.u32 v43, v9  }
0xac: {  	v43 =	vbroadcast v43, $0x0  }
0xad: {  	[tilespmem:v54+s14+$0x0] =	vst.idx.msk $0xffff, v41  }
0xae: {  	v56 =	vadd.s32 v33, v43;
	v41 =	vld [tilespmem:s5+$0x80];
	_ =	sdelay $0x4  }
0xaf: {  	[tilespmem:v56+s14+$0x0] =	vst.idx.msk $0xffff, v41  }
0xb0: {  	v57 =	vadd.s32 v34, v43;
	v41 =	vld [tilespmem:s5+$0x90];
	_ =	sdelay $0x4  }
0xb1: {  	[tilespmem:v57+s14+$0x0] =	vst.idx.msk $0xffff, v41  }
0xb2: {  	v58 =	vadd.s32 v35, v43;
	v41 =	vld [tilespmem:s5+$0xA0];
	_ =	sdelay $0x4  }
0xb3: {  	[tilespmem:v58+s14+$0x0] =	vst.idx.msk $0xffff, v41  }
0xb4: {  	s17 =	simm.s32 $0x7;
	v59 =	vadd.s32 v36, v43;
	v41 =	vld [tilespmem:s5+$0xB0]  }
0xb5: {  	v60 =	vmov s17  }
0xb6: {  	v43 =	vshrl.u32 v60, $0x3  }
0xb7: {  	v43 =	vshll.u32 v43, v9  }
0xb8: {  	v43 =	vbroadcast v43, $0x0  }
0xb9: {  	[tilespmem:v59+s14+$0x0] =	vst.idx.msk $0xffff, v41  }
0xba: {  	v61 =	vadd.s32 v37, v43;
	v41 =	vld [tilespmem:s5+$0xC0];
	_ =	sdelay $0x4  }
0xbb: {  	[tilespmem:v61+s14+$0x0] =	vst.idx.msk $0xffff, v41  }
0xbc: {  	v62 =	vadd.s32 v38, v43;
	v41 =	vld [tilespmem:s5+$0xD0];
	_ =	sdelay $0x4  }
0xbd: {  	[tilespmem:v62+s14+$0x0] =	vst.idx.msk $0xffff, v41  }
0xbe: {  	v63 =	vadd.s32 v39, v43;
	v41 =	vld [tilespmem:s5+$0xE0];
	_ =	sdelay $0x2  }
0xbf: {  	s18 =	smul.u32 $0x29, s1  }
0xc0: {  	s15 =	smul.u32 $0x32, s8  }
0xc1: {  	s8 =	sshll.u32 s1, $0x1;
	[tilespmem:v63+s14+$0x0] =	vst.idx.msk $0xffff, v41  }
0xc2: {  	s13 =	sshrl.u32 s18, $0xA;
	s15 =	ssub.s32 s8, s15;
	s16 =	simm.s32 $0x8;
	v42 =	vadd.s32 v40, v43;
	v41 =	vld [tilespmem:s5+$0xF0]  }
0xc3: {  	s13 =	sand.u32 $0x3F, s13;
	s15 =	sand.u32 $0xFE, s15;
	s17 =	simm.s32 $0x10;
	v43 =	vmov s16  }
.LBB2_3:
0xc4: {  	p1 =	slt.u32 s17, $0x78;
	v43 =	vshrl.u32 v43, $0x3  }
0xc5: {  	v43 =	vshll.u32 v43, v9  }
0xc6: {  	v43 =	vbroadcast v43, $0x0  }
0xc7: {  	s5 =	sadd.s32 $0x200, s5;
	[tilespmem:v42+s14+$0x0] =	vst.idx.msk $0xffff, v41  }
0xc8: {  	v41 =	vld [tilespmem:s5+$0xFFFFFF00];
	v42 =	vadd.s32 v6, v43;
	_ =	sdelay $0x4  }
0xc9: {  	[tilespmem:v42+s14+$0x0] =	vst.idx.msk $0xffff, v41  }
0xca: {  	v42 =	vadd.s32 v10, v43;
	v41 =	vld [tilespmem:s5+$0xFFFFFF10];
	_ =	sdelay $0x4  }
0xcb: {  	[tilespmem:v42+s14+$0x0] =	vst.idx.msk $0xffff, v41  }
0xcc: {  	v42 =	vadd.s32 v11, v43;
	v41 =	vld [tilespmem:s5+$0xFFFFFF20];
	_ =	sdelay $0x4  }
0xcd: {  	[tilespmem:v42+s14+$0x0] =	vst.idx.msk $0xffff, v41  }
0xce: {  	s18 =	sadd.s32 $0x1, s16;
	v42 =	vadd.s32 v12, v43;
	v41 =	vld [tilespmem:s5+$0xFFFFFF30]  }
0xcf: {  	v43 =	vmov s18  }
0xd0: {  	v43 =	vshrl.u32 v43, $0x3  }
0xd1: {  	v43 =	vshll.u32 v43, v9  }
0xd2: {  	v43 =	vbroadcast v43, $0x0  }
0xd3: {  	[tilespmem:v42+s14+$0x0] =	vst.idx.msk $0xffff, v41  }
0xd4: {  	v42 =	vadd.s32 v13, v43;
	v41 =	vld [tilespmem:s5+$0xFFFFFF40];
	_ =	sdelay $0x4  }
0xd5: {  	[tilespmem:v42+s14+$0x0] =	vst.idx.msk $0xffff, v41  }
0xd6: {  	v42 =	vadd.s32 v14, v43;
	v41 =	vld [tilespmem:s5+$0xFFFFFF50];
	_ =	sdelay $0x4  }
0xd7: {  	[tilespmem:v42+s14+$0x0] =	vst.idx.msk $0xffff, v41  }
0xd8: {  	v42 =	vadd.s32 v15, v43;
	v41 =	vld [tilespmem:s5+$0xFFFFFF60];
	_ =	sdelay $0x4  }
0xd9: {  	[tilespmem:v42+s14+$0x0] =	vst.idx.msk $0xffff, v41  }
0xda: {  	s18 =	sadd.s32 $0x2, s16;
	v42 =	vadd.s32 v16, v43;
	v41 =	vld [tilespmem:s5+$0xFFFFFF70]  }
0xdb: {  	v43 =	vmov s18  }
0xdc: {  	v43 =	vshrl.u32 v43, $0x3  }
0xdd: {  	v43 =	vshll.u32 v43, v9  }
0xde: {  	v43 =	vbroadcast v43, $0x0  }
0xdf: {  	[tilespmem:v42+s14+$0x0] =	vst.idx.msk $0xffff, v41  }
0xe0: {  	v42 =	vadd.s32 v17, v43;
	v41 =	vld [tilespmem:s5+$0xFFFFFF80];
	_ =	sdelay $0x4  }
0xe1: {  	[tilespmem:v42+s14+$0x0] =	vst.idx.msk $0xffff, v41  }
0xe2: {  	v42 =	vadd.s32 v18, v43;
	v41 =	vld [tilespmem:s5+$0xFFFFFF90];
	_ =	sdelay $0x4  }
0xe3: {  	[tilespmem:v42+s14+$0x0] =	vst.idx.msk $0xffff, v41  }
0xe4: {  	v42 =	vadd.s32 v19, v43;
	v41 =	vld [tilespmem:s5+$0xFFFFFFA0];
	_ =	sdelay $0x4  }
0xe5: {  	[tilespmem:v42+s14+$0x0] =	vst.idx.msk $0xffff, v41  }
0xe6: {  	s18 =	sadd.s32 $0x3, s16;
	v42 =	vadd.s32 v20, v43;
	v41 =	vld [tilespmem:s5+$0xFFFFFFB0]  }
0xe7: {  	v43 =	vmov s18  }
0xe8: {  	v43 =	vshrl.u32 v43, $0x3  }
0xe9: {  	v43 =	vshll.u32 v43, v9  }
0xea: {  	v43 =	vbroadcast v43, $0x0  }
0xeb: {  	[tilespmem:v42+s14+$0x0] =	vst.idx.msk $0xffff, v41  }
0xec: {  	v42 =	vadd.s32 v21, v43;
	v41 =	vld [tilespmem:s5+$0xFFFFFFC0];
	_ =	sdelay $0x4  }
0xed: {  	[tilespmem:v42+s14+$0x0] =	vst.idx.msk $0xffff, v41  }
0xee: {  	v42 =	vadd.s32 v22, v43;
	v41 =	vld [tilespmem:s5+$0xFFFFFFD0];
	_ =	sdelay $0x4  }
0xef: {  	[tilespmem:v42+s14+$0x0] =	vst.idx.msk $0xffff, v41  }
0xf0: {  	v42 =	vadd.s32 v23, v43;
	v41 =	vld [tilespmem:s5+$0xFFFFFFE0];
	_ =	sdelay $0x4  }
0xf1: {  	[tilespmem:v42+s14+$0x0] =	vst.idx.msk $0xffff, v41  }
0xf2: {  	s18 =	sadd.s32 $0x4, s16;
	v42 =	vadd.s32 v24, v43;
	v41 =	vld [tilespmem:s5+$0xFFFFFFF0]  }
0xf3: {  	v43 =	vmov s18  }
0xf4: {  	v43 =	vshrl.u32 v43, $0x3  }
0xf5: {  	v43 =	vshll.u32 v43, v9  }
0xf6: {  	v43 =	vbroadcast v43, $0x0  }
0xf7: {  	[tilespmem:v42+s14+$0x0] =	vst.idx.msk $0xffff, v41  }
0xf8: {  	v42 =	vadd.s32 v25, v43;
	v41 =	vld [tilespmem:s5+$0x0];
	_ =	sdelay $0x4  }
0xf9: {  	[tilespmem:v42+s14+$0x0] =	vst.idx.msk $0xffff, v41  }
0xfa: {  	v42 =	vadd.s32 v26, v43;
	v41 =	vld [tilespmem:s5+$0x10];
	_ =	sdelay $0x4  }
0xfb: {  	[tilespmem:v42+s14+$0x0] =	vst.idx.msk $0xffff, v41  }
0xfc: {  	v42 =	vadd.s32 v27, v43;
	v41 =	vld [tilespmem:s5+$0x20];
	_ =	sdelay $0x4  }
0xfd: {  	[tilespmem:v42+s14+$0x0] =	vst.idx.msk $0xffff, v41  }
0xfe: {  	s18 =	sadd.s32 $0x5, s16;
	v42 =	vadd.s32 v28, v43;
	v41 =	vld [tilespmem:s5+$0x30]  }
0xff: {  	v43 =	vmov s18  }
0x100: {  	v43 =	vshrl.u32 v43, $0x3  }
0x101: {  	v43 =	vshll.u32 v43, v9  }
0x102: {  	v43 =	vbroadcast v43, $0x0  }
0x103: {  	[tilespmem:v42+s14+$0x0] =	vst.idx.msk $0xffff, v41  }
0x104: {  	v42 =	vadd.s32 v29, v43;
	v41 =	vld [tilespmem:s5+$0x40];
	_ =	sdelay $0x4  }
0x105: {  	[tilespmem:v42+s14+$0x0] =	vst.idx.msk $0xffff, v41  }
0x106: {  	v42 =	vadd.s32 v30, v43;
	v41 =	vld [tilespmem:s5+$0x50];
	_ =	sdelay $0x4  }
0x107: {  	[tilespmem:v42+s14+$0x0] =	vst.idx.msk $0xffff, v41  }
0x108: {  	v42 =	vadd.s32 v31, v43;
	v41 =	vld [tilespmem:s5+$0x60];
	_ =	sdelay $0x4  }
0x109: {  	[tilespmem:v42+s14+$0x0] =	vst.idx.msk $0xffff, v41  }
0x10a: {  	s18 =	sadd.s32 $0x6, s16;
	v42 =	vadd.s32 v32, v43;
	v41 =	vld [tilespmem:s5+$0x70]  }
0x10b: {  	v43 =	vmov s18  }
0x10c: {  	v43 =	vshrl.u32 v43, $0x3  }
0x10d: {  	v43 =	vshll.u32 v43, v9  }
0x10e: {  	v43 =	vbroadcast v43, $0x0  }
0x10f: {  	[tilespmem:v42+s14+$0x0] =	vst.idx.msk $0xffff, v41  }
0x110: {  	v42 =	vadd.s32 v33, v43;
	v41 =	vld [tilespmem:s5+$0x80];
	_ =	sdelay $0x4  }
0x111: {  	[tilespmem:v42+s14+$0x0] =	vst.idx.msk $0xffff, v41  }
0x112: {  	v42 =	vadd.s32 v34, v43;
	v41 =	vld [tilespmem:s5+$0x90];
	_ =	sdelay $0x4  }
0x113: {  	[tilespmem:v42+s14+$0x0] =	vst.idx.msk $0xffff, v41  }
0x114: {  	v42 =	vadd.s32 v35, v43;
	v41 =	vld [tilespmem:s5+$0xA0];
	_ =	sdelay $0x4  }
0x115: {  	[tilespmem:v42+s14+$0x0] =	vst.idx.msk $0xffff, v41  }
0x116: {  	s18 =	sadd.s32 $0x7, s16;
	s16 =	smov.u32 s17;
	v42 =	vadd.s32 v36, v43;
	v41 =	vld [tilespmem:s5+$0xB0]  }
0x117: {  	v43 =	vmov s18  }
0x118: {  	v43 =	vshrl.u32 v43, $0x3  }
0x119: {  	v43 =	vshll.u32 v43, v9  }
0x11a: {  	v43 =	vbroadcast v43, $0x0  }
0x11b: {  	[tilespmem:v42+s14+$0x0] =	vst.idx.msk $0xffff, v41  }
0x11c: {  	v42 =	vadd.s32 v37, v43;
	v41 =	vld [tilespmem:s5+$0xC0];
	_ =	sdelay $0x4  }
0x11d: {  	[tilespmem:v42+s14+$0x0] =	vst.idx.msk $0xffff, v41  }
0x11e: {  	v42 =	vadd.s32 v38, v43;
	v41 =	vld [tilespmem:s5+$0xD0];
	_ =	sdelay $0x4  }
0x11f: {  	[tilespmem:v42+s14+$0x0] =	vst.idx.msk $0xffff, v41  }
0x120: {  	v42 =	vadd.s32 v39, v43;
	v41 =	vld [tilespmem:s5+$0xE0];
	_ =	sdelay $0x2  }
.Ltmp0:
0x121: {  	(pc) =	sbr.rel @p1 .LBB2_3-.Ltmp0, $4  }
0x122: {  	_ = 	snop  }
0x123: {  	[tilespmem:v42+s14+$0x0] =	vst.idx.msk $0xffff, v41  }
0x124: {  	v42 =	vadd.s32 v40, v43;
	v41 =	vld [tilespmem:s5+$0xF0]  }
0x125: {  	s17 =	sadd.s32 $0x8, s17;
	v43 =	vmov s16  }
0x126: {  	_ = 	snop  }
0x127: {  	v43 =	vshrl.u32 v43, $0x3  }
0x128: {  	v43 =	vshll.u32 v43, v9  }
0x129: {  	v43 =	vbroadcast v43, $0x0  }
0x12a: {  	s5 =	sadd.s32 $0x200, s5;
	[tilespmem:v42+s14+$0x0] =	vst.idx.msk $0xffff, v41  }
0x12b: {  	v41 =	vld [tilespmem:s5+$0xFFFFFF00];
	v55 =	vadd.s32 v6, v43;
	_ =	sdelay $0x4  }
0x12c: {  	[tilespmem:v55+s14+$0x0] =	vst.idx.msk $0xffff, v41  }
0x12d: {  	v56 =	vadd.s32 v10, v43;
	v41 =	vld [tilespmem:s5+$0xFFFFFF10];
	_ =	sdelay $0x4  }
0x12e: {  	[tilespmem:v56+s14+$0x0] =	vst.idx.msk $0xffff, v41  }
0x12f: {  	v57 =	vadd.s32 v11, v43;
	v41 =	vld [tilespmem:s5+$0xFFFFFF20];
	_ =	sdelay $0x4  }
0x130: {  	[tilespmem:v57+s14+$0x0] =	vst.idx.msk $0xffff, v41  }
0x131: {  	s17 =	sadd.s32 $0x1, s16;
	v58 =	vadd.s32 v12, v43;
	v41 =	vld [tilespmem:s5+$0xFFFFFF30]  }
0x132: {  	v59 =	vmov s17  }
0x133: {  	v43 =	vshrl.u32 v59, $0x3  }
0x134: {  	v43 =	vshll.u32 v43, v9  }
0x135: {  	v43 =	vbroadcast v43, $0x0  }
0x136: {  	[tilespmem:v58+s14+$0x0] =	vst.idx.msk $0xffff, v41  }
0x137: {  	v60 =	vadd.s32 v13, v43;
	v41 =	vld [tilespmem:s5+$0xFFFFFF40];
	_ =	sdelay $0x4  }
0x138: {  	[tilespmem:v60+s14+$0x0] =	vst.idx.msk $0xffff, v41  }
0x139: {  	v61 =	vadd.s32 v14, v43;
	v41 =	vld [tilespmem:s5+$0xFFFFFF50];
	_ =	sdelay $0x4  }
0x13a: {  	[tilespmem:v61+s14+$0x0] =	vst.idx.msk $0xffff, v41  }
0x13b: {  	v62 =	vadd.s32 v15, v43;
	v41 =	vld [tilespmem:s5+$0xFFFFFF60];
	_ =	sdelay $0x4  }
0x13c: {  	[tilespmem:v62+s14+$0x0] =	vst.idx.msk $0xffff, v41  }
0x13d: {  	s18 =	sadd.s32 $0x2, s16;
	v63 =	vadd.s32 v16, v43;
	v41 =	vld [tilespmem:s5+$0xFFFFFF70]  }
0x13e: {  	v45 =	vmov s18  }
0x13f: {  	v43 =	vshrl.u32 v45, $0x3  }
0x140: {  	v43 =	vshll.u32 v43, v9  }
0x141: {  	v43 =	vbroadcast v43, $0x0  }
0x142: {  	[tilespmem:v63+s14+$0x0] =	vst.idx.msk $0xffff, v41  }
0x143: {  	v46 =	vadd.s32 v17, v43;
	v41 =	vld [tilespmem:s5+$0xFFFFFF80];
	_ =	sdelay $0x4  }
0x144: {  	[tilespmem:v46+s14+$0x0] =	vst.idx.msk $0xffff, v41  }
0x145: {  	v47 =	vadd.s32 v18, v43;
	v41 =	vld [tilespmem:s5+$0xFFFFFF90];
	_ =	sdelay $0x4  }
0x146: {  	[tilespmem:v47+s14+$0x0] =	vst.idx.msk $0xffff, v41  }
0x147: {  	v48 =	vadd.s32 v19, v43;
	v41 =	vld [tilespmem:s5+$0xFFFFFFA0];
	_ =	sdelay $0x4  }
0x148: {  	[tilespmem:v48+s14+$0x0] =	vst.idx.msk $0xffff, v41  }
0x149: {  	s18 =	sadd.s32 $0x3, s16;
	v49 =	vadd.s32 v20, v43;
	v41 =	vld [tilespmem:s5+$0xFFFFFFB0]  }
0x14a: {  	v50 =	vmov s18  }
0x14b: {  	v43 =	vshrl.u32 v50, $0x3  }
0x14c: {  	v43 =	vshll.u32 v43, v9  }
0x14d: {  	v43 =	vbroadcast v43, $0x0  }
0x14e: {  	[tilespmem:v49+s14+$0x0] =	vst.idx.msk $0xffff, v41  }
0x14f: {  	v51 =	vadd.s32 v21, v43;
	v41 =	vld [tilespmem:s5+$0xFFFFFFC0];
	_ =	sdelay $0x4  }
0x150: {  	[tilespmem:v51+s14+$0x0] =	vst.idx.msk $0xffff, v41  }
0x151: {  	v52 =	vadd.s32 v22, v43;
	v41 =	vld [tilespmem:s5+$0xFFFFFFD0];
	_ =	sdelay $0x4  }
0x152: {  	[tilespmem:v52+s14+$0x0] =	vst.idx.msk $0xffff, v41  }
0x153: {  	v53 =	vadd.s32 v23, v43;
	v41 =	vld [tilespmem:s5+$0xFFFFFFE0];
	_ =	sdelay $0x4  }
0x154: {  	[tilespmem:v53+s14+$0x0] =	vst.idx.msk $0xffff, v41  }
0x155: {  	s18 =	sadd.s32 $0x4, s16;
	v54 =	vadd.s32 v24, v43;
	v41 =	vld [tilespmem:s5+$0xFFFFFFF0]  }
0x156: {  	v55 =	vmov s18  }
0x157: {  	v43 =	vshrl.u32 v55, $0x3  }
0x158: {  	v43 =	vshll.u32 v43, v9  }
0x159: {  	v43 =	vbroadcast v43, $0x0  }
0x15a: {  	[tilespmem:v54+s14+$0x0] =	vst.idx.msk $0xffff, v41  }
0x15b: {  	v56 =	vadd.s32 v25, v43;
	v41 =	vld [tilespmem:s5+$0x0];
	_ =	sdelay $0x4  }
0x15c: {  	[tilespmem:v56+s14+$0x0] =	vst.idx.msk $0xffff, v41  }
0x15d: {  	v57 =	vadd.s32 v26, v43;
	v41 =	vld [tilespmem:s5+$0x10];
	_ =	sdelay $0x4  }
0x15e: {  	[tilespmem:v57+s14+$0x0] =	vst.idx.msk $0xffff, v41  }
0x15f: {  	v58 =	vadd.s32 v27, v43;
	v41 =	vld [tilespmem:s5+$0x20];
	_ =	sdelay $0x4  }
0x160: {  	[tilespmem:v58+s14+$0x0] =	vst.idx.msk $0xffff, v41  }
0x161: {  	s18 =	sadd.s32 $0x5, s16;
	v59 =	vadd.s32 v28, v43;
	v41 =	vld [tilespmem:s5+$0x30]  }
0x162: {  	v60 =	vmov s18  }
0x163: {  	v43 =	vshrl.u32 v60, $0x3  }
0x164: {  	v43 =	vshll.u32 v43, v9  }
0x165: {  	v43 =	vbroadcast v43, $0x0  }
0x166: {  	[tilespmem:v59+s14+$0x0] =	vst.idx.msk $0xffff, v41  }
0x167: {  	v61 =	vadd.s32 v29, v43;
	v41 =	vld [tilespmem:s5+$0x40];
	_ =	sdelay $0x4  }
0x168: {  	[tilespmem:v61+s14+$0x0] =	vst.idx.msk $0xffff, v41  }
0x169: {  	v62 =	vadd.s32 v30, v43;
	v41 =	vld [tilespmem:s5+$0x50];
	_ =	sdelay $0x4  }
0x16a: {  	[tilespmem:v62+s14+$0x0] =	vst.idx.msk $0xffff, v41  }
0x16b: {  	v63 =	vadd.s32 v31, v43;
	v41 =	vld [tilespmem:s5+$0x60];
	_ =	sdelay $0x4  }
0x16c: {  	[tilespmem:v63+s14+$0x0] =	vst.idx.msk $0xffff, v41  }
0x16d: {  	s18 =	sadd.s32 $0x6, s16;
	v45 =	vadd.s32 v32, v43;
	v41 =	vld [tilespmem:s5+$0x70]  }
0x16e: {  	v46 =	vmov s18  }
0x16f: {  	v43 =	vshrl.u32 v46, $0x3  }
0x170: {  	v43 =	vshll.u32 v43, v9  }
0x171: {  	v43 =	vbroadcast v43, $0x0  }
0x172: {  	[tilespmem:v45+s14+$0x0] =	vst.idx.msk $0xffff, v41  }
0x173: {  	v47 =	vadd.s32 v33, v43;
	v41 =	vld [tilespmem:s5+$0x80];
	_ =	sdelay $0x4  }
0x174: {  	[tilespmem:v47+s14+$0x0] =	vst.idx.msk $0xffff, v41  }
0x175: {  	v48 =	vadd.s32 v34, v43;
	v41 =	vld [tilespmem:s5+$0x90];
	_ =	sdelay $0x4  }
0x176: {  	[tilespmem:v48+s14+$0x0] =	vst.idx.msk $0xffff, v41  }
0x177: {  	v49 =	vadd.s32 v35, v43;
	v41 =	vld [tilespmem:s5+$0xA0];
	_ =	sdelay $0x4  }
0x178: {  	[tilespmem:v49+s14+$0x0] =	vst.idx.msk $0xffff, v41  }
0x179: {  	s18 =	sadd.s32 $0x7, s16;
	v50 =	vadd.s32 v36, v43;
	v41 =	vld [tilespmem:s5+$0xB0]  }
0x17a: {  	v51 =	vmov s18  }
0x17b: {  	v43 =	vshrl.u32 v51, $0x3  }
0x17c: {  	v43 =	vshll.u32 v43, v9  }
0x17d: {  	v43 =	vbroadcast v43, $0x0  }
0x17e: {  	[tilespmem:v50+s14+$0x0] =	vst.idx.msk $0xffff, v41  }
0x17f: {  	v52 =	vadd.s32 v37, v43;
	v41 =	vld [tilespmem:s5+$0xC0];
	_ =	sdelay $0x4  }
0x180: {  	[tilespmem:v52+s14+$0x0] =	vst.idx.msk $0xffff, v41  }
0x181: {  	v53 =	vadd.s32 v38, v43;
	v41 =	vld [tilespmem:s5+$0xD0];
	_ =	sdelay $0x4  }
0x182: {  	[tilespmem:v53+s14+$0x0] =	vst.idx.msk $0xffff, v41  }
0x183: {  	v54 =	vadd.s32 v39, v43;
	v41 =	vld [tilespmem:s5+$0xE0];
	_ =	sdelay $0x4  }
0x184: {  	[tilespmem:v54+s14+$0x0] =	vst.idx.msk $0xffff, v41  }
0x185: {  	v55 =	vadd.s32 v40, v43;
	v41 =	vld [tilespmem:s5+$0xF0]  }
0x186: {  	s13 =	sshll.u32 s13, $0xA  }
0x187: {  	s16 =	sshll.u32 s15, $0x14;
	s5 =	sadd.s32 s6, s13  }
0x188: {  	s13 =	sor.u32 s5, s16  }
0x189: {  	s13 =	sshrl.u32 s13, $0x3  }
0x18a: {  	s13 =	sadd.s32 s2, s13;
	[tilespmem:v55+s14+$0x0] =	vst.idx.msk $0xffff, v41  }
0x18b: {  	[hbm4b:s13+s3] =	stream.linear.scatter [tilespmem:s14], [sflag:$0x2], $0x80, $0x38;
	[tilespmem:$0xE880] =	vst v63  }
0x18c: {  	s18 =	simm.s32 $0xA508;
	s17 =	sadd.s32 $0x10, s13  }
0x18d: {  	[hbm4b:s17+s3] =	stream.linear.scatter [tilespmem:s18], [sflag:$0x2], $0x80, $0x38;
	[tilespmem:$0xE880] =	vst v63  }
0x18e: {  	s17 =	sadd.s32 $0x20, s13;
	s18 =	simm.s32 $0xA590  }
0x18f: {  	[hbm4b:s17+s3] =	stream.linear.scatter [tilespmem:s18], [sflag:$0x2], $0x80, $0x38;
	[tilespmem:$0xE880] =	vst v63  }
0x190: {  	s17 =	sadd.s32 $0x30, s13;
	s18 =	simm.s32 $0xA618  }
0x191: {  	[hbm4b:s17+s3] =	stream.linear.scatter [tilespmem:s18], [sflag:$0x2], $0x80, $0x38;
	[tilespmem:$0xE880] =	vst v63  }
0x192: {  	s17 =	sadd.s32 $0x40, s13;
	s18 =	simm.s32 $0xA6A0  }
0x193: {  	[hbm4b:s17+s3] =	stream.linear.scatter [tilespmem:s18], [sflag:$0x2], $0x80, $0x38;
	[tilespmem:$0xE880] =	vst v63  }
0x194: {  	s17 =	sadd.s32 $0x50, s13;
	s18 =	simm.s32 $0xA728  }
0x195: {  	[hbm4b:s17+s3] =	stream.linear.scatter [tilespmem:s18], [sflag:$0x2], $0x80, $0x38;
	[tilespmem:$0xE880] =	vst v63  }
0x196: {  	s17 =	sadd.s32 $0x60, s13;
	s18 =	simm.s32 $0xA7B0  }
0x197: {  	[hbm4b:s17+s3] =	stream.linear.scatter [tilespmem:s18], [sflag:$0x2], $0x80, $0x38;
	[tilespmem:$0xE880] =	vst v63  }
0x198: {  	s17 =	sadd.s32 $0x70, s13;
	s18 =	simm.s32 $0xA838  }
0x199: {  	[hbm4b:s17+s3] =	stream.linear.scatter [tilespmem:s18], [sflag:$0x2], $0x80, $0x38;
	[tilespmem:$0xE880] =	vst v63  }
0x19a: {  	s17 =	sadd.s32 $0x4000, s13;
	s18 =	simm.s32 $0xA8C0  }
0x19b: {  	[hbm4b:s17+s3] =	stream.linear.scatter [tilespmem:s18], [sflag:$0x2], $0x80, $0x38;
	[tilespmem:$0xE880] =	vst v63  }
0x19c: {  	s17 =	sadd.s32 $0x4010, s13;
	s18 =	simm.s32 $0xA948  }
0x19d: {  	[hbm4b:s17+s3] =	stream.linear.scatter [tilespmem:s18], [sflag:$0x2], $0x80, $0x38;
	[tilespmem:$0xE880] =	vst v63  }
0x19e: {  	s17 =	sadd.s32 $0x4020, s13;
	s18 =	simm.s32 $0xA9D0  }
0x19f: {  	[hbm4b:s17+s3] =	stream.linear.scatter [tilespmem:s18], [sflag:$0x2], $0x80, $0x38;
	[tilespmem:$0xE880] =	vst v63  }
0x1a0: {  	s17 =	sadd.s32 $0x4030, s13;
	s18 =	simm.s32 $0xAA58  }
0x1a1: {  	[hbm4b:s17+s3] =	stream.linear.scatter [tilespmem:s18], [sflag:$0x2], $0x80, $0x38;
	[tilespmem:$0xE880] =	vst v63  }
0x1a2: {  	s17 =	sadd.s32 $0x4040, s13;
	s18 =	simm.s32 $0xAAE0  }
0x1a3: {  	[hbm4b:s17+s3] =	stream.linear.scatter [tilespmem:s18], [sflag:$0x2], $0x80, $0x38;
	[tilespmem:$0xE880] =	vst v63  }
0x1a4: {  	s17 =	sadd.s32 $0x4050, s13;
	s18 =	simm.s32 $0xAB68  }
0x1a5: {  	[hbm4b:s17+s3] =	stream.linear.scatter [tilespmem:s18], [sflag:$0x2], $0x80, $0x38;
	[tilespmem:$0xE880] =	vst v63  }
0x1a6: {  	s17 =	sadd.s32 $0x4060, s13;
	s18 =	simm.s32 $0xABF0  }
0x1a7: {  	[hbm4b:s17+s3] =	stream.linear.scatter [tilespmem:s18], [sflag:$0x2], $0x80, $0x38;
	[tilespmem:$0xE880] =	vst v63  }
0x1a8: {  	s17 =	sadd.s32 $0x4070, s13;
	s18 =	simm.s32 $0xAC78  }
0x1a9: {  	[hbm4b:s17+s3] =	stream.linear.scatter [tilespmem:s18], [sflag:$0x2], $0x80, $0x38;
	[tilespmem:$0xE880] =	vst v63  }
0x1aa: {  	s17 =	sadd.s32 $0x8000, s13;
	s18 =	simm.s32 $0xAD00  }
0x1ab: {  	[hbm4b:s17+s3] =	stream.linear.scatter [tilespmem:s18], [sflag:$0x2], $0x80, $0x38;
	[tilespmem:$0xE880] =	vst v63  }
0x1ac: {  	s17 =	sadd.s32 $0x8010, s13;
	s18 =	simm.s32 $0xAD88  }
0x1ad: {  	[hbm4b:s17+s3] =	stream.linear.scatter [tilespmem:s18], [sflag:$0x2], $0x80, $0x38;
	[tilespmem:$0xE880] =	vst v63  }
0x1ae: {  	s17 =	sadd.s32 $0x8020, s13;
	s18 =	simm.s32 $0xAE10  }
0x1af: {  	[hbm4b:s17+s3] =	stream.linear.scatter [tilespmem:s18], [sflag:$0x2], $0x80, $0x38;
	[tilespmem:$0xE880] =	vst v63  }
0x1b0: {  	s17 =	sadd.s32 $0x8030, s13;
	s18 =	simm.s32 $0xAE98  }
0x1b1: {  	[hbm4b:s17+s3] =	stream.linear.scatter [tilespmem:s18], [sflag:$0x2], $0x80, $0x38;
	[tilespmem:$0xE880] =	vst v63  }
0x1b2: {  	s17 =	sadd.s32 $0x8040, s13;
	s18 =	simm.s32 $0xAF20  }
0x1b3: {  	[hbm4b:s17+s3] =	stream.linear.scatter [tilespmem:s18], [sflag:$0x2], $0x80, $0x38;
	[tilespmem:$0xE880] =	vst v63  }
0x1b4: {  	s17 =	sadd.s32 $0x8050, s13;
	s18 =	simm.s32 $0xAFA8  }
0x1b5: {  	[hbm4b:s17+s3] =	stream.linear.scatter [tilespmem:s18], [sflag:$0x2], $0x80, $0x38;
	[tilespmem:$0xE880] =	vst v63  }
0x1b6: {  	s17 =	sadd.s32 $0x8060, s13;
	s18 =	simm.s32 $0xB030  }
0x1b7: {  	[hbm4b:s17+s3] =	stream.linear.scatter [tilespmem:s18], [sflag:$0x2], $0x80, $0x38;
	[tilespmem:$0xE880] =	vst v63  }
0x1b8: {  	s17 =	sadd.s32 $0x8070, s13;
	s18 =	simm.s32 $0xB0B8  }
0x1b9: {  	[hbm4b:s17+s3] =	stream.linear.scatter [tilespmem:s18], [sflag:$0x2], $0x80, $0x38;
	[tilespmem:$0xE880] =	vst v63  }
0x1ba: {  	s17 =	sadd.s32 $0xC000, s13;
	s18 =	simm.s32 $0xB140  }
0x1bb: {  	[hbm4b:s17+s3] =	stream.linear.scatter [tilespmem:s18], [sflag:$0x2], $0x80, $0x38;
	[tilespmem:$0xE880] =	vst v63  }
0x1bc: {  	s17 =	sadd.s32 $0xC010, s13;
	s18 =	simm.s32 $0xB1C8  }
0x1bd: {  	[hbm4b:s17+s3] =	stream.linear.scatter [tilespmem:s18], [sflag:$0x2], $0x80, $0x38;
	[tilespmem:$0xE880] =	vst v63  }
0x1be: {  	s17 =	sadd.s32 $0xC020, s13;
	s18 =	simm.s32 $0xB250  }
0x1bf: {  	[hbm4b:s17+s3] =	stream.linear.scatter [tilespmem:s18], [sflag:$0x2], $0x80, $0x38;
	[tilespmem:$0xE880] =	vst v63  }
0x1c0: {  	s17 =	sadd.s32 $0xC030, s13;
	s18 =	simm.s32 $0xB2D8  }
0x1c1: {  	[hbm4b:s17+s3] =	stream.linear.scatter [tilespmem:s18], [sflag:$0x2], $0x80, $0x38;
	[tilespmem:$0xE880] =	vst v63  }
0x1c2: {  	s17 =	sadd.s32 $0xC040, s13;
	s18 =	simm.s32 $0xB360  }
0x1c3: {  	[hbm4b:s17+s3] =	stream.linear.scatter [tilespmem:s18], [sflag:$0x2], $0x80, $0x38;
	[tilespmem:$0xE880] =	vst v63  }
0x1c4: {  	s17 =	sadd.s32 $0xC050, s13;
	s18 =	simm.s32 $0xB3E8  }
0x1c5: {  	[hbm4b:s17+s3] =	stream.linear.scatter [tilespmem:s18], [sflag:$0x2], $0x80, $0x38;
	[tilespmem:$0xE880] =	vst v63  }
0x1c6: {  	s17 =	sadd.s32 $0xC060, s13;
	s18 =	simm.s32 $0xB470  }
0x1c7: {  	[hbm4b:s17+s3] =	stream.linear.scatter [tilespmem:s18], [sflag:$0x2], $0x80, $0x38;
	[tilespmem:$0xE880] =	vst v63  }
0x1c8: {  	s16 =	sadd.s32 $0xC070, s13;
	s17 =	simm.s32 $0xB4F8  }
0x1c9: {  	[hbm4b:s16+s3] =	stream.linear.scatter [tilespmem:s17], [sflag:$0x2], $0x80, $0x38;
	[tilespmem:$0xE880] =	vst v63  }
0x1ca: {  	s15 =	sadd.s32 $0x10000, s13;
	s18 =	simm.s32 $0xB580  }
0x1cb: {  	[hbm4b:s15+s3] =	stream.linear.scatter [tilespmem:s18], [sflag:$0x2], $0x80, $0x38;
	[tilespmem:$0xE880] =	vst v63  }
0x1cc: {  	s17 =	sadd.s32 $0x10, s15;
	s18 =	simm.s32 $0xB608  }
0x1cd: {  	[hbm4b:s17+s3] =	stream.linear.scatter [tilespmem:s18], [sflag:$0x2], $0x80, $0x38;
	[tilespmem:$0xE880] =	vst v63  }
0x1ce: {  	s17 =	sadd.s32 $0x20, s15;
	s18 =	simm.s32 $0xB690  }
0x1cf: {  	[hbm4b:s17+s3] =	stream.linear.scatter [tilespmem:s18], [sflag:$0x2], $0x80, $0x38;
	[tilespmem:$0xE880] =	vst v63  }
0x1d0: {  	s17 =	sadd.s32 $0x30, s15;
	s18 =	simm.s32 $0xB718  }
0x1d1: {  	[hbm4b:s17+s3] =	stream.linear.scatter [tilespmem:s18], [sflag:$0x2], $0x80, $0x38;
	[tilespmem:$0xE880] =	vst v63  }
0x1d2: {  	s17 =	sadd.s32 $0x40, s15;
	s18 =	simm.s32 $0xB7A0  }
0x1d3: {  	[hbm4b:s17+s3] =	stream.linear.scatter [tilespmem:s18], [sflag:$0x2], $0x80, $0x38;
	[tilespmem:$0xE880] =	vst v63  }
0x1d4: {  	s17 =	sadd.s32 $0x50, s15;
	s18 =	simm.s32 $0xB828  }
0x1d5: {  	[hbm4b:s17+s3] =	stream.linear.scatter [tilespmem:s18], [sflag:$0x2], $0x80, $0x38;
	[tilespmem:$0xE880] =	vst v63  }
0x1d6: {  	s17 =	sadd.s32 $0x60, s15;
	s18 =	simm.s32 $0xB8B0  }
0x1d7: {  	[hbm4b:s17+s3] =	stream.linear.scatter [tilespmem:s18], [sflag:$0x2], $0x80, $0x38;
	[tilespmem:$0xE880] =	vst v63  }
0x1d8: {  	s15 =	sadd.s32 $0x70, s15;
	s17 =	simm.s32 $0xB938  }
0x1d9: {  	[hbm4b:s15+s3] =	stream.linear.scatter [tilespmem:s17], [sflag:$0x2], $0x80, $0x38;
	[tilespmem:$0xE880] =	vst v63  }
0x1da: {  	s18 =	simm.s32 $0xB9C0;
	s15 =	sadd.s32 $0x14000, s13  }
0x1db: {  	[hbm4b:s15+s3] =	stream.linear.scatter [tilespmem:s18], [sflag:$0x2], $0x80, $0x38;
	[tilespmem:$0xE880] =	vst v63  }
0x1dc: {  	s17 =	sadd.s32 $0x10, s15;
	s18 =	simm.s32 $0xBA48  }
0x1dd: {  	[hbm4b:s17+s3] =	stream.linear.scatter [tilespmem:s18], [sflag:$0x2], $0x80, $0x38;
	[tilespmem:$0xE880] =	vst v63  }
0x1de: {  	s17 =	sadd.s32 $0x20, s15;
	s18 =	simm.s32 $0xBAD0  }
0x1df: {  	[hbm4b:s17+s3] =	stream.linear.scatter [tilespmem:s18], [sflag:$0x2], $0x80, $0x38;
	[tilespmem:$0xE880] =	vst v63  }
0x1e0: {  	s17 =	sadd.s32 $0x30, s15;
	s18 =	simm.s32 $0xBB58  }
0x1e1: {  	[hbm4b:s17+s3] =	stream.linear.scatter [tilespmem:s18], [sflag:$0x2], $0x80, $0x38;
	[tilespmem:$0xE880] =	vst v63  }
0x1e2: {  	s17 =	sadd.s32 $0x40, s15;
	s18 =	simm.s32 $0xBBE0  }
0x1e3: {  	[hbm4b:s17+s3] =	stream.linear.scatter [tilespmem:s18], [sflag:$0x2], $0x80, $0x38;
	[tilespmem:$0xE880] =	vst v63  }
0x1e4: {  	s17 =	sadd.s32 $0x50, s15;
	s18 =	simm.s32 $0xBC68  }
0x1e5: {  	[hbm4b:s17+s3] =	stream.linear.scatter [tilespmem:s18], [sflag:$0x2], $0x80, $0x38;
	[tilespmem:$0xE880] =	vst v63  }
0x1e6: {  	s17 =	sadd.s32 $0x60, s15;
	s18 =	simm.s32 $0xBCF0  }
0x1e7: {  	[hbm4b:s17+s3] =	stream.linear.scatter [tilespmem:s18], [sflag:$0x2], $0x80, $0x38;
	[tilespmem:$0xE880] =	vst v63  }
0x1e8: {  	s15 =	sadd.s32 $0x70, s15;
	s17 =	simm.s32 $0xBD78  }
0x1e9: {  	[hbm4b:s15+s3] =	stream.linear.scatter [tilespmem:s17], [sflag:$0x2], $0x80, $0x38;
	[tilespmem:$0xE880] =	vst v63  }
0x1ea: {  	s18 =	simm.s32 $0xBE00;
	s15 =	sadd.s32 $0x18000, s13  }
0x1eb: {  	[hbm4b:s15+s3] =	stream.linear.scatter [tilespmem:s18], [sflag:$0x2], $0x80, $0x38;
	[tilespmem:$0xE880] =	vst v63  }
0x1ec: {  	s17 =	sadd.s32 $0x10, s15;
	s18 =	simm.s32 $0xBE88  }
0x1ed: {  	[hbm4b:s17+s3] =	stream.linear.scatter [tilespmem:s18], [sflag:$0x2], $0x80, $0x38;
	[tilespmem:$0xE880] =	vst v63  }
0x1ee: {  	s17 =	sadd.s32 $0x20, s15;
	s18 =	simm.s32 $0xBF10  }
0x1ef: {  	[hbm4b:s17+s3] =	stream.linear.scatter [tilespmem:s18], [sflag:$0x2], $0x80, $0x38;
	[tilespmem:$0xE880] =	vst v63  }
0x1f0: {  	s17 =	sadd.s32 $0x30, s15;
	s18 =	simm.s32 $0xBF98  }
0x1f1: {  	[hbm4b:s17+s3] =	stream.linear.scatter [tilespmem:s18], [sflag:$0x2], $0x80, $0x38;
	[tilespmem:$0xE880] =	vst v63  }
0x1f2: {  	s17 =	sadd.s32 $0x40, s15;
	s18 =	simm.s32 $0xC020  }
0x1f3: {  	[hbm4b:s17+s3] =	stream.linear.scatter [tilespmem:s18], [sflag:$0x2], $0x80, $0x38;
	[tilespmem:$0xE880] =	vst v63  }
0x1f4: {  	s17 =	sadd.s32 $0x50, s15;
	s18 =	simm.s32 $0xC0A8  }
0x1f5: {  	[hbm4b:s17+s3] =	stream.linear.scatter [tilespmem:s18], [sflag:$0x2], $0x80, $0x38;
	[tilespmem:$0xE880] =	vst v63  }
0x1f6: {  	s17 =	sadd.s32 $0x60, s15;
	s18 =	simm.s32 $0xC130  }
0x1f7: {  	[hbm4b:s17+s3] =	stream.linear.scatter [tilespmem:s18], [sflag:$0x2], $0x80, $0x38;
	[tilespmem:$0xE880] =	vst v63  }
0x1f8: {  	s15 =	sadd.s32 $0x70, s15;
	s18 =	simm.s32 $0xC1B8  }
0x1f9: {  	[hbm4b:s15+s3] =	stream.linear.scatter [tilespmem:s18], [sflag:$0x2], $0x80, $0x38;
	[tilespmem:$0xE880] =	vst v63  }
0x1fa: {  	s16 =	simm.s32 $0xC240;
	s13 =	sadd.s32 $0x1C000, s13  }
0x1fb: {  	[hbm4b:s13+s3] =	stream.linear.scatter [tilespmem:s16], [sflag:$0x2], $0x80, $0x38;
	[tilespmem:$0xE880] =	vst v63  }
0x1fc: {  	s17 =	sadd.s32 $0x10, s13;
	s18 =	simm.s32 $0xC2C8  }
0x1fd: {  	[hbm4b:s17+s3] =	stream.linear.scatter [tilespmem:s18], [sflag:$0x2], $0x80, $0x38;
	[tilespmem:$0xE880] =	vst v63  }
0x1fe: {  	s17 =	sadd.s32 $0x20, s13;
	s18 =	simm.s32 $0xC350  }
0x1ff: {  	[hbm4b:s17+s3] =	stream.linear.scatter [tilespmem:s18], [sflag:$0x2], $0x80, $0x38;
	[tilespmem:$0xE880] =	vst v63  }
0x200: {  	s17 =	sadd.s32 $0x30, s13;
	s18 =	simm.s32 $0xC3D8  }
0x201: {  	[hbm4b:s17+s3] =	stream.linear.scatter [tilespmem:s18], [sflag:$0x2], $0x80, $0x38;
	[tilespmem:$0xE880] =	vst v63  }
0x202: {  	s8 =	smin.u32 s8, $0xC5;
	s17 =	sadd.s32 $0x40, s13;
	s18 =	simm.s32 $0xC460  }
0x203: {  	[hbm4b:s17+s3] =	stream.linear.scatter [tilespmem:s18], [sflag:$0x2], $0x80, $0x38;
	[tilespmem:$0xE880] =	vst v63  }
0x204: {  	s8 =	sadd.s32 $0x2, s8;
	s17 =	sadd.s32 $0x50, s13;
	s18 =	simm.s32 $0xC4E8  }
0x205: {  	[hbm4b:s17+s3] =	stream.linear.scatter [tilespmem:s18], [sflag:$0x2], $0x80, $0x38;
	[tilespmem:$0xE880] =	vst v63  }
0x206: {  	s16 =	smulhi.u32 $0x51EB852, s8;
	s17 =	sadd.s32 $0x60, s13;
	s18 =	simm.s32 $0xC570  }
0x207: {  	[hbm4b:s17+s3] =	stream.linear.scatter [tilespmem:s18], [sflag:$0x2], $0x80, $0x38;
	[tilespmem:$0xE880] =	vst v63  }
0x208: {  	s18 =	smul.u32 $0x32, s16  }
0x209: {  	s16 =	smul.u32 $0x1900, s16  }
0x20a: {  	s8 =	ssub.s32 s8, s18  }
0x20b: {  	s8 =	sor.u32 s8, s16  }
0x20c: {  	s13 =	sadd.s32 $0x70, s13;
	s17 =	simm.s32 $0xC5F8;
	v56 =	vadd.s32 s8, v0  }
0x20d: {  	[hbm4b:s13+s3] =	stream.linear.scatter [tilespmem:s17], [sflag:$0x2], $0x80, $0x38;
	[tilespmem:$0xE880] =	vst v63  }
0x20e: {  	_ =	swait.ge [sflag:s12], $0x2000  }
0x20f: {  	[sflag:s12] =	ssyncset.done $0x0  }
0x210: {  	[sflag:s12] =	ssyncadd.s32 $0xFFFFE000  }
0x211: {  	s18 =	sadd.s32 $0x320, s8;
	v41 =	vld.idx.msk [tilespmem:v56+s3+$0x0], $0xffff  }
0x212: {  	v57 =	vadd.s32 s18, v0;
	_ =	sdelay $0x3  }
0x213: {  	[tilespmem:$0x6400] =	vst v41  }
0x214: {  	s15 =	sadd.s32 $0x640, s8;
	v41 =	vld.idx.msk [tilespmem:v57+s3+$0x0], $0xffff  }
0x215: {  	v58 =	vadd.s32 s15, v0;
	_ =	sdelay $0x3  }
0x216: {  	[tilespmem:$0x6410] =	vst v41  }
0x217: {  	s16 =	sadd.s32 $0x960, s8;
	v41 =	vld.idx.msk [tilespmem:v58+s3+$0x0], $0xffff  }
0x218: {  	v59 =	vadd.s32 s16, v0;
	_ =	sdelay $0x3  }
0x219: {  	[tilespmem:$0x6420] =	vst v41  }
0x21a: {  	s17 =	sadd.s32 $0xC80, s8;
	v41 =	vld.idx.msk [tilespmem:v59+s3+$0x0], $0xffff  }
0x21b: {  	v60 =	vadd.s32 s17, v0;
	_ =	sdelay $0x3  }
0x21c: {  	[tilespmem:$0x6430] =	vst v41  }
0x21d: {  	s18 =	sadd.s32 $0xFA0, s8;
	v41 =	vld.idx.msk [tilespmem:v60+s3+$0x0], $0xffff  }
0x21e: {  	v61 =	vadd.s32 s18, v0;
	_ =	sdelay $0x3  }
0x21f: {  	[tilespmem:$0x6440] =	vst v41  }
0x220: {  	s15 =	sadd.s32 $0x12C0, s8;
	v41 =	vld.idx.msk [tilespmem:v61+s3+$0x0], $0xffff  }
0x221: {  	v62 =	vadd.s32 s15, v0;
	_ =	sdelay $0x3  }
0x222: {  	[tilespmem:$0x6450] =	vst v41  }
0x223: {  	s8 =	sadd.s32 $0x15E0, s8;
	v41 =	vld.idx.msk [tilespmem:v62+s3+$0x0], $0xffff  }
0x224: {  	v63 =	vadd.s32 s8, v0;
	_ =	sdelay $0x3  }
0x225: {  	[tilespmem:$0x6460] =	vst v41  }
0x226: {  	v41 =	vld.idx.msk [tilespmem:v63+s3+$0x0], $0xffff;
	_ =	sdelay $0x4  }
0x227: {  	s16 =	simm.s32 $0x6480;
	s8 =	simm.s32 @!p0 $0x3;
	[tilespmem:$0x6470] =	vst v41  }
0x228: {  	[tilespmem:s16], [sflag:$0x1] =	stream.indirect.gather [hbm4b:s4+s9], $0x40, s10, s9, $0xb8;
	[tilespmem:$0xE880] =	vst v63  }
0x229: {  	_ =	swait.ge @!p0 [sflag:s8], $0x400  }
0x22a: {  	[sflag:s8] =	ssyncset.done @!p0 $0x0  }
0x22b: {  	[sflag:s8] =	ssyncadd.s32 @!p0 $0xFFFFFC00  }
0x22c: {  	_ =	swait.ge @!p0 [sflag:s8], $0x400  }
0x22d: {  	[sflag:s8] =	ssyncset.done @!p0 $0x0  }
0x22e: {  	[sflag:s8] =	ssyncadd.s32 @!p0 $0xFFFFFC00  }
0x22f: {  	_ =	swait.ge @!p0 [sflag:s8], $0x400  }
0x230: {  	[sflag:s8] =	ssyncset.done @!p0 $0x0  }
0x231: {  	[sflag:s8] =	ssyncadd.s32 @!p0 $0xFFFFFC00  }
0x232: {  	_ =	swait.ge @!p0 [sflag:s8], $0x400  }
0x233: {  	[sflag:s8] =	ssyncset.done @!p0 $0x0  }
0x234: {  	[sflag:s8] =	ssyncadd.s32 @!p0 $0xFFFFFC00  }
0x235: {  	_ =	swait.ge @!p0 [sflag:s8], $0x400  }
0x236: {  	[sflag:s8] =	ssyncset.done @!p0 $0x0  }
0x237: {  	[sflag:s8] =	ssyncadd.s32 @!p0 $0xFFFFFC00  }
0x238: {  	_ =	swait.ge @!p0 [sflag:s8], $0x400  }
0x239: {  	[sflag:s8] =	ssyncset.done @!p0 $0x0  }
0x23a: {  	[sflag:s8] =	ssyncadd.s32 @!p0 $0xFFFFFC00  }
0x23b: {  	s17 =	simm.s32 $0x0;
	_ =	swait.ge @!p0 [sflag:s8], $0x400  }
0x23c: {  	v44 =	vmov s17;
	[sflag:s8] =	ssyncset.done @!p0 $0x0  }
0x23d: {  	v41 =	vshrl.u32 v44, $0x3;
	[sflag:s8] =	ssyncadd.s32 @!p0 $0xFFFFFC00  }
0x23e: {  	v41 =	vshll.u32 v41, v9;
	_ =	swait.ge @!p0 [sflag:s8], $0x400  }
0x23f: {  	v41 =	vbroadcast v41, $0x0;
	[sflag:s8] =	ssyncset.done @!p0 $0x0  }
0x240: {  	[sflag:s8] =	ssyncadd.s32 @!p0 $0xFFFFFC00;
	s8 =	simm.s32 $0x8670  }
0x241: {  	v46 =	vadd.s32 v6, v41;
	v45 =	vld [tilespmem:s8+$0xFFFFFE10];
	_ =	sdelay $0x4  }
0x242: {  	[tilespmem:v46+s7+$0x0] =	vst.idx.msk $0xffff, v45  }
0x243: {  	v47 =	vadd.s32 v10, v41;
	v42 =	vld [tilespmem:s8+$0xFFFFFE20];
	_ =	sdelay $0x4  }
0x244: {  	[tilespmem:v47+s7+$0x0] =	vst.idx.msk $0xffff, v42  }
0x245: {  	v48 =	vadd.s32 v11, v41;
	v42 =	vld [tilespmem:s8+$0xFFFFFE30];
	_ =	sdelay $0x4  }
0x246: {  	[tilespmem:v48+s7+$0x0] =	vst.idx.msk $0xffff, v42  }
0x247: {  	s18 =	simm.s32 $0x1;
	v41 =	vadd.s32 v12, v41;
	v42 =	vld [tilespmem:s8+$0xFFFFFE40]  }
0x248: {  	v49 =	vmov s18  }
0x249: {  	v43 =	vshrl.u32 v49, $0x3  }
0x24a: {  	v43 =	vshll.u32 v43, v9  }
0x24b: {  	v43 =	vbroadcast v43, $0x0  }
0x24c: {  	[tilespmem:v41+s7+$0x0] =	vst.idx.msk $0xffff, v42  }
0x24d: {  	v50 =	vadd.s32 v13, v43;
	v41 =	vld [tilespmem:s8+$0xFFFFFE50];
	_ =	sdelay $0x4  }
0x24e: {  	[tilespmem:v50+s7+$0x0] =	vst.idx.msk $0xffff, v41  }
0x24f: {  	v51 =	vadd.s32 v14, v43;
	v41 =	vld [tilespmem:s8+$0xFFFFFE60];
	_ =	sdelay $0x4  }
0x250: {  	[tilespmem:v51+s7+$0x0] =	vst.idx.msk $0xffff, v41  }
0x251: {  	v52 =	vadd.s32 v15, v43;
	v41 =	vld [tilespmem:s8+$0xFFFFFE70];
	_ =	sdelay $0x4  }
0x252: {  	[tilespmem:v52+s7+$0x0] =	vst.idx.msk $0xffff, v41  }
0x253: {  	s15 =	simm.s32 $0x2;
	v53 =	vadd.s32 v16, v43;
	v41 =	vld [tilespmem:s8+$0xFFFFFE80]  }
0x254: {  	v54 =	vmov s15  }
0x255: {  	v43 =	vshrl.u32 v54, $0x3  }
0x256: {  	v43 =	vshll.u32 v43, v9  }
0x257: {  	v43 =	vbroadcast v43, $0x0  }
0x258: {  	[tilespmem:v53+s7+$0x0] =	vst.idx.msk $0xffff, v41  }
0x259: {  	v55 =	vadd.s32 v17, v43;
	v41 =	vld [tilespmem:s8+$0xFFFFFE90];
	_ =	sdelay $0x4  }
0x25a: {  	[tilespmem:v55+s7+$0x0] =	vst.idx.msk $0xffff, v41  }
0x25b: {  	v56 =	vadd.s32 v18, v43;
	v41 =	vld [tilespmem:s8+$0xFFFFFEA0];
	_ =	sdelay $0x4  }
0x25c: {  	[tilespmem:v56+s7+$0x0] =	vst.idx.msk $0xffff, v41  }
0x25d: {  	v57 =	vadd.s32 v19, v43;
	v41 =	vld [tilespmem:s8+$0xFFFFFEB0];
	_ =	sdelay $0x4  }
0x25e: {  	[tilespmem:v57+s7+$0x0] =	vst.idx.msk $0xffff, v41  }
0x25f: {  	v58 =	vadd.s32 v20, v43;
	s16 =	simm.s32 $0x3;
	v41 =	vld [tilespmem:s8+$0xFFFFFEC0]  }
0x260: {  	v59 =	vmov s16  }
0x261: {  	v43 =	vshrl.u32 v59, $0x3  }
0x262: {  	v43 =	vshll.u32 v43, v9  }
0x263: {  	v43 =	vbroadcast v43, $0x0  }
0x264: {  	[tilespmem:v58+s7+$0x0] =	vst.idx.msk $0xffff, v41  }
0x265: {  	v60 =	vadd.s32 v21, v43;
	v41 =	vld [tilespmem:s8+$0xFFFFFED0];
	_ =	sdelay $0x4  }
0x266: {  	[tilespmem:v60+s7+$0x0] =	vst.idx.msk $0xffff, v41  }
0x267: {  	v61 =	vadd.s32 v22, v43;
	v41 =	vld [tilespmem:s8+$0xFFFFFEE0];
	_ =	sdelay $0x4  }
0x268: {  	[tilespmem:v61+s7+$0x0] =	vst.idx.msk $0xffff, v41  }
0x269: {  	v62 =	vadd.s32 v23, v43;
	v41 =	vld [tilespmem:s8+$0xFFFFFEF0];
	_ =	sdelay $0x4  }
0x26a: {  	[tilespmem:v62+s7+$0x0] =	vst.idx.msk $0xffff, v41  }
0x26b: {  	s17 =	simm.s32 $0x4;
	v63 =	vadd.s32 v24, v43;
	v41 =	vld [tilespmem:s8+$0xFFFFFF00]  }
0x26c: {  	v45 =	vmov s17  }
0x26d: {  	v43 =	vshrl.u32 v45, $0x3  }
0x26e: {  	v43 =	vshll.u32 v43, v9  }
0x26f: {  	v43 =	vbroadcast v43, $0x0  }
0x270: {  	[tilespmem:v63+s7+$0x0] =	vst.idx.msk $0xffff, v41  }
0x271: {  	v46 =	vadd.s32 v25, v43;
	v41 =	vld [tilespmem:s8+$0xFFFFFF10];
	_ =	sdelay $0x4  }
0x272: {  	[tilespmem:v46+s7+$0x0] =	vst.idx.msk $0xffff, v41  }
0x273: {  	v47 =	vadd.s32 v26, v43;
	v41 =	vld [tilespmem:s8+$0xFFFFFF20];
	_ =	sdelay $0x4  }
0x274: {  	[tilespmem:v47+s7+$0x0] =	vst.idx.msk $0xffff, v41  }
0x275: {  	v48 =	vadd.s32 v27, v43;
	v41 =	vld [tilespmem:s8+$0xFFFFFF30];
	_ =	sdelay $0x4  }
0x276: {  	[tilespmem:v48+s7+$0x0] =	vst.idx.msk $0xffff, v41  }
0x277: {  	s18 =	simm.s32 $0x5;
	v49 =	vadd.s32 v28, v43;
	v41 =	vld [tilespmem:s8+$0xFFFFFF40]  }
0x278: {  	v50 =	vmov s18  }
0x279: {  	v43 =	vshrl.u32 v50, $0x3  }
0x27a: {  	v43 =	vshll.u32 v43, v9  }
0x27b: {  	v43 =	vbroadcast v43, $0x0  }
0x27c: {  	[tilespmem:v49+s7+$0x0] =	vst.idx.msk $0xffff, v41  }
0x27d: {  	v51 =	vadd.s32 v29, v43;
	v41 =	vld [tilespmem:s8+$0xFFFFFF50];
	_ =	sdelay $0x4  }
0x27e: {  	[tilespmem:v51+s7+$0x0] =	vst.idx.msk $0xffff, v41  }
0x27f: {  	v52 =	vadd.s32 v30, v43;
	v41 =	vld [tilespmem:s8+$0xFFFFFF60];
	_ =	sdelay $0x4  }
0x280: {  	[tilespmem:v52+s7+$0x0] =	vst.idx.msk $0xffff, v41  }
0x281: {  	v53 =	vadd.s32 v31, v43;
	v41 =	vld [tilespmem:s8+$0xFFFFFF70];
	_ =	sdelay $0x4  }
0x282: {  	[tilespmem:v53+s7+$0x0] =	vst.idx.msk $0xffff, v41  }
0x283: {  	s15 =	simm.s32 $0x6;
	v54 =	vadd.s32 v32, v43;
	v41 =	vld [tilespmem:s8+$0xFFFFFF80]  }
0x284: {  	v55 =	vmov s15  }
0x285: {  	v43 =	vshrl.u32 v55, $0x3  }
0x286: {  	v43 =	vshll.u32 v43, v9  }
0x287: {  	v43 =	vbroadcast v43, $0x0  }
0x288: {  	[tilespmem:v54+s7+$0x0] =	vst.idx.msk $0xffff, v41  }
0x289: {  	v56 =	vadd.s32 v33, v43;
	v41 =	vld [tilespmem:s8+$0xFFFFFF90];
	_ =	sdelay $0x4  }
0x28a: {  	[tilespmem:v56+s7+$0x0] =	vst.idx.msk $0xffff, v41  }
0x28b: {  	v57 =	vadd.s32 v34, v43;
	v41 =	vld [tilespmem:s8+$0xFFFFFFA0];
	_ =	sdelay $0x4  }
0x28c: {  	[tilespmem:v57+s7+$0x0] =	vst.idx.msk $0xffff, v41  }
0x28d: {  	v58 =	vadd.s32 v35, v43;
	v41 =	vld [tilespmem:s8+$0xFFFFFFB0];
	_ =	sdelay $0x4  }
0x28e: {  	[tilespmem:v58+s7+$0x0] =	vst.idx.msk $0xffff, v41  }
0x28f: {  	s16 =	simm.s32 $0x7;
	v59 =	vadd.s32 v36, v43;
	v41 =	vld [tilespmem:s8+$0xFFFFFFC0]  }
0x290: {  	v60 =	vmov s16  }
0x291: {  	v43 =	vshrl.u32 v60, $0x3  }
0x292: {  	v43 =	vshll.u32 v43, v9  }
0x293: {  	v43 =	vbroadcast v43, $0x0  }
0x294: {  	[tilespmem:v59+s7+$0x0] =	vst.idx.msk $0xffff, v41  }
0x295: {  	v61 =	vadd.s32 v37, v43;
	v41 =	vld [tilespmem:s8+$0xFFFFFFD0];
	_ =	sdelay $0x4  }
0x296: {  	[tilespmem:v61+s7+$0x0] =	vst.idx.msk $0xffff, v41  }
0x297: {  	v62 =	vadd.s32 v38, v43;
	v41 =	vld [tilespmem:s8+$0xFFFFFFE0];
	_ =	sdelay $0x4  }
0x298: {  	[tilespmem:v62+s7+$0x0] =	vst.idx.msk $0xffff, v41  }
0x299: {  	v63 =	vadd.s32 v39, v43;
	v41 =	vld [tilespmem:s8+$0xFFFFFFF0];
	_ =	sdelay $0x1  }
0x29a: {  	s17 =	smulhi.u32 $0x51EB851F, s0;
	_ =	sdelay $0x1  }
0x29b: {  	s13 =	sshrl.u32 s17, $0x4  }
0x29c: {  	s18 =	smul.u32 $0x32, s13;
	[tilespmem:v63+s7+$0x0] =	vst.idx.msk $0xffff, v41  }
0x29d: {  	s13 =	simm.s32 $0x8;
	v42 =	vadd.s32 v40, v43;
	v41 =	vld [tilespmem:s8+$0x0]  }
0x29e: {  	s0 =	ssub.s32 s0, s18;
	s15 =	simm.s32 $0x10;
	v43 =	vmov s13  }
.LBB2_5:
0x29f: {  	p0 =	slt.u32 s15, $0x78;
	v43 =	vshrl.u32 v43, $0x3  }
0x2a0: {  	v43 =	vshll.u32 v43, v9  }
0x2a1: {  	v43 =	vbroadcast v43, $0x0  }
0x2a2: {  	s8 =	sadd.s32 $0x200, s8;
	[tilespmem:v42+s7+$0x0] =	vst.idx.msk $0xffff, v41  }
0x2a3: {  	v41 =	vld [tilespmem:s8+$0xFFFFFE10];
	v42 =	vadd.s32 v6, v43;
	_ =	sdelay $0x4  }
0x2a4: {  	[tilespmem:v42+s7+$0x0] =	vst.idx.msk $0xffff, v41  }
0x2a5: {  	v42 =	vadd.s32 v10, v43;
	v41 =	vld [tilespmem:s8+$0xFFFFFE20];
	_ =	sdelay $0x4  }
0x2a6: {  	[tilespmem:v42+s7+$0x0] =	vst.idx.msk $0xffff, v41  }
0x2a7: {  	v42 =	vadd.s32 v11, v43;
	v41 =	vld [tilespmem:s8+$0xFFFFFE30];
	_ =	sdelay $0x4  }
0x2a8: {  	[tilespmem:v42+s7+$0x0] =	vst.idx.msk $0xffff, v41  }
0x2a9: {  	s16 =	sadd.s32 $0x1, s13;
	v42 =	vadd.s32 v12, v43;
	v41 =	vld [tilespmem:s8+$0xFFFFFE40]  }
0x2aa: {  	v43 =	vmov s16  }
0x2ab: {  	v43 =	vshrl.u32 v43, $0x3  }
0x2ac: {  	v43 =	vshll.u32 v43, v9  }
0x2ad: {  	v43 =	vbroadcast v43, $0x0  }
0x2ae: {  	[tilespmem:v42+s7+$0x0] =	vst.idx.msk $0xffff, v41  }
0x2af: {  	v42 =	vadd.s32 v13, v43;
	v41 =	vld [tilespmem:s8+$0xFFFFFE50];
	_ =	sdelay $0x4  }
0x2b0: {  	[tilespmem:v42+s7+$0x0] =	vst.idx.msk $0xffff, v41  }
0x2b1: {  	v42 =	vadd.s32 v14, v43;
	v41 =	vld [tilespmem:s8+$0xFFFFFE60];
	_ =	sdelay $0x4  }
0x2b2: {  	[tilespmem:v42+s7+$0x0] =	vst.idx.msk $0xffff, v41  }
0x2b3: {  	v42 =	vadd.s32 v15, v43;
	v41 =	vld [tilespmem:s8+$0xFFFFFE70];
	_ =	sdelay $0x4  }
0x2b4: {  	[tilespmem:v42+s7+$0x0] =	vst.idx.msk $0xffff, v41  }
0x2b5: {  	s16 =	sadd.s32 $0x2, s13;
	v42 =	vadd.s32 v16, v43;
	v41 =	vld [tilespmem:s8+$0xFFFFFE80]  }
0x2b6: {  	v43 =	vmov s16  }
0x2b7: {  	v43 =	vshrl.u32 v43, $0x3  }
0x2b8: {  	v43 =	vshll.u32 v43, v9  }
0x2b9: {  	v43 =	vbroadcast v43, $0x0  }
0x2ba: {  	[tilespmem:v42+s7+$0x0] =	vst.idx.msk $0xffff, v41  }
0x2bb: {  	v42 =	vadd.s32 v17, v43;
	v41 =	vld [tilespmem:s8+$0xFFFFFE90];
	_ =	sdelay $0x4  }
0x2bc: {  	[tilespmem:v42+s7+$0x0] =	vst.idx.msk $0xffff, v41  }
0x2bd: {  	v42 =	vadd.s32 v18, v43;
	v41 =	vld [tilespmem:s8+$0xFFFFFEA0];
	_ =	sdelay $0x4  }
0x2be: {  	[tilespmem:v42+s7+$0x0] =	vst.idx.msk $0xffff, v41  }
0x2bf: {  	v42 =	vadd.s32 v19, v43;
	v41 =	vld [tilespmem:s8+$0xFFFFFEB0];
	_ =	sdelay $0x4  }
0x2c0: {  	[tilespmem:v42+s7+$0x0] =	vst.idx.msk $0xffff, v41  }
0x2c1: {  	s16 =	sadd.s32 $0x3, s13;
	v42 =	vadd.s32 v20, v43;
	v41 =	vld [tilespmem:s8+$0xFFFFFEC0]  }
0x2c2: {  	v43 =	vmov s16  }
0x2c3: {  	v43 =	vshrl.u32 v43, $0x3  }
0x2c4: {  	v43 =	vshll.u32 v43, v9  }
0x2c5: {  	v43 =	vbroadcast v43, $0x0  }
0x2c6: {  	[tilespmem:v42+s7+$0x0] =	vst.idx.msk $0xffff, v41  }
0x2c7: {  	v42 =	vadd.s32 v21, v43;
	v41 =	vld [tilespmem:s8+$0xFFFFFED0];
	_ =	sdelay $0x4  }
0x2c8: {  	[tilespmem:v42+s7+$0x0] =	vst.idx.msk $0xffff, v41  }
0x2c9: {  	v42 =	vadd.s32 v22, v43;
	v41 =	vld [tilespmem:s8+$0xFFFFFEE0];
	_ =	sdelay $0x4  }
0x2ca: {  	[tilespmem:v42+s7+$0x0] =	vst.idx.msk $0xffff, v41  }
0x2cb: {  	v42 =	vadd.s32 v23, v43;
	v41 =	vld [tilespmem:s8+$0xFFFFFEF0];
	_ =	sdelay $0x4  }
0x2cc: {  	[tilespmem:v42+s7+$0x0] =	vst.idx.msk $0xffff, v41  }
0x2cd: {  	s16 =	sadd.s32 $0x4, s13;
	v42 =	vadd.s32 v24, v43;
	v41 =	vld [tilespmem:s8+$0xFFFFFF00]  }
0x2ce: {  	v43 =	vmov s16  }
0x2cf: {  	v43 =	vshrl.u32 v43, $0x3  }
0x2d0: {  	v43 =	vshll.u32 v43, v9  }
0x2d1: {  	v43 =	vbroadcast v43, $0x0  }
0x2d2: {  	[tilespmem:v42+s7+$0x0] =	vst.idx.msk $0xffff, v41  }
0x2d3: {  	v42 =	vadd.s32 v25, v43;
	v41 =	vld [tilespmem:s8+$0xFFFFFF10];
	_ =	sdelay $0x4  }
0x2d4: {  	[tilespmem:v42+s7+$0x0] =	vst.idx.msk $0xffff, v41  }
0x2d5: {  	v42 =	vadd.s32 v26, v43;
	v41 =	vld [tilespmem:s8+$0xFFFFFF20];
	_ =	sdelay $0x4  }
0x2d6: {  	[tilespmem:v42+s7+$0x0] =	vst.idx.msk $0xffff, v41  }
0x2d7: {  	v42 =	vadd.s32 v27, v43;
	v41 =	vld [tilespmem:s8+$0xFFFFFF30];
	_ =	sdelay $0x4  }
0x2d8: {  	[tilespmem:v42+s7+$0x0] =	vst.idx.msk $0xffff, v41  }
0x2d9: {  	s16 =	sadd.s32 $0x5, s13;
	v42 =	vadd.s32 v28, v43;
	v41 =	vld [tilespmem:s8+$0xFFFFFF40]  }
0x2da: {  	v43 =	vmov s16  }
0x2db: {  	v43 =	vshrl.u32 v43, $0x3  }
0x2dc: {  	v43 =	vshll.u32 v43, v9  }
0x2dd: {  	v43 =	vbroadcast v43, $0x0  }
0x2de: {  	[tilespmem:v42+s7+$0x0] =	vst.idx.msk $0xffff, v41  }
0x2df: {  	v42 =	vadd.s32 v29, v43;
	v41 =	vld [tilespmem:s8+$0xFFFFFF50];
	_ =	sdelay $0x4  }
0x2e0: {  	[tilespmem:v42+s7+$0x0] =	vst.idx.msk $0xffff, v41  }
0x2e1: {  	v42 =	vadd.s32 v30, v43;
	v41 =	vld [tilespmem:s8+$0xFFFFFF60];
	_ =	sdelay $0x4  }
0x2e2: {  	[tilespmem:v42+s7+$0x0] =	vst.idx.msk $0xffff, v41  }
0x2e3: {  	v42 =	vadd.s32 v31, v43;
	v41 =	vld [tilespmem:s8+$0xFFFFFF70];
	_ =	sdelay $0x4  }
0x2e4: {  	[tilespmem:v42+s7+$0x0] =	vst.idx.msk $0xffff, v41  }
0x2e5: {  	s16 =	sadd.s32 $0x6, s13;
	v42 =	vadd.s32 v32, v43;
	v41 =	vld [tilespmem:s8+$0xFFFFFF80]  }
0x2e6: {  	v43 =	vmov s16  }
0x2e7: {  	v43 =	vshrl.u32 v43, $0x3  }
0x2e8: {  	v43 =	vshll.u32 v43, v9  }
0x2e9: {  	v43 =	vbroadcast v43, $0x0  }
0x2ea: {  	[tilespmem:v42+s7+$0x0] =	vst.idx.msk $0xffff, v41  }
0x2eb: {  	v42 =	vadd.s32 v33, v43;
	v41 =	vld [tilespmem:s8+$0xFFFFFF90];
	_ =	sdelay $0x4  }
0x2ec: {  	[tilespmem:v42+s7+$0x0] =	vst.idx.msk $0xffff, v41  }
0x2ed: {  	v42 =	vadd.s32 v34, v43;
	v41 =	vld [tilespmem:s8+$0xFFFFFFA0];
	_ =	sdelay $0x4  }
0x2ee: {  	[tilespmem:v42+s7+$0x0] =	vst.idx.msk $0xffff, v41  }
0x2ef: {  	v42 =	vadd.s32 v35, v43;
	v41 =	vld [tilespmem:s8+$0xFFFFFFB0];
	_ =	sdelay $0x4  }
0x2f0: {  	[tilespmem:v42+s7+$0x0] =	vst.idx.msk $0xffff, v41  }
0x2f1: {  	s16 =	sadd.s32 $0x7, s13;
	s13 =	smov.u32 s15;
	v42 =	vadd.s32 v36, v43;
	v41 =	vld [tilespmem:s8+$0xFFFFFFC0]  }
0x2f2: {  	v43 =	vmov s16  }
0x2f3: {  	v43 =	vshrl.u32 v43, $0x3  }
0x2f4: {  	v43 =	vshll.u32 v43, v9  }
0x2f5: {  	v43 =	vbroadcast v43, $0x0  }
0x2f6: {  	[tilespmem:v42+s7+$0x0] =	vst.idx.msk $0xffff, v41  }
0x2f7: {  	v42 =	vadd.s32 v37, v43;
	v41 =	vld [tilespmem:s8+$0xFFFFFFD0];
	_ =	sdelay $0x4  }
0x2f8: {  	[tilespmem:v42+s7+$0x0] =	vst.idx.msk $0xffff, v41  }
0x2f9: {  	v42 =	vadd.s32 v38, v43;
	v41 =	vld [tilespmem:s8+$0xFFFFFFE0];
	_ =	sdelay $0x4  }
0x2fa: {  	[tilespmem:v42+s7+$0x0] =	vst.idx.msk $0xffff, v41  }
0x2fb: {  	v42 =	vadd.s32 v39, v43;
	v41 =	vld [tilespmem:s8+$0xFFFFFFF0];
	_ =	sdelay $0x2  }
.Ltmp1:
0x2fc: {  	(pc) =	sbr.rel @p0 .LBB2_5-.Ltmp1, $4  }
0x2fd: {  	_ = 	snop  }
0x2fe: {  	[tilespmem:v42+s7+$0x0] =	vst.idx.msk $0xffff, v41  }
0x2ff: {  	v42 =	vadd.s32 v40, v43;
	v41 =	vld [tilespmem:s8+$0x0]  }
0x300: {  	s15 =	sadd.s32 $0x8, s15;
	v43 =	vmov s13  }
0x301: {  	_ = 	snop  }
0x302: {  	v43 =	vshrl.u32 v43, $0x3  }
0x303: {  	v43 =	vshll.u32 v43, v9  }
0x304: {  	v43 =	vbroadcast v43, $0x0  }
0x305: {  	s8 =	sadd.s32 $0x200, s8;
	[tilespmem:v42+s7+$0x0] =	vst.idx.msk $0xffff, v41  }
0x306: {  	v41 =	vld [tilespmem:s8+$0xFFFFFE10];
	v63 =	vadd.s32 v6, v43;
	_ =	sdelay $0x4  }
0x307: {  	[tilespmem:v63+s7+$0x0] =	vst.idx.msk $0xffff, v41  }
0x308: {  	v45 =	vadd.s32 v10, v43;
	v41 =	vld [tilespmem:s8+$0xFFFFFE20];
	_ =	sdelay $0x4  }
0x309: {  	[tilespmem:v45+s7+$0x0] =	vst.idx.msk $0xffff, v41  }
0x30a: {  	v46 =	vadd.s32 v11, v43;
	v41 =	vld [tilespmem:s8+$0xFFFFFE30];
	_ =	sdelay $0x4  }
0x30b: {  	[tilespmem:v46+s7+$0x0] =	vst.idx.msk $0xffff, v41  }
0x30c: {  	s15 =	sadd.s32 $0x1, s13;
	v47 =	vadd.s32 v12, v43;
	v41 =	vld [tilespmem:s8+$0xFFFFFE40]  }
0x30d: {  	v48 =	vmov s15  }
0x30e: {  	v43 =	vshrl.u32 v48, $0x3  }
0x30f: {  	v43 =	vshll.u32 v43, v9  }
0x310: {  	v43 =	vbroadcast v43, $0x0  }
0x311: {  	[tilespmem:v47+s7+$0x0] =	vst.idx.msk $0xffff, v41  }
0x312: {  	v49 =	vadd.s32 v13, v43;
	v41 =	vld [tilespmem:s8+$0xFFFFFE50];
	_ =	sdelay $0x4  }
0x313: {  	[tilespmem:v49+s7+$0x0] =	vst.idx.msk $0xffff, v41  }
0x314: {  	v50 =	vadd.s32 v14, v43;
	v41 =	vld [tilespmem:s8+$0xFFFFFE60];
	_ =	sdelay $0x4  }
0x315: {  	[tilespmem:v50+s7+$0x0] =	vst.idx.msk $0xffff, v41  }
0x316: {  	v51 =	vadd.s32 v15, v43;
	v41 =	vld [tilespmem:s8+$0xFFFFFE70];
	_ =	sdelay $0x4  }
0x317: {  	[tilespmem:v51+s7+$0x0] =	vst.idx.msk $0xffff, v41  }
0x318: {  	s17 =	sadd.s32 $0x2, s13;
	v52 =	vadd.s32 v16, v43;
	v41 =	vld [tilespmem:s8+$0xFFFFFE80]  }
0x319: {  	v53 =	vmov s17  }
0x31a: {  	v43 =	vshrl.u32 v53, $0x3  }
0x31b: {  	v43 =	vshll.u32 v43, v9  }
0x31c: {  	v43 =	vbroadcast v43, $0x0  }
0x31d: {  	[tilespmem:v52+s7+$0x0] =	vst.idx.msk $0xffff, v41  }
0x31e: {  	v54 =	vadd.s32 v17, v43;
	v41 =	vld [tilespmem:s8+$0xFFFFFE90];
	_ =	sdelay $0x4  }
0x31f: {  	[tilespmem:v54+s7+$0x0] =	vst.idx.msk $0xffff, v41  }
0x320: {  	v55 =	vadd.s32 v18, v43;
	v41 =	vld [tilespmem:s8+$0xFFFFFEA0];
	_ =	sdelay $0x4  }
0x321: {  	[tilespmem:v55+s7+$0x0] =	vst.idx.msk $0xffff, v41  }
0x322: {  	v56 =	vadd.s32 v19, v43;
	v41 =	vld [tilespmem:s8+$0xFFFFFEB0];
	_ =	sdelay $0x4  }
0x323: {  	[tilespmem:v56+s7+$0x0] =	vst.idx.msk $0xffff, v41  }
0x324: {  	s18 =	sadd.s32 $0x3, s13;
	v57 =	vadd.s32 v20, v43;
	v41 =	vld [tilespmem:s8+$0xFFFFFEC0]  }
0x325: {  	v58 =	vmov s18  }
0x326: {  	v43 =	vshrl.u32 v58, $0x3  }
0x327: {  	v43 =	vshll.u32 v43, v9  }
0x328: {  	v43 =	vbroadcast v43, $0x0  }
0x329: {  	[tilespmem:v57+s7+$0x0] =	vst.idx.msk $0xffff, v41  }
0x32a: {  	v59 =	vadd.s32 v21, v43;
	v41 =	vld [tilespmem:s8+$0xFFFFFED0];
	_ =	sdelay $0x4  }
0x32b: {  	[tilespmem:v59+s7+$0x0] =	vst.idx.msk $0xffff, v41  }
0x32c: {  	v60 =	vadd.s32 v22, v43;
	v41 =	vld [tilespmem:s8+$0xFFFFFEE0];
	_ =	sdelay $0x4  }
0x32d: {  	[tilespmem:v60+s7+$0x0] =	vst.idx.msk $0xffff, v41  }
0x32e: {  	v61 =	vadd.s32 v23, v43;
	v41 =	vld [tilespmem:s8+$0xFFFFFEF0];
	_ =	sdelay $0x4  }
0x32f: {  	[tilespmem:v61+s7+$0x0] =	vst.idx.msk $0xffff, v41  }
0x330: {  	s16 =	sadd.s32 $0x4, s13;
	v62 =	vadd.s32 v24, v43;
	v41 =	vld [tilespmem:s8+$0xFFFFFF00]  }
0x331: {  	v63 =	vmov s16  }
0x332: {  	v43 =	vshrl.u32 v63, $0x3  }
0x333: {  	v43 =	vshll.u32 v43, v9  }
0x334: {  	v43 =	vbroadcast v43, $0x0  }
0x335: {  	[tilespmem:v62+s7+$0x0] =	vst.idx.msk $0xffff, v41  }
0x336: {  	v45 =	vadd.s32 v25, v43;
	v41 =	vld [tilespmem:s8+$0xFFFFFF10];
	_ =	sdelay $0x4  }
0x337: {  	[tilespmem:v45+s7+$0x0] =	vst.idx.msk $0xffff, v41  }
0x338: {  	v46 =	vadd.s32 v26, v43;
	v41 =	vld [tilespmem:s8+$0xFFFFFF20];
	_ =	sdelay $0x4  }
0x339: {  	[tilespmem:v46+s7+$0x0] =	vst.idx.msk $0xffff, v41  }
0x33a: {  	v47 =	vadd.s32 v27, v43;
	v41 =	vld [tilespmem:s8+$0xFFFFFF30];
	_ =	sdelay $0x4  }
0x33b: {  	[tilespmem:v47+s7+$0x0] =	vst.idx.msk $0xffff, v41  }
0x33c: {  	s17 =	sadd.s32 $0x5, s13;
	v48 =	vadd.s32 v28, v43;
	v41 =	vld [tilespmem:s8+$0xFFFFFF40]  }
0x33d: {  	v49 =	vmov s17  }
0x33e: {  	v43 =	vshrl.u32 v49, $0x3  }
0x33f: {  	v43 =	vshll.u32 v43, v9  }
0x340: {  	v43 =	vbroadcast v43, $0x0  }
0x341: {  	[tilespmem:v48+s7+$0x0] =	vst.idx.msk $0xffff, v41  }
0x342: {  	v50 =	vadd.s32 v29, v43;
	v41 =	vld [tilespmem:s8+$0xFFFFFF50];
	_ =	sdelay $0x4  }
0x343: {  	[tilespmem:v50+s7+$0x0] =	vst.idx.msk $0xffff, v41  }
0x344: {  	v51 =	vadd.s32 v30, v43;
	v41 =	vld [tilespmem:s8+$0xFFFFFF60];
	_ =	sdelay $0x4  }
0x345: {  	[tilespmem:v51+s7+$0x0] =	vst.idx.msk $0xffff, v41  }
0x346: {  	v52 =	vadd.s32 v31, v43;
	v41 =	vld [tilespmem:s8+$0xFFFFFF70];
	_ =	sdelay $0x4  }
0x347: {  	[tilespmem:v52+s7+$0x0] =	vst.idx.msk $0xffff, v41  }
0x348: {  	s18 =	sadd.s32 $0x6, s13;
	v53 =	vadd.s32 v32, v43;
	v41 =	vld [tilespmem:s8+$0xFFFFFF80]  }
0x349: {  	v54 =	vmov s18  }
0x34a: {  	v43 =	vshrl.u32 v54, $0x3  }
0x34b: {  	v43 =	vshll.u32 v43, v9  }
0x34c: {  	v43 =	vbroadcast v43, $0x0  }
0x34d: {  	[tilespmem:v53+s7+$0x0] =	vst.idx.msk $0xffff, v41  }
0x34e: {  	v55 =	vadd.s32 v33, v43;
	v41 =	vld [tilespmem:s8+$0xFFFFFF90];
	_ =	sdelay $0x4  }
0x34f: {  	[tilespmem:v55+s7+$0x0] =	vst.idx.msk $0xffff, v41  }
0x350: {  	v56 =	vadd.s32 v34, v43;
	v41 =	vld [tilespmem:s8+$0xFFFFFFA0];
	_ =	sdelay $0x4  }
0x351: {  	[tilespmem:v56+s7+$0x0] =	vst.idx.msk $0xffff, v41  }
0x352: {  	v57 =	vadd.s32 v35, v43;
	v41 =	vld [tilespmem:s8+$0xFFFFFFB0];
	_ =	sdelay $0x4  }
0x353: {  	[tilespmem:v57+s7+$0x0] =	vst.idx.msk $0xffff, v41  }
0x354: {  	s16 =	sadd.s32 $0x7, s13;
	v58 =	vadd.s32 v36, v43;
	v41 =	vld [tilespmem:s8+$0xFFFFFFC0]  }
0x355: {  	v59 =	vmov s16  }
0x356: {  	v43 =	vshrl.u32 v59, $0x3  }
0x357: {  	v43 =	vshll.u32 v43, v9  }
0x358: {  	v43 =	vbroadcast v43, $0x0  }
0x359: {  	[tilespmem:v58+s7+$0x0] =	vst.idx.msk $0xffff, v41  }
0x35a: {  	v60 =	vadd.s32 v37, v43;
	v41 =	vld [tilespmem:s8+$0xFFFFFFD0];
	_ =	sdelay $0x4  }
0x35b: {  	[tilespmem:v60+s7+$0x0] =	vst.idx.msk $0xffff, v41  }
0x35c: {  	v61 =	vadd.s32 v38, v43;
	v41 =	vld [tilespmem:s8+$0xFFFFFFE0];
	_ =	sdelay $0x4  }
0x35d: {  	[tilespmem:v61+s7+$0x0] =	vst.idx.msk $0xffff, v41  }
0x35e: {  	v62 =	vadd.s32 v39, v43;
	v41 =	vld [tilespmem:s8+$0xFFFFFFF0];
	_ =	sdelay $0x4  }
0x35f: {  	[tilespmem:v62+s7+$0x0] =	vst.idx.msk $0xffff, v41  }
0x360: {  	v63 =	vadd.s32 v40, v43;
	v41 =	vld [tilespmem:s8+$0x0];
	_ =	sdelay $0x1  }
0x361: {  	s0 =	sshll.u32 s0, $0x14  }
0x362: {  	s0 =	sor.u32 s0, s5  }
0x363: {  	s0 =	sshrl.u32 s0, $0x3  }
0x364: {  	s0 =	sadd.s32 s2, s0;
	[tilespmem:v63+s7+$0x0] =	vst.idx.msk $0xffff, v41  }
0x365: {  	[hbm4b:s0+s3] =	stream.linear.scatter [tilespmem:s7], [sflag:$0x3], $0x80, $0x38;
	[tilespmem:$0xE880] =	vst v63  }
0x366: {  	s17 =	sadd.s32 $0x10, s0;
	s18 =	simm.s32 $0xC708  }
0x367: {  	[hbm4b:s17+s3] =	stream.linear.scatter [tilespmem:s18], [sflag:$0x3], $0x80, $0x38;
	[tilespmem:$0xE880] =	vst v63  }
0x368: {  	s13 =	simm.s32 $0xC790;
	s8 =	sadd.s32 $0x20, s0  }
0x369: {  	[hbm4b:s8+s3] =	stream.linear.scatter [tilespmem:s13], [sflag:$0x3], $0x80, $0x38;
	[tilespmem:$0xE880] =	vst v63  }
0x36a: {  	s15 =	sadd.s32 $0x30, s0;
	s16 =	simm.s32 $0xC818  }
0x36b: {  	[hbm4b:s15+s3] =	stream.linear.scatter [tilespmem:s16], [sflag:$0x3], $0x80, $0x38;
	[tilespmem:$0xE880] =	vst v63  }
0x36c: {  	s17 =	sadd.s32 $0x40, s0;
	s18 =	simm.s32 $0xC8A0  }
0x36d: {  	[hbm4b:s17+s3] =	stream.linear.scatter [tilespmem:s18], [sflag:$0x3], $0x80, $0x38;
	[tilespmem:$0xE880] =	vst v63  }
0x36e: {  	s8 =	sadd.s32 $0x50, s0;
	s13 =	simm.s32 $0xC928  }
0x36f: {  	[hbm4b:s8+s3] =	stream.linear.scatter [tilespmem:s13], [sflag:$0x3], $0x80, $0x38;
	[tilespmem:$0xE880] =	vst v63  }
0x370: {  	s15 =	sadd.s32 $0x60, s0;
	s16 =	simm.s32 $0xC9B0  }
0x371: {  	[hbm4b:s15+s3] =	stream.linear.scatter [tilespmem:s16], [sflag:$0x3], $0x80, $0x38;
	[tilespmem:$0xE880] =	vst v63  }
0x372: {  	s17 =	sadd.s32 $0x70, s0;
	s18 =	simm.s32 $0xCA38  }
0x373: {  	[hbm4b:s17+s3] =	stream.linear.scatter [tilespmem:s18], [sflag:$0x3], $0x80, $0x38;
	[tilespmem:$0xE880] =	vst v63  }
0x374: {  	s8 =	sadd.s32 $0x4000, s0;
	s13 =	simm.s32 $0xCAC0  }
0x375: {  	[hbm4b:s8+s3] =	stream.linear.scatter [tilespmem:s13], [sflag:$0x3], $0x80, $0x38;
	[tilespmem:$0xE880] =	vst v63  }
0x376: {  	s15 =	sadd.s32 $0x4010, s0;
	s16 =	simm.s32 $0xCB48  }
0x377: {  	[hbm4b:s15+s3] =	stream.linear.scatter [tilespmem:s16], [sflag:$0x3], $0x80, $0x38;
	[tilespmem:$0xE880] =	vst v63  }
0x378: {  	s17 =	sadd.s32 $0x4020, s0;
	s18 =	simm.s32 $0xCBD0  }
0x379: {  	[hbm4b:s17+s3] =	stream.linear.scatter [tilespmem:s18], [sflag:$0x3], $0x80, $0x38;
	[tilespmem:$0xE880] =	vst v63  }
0x37a: {  	s8 =	sadd.s32 $0x4030, s0;
	s13 =	simm.s32 $0xCC58  }
0x37b: {  	[hbm4b:s8+s3] =	stream.linear.scatter [tilespmem:s13], [sflag:$0x3], $0x80, $0x38;
	[tilespmem:$0xE880] =	vst v63  }
0x37c: {  	s15 =	sadd.s32 $0x4040, s0;
	s16 =	simm.s32 $0xCCE0  }
0x37d: {  	[hbm4b:s15+s3] =	stream.linear.scatter [tilespmem:s16], [sflag:$0x3], $0x80, $0x38;
	[tilespmem:$0xE880] =	vst v63  }
0x37e: {  	s17 =	sadd.s32 $0x4050, s0;
	s18 =	simm.s32 $0xCD68  }
0x37f: {  	[hbm4b:s17+s3] =	stream.linear.scatter [tilespmem:s18], [sflag:$0x3], $0x80, $0x38;
	[tilespmem:$0xE880] =	vst v63  }
0x380: {  	s8 =	sadd.s32 $0x4060, s0;
	s13 =	simm.s32 $0xCDF0  }
0x381: {  	[hbm4b:s8+s3] =	stream.linear.scatter [tilespmem:s13], [sflag:$0x3], $0x80, $0x38;
	[tilespmem:$0xE880] =	vst v63  }
0x382: {  	s15 =	sadd.s32 $0x4070, s0;
	s16 =	simm.s32 $0xCE78  }
0x383: {  	[hbm4b:s15+s3] =	stream.linear.scatter [tilespmem:s16], [sflag:$0x3], $0x80, $0x38;
	[tilespmem:$0xE880] =	vst v63  }
0x384: {  	s17 =	sadd.s32 $0x8000, s0;
	s18 =	simm.s32 $0xCF00  }
0x385: {  	[hbm4b:s17+s3] =	stream.linear.scatter [tilespmem:s18], [sflag:$0x3], $0x80, $0x38;
	[tilespmem:$0xE880] =	vst v63  }
0x386: {  	s8 =	sadd.s32 $0x8010, s0;
	s13 =	simm.s32 $0xCF88  }
0x387: {  	[hbm4b:s8+s3] =	stream.linear.scatter [tilespmem:s13], [sflag:$0x3], $0x80, $0x38;
	[tilespmem:$0xE880] =	vst v63  }
0x388: {  	s15 =	sadd.s32 $0x8020, s0;
	s16 =	simm.s32 $0xD010  }
0x389: {  	[hbm4b:s15+s3] =	stream.linear.scatter [tilespmem:s16], [sflag:$0x3], $0x80, $0x38;
	[tilespmem:$0xE880] =	vst v63  }
0x38a: {  	s17 =	sadd.s32 $0x8030, s0;
	s18 =	simm.s32 $0xD098  }
0x38b: {  	[hbm4b:s17+s3] =	stream.linear.scatter [tilespmem:s18], [sflag:$0x3], $0x80, $0x38;
	[tilespmem:$0xE880] =	vst v63  }
0x38c: {  	s8 =	sadd.s32 $0x8040, s0;
	s13 =	simm.s32 $0xD120  }
0x38d: {  	[hbm4b:s8+s3] =	stream.linear.scatter [tilespmem:s13], [sflag:$0x3], $0x80, $0x38;
	[tilespmem:$0xE880] =	vst v63  }
0x38e: {  	s15 =	sadd.s32 $0x8050, s0;
	s16 =	simm.s32 $0xD1A8  }
0x38f: {  	[hbm4b:s15+s3] =	stream.linear.scatter [tilespmem:s16], [sflag:$0x3], $0x80, $0x38;
	[tilespmem:$0xE880] =	vst v63  }
0x390: {  	s17 =	sadd.s32 $0x8060, s0;
	s18 =	simm.s32 $0xD230  }
0x391: {  	[hbm4b:s17+s3] =	stream.linear.scatter [tilespmem:s18], [sflag:$0x3], $0x80, $0x38;
	[tilespmem:$0xE880] =	vst v63  }
0x392: {  	s8 =	sadd.s32 $0x8070, s0;
	s13 =	simm.s32 $0xD2B8  }
0x393: {  	[hbm4b:s8+s3] =	stream.linear.scatter [tilespmem:s13], [sflag:$0x3], $0x80, $0x38;
	[tilespmem:$0xE880] =	vst v63  }
0x394: {  	s15 =	sadd.s32 $0xC000, s0;
	s16 =	simm.s32 $0xD340  }
0x395: {  	[hbm4b:s15+s3] =	stream.linear.scatter [tilespmem:s16], [sflag:$0x3], $0x80, $0x38;
	[tilespmem:$0xE880] =	vst v63  }
0x396: {  	s17 =	sadd.s32 $0xC010, s0;
	s18 =	simm.s32 $0xD3C8  }
0x397: {  	[hbm4b:s17+s3] =	stream.linear.scatter [tilespmem:s18], [sflag:$0x3], $0x80, $0x38;
	[tilespmem:$0xE880] =	vst v63  }
0x398: {  	s8 =	sadd.s32 $0xC020, s0;
	s13 =	simm.s32 $0xD450  }
0x399: {  	[hbm4b:s8+s3] =	stream.linear.scatter [tilespmem:s13], [sflag:$0x3], $0x80, $0x38;
	[tilespmem:$0xE880] =	vst v63  }
0x39a: {  	s15 =	sadd.s32 $0xC030, s0;
	s16 =	simm.s32 $0xD4D8  }
0x39b: {  	[hbm4b:s15+s3] =	stream.linear.scatter [tilespmem:s16], [sflag:$0x3], $0x80, $0x38;
	[tilespmem:$0xE880] =	vst v63  }
0x39c: {  	s17 =	sadd.s32 $0xC040, s0;
	s18 =	simm.s32 $0xD560  }
0x39d: {  	[hbm4b:s17+s3] =	stream.linear.scatter [tilespmem:s18], [sflag:$0x3], $0x80, $0x38;
	[tilespmem:$0xE880] =	vst v63  }
0x39e: {  	s8 =	sadd.s32 $0xC050, s0;
	s13 =	simm.s32 $0xD5E8  }
0x39f: {  	[hbm4b:s8+s3] =	stream.linear.scatter [tilespmem:s13], [sflag:$0x3], $0x80, $0x38;
	[tilespmem:$0xE880] =	vst v63  }
0x3a0: {  	s15 =	sadd.s32 $0xC060, s0;
	s16 =	simm.s32 $0xD670  }
0x3a1: {  	[hbm4b:s15+s3] =	stream.linear.scatter [tilespmem:s16], [sflag:$0x3], $0x80, $0x38;
	[tilespmem:$0xE880] =	vst v63  }
0x3a2: {  	s17 =	sadd.s32 $0xC070, s0;
	s18 =	simm.s32 $0xD6F8  }
0x3a3: {  	[hbm4b:s17+s3] =	stream.linear.scatter [tilespmem:s18], [sflag:$0x3], $0x80, $0x38;
	[tilespmem:$0xE880] =	vst v63  }
0x3a4: {  	s5 =	sadd.s32 $0x10000, s0;
	s13 =	simm.s32 $0xD780  }
0x3a5: {  	[hbm4b:s5+s3] =	stream.linear.scatter [tilespmem:s13], [sflag:$0x3], $0x80, $0x38;
	[tilespmem:$0xE880] =	vst v63  }
0x3a6: {  	s15 =	sadd.s32 $0x10, s5;
	s16 =	simm.s32 $0xD808  }
0x3a7: {  	[hbm4b:s15+s3] =	stream.linear.scatter [tilespmem:s16], [sflag:$0x3], $0x80, $0x38;
	[tilespmem:$0xE880] =	vst v63  }
0x3a8: {  	s17 =	sadd.s32 $0x20, s5;
	s18 =	simm.s32 $0xD890  }
0x3a9: {  	[hbm4b:s17+s3] =	stream.linear.scatter [tilespmem:s18], [sflag:$0x3], $0x80, $0x38;
	[tilespmem:$0xE880] =	vst v63  }
0x3aa: {  	s15 =	sadd.s32 $0x30, s5;
	s16 =	simm.s32 $0xD918  }
0x3ab: {  	[hbm4b:s15+s3] =	stream.linear.scatter [tilespmem:s16], [sflag:$0x3], $0x80, $0x38;
	[tilespmem:$0xE880] =	vst v63  }
0x3ac: {  	s17 =	sadd.s32 $0x40, s5;
	s18 =	simm.s32 $0xD9A0  }
0x3ad: {  	[hbm4b:s17+s3] =	stream.linear.scatter [tilespmem:s18], [sflag:$0x3], $0x80, $0x38;
	[tilespmem:$0xE880] =	vst v63  }
0x3ae: {  	s13 =	sadd.s32 $0x50, s5;
	s15 =	simm.s32 $0xDA28  }
0x3af: {  	[hbm4b:s13+s3] =	stream.linear.scatter [tilespmem:s15], [sflag:$0x3], $0x80, $0x38;
	[tilespmem:$0xE880] =	vst v63  }
0x3b0: {  	s16 =	sadd.s32 $0x60, s5;
	s17 =	simm.s32 $0xDAB0  }
0x3b1: {  	[hbm4b:s16+s3] =	stream.linear.scatter [tilespmem:s17], [sflag:$0x3], $0x80, $0x38;
	[tilespmem:$0xE880] =	vst v63  }
0x3b2: {  	s5 =	sadd.s32 $0x70, s5;
	s18 =	simm.s32 $0xDB38  }
0x3b3: {  	[hbm4b:s5+s3] =	stream.linear.scatter [tilespmem:s18], [sflag:$0x3], $0x80, $0x38;
	[tilespmem:$0xE880] =	vst v63  }
0x3b4: {  	s13 =	simm.s32 $0xDBC0;
	s5 =	sadd.s32 $0x14000, s0  }
0x3b5: {  	[hbm4b:s5+s3] =	stream.linear.scatter [tilespmem:s13], [sflag:$0x3], $0x80, $0x38;
	[tilespmem:$0xE880] =	vst v63  }
0x3b6: {  	s16 =	simm.s32 $0xDC48;
	s15 =	sadd.s32 $0x10, s5  }
0x3b7: {  	[hbm4b:s15+s3] =	stream.linear.scatter [tilespmem:s16], [sflag:$0x3], $0x80, $0x38;
	[tilespmem:$0xE880] =	vst v63  }
0x3b8: {  	s18 =	simm.s32 $0xDCD0;
	s17 =	sadd.s32 $0x20, s5  }
0x3b9: {  	[hbm4b:s17+s3] =	stream.linear.scatter [tilespmem:s18], [sflag:$0x3], $0x80, $0x38;
	[tilespmem:$0xE880] =	vst v63  }
0x3ba: {  	s15 =	sadd.s32 $0x30, s5;
	s16 =	simm.s32 $0xDD58  }
0x3bb: {  	[hbm4b:s15+s3] =	stream.linear.scatter [tilespmem:s16], [sflag:$0x3], $0x80, $0x38;
	[tilespmem:$0xE880] =	vst v63  }
0x3bc: {  	s17 =	sadd.s32 $0x40, s5;
	s18 =	simm.s32 $0xDDE0  }
0x3bd: {  	[hbm4b:s17+s3] =	stream.linear.scatter [tilespmem:s18], [sflag:$0x3], $0x80, $0x38;
	[tilespmem:$0xE880] =	vst v63  }
0x3be: {  	s13 =	sadd.s32 $0x50, s5;
	s15 =	simm.s32 $0xDE68  }
0x3bf: {  	[hbm4b:s13+s3] =	stream.linear.scatter [tilespmem:s15], [sflag:$0x3], $0x80, $0x38;
	[tilespmem:$0xE880] =	vst v63  }
0x3c0: {  	s16 =	sadd.s32 $0x60, s5;
	s17 =	simm.s32 $0xDEF0  }
0x3c1: {  	[hbm4b:s16+s3] =	stream.linear.scatter [tilespmem:s17], [sflag:$0x3], $0x80, $0x38;
	[tilespmem:$0xE880] =	vst v63  }
0x3c2: {  	s5 =	sadd.s32 $0x70, s5;
	s18 =	simm.s32 $0xDF78  }
0x3c3: {  	[hbm4b:s5+s3] =	stream.linear.scatter [tilespmem:s18], [sflag:$0x3], $0x80, $0x38;
	[tilespmem:$0xE880] =	vst v63  }
0x3c4: {  	s13 =	simm.s32 $0xE000;
	s5 =	sadd.s32 $0x18000, s0  }
0x3c5: {  	[hbm4b:s5+s3] =	stream.linear.scatter [tilespmem:s13], [sflag:$0x3], $0x80, $0x38;
	[tilespmem:$0xE880] =	vst v63  }
0x3c6: {  	s16 =	simm.s32 $0xE088;
	s15 =	sadd.s32 $0x10, s5  }
0x3c7: {  	[hbm4b:s15+s3] =	stream.linear.scatter [tilespmem:s16], [sflag:$0x3], $0x80, $0x38;
	[tilespmem:$0xE880] =	vst v63  }
0x3c8: {  	s18 =	simm.s32 $0xE110;
	s17 =	sadd.s32 $0x20, s5  }
0x3c9: {  	[hbm4b:s17+s3] =	stream.linear.scatter [tilespmem:s18], [sflag:$0x3], $0x80, $0x38;
	[tilespmem:$0xE880] =	vst v63  }
0x3ca: {  	s15 =	sadd.s32 $0x30, s5  }
0x3cb: {  	[hbm4b:s15+s3] =	stream.linear.scatter [tilespmem:s19], [sflag:$0x3], $0x80, $0x38;
	[tilespmem:$0xE880] =	vst v63  }
0x3cc: {  	s16 =	sadd.s32 $0x40, s5  }
0x3cd: {  	[hbm4b:s16+s3] =	stream.linear.scatter [tilespmem:s20], [sflag:$0x3], $0x80, $0x38;
	[tilespmem:$0xE880] =	vst v63  }
0x3ce: {  	s17 =	sadd.s32 $0x50, s5  }
0x3cf: {  	[hbm4b:s17+s3] =	stream.linear.scatter [tilespmem:s21], [sflag:$0x3], $0x80, $0x38;
	[tilespmem:$0xE880] =	vst v63  }
0x3d0: {  	s18 =	sadd.s32 $0x60, s5  }
0x3d1: {  	[hbm4b:s18+s3] =	stream.linear.scatter [tilespmem:s22], [sflag:$0x3], $0x80, $0x38;
	[tilespmem:$0xE880] =	vst v63  }
0x3d2: {  	s5 =	sadd.s32 $0x70, s5  }
0x3d3: {  	[hbm4b:s5+s3] =	stream.linear.scatter [tilespmem:s23], [sflag:$0x3], $0x80, $0x38;
	[tilespmem:$0xE880] =	vst v63  }
0x3d4: {  	s0 =	sadd.s32 $0x1C000, s0  }
0x3d5: {  	[hbm4b:s0+s3] =	stream.linear.scatter [tilespmem:s24], [sflag:$0x3], $0x80, $0x38;
	[tilespmem:$0xE880] =	vst v63  }
0x3d6: {  	s8 =	sadd.s32 $0x10, s0  }
0x3d7: {  	[hbm4b:s8+s3] =	stream.linear.scatter [tilespmem:s25], [sflag:$0x3], $0x80, $0x38;
	[tilespmem:$0xE880] =	vst v63  }
0x3d8: {  	s13 =	sadd.s32 $0x20, s0  }
0x3d9: {  	[hbm4b:s13+s3] =	stream.linear.scatter [tilespmem:s11], [sflag:$0x3], $0x80, $0x38;
	[tilespmem:$0xE880] =	vst v63  }
0x3da: {  	s15 =	sadd.s32 $0x30, s0  }
0x3db: {  	[hbm4b:s15+s3] =	stream.linear.scatter [tilespmem:s26], [sflag:$0x3], $0x80, $0x38;
	[tilespmem:$0xE880] =	vst v63  }
0x3dc: {  	s16 =	sadd.s32 $0x40, s0  }
0x3dd: {  	[hbm4b:s16+s3] =	stream.linear.scatter [tilespmem:s28], [sflag:$0x3], $0x80, $0x38;
	[tilespmem:$0xE880] =	vst v63  }
0x3de: {  	s1 =	sadd.s32 $0x1, s1;
	s17 =	sadd.s32 $0x50, s0  }
0x3df: {  	[hbm4b:s17+s3] =	stream.linear.scatter [tilespmem:s29], [sflag:$0x3], $0x80, $0x38;
	[tilespmem:$0xE880] =	vst v63  }
0x3e0: {  	p0 =	sne.s32 s1, $0x64;
	s18 =	sadd.s32 $0x60, s0  }
0x3e1: {  	[hbm4b:s18+s3] =	stream.linear.scatter [tilespmem:s30], [sflag:$0x3], $0x80, $0x38;
	[tilespmem:$0xE880] =	vst v63  }
.Ltmp2:
0x3e2: {  	s0 =	sadd.s32 $0x70, s0;
	(pc) =	sbr.rel @p0 .LBB2_2-.Ltmp2, $4  }
0x3e3: {  	[hbm4b:s0+s3] =	stream.linear.scatter [tilespmem:s31], [sflag:$0x3], $0x80, $0x38;
	[tilespmem:$0xE880] =	vst v63  }
0x3e4: {  	_ =	swait.ge [sflag:s12], $0x2000  }
0x3e5: {  	[sflag:s12] =	ssyncset.done $0x0  }
0x3e6: {  	[sflag:s12] =	ssyncadd.s32 $0xFFFFE000  }
0x3e7: {  	s0 =	simm.s32 $0x2  }
0x3e8: {  	_ =	swait.ge [sflag:s0], $0x400  }
0x3e9: {  	[sflag:s0] =	ssyncset.done $0x0  }
0x3ea: {  	[sflag:s0] =	ssyncadd.s32 $0xFFFFFC00  }
0x3eb: {  	_ =	swait.ge [sflag:s0], $0x400  }
0x3ec: {  	[sflag:s0] =	ssyncset.done $0x0  }
0x3ed: {  	[sflag:s0] =	ssyncadd.s32 $0xFFFFFC00  }
0x3ee: {  	_ =	swait.ge [sflag:s0], $0x400  }
0x3ef: {  	[sflag:s0] =	ssyncset.done $0x0  }
0x3f0: {  	[sflag:s0] =	ssyncadd.s32 $0xFFFFFC00  }
0x3f1: {  	_ =	swait.ge [sflag:s0], $0x400  }
0x3f2: {  	[sflag:s0] =	ssyncset.done $0x0  }
0x3f3: {  	[sflag:s0] =	ssyncadd.s32 $0xFFFFFC00  }
0x3f4: {  	_ =	swait.ge [sflag:s0], $0x400  }
0x3f5: {  	[sflag:s0] =	ssyncset.done $0x0  }
0x3f6: {  	[sflag:s0] =	ssyncadd.s32 $0xFFFFFC00  }
0x3f7: {  	_ =	swait.ge [sflag:s0], $0x400  }
0x3f8: {  	[sflag:s0] =	ssyncset.done $0x0  }
0x3f9: {  	[sflag:s0] =	ssyncadd.s32 $0xFFFFFC00  }
0x3fa: {  	_ =	swait.ge [sflag:s0], $0x400  }
0x3fb: {  	[sflag:s0] =	ssyncset.done $0x0  }
0x3fc: {  	[sflag:s0] =	ssyncadd.s32 $0xFFFFFC00  }
0x3fd: {  	_ =	swait.ge [sflag:s0], $0x400  }
0x3fe: {  	[sflag:s0] =	ssyncset.done $0x0  }
0x3ff: {  	s1 =	simm.s32 $0x3;
	[sflag:s0] =	ssyncadd.s32 $0xFFFFFC00  }
0x400: {  	_ =	swait.ge [sflag:s1], $0x400  }
0x401: {  	[sflag:s1] =	ssyncset.done $0x0  }
0x402: {  	[sflag:s1] =	ssyncadd.s32 $0xFFFFFC00  }
0x403: {  	_ =	swait.ge [sflag:s1], $0x400  }
0x404: {  	[sflag:s1] =	ssyncset.done $0x0  }
0x405: {  	[sflag:s1] =	ssyncadd.s32 $0xFFFFFC00  }
0x406: {  	_ =	swait.ge [sflag:s1], $0x400  }
0x407: {  	[sflag:s1] =	ssyncset.done $0x0  }
0x408: {  	[sflag:s1] =	ssyncadd.s32 $0xFFFFFC00  }
0x409: {  	_ =	swait.ge [sflag:s1], $0x400  }
0x40a: {  	[sflag:s1] =	ssyncset.done $0x0  }
0x40b: {  	[sflag:s1] =	ssyncadd.s32 $0xFFFFFC00  }
0x40c: {  	_ =	swait.ge [sflag:s1], $0x400  }
0x40d: {  	[sflag:s1] =	ssyncset.done $0x0  }
0x40e: {  	[sflag:s1] =	ssyncadd.s32 $0xFFFFFC00  }
0x40f: {  	_ =	swait.ge [sflag:s1], $0x400  }
0x410: {  	[sflag:s1] =	ssyncset.done $0x0  }
0x411: {  	[sflag:s1] =	ssyncadd.s32 $0xFFFFFC00  }
0x412: {  	_ =	swait.ge [sflag:s1], $0x400  }
0x413: {  	[sflag:s1] =	ssyncset.done $0x0  }
0x414: {  	[sflag:s1] =	ssyncadd.s32 $0xFFFFFC00  }
0x415: {  	_ =	swait.ge [sflag:s1], $0x400  }
0x416: {  	s5 =	rddreg [dreg:$0x5]  }
0x417: {  	s18 =	rddreg [dreg:$0x4];
	s5 =	sadd.s32 $0x1, s5  }
0x418: {  	p0 =	sne.s32 s5, s18  }
.Ltmp3:
0x419: {  	_ = 	snop;
	(pc) =	sbr.rel @p0 .LBB2_1-.Ltmp3, $3  }
0x41a: {  	_ =	sdelay $0x1  }
0x41b: {  	[sflag:s1] =	ssyncset.done $0x0  }
0x41c: {  	[sflag:s1] =	ssyncadd.s32 $0xFFFFFC00  }
0x41d: {  	_ =	sfence.sel $0x180000  }
0x41e: {  	[bflag:$0x0] =	sbarrier.arrive $0xFFFF  }
0x41f: {  	_ =	strace $0x90000047  }
0x420: {  	s0 =	stileid.u32;
	[bflag:$0x2] =	sbarrier.arrive $0xFFFF  }
0x421: {  	p0 =	sne.s32 s0, $0x0;
	s0 =	rddreg [dreg:$0x2]  }
0x422: {  	s0 =	sadd.s32 @!p0 $0x100000, s0  }
0x423: {  	[sflag:s0] =	ssyncadd.tile.s32 @!p0 $0x1;
	_ =	shalt  }
.Lfunc_end2:
_tile_overlayer_lowered:
.L_overlay_start_2:
0x424: {  	(tag) =	ssettag $0x2  }
0x425: {  	s0 =	rddreg [dreg:$0x0];
	s2 =	stileid.u32  }
0x426: {  	s1 =	rddreg [dreg:$0x1];
	p0 =	sne.s32 s2, $0x0  }
0x427: {  	s3 =	rddreg [dreg:$0x2];
	[bflag:$0x3] =	sbarrier.arrive $0xFFFF;
	s2 =	simm.s32 @!p0 $0x1C04  }
0x428: {  	[timem:s3], [sflag:s2] =	dma.local @!p0 [hbm:s0], s1  }
0x429: {  	s0 =	simm.s32 @!p0 $0x4  }
0x42a: {  	_ =	swait.ge @!p0 [sflag:s0], s1  }
0x42b: {  	s1 =	ssub.s32 @!p0 $0x0, s1;
	[sflag:s0] =	ssyncset.done @!p0 $0x0  }
0x42c: {  	[sflag:s0] =	ssyncadd.s32 @!p0 s1  }
0x42d: {  	[bflag:$0x3] =	sbarrier.arrive $0xFFFF  }
0x42e: {  	_ =	shalt  }

</sc_bundles>
